<compile_context>
chip_gen: v7x
topology: tpu7x:2x2x1
jax: 0.10.2.dev20260603
libtpu: 0.0.44.dev20260713+nightly
codegen_flags: <defaults>
</compile_context>

<pallas_src>
import functools

import jax
import jax.numpy as jnp
from jax import lax
from jax.experimental import pallas as pl
from jax.experimental.pallas import tpu as pltpu
from jax.experimental.pallas import tpu_sc as plsc

EDGE_BOOST_VAL = 3.0
L = 16
NB = 2


def _make_sc_kernel(B, V, K, NF):
    NC, NS = 2, 16
    NW = NC * NS
    ROWS = B // NW
    W = ((V + NB - 1) // NB + 127) // 128 * 128
    OFFS = tuple(h * W for h in range(NB))
    SIZES = tuple([W] * (NB - 1) + [V - (NB - 1) * W])
    assert SIZES[-1] > 0 and SIZES[-1] <= W
    HORDER = tuple(list(range(1, NB)) + [0])
    mesh = plsc.VectorSubcoreMesh(core_axis_name="c", subcore_axis_name="s")

    @functools.partial(
        pl.kernel,
        mesh=mesh,
        compiler_params=pltpu.CompilerParams(needs_layout_passes=False),
        out_type=jax.ShapeDtypeStruct((B, V), jnp.float32),
        scratch_types=(
            [pltpu.VMEM((SIZES[h],), jnp.float32) for h in range(NB)] + [
                pltpu.VMEM((ROWS, K), jnp.int32),
                pltpu.VMEM((K,), jnp.float32),
                pltpu.VMEM((NF,), jnp.int32),
                pltpu.VMEM((NF,), jnp.float32),
                pltpu.SemaphoreType.DMA,
            ]
            + [pltpu.SemaphoreType.DMA for _ in range(NB)]
            + [pltpu.SemaphoreType.DMA for _ in range(NB)]
        ),
    )
    def k(scores_hbm, allowed_hbm, nf_hbm, out_hbm, *scratch):
        bufs = list(scratch[:NB])
        ids_v, vals_v, nf_v, bval_v, idsem = scratch[NB:NB + 5]
        isems = list(scratch[NB + 5:NB + 5 + NB])
        osems = list(scratch[NB + 5 + NB:NB + 5 + 2 * NB])
        wid = lax.axis_index("s") * NC + lax.axis_index("c")

        chunks = [(r, h) for r in range(ROWS) for h in HORDER]
        in_copies = [None] * NB
        out_copies = [None] * NB

        def fire_in(c):
            r, h = chunks[c]
            b = wid * ROWS + r
            in_copies[h] = pltpu.async_copy(
                scores_hbm.at[b].at[pl.ds(OFFS[h], SIZES[h])],
                bufs[h], isems[h])

        for c in range(NB - 1):
            fire_in(c)
        id_copies = [
            pltpu.async_copy(allowed_hbm.at[wid * ROWS + r], ids_v.at[r], idsem)
            for r in range(ROWS)
        ]

        pltpu.sync_copy(nf_hbm, nf_v)
        iota = lax.iota(jnp.int32, L)
        for h in range(NB):
            for j in range(NF // L):
                idx = nf_v[pl.ds(j * L, L)]
                tag = (iota + (j * L + 1)).astype(jnp.float32)
                m = (idx >= OFFS[h]) & (idx < OFFS[h] + SIZES[h])
                plsc.store_scatter(bufs[0], [jnp.where(m, idx - OFFS[h], 0)],
                                   tag, mask=m)
            for j in range(NF // L):
                idx = nf_v[pl.ds(j * L, L)]
                tag = (iota + (j * L + 1)).astype(jnp.float32)
                m = (idx >= OFFS[h]) & (idx < OFFS[h] + SIZES[h])
                back = plsc.load_gather(bufs[0],
                                        [jnp.where(m, idx - OFFS[h], 0)])
                bv = jnp.where(m & (back == tag),
                               jnp.float32(EDGE_BOOST_VAL), jnp.float32(0.0))
                if h == 0:
                    bval_v[pl.ds(j * L, L)] = bv
                else:
                    bval_v[pl.ds(j * L, L)] = bval_v[pl.ds(j * L, L)] + bv

        fire_in(NB - 1)
        for cp in id_copies:
            cp.wait()

        neg_inf = jnp.full((L,), float("-inf"), jnp.float32)
        for c, (r, h) in enumerate(chunks):
            b = wid * ROWS + r
            lo, hsz = OFFS[h], SIZES[h]
            buf = bufs[h]

            cn = c + NB - 1
            if NB <= cn < len(chunks):
                hn = chunks[cn][1]
                if out_copies[hn] is not None:
                    out_copies[hn].wait()
                fire_in(cn)

            in_copies[h].wait()

            def gather_body(j, _):
                ids = ids_v[r, pl.ds(j * L, L)]
                m = (ids >= lo) & (ids < lo + hsz)
                gidx = jnp.where(m, ids - lo, 0)
                vals_v[pl.ds(j * L, L)] = plsc.load_gather(buf, [gidx])
                return 0
            lax.fori_loop(0, K // L, gather_body, 0)

            def fill_body(i, _):
                buf[pl.ds(i * L, L)] = neg_inf
                return 0
            lax.fori_loop(0, hsz // L, fill_body, 0, unroll=16)

            def scatter_body(j, _):
                ids = ids_v[r, pl.ds(j * L, L)]
                val = vals_v[pl.ds(j * L, L)]
                m = (ids >= lo) & (ids < lo + hsz)
                plsc.store_scatter(buf, [ids - lo], val, mask=m)
                return 0
            lax.fori_loop(0, K // L, scatter_body, 0)

            def boost_body(j, _):
                idx = nf_v[pl.ds(j * L, L)]
                bv = bval_v[pl.ds(j * L, L)]
                m = (idx >= lo) & (idx < lo + hsz) & (bv > jnp.float32(0.0))
                plsc.addupdate_scatter(buf, [idx - lo], bv, mask=m)
                return 0
            lax.fori_loop(0, NF // L, boost_body, 0)

            out_copies[h] = pltpu.async_copy(
                buf, out_hbm.at[b].at[pl.ds(lo, hsz)], osems[h])

        for h in range(NB):
            if out_copies[h] is not None:
                out_copies[h].wait()

    return k


def kernel(input_ids, scores, allowed_ids, next_for_ids):
    del input_ids
    B, V = scores.shape
    K = allowed_ids.shape[1]
    NF = next_for_ids.shape[0]
    k = _make_sc_kernel(B, V, K, NF)
    return k(scores, allowed_ids, next_for_ids)

# --- scband reference (transcript-rebuilt; emitter-appended) ---
"""Pipeline reference for scband-gcrprocess-processor-68307159876199 (READ-ONLY COPY).

The authoritative reference and input builder live on the scoring server;
editing this copy changes nothing except your own understanding.
"""

import jax, jax.numpy as jnp
import numpy as np

EDGE_BOOST = 3.0

def setup_inputs(seed: int = 0) -> dict:
    key = jax.random.key(seed)
    k1, k2, k3, k4 = jax.random.split(key, 4)
    B, S, V, K, NF = 64, 2048, 100000, 512, 256
    input_ids = jax.random.randint(k1, (B, S), 0, V, dtype=jnp.int64) if jax.config.read('jax_enable_x64') else jax.random.randint(k1, (B, S), 0, V, dtype=jnp.int32).astype(jnp.int32)
    scores = jax.random.normal(k2, (B, V), dtype=jnp.float32)
    allowed_ids = jax.random.randint(k3, (B, K), 0, V, dtype=jnp.int32)
    next_for_ids = jax.random.randint(k4, (NF,), 0, V, dtype=jnp.int32)
    return {"input_ids": input_ids, "scores": scores, "allowed_ids": allowed_ids, "next_for_ids": next_for_ids}

def reference(input_ids, scores, allowed_ids, next_for_ids):
    # Faithful vectorized translation of the trie-constrained logits processor.
    # allowed_ids[b] stands in for trie.allowed_next(input_ids[b][p_len:]) (a set of
    # valid continuation token ids, always non-empty here so the EOS-fallback branch
    # is never taken). next_for_ids stands in for the NEXT_FOR token-id set.
    B, V = scores.shape
    neg_inf = jnp.float32(float('-inf'))
    # build per-row boolean membership mask via scatter-overwrite (set semantics: dups collapse)
    row_idx = jnp.arange(B)[:, None]
    allowed_mask = jnp.zeros((B, V), dtype=bool).at[row_idx, allowed_ids].set(True)
    # mask[allowed] = scores[allowed]; everything else -inf
    mask = jnp.where(allowed_mask, scores, neg_inf)
    # boost allowed tokens that are NEXT_FOR edge tokens
    next_mask = jnp.zeros((V,), dtype=bool).at[next_for_ids].set(True)
    boost = jnp.where(allowed_mask & next_mask[None, :], jnp.float32(EDGE_BOOST), jnp.float32(0.0))
    mask = mask + boost
    return mask

if __name__ == "__main__":
    import jax
    _d = setup_inputs()
    print(jax.jit(kernel)(*tuple(_d.values())))

</pallas_src>

<mosaic_0001>
#map = affine_map<(d0, d1) -> (0, 0)>
#map1 = affine_map<(d0, d1) -> (0)>
module attributes {stable_mosaic.version = 14 : i64} {
  func.func @k(%arg0: i32, %arg1: i32, %arg2: memref<64x100000xf32, #tpu.memory_space<hbm>>, %arg3: memref<64x512xi32, #tpu.memory_space<hbm>>, %arg4: memref<256xi32, #tpu.memory_space<hbm>>, %arg5: memref<64x100000xf32, #tpu.memory_space<hbm>>, %arg6: memref<50048xf32, #tpu.memory_space<vmem>>, %arg7: memref<49952xf32, #tpu.memory_space<vmem>>, %arg8: memref<2x512xi32, #tpu.memory_space<vmem>>, %arg9: memref<512xf32, #tpu.memory_space<vmem>>, %arg10: memref<256xi32, #tpu.memory_space<vmem>>, %arg11: memref<256xf32, #tpu.memory_space<vmem>>, %arg12: memref<!tpu.dma_semaphore, #tpu.memory_space<semaphore_mem>>, %arg13: memref<!tpu.dma_semaphore, #tpu.memory_space<semaphore_mem>>, %arg14: memref<!tpu.dma_semaphore, #tpu.memory_space<semaphore_mem>>, %arg15: memref<!tpu.dma_semaphore, #tpu.memory_space<semaphore_mem>>, %arg16: memref<!tpu.dma_semaphore, #tpu.memory_space<semaphore_mem>>) attributes {dimension_semantics = [#tpu.dimension_semantics<core_parallel>, #tpu.dimension_semantics<subcore_parallel>], iteration_bounds = array<i64: 2, 16>, scalar_prefetch = 0 : i64, scratch_operands = 11 : i64, tpu.core_type = #tpu.core_type<sc_vector_subcore>, window_params = [{transform_indices = #map}, {transform_indices = #map}, {transform_indices = #map1}, {transform_indices = #map}]} {
    %mul3A = arith.constant 2 : i32
    %mul3A_0 = arith.muli %arg1, %mul3A : i32
    %add3A = arith.addi %mul3A_0, %arg0 : i32
    %mul3A_1 = arith.constant 2 : i32
    %mul3A_2 = arith.muli %add3A, %mul3A_1 : i32
    %add3A_3 = arith.constant 0 : i32
    %add3A_4 = arith.addi %mul3A_2, %add3A_3 : i32
    %dma_start3A = arith.constant 0 : i32
    %dma_start3A_5 = tpu.memref_slice %arg2[%add3A_4, %dma_start3A] : memref<64x100000xf32, #tpu.memory_space<hbm>> -> memref<1x100000xf32, #tpu.memory_space<hbm>>
    %dma_start3A_6 = tpu.memref_squeeze %dma_start3A_5 : memref<1x100000xf32, #tpu.memory_space<hbm>> -> memref<100000xf32, #tpu.memory_space<hbm>>
    %dma_start3A_7 = arith.constant 50048 : i32
    %dma_start3A_8 = tpu.memref_slice %dma_start3A_6[%dma_start3A_7] : memref<100000xf32, #tpu.memory_space<hbm>> -> memref<49952xf32, #tpu.memory_space<hbm>>
    %dma_start3A_9 = arith.constant 0 : i32
    %dma_start3A_10 = tpu.memref_slice %arg2[%add3A_4, %dma_start3A_9] : memref<64x100000xf32, #tpu.memory_space<hbm>> -> memref<1x100000xf32, #tpu.memory_space<hbm>>
    %dma_start3A_11 = tpu.memref_squeeze %dma_start3A_10 : memref<1x100000xf32, #tpu.memory_space<hbm>> -> memref<100000xf32, #tpu.memory_space<hbm>>
    %dma_start3A_12 = arith.constant 50048 : i32
    %dma_start3A_13 = tpu.memref_slice %dma_start3A_11[%dma_start3A_12] : memref<100000xf32, #tpu.memory_space<hbm>> -> memref<49952xf32, #tpu.memory_space<hbm>>
    tpu.enqueue_dma source(%dma_start3A_13 : memref<49952xf32, #tpu.memory_space<hbm>>) target(%arg7 : memref<49952xf32, #tpu.memory_space<vmem>>) target_semaphore(%arg14 : memref<!tpu.dma_semaphore, #tpu.memory_space<semaphore_mem>>)
    %mul3A_14 = arith.constant 2 : i32
    %mul3A_15 = arith.muli %add3A, %mul3A_14 : i32
    %add3A_16 = arith.constant 0 : i32
    %add3A_17 = arith.addi %mul3A_15, %add3A_16 : i32
    %dma_start3A_18 = arith.constant 0 : i32
    %dma_start3A_19 = arith.constant 0 : i32
    %dma_start3A_20 = tpu.memref_slice %arg8[%dma_start3A_18, %dma_start3A_19] : memref<2x512xi32, #tpu.memory_space<vmem>> -> memref<1x512xi32, #tpu.memory_space<vmem>>
    %dma_start3A_21 = tpu.memref_squeeze %dma_start3A_20 : memref<1x512xi32, #tpu.memory_space<vmem>> -> memref<512xi32, #tpu.memory_space<vmem>>
    %dma_start3A_22 = arith.constant 0 : i32
    %dma_start3A_23 = tpu.memref_slice %arg3[%add3A_17, %dma_start3A_22] : memref<64x512xi32, #tpu.memory_space<hbm>> -> memref<1x512xi32, #tpu.memory_space<hbm>>
    %dma_start3A_24 = tpu.memref_squeeze %dma_start3A_23 : memref<1x512xi32, #tpu.memory_space<hbm>> -> memref<512xi32, #tpu.memory_space<hbm>>
    %dma_start3A_25 = arith.constant 0 : i32
    %dma_start3A_26 = tpu.memref_slice %arg8[%dma_start3A_18, %dma_start3A_25] : memref<2x512xi32, #tpu.memory_space<vmem>> -> memref<1x512xi32, #tpu.memory_space<vmem>>
    %dma_start3A_27 = tpu.memref_squeeze %dma_start3A_26 : memref<1x512xi32, #tpu.memory_space<vmem>> -> memref<512xi32, #tpu.memory_space<vmem>>
    %dma_start3A_28 = arith.constant 0 : i32
    %dma_start3A_29 = tpu.memref_slice %arg3[%add3A_17, %dma_start3A_28] : memref<64x512xi32, #tpu.memory_space<hbm>> -> memref<1x512xi32, #tpu.memory_space<hbm>>
    %dma_start3A_30 = tpu.memref_squeeze %dma_start3A_29 : memref<1x512xi32, #tpu.memory_space<hbm>> -> memref<512xi32, #tpu.memory_space<hbm>>
    tpu.enqueue_dma source(%dma_start3A_30 : memref<512xi32, #tpu.memory_space<hbm>>) target(%dma_start3A_27 : memref<512xi32, #tpu.memory_space<vmem>>) target_semaphore(%arg12 : memref<!tpu.dma_semaphore, #tpu.memory_space<semaphore_mem>>)
    %mul3A_31 = arith.constant 2 : i32
    %mul3A_32 = arith.muli %add3A, %mul3A_31 : i32
    %add3A_33 = arith.constant 1 : i32
    %add3A_34 = arith.addi %mul3A_32, %add3A_33 : i32
    %dma_start3A_35 = arith.constant 1 : i32
    %dma_start3A_36 = arith.constant 0 : i32
    %dma_start3A_37 = tpu.memref_slice %arg8[%dma_start3A_35, %dma_start3A_36] : memref<2x512xi32, #tpu.memory_space<vmem>> -> memref<1x512xi32, #tpu.memory_space<vmem>>
    %dma_start3A_38 = tpu.memref_squeeze %dma_start3A_37 : memref<1x512xi32, #tpu.memory_space<vmem>> -> memref<512xi32, #tpu.memory_space<vmem>>
    %dma_start3A_39 = arith.constant 0 : i32
    %dma_start3A_40 = tpu.memref_slice %arg3[%add3A_34, %dma_start3A_39] : memref<64x512xi32, #tpu.memory_space<hbm>> -> memref<1x512xi32, #tpu.memory_space<hbm>>
    %dma_start3A_41 = tpu.memref_squeeze %dma_start3A_40 : memref<1x512xi32, #tpu.memory_space<hbm>> -> memref<512xi32, #tpu.memory_space<hbm>>
    %dma_start3A_42 = arith.constant 0 : i32
    %dma_start3A_43 = tpu.memref_slice %arg8[%dma_start3A_35, %dma_start3A_42] : memref<2x512xi32, #tpu.memory_space<vmem>> -> memref<1x512xi32, #tpu.memory_space<vmem>>
    %dma_start3A_44 = tpu.memref_squeeze %dma_start3A_43 : memref<1x512xi32, #tpu.memory_space<vmem>> -> memref<512xi32, #tpu.memory_space<vmem>>
    %dma_start3A_45 = arith.constant 0 : i32
    %dma_start3A_46 = tpu.memref_slice %arg3[%add3A_34, %dma_start3A_45] : memref<64x512xi32, #tpu.memory_space<hbm>> -> memref<1x512xi32, #tpu.memory_space<hbm>>
    %dma_start3A_47 = tpu.memref_squeeze %dma_start3A_46 : memref<1x512xi32, #tpu.memory_space<hbm>> -> memref<512xi32, #tpu.memory_space<hbm>>
    tpu.enqueue_dma source(%dma_start3A_47 : memref<512xi32, #tpu.memory_space<hbm>>) target(%dma_start3A_44 : memref<512xi32, #tpu.memory_space<vmem>>) target_semaphore(%arg12 : memref<!tpu.dma_semaphore, #tpu.memory_space<semaphore_mem>>)
    "tpu.region"() ({
      %run_scoped3A = tpu.sem_alloc : memref<!tpu.dma_semaphore, #tpu.memory_space<semaphore_mem>>
      tpu.enqueue_dma source(%arg4 : memref<256xi32, #tpu.memory_space<hbm>>) target(%arg10 : memref<256xi32, #tpu.memory_space<vmem>>) target_semaphore(%run_scoped3A : memref<!tpu.dma_semaphore, #tpu.memory_space<semaphore_mem>>)
      tpu.wait_dma2 semaphore(%run_scoped3A : memref<!tpu.dma_semaphore, #tpu.memory_space<semaphore_mem>>) src(%arg4 : memref<256xi32, #tpu.memory_space<hbm>>) dst(%arg10 : memref<256xi32, #tpu.memory_space<vmem>>)
      tpu.yield
    }) : () -> ()
    %iota3A = tpu.iota {dimensions = array<i32: 0>} : vector<16xi32>
    %get3A = arith.constant 0 : index
    %get3A_48 = tpu.vector_load %arg10[%get3A] {strides = array<i32>} : memref<256xi32, #tpu.memory_space<vmem>>, vector<16xi32>,
    %add3A_49 = arith.constant 1 : i32
    %add3A_50 = vector.broadcast %add3A_49 : i32 to vector<16xi32>
    %add3A_51 = arith.addi %iota3A, %add3A_50 : vector<16xi32>
    %convert_element_type3A = arith.sitofp %add3A_51 : vector<16xi32> to vector<16xf32>
    %ge3A = arith.constant 0 : i32
    %ge3A_52 = vector.broadcast %ge3A : i32 to vector<16xi32>
    %ge3A_53 = arith.cmpi sge, %get3A_48, %ge3A_52 : vector<16xi32>
    %lt3A = arith.constant 50048 : i32
    %lt3A_54 = vector.broadcast %lt3A : i32 to vector<16xi32>
    %lt3A_55 = arith.cmpi slt, %get3A_48, %lt3A_54 : vector<16xi32>
    %and3A = arith.andi %ge3A_53, %lt3A_55 : vector<16xi1>
    %sub3A = arith.constant 0 : i32
    %sub3A_56 = vector.broadcast %sub3A : i32 to vector<16xi32>
    %sub3A_57 = arith.subi %get3A_48, %sub3A_56 : vector<16xi32>
    %jit3A = arith.constant 0 : i32
    %broadcast_in_dim3A = vector.broadcast %jit3A : i32 to vector<16xi32>
    %select_n3A = arith.select %and3A, %sub3A_57, %broadcast_in_dim3A : vector<16xi1>, vector<16xi32>
    tpu.vector_store_idx %arg6[%select_n3A], %convert_element_type3A masked %and3A : memref<50048xf32, #tpu.memory_space<vmem>>[vector<16xi32>], vector<16xf32>, vector<16xi1>
    %get3A_58 = arith.constant 16 : index
    %get3A_59 = tpu.vector_load %arg10[%get3A_58] {strides = array<i32>} : memref<256xi32, #tpu.memory_space<vmem>>, vector<16xi32>,
    %add3A_60 = arith.constant 17 : i32
    %add3A_61 = vector.broadcast %add3A_60 : i32 to vector<16xi32>
    %add3A_62 = arith.addi %iota3A, %add3A_61 : vector<16xi32>
    %convert_element_type3A_63 = arith.sitofp %add3A_62 : vector<16xi32> to vector<16xf32>
    %ge3A_64 = arith.constant 0 : i32
    %ge3A_65 = vector.broadcast %ge3A_64 : i32 to vector<16xi32>
    %ge3A_66 = arith.cmpi sge, %get3A_59, %ge3A_65 : vector<16xi32>
    %lt3A_67 = arith.constant 50048 : i32
    %lt3A_68 = vector.broadcast %lt3A_67 : i32 to vector<16xi32>
    %lt3A_69 = arith.cmpi slt, %get3A_59, %lt3A_68 : vector<16xi32>
    %and3A_70 = arith.andi %ge3A_66, %lt3A_69 : vector<16xi1>
    %sub3A_71 = arith.constant 0 : i32
    %sub3A_72 = vector.broadcast %sub3A_71 : i32 to vector<16xi32>
    %sub3A_73 = arith.subi %get3A_59, %sub3A_72 : vector<16xi32>
    %jit3A_74 = arith.constant 0 : i32
    %broadcast_in_dim3A_75 = vector.broadcast %jit3A_74 : i32 to vector<16xi32>
    %select_n3A_76 = arith.select %and3A_70, %sub3A_73, %broadcast_in_dim3A_75 : vector<16xi1>, vector<16xi32>
    tpu.vector_store_idx %arg6[%select_n3A_76], %convert_element_type3A_63 masked %and3A_70 : memref<50048xf32, #tpu.memory_space<vmem>>[vector<16xi32>], vector<16xf32>, vector<16xi1>
    %get3A_77 = arith.constant 32 : index
    %get3A_78 = tpu.vector_load %arg10[%get3A_77] {strides = array<i32>} : memref<256xi32, #tpu.memory_space<vmem>>, vector<16xi32>,
    %add3A_79 = arith.constant 33 : i32
    %add3A_80 = vector.broadcast %add3A_79 : i32 to vector<16xi32>
    %add3A_81 = arith.addi %iota3A, %add3A_80 : vector<16xi32>
    %convert_element_type3A_82 = arith.sitofp %add3A_81 : vector<16xi32> to vector<16xf32>
    %ge3A_83 = arith.constant 0 : i32
    %ge3A_84 = vector.broadcast %ge3A_83 : i32 to vector<16xi32>
    %ge3A_85 = arith.cmpi sge, %get3A_78, %ge3A_84 : vector<16xi32>
    %lt3A_86 = arith.constant 50048 : i32
    %lt3A_87 = vector.broadcast %lt3A_86 : i32 to vector<16xi32>
    %lt3A_88 = arith.cmpi slt, %get3A_78, %lt3A_87 : vector<16xi32>
    %and3A_89 = arith.andi %ge3A_85, %lt3A_88 : vector<16xi1>
    %sub3A_90 = arith.constant 0 : i32
    %sub3A_91 = vector.broadcast %sub3A_90 : i32 to vector<16xi32>
    %sub3A_92 = arith.subi %get3A_78, %sub3A_91 : vector<16xi32>
    %jit3A_93 = arith.constant 0 : i32
    %broadcast_in_dim3A_94 = vector.broadcast %jit3A_93 : i32 to vector<16xi32>
    %select_n3A_95 = arith.select %and3A_89, %sub3A_92, %broadcast_in_dim3A_94 : vector<16xi1>, vector<16xi32>
    tpu.vector_store_idx %arg6[%select_n3A_95], %convert_element_type3A_82 masked %and3A_89 : memref<50048xf32, #tpu.memory_space<vmem>>[vector<16xi32>], vector<16xf32>, vector<16xi1>
    %get3A_96 = arith.constant 48 : index
    %get3A_97 = tpu.vector_load %arg10[%get3A_96] {strides = array<i32>} : memref<256xi32, #tpu.memory_space<vmem>>, vector<16xi32>,
    %add3A_98 = arith.constant 49 : i32
    %add3A_99 = vector.broadcast %add3A_98 : i32 to vector<16xi32>
    %add3A_100 = arith.addi %iota3A, %add3A_99 : vector<16xi32>
    %convert_element_type3A_101 = arith.sitofp %add3A_100 : vector<16xi32> to vector<16xf32>
    %ge3A_102 = arith.constant 0 : i32
    %ge3A_103 = vector.broadcast %ge3A_102 : i32 to vector<16xi32>
    %ge3A_104 = arith.cmpi sge, %get3A_97, %ge3A_103 : vector<16xi32>
    %lt3A_105 = arith.constant 50048 : i32
    %lt3A_106 = vector.broadcast %lt3A_105 : i32 to vector<16xi32>
    %lt3A_107 = arith.cmpi slt, %get3A_97, %lt3A_106 : vector<16xi32>
    %and3A_108 = arith.andi %ge3A_104, %lt3A_107 : vector<16xi1>
    %sub3A_109 = arith.constant 0 : i32
    %sub3A_110 = vector.broadcast %sub3A_109 : i32 to vector<16xi32>
    %sub3A_111 = arith.subi %get3A_97, %sub3A_110 : vector<16xi32>
    %jit3A_112 = arith.constant 0 : i32
    %broadcast_in_dim3A_113 = vector.broadcast %jit3A_112 : i32 to vector<16xi32>
    %select_n3A_114 = arith.select %and3A_108, %sub3A_111, %broadcast_in_dim3A_113 : vector<16xi1>, vector<16xi32>
    tpu.vector_store_idx %arg6[%select_n3A_114], %convert_element_type3A_101 masked %and3A_108 : memref<50048xf32, #tpu.memory_space<vmem>>[vector<16xi32>], vector<16xf32>, vector<16xi1>
    %get3A_115 = arith.constant 64 : index
    %get3A_116 = tpu.vector_load %arg10[%get3A_115] {strides = array<i32>} : memref<256xi32, #tpu.memory_space<vmem>>, vector<16xi32>,
    %add3A_117 = arith.constant 65 : i32
    %add3A_118 = vector.broadcast %add3A_117 : i32 to vector<16xi32>
    %add3A_119 = arith.addi %iota3A, %add3A_118 : vector<16xi32>
    %convert_element_type3A_120 = arith.sitofp %add3A_119 : vector<16xi32> to vector<16xf32>
    %ge3A_121 = arith.constant 0 : i32
    %ge3A_122 = vector.broadcast %ge3A_121 : i32 to vector<16xi32>
    %ge3A_123 = arith.cmpi sge, %get3A_116, %ge3A_122 : vector<16xi32>
    %lt3A_124 = arith.constant 50048 : i32
    %lt3A_125 = vector.broadcast %lt3A_124 : i32 to vector<16xi32>
    %lt3A_126 = arith.cmpi slt, %get3A_116, %lt3A_125 : vector<16xi32>
    %and3A_127 = arith.andi %ge3A_123, %lt3A_126 : vector<16xi1>
    %sub3A_128 = arith.constant 0 : i32
    %sub3A_129 = vector.broadcast %sub3A_128 : i32 to vector<16xi32>
    %sub3A_130 = arith.subi %get3A_116, %sub3A_129 : vector<16xi32>
    %jit3A_131 = arith.constant 0 : i32
    %broadcast_in_dim3A_132 = vector.broadcast %jit3A_131 : i32 to vector<16xi32>
    %select_n3A_133 = arith.select %and3A_127, %sub3A_130, %broadcast_in_dim3A_132 : vector<16xi1>, vector<16xi32>
    tpu.vector_store_idx %arg6[%select_n3A_133], %convert_element_type3A_120 masked %and3A_127 : memref<50048xf32, #tpu.memory_space<vmem>>[vector<16xi32>], vector<16xf32>, vector<16xi1>
    %get3A_134 = arith.constant 80 : index
    %get3A_135 = tpu.vector_load %arg10[%get3A_134] {strides = array<i32>} : memref<256xi32, #tpu.memory_space<vmem>>, vector<16xi32>,
    %add3A_136 = arith.constant 81 : i32
    %add3A_137 = vector.broadcast %add3A_136 : i32 to vector<16xi32>
    %add3A_138 = arith.addi %iota3A, %add3A_137 : vector<16xi32>
    %convert_element_type3A_139 = arith.sitofp %add3A_138 : vector<16xi32> to vector<16xf32>
    %ge3A_140 = arith.constant 0 : i32
    %ge3A_141 = vector.broadcast %ge3A_140 : i32 to vector<16xi32>
    %ge3A_142 = arith.cmpi sge, %get3A_135, %ge3A_141 : vector<16xi32>
    %lt3A_143 = arith.constant 50048 : i32
    %lt3A_144 = vector.broadcast %lt3A_143 : i32 to vector<16xi32>
    %lt3A_145 = arith.cmpi slt, %get3A_135, %lt3A_144 : vector<16xi32>
    %and3A_146 = arith.andi %ge3A_142, %lt3A_145 : vector<16xi1>
    %sub3A_147 = arith.constant 0 : i32
    %sub3A_148 = vector.broadcast %sub3A_147 : i32 to vector<16xi32>
    %sub3A_149 = arith.subi %get3A_135, %sub3A_148 : vector<16xi32>
    %jit3A_150 = arith.constant 0 : i32
    %broadcast_in_dim3A_151 = vector.broadcast %jit3A_150 : i32 to vector<16xi32>
    %select_n3A_152 = arith.select %and3A_146, %sub3A_149, %broadcast_in_dim3A_151 : vector<16xi1>, vector<16xi32>
    tpu.vector_store_idx %arg6[%select_n3A_152], %convert_element_type3A_139 masked %and3A_146 : memref<50048xf32, #tpu.memory_space<vmem>>[vector<16xi32>], vector<16xf32>, vector<16xi1>
    %get3A_153 = arith.constant 96 : index
    %get3A_154 = tpu.vector_load %arg10[%get3A_153] {strides = array<i32>} : memref<256xi32, #tpu.memory_space<vmem>>, vector<16xi32>,
    %add3A_155 = arith.constant 97 : i32
    %add3A_156 = vector.broadcast %add3A_155 : i32 to vector<16xi32>
    %add3A_157 = arith.addi %iota3A, %add3A_156 : vector<16xi32>
    %convert_element_type3A_158 = arith.sitofp %add3A_157 : vector<16xi32> to vector<16xf32>
    %ge3A_159 = arith.constant 0 : i32
    %ge3A_160 = vector.broadcast %ge3A_159 : i32 to vector<16xi32>
    %ge3A_161 = arith.cmpi sge, %get3A_154, %ge3A_160 : vector<16xi32>
    %lt3A_162 = arith.constant 50048 : i32
    %lt3A_163 = vector.broadcast %lt3A_162 : i32 to vector<16xi32>
    %lt3A_164 = arith.cmpi slt, %get3A_154, %lt3A_163 : vector<16xi32>
    %and3A_165 = arith.andi %ge3A_161, %lt3A_164 : vector<16xi1>
    %sub3A_166 = arith.constant 0 : i32
    %sub3A_167 = vector.broadcast %sub3A_166 : i32 to vector<16xi32>
    %sub3A_168 = arith.subi %get3A_154, %sub3A_167 : vector<16xi32>
    %jit3A_169 = arith.constant 0 : i32
    %broadcast_in_dim3A_170 = vector.broadcast %jit3A_169 : i32 to vector<16xi32>
    %select_n3A_171 = arith.select %and3A_165, %sub3A_168, %broadcast_in_dim3A_170 : vector<16xi1>, vector<16xi32>
    tpu.vector_store_idx %arg6[%select_n3A_171], %convert_element_type3A_158 masked %and3A_165 : memref<50048xf32, #tpu.memory_space<vmem>>[vector<16xi32>], vector<16xf32>, vector<16xi1>
    %get3A_172 = arith.constant 112 : index
    %get3A_173 = tpu.vector_load %arg10[%get3A_172] {strides = array<i32>} : memref<256xi32, #tpu.memory_space<vmem>>, vector<16xi32>,
    %add3A_174 = arith.constant 113 : i32
    %add3A_175 = vector.broadcast %add3A_174 : i32 to vector<16xi32>
    %add3A_176 = arith.addi %iota3A, %add3A_175 : vector<16xi32>
    %convert_element_type3A_177 = arith.sitofp %add3A_176 : vector<16xi32> to vector<16xf32>
    %ge3A_178 = arith.constant 0 : i32
    %ge3A_179 = vector.broadcast %ge3A_178 : i32 to vector<16xi32>
    %ge3A_180 = arith.cmpi sge, %get3A_173, %ge3A_179 : vector<16xi32>
    %lt3A_181 = arith.constant 50048 : i32
    %lt3A_182 = vector.broadcast %lt3A_181 : i32 to vector<16xi32>
    %lt3A_183 = arith.cmpi slt, %get3A_173, %lt3A_182 : vector<16xi32>
    %and3A_184 = arith.andi %ge3A_180, %lt3A_183 : vector<16xi1>
    %sub3A_185 = arith.constant 0 : i32
    %sub3A_186 = vector.broadcast %sub3A_185 : i32 to vector<16xi32>
    %sub3A_187 = arith.subi %get3A_173, %sub3A_186 : vector<16xi32>
    %jit3A_188 = arith.constant 0 : i32
    %broadcast_in_dim3A_189 = vector.broadcast %jit3A_188 : i32 to vector<16xi32>
    %select_n3A_190 = arith.select %and3A_184, %sub3A_187, %broadcast_in_dim3A_189 : vector<16xi1>, vector<16xi32>
    tpu.vector_store_idx %arg6[%select_n3A_190], %convert_element_type3A_177 masked %and3A_184 : memref<50048xf32, #tpu.memory_space<vmem>>[vector<16xi32>], vector<16xf32>, vector<16xi1>
    %get3A_191 = arith.constant 128 : index
    %get3A_192 = tpu.vector_load %arg10[%get3A_191] {strides = array<i32>} : memref<256xi32, #tpu.memory_space<vmem>>, vector<16xi32>,
    %add3A_193 = arith.constant 129 : i32
    %add3A_194 = vector.broadcast %add3A_193 : i32 to vector<16xi32>
    %add3A_195 = arith.addi %iota3A, %add3A_194 : vector<16xi32>
    %convert_element_type3A_196 = arith.sitofp %add3A_195 : vector<16xi32> to vector<16xf32>
    %ge3A_197 = arith.constant 0 : i32
    %ge3A_198 = vector.broadcast %ge3A_197 : i32 to vector<16xi32>
    %ge3A_199 = arith.cmpi sge, %get3A_192, %ge3A_198 : vector<16xi32>
    %lt3A_200 = arith.constant 50048 : i32
    %lt3A_201 = vector.broadcast %lt3A_200 : i32 to vector<16xi32>
    %lt3A_202 = arith.cmpi slt, %get3A_192, %lt3A_201 : vector<16xi32>
    %and3A_203 = arith.andi %ge3A_199, %lt3A_202 : vector<16xi1>
    %sub3A_204 = arith.constant 0 : i32
    %sub3A_205 = vector.broadcast %sub3A_204 : i32 to vector<16xi32>
    %sub3A_206 = arith.subi %get3A_192, %sub3A_205 : vector<16xi32>
    %jit3A_207 = arith.constant 0 : i32
    %broadcast_in_dim3A_208 = vector.broadcast %jit3A_207 : i32 to vector<16xi32>
    %select_n3A_209 = arith.select %and3A_203, %sub3A_206, %broadcast_in_dim3A_208 : vector<16xi1>, vector<16xi32>
    tpu.vector_store_idx %arg6[%select_n3A_209], %convert_element_type3A_196 masked %and3A_203 : memref<50048xf32, #tpu.memory_space<vmem>>[vector<16xi32>], vector<16xf32>, vector<16xi1>
    %get3A_210 = arith.constant 144 : index
    %get3A_211 = tpu.vector_load %arg10[%get3A_210] {strides = array<i32>} : memref<256xi32, #tpu.memory_space<vmem>>, vector<16xi32>,
    %add3A_212 = arith.constant 145 : i32
    %add3A_213 = vector.broadcast %add3A_212 : i32 to vector<16xi32>
    %add3A_214 = arith.addi %iota3A, %add3A_213 : vector<16xi32>
    %convert_element_type3A_215 = arith.sitofp %add3A_214 : vector<16xi32> to vector<16xf32>
    %ge3A_216 = arith.constant 0 : i32
    %ge3A_217 = vector.broadcast %ge3A_216 : i32 to vector<16xi32>
    %ge3A_218 = arith.cmpi sge, %get3A_211, %ge3A_217 : vector<16xi32>
    %lt3A_219 = arith.constant 50048 : i32
    %lt3A_220 = vector.broadcast %lt3A_219 : i32 to vector<16xi32>
    %lt3A_221 = arith.cmpi slt, %get3A_211, %lt3A_220 : vector<16xi32>
    %and3A_222 = arith.andi %ge3A_218, %lt3A_221 : vector<16xi1>
    %sub3A_223 = arith.constant 0 : i32
    %sub3A_224 = vector.broadcast %sub3A_223 : i32 to vector<16xi32>
    %sub3A_225 = arith.subi %get3A_211, %sub3A_224 : vector<16xi32>
    %jit3A_226 = arith.constant 0 : i32
    %broadcast_in_dim3A_227 = vector.broadcast %jit3A_226 : i32 to vector<16xi32>
    %select_n3A_228 = arith.select %and3A_222, %sub3A_225, %broadcast_in_dim3A_227 : vector<16xi1>, vector<16xi32>
    tpu.vector_store_idx %arg6[%select_n3A_228], %convert_element_type3A_215 masked %and3A_222 : memref<50048xf32, #tpu.memory_space<vmem>>[vector<16xi32>], vector<16xf32>, vector<16xi1>
    %get3A_229 = arith.constant 160 : index
    %get3A_230 = tpu.vector_load %arg10[%get3A_229] {strides = array<i32>} : memref<256xi32, #tpu.memory_space<vmem>>, vector<16xi32>,
    %add3A_231 = arith.constant 161 : i32
    %add3A_232 = vector.broadcast %add3A_231 : i32 to vector<16xi32>
    %add3A_233 = arith.addi %iota3A, %add3A_232 : vector<16xi32>
    %convert_element_type3A_234 = arith.sitofp %add3A_233 : vector<16xi32> to vector<16xf32>
    %ge3A_235 = arith.constant 0 : i32
    %ge3A_236 = vector.broadcast %ge3A_235 : i32 to vector<16xi32>
    %ge3A_237 = arith.cmpi sge, %get3A_230, %ge3A_236 : vector<16xi32>
    %lt3A_238 = arith.constant 50048 : i32
    %lt3A_239 = vector.broadcast %lt3A_238 : i32 to vector<16xi32>
    %lt3A_240 = arith.cmpi slt, %get3A_230, %lt3A_239 : vector<16xi32>
    %and3A_241 = arith.andi %ge3A_237, %lt3A_240 : vector<16xi1>
    %sub3A_242 = arith.constant 0 : i32
    %sub3A_243 = vector.broadcast %sub3A_242 : i32 to vector<16xi32>
    %sub3A_244 = arith.subi %get3A_230, %sub3A_243 : vector<16xi32>
    %jit3A_245 = arith.constant 0 : i32
    %broadcast_in_dim3A_246 = vector.broadcast %jit3A_245 : i32 to vector<16xi32>
    %select_n3A_247 = arith.select %and3A_241, %sub3A_244, %broadcast_in_dim3A_246 : vector<16xi1>, vector<16xi32>
    tpu.vector_store_idx %arg6[%select_n3A_247], %convert_element_type3A_234 masked %and3A_241 : memref<50048xf32, #tpu.memory_space<vmem>>[vector<16xi32>], vector<16xf32>, vector<16xi1>
    %get3A_248 = arith.constant 176 : index
    %get3A_249 = tpu.vector_load %arg10[%get3A_248] {strides = array<i32>} : memref<256xi32, #tpu.memory_space<vmem>>, vector<16xi32>,
    %add3A_250 = arith.constant 177 : i32
    %add3A_251 = vector.broadcast %add3A_250 : i32 to vector<16xi32>
    %add3A_252 = arith.addi %iota3A, %add3A_251 : vector<16xi32>
    %convert_element_type3A_253 = arith.sitofp %add3A_252 : vector<16xi32> to vector<16xf32>
    %ge3A_254 = arith.constant 0 : i32
    %ge3A_255 = vector.broadcast %ge3A_254 : i32 to vector<16xi32>
    %ge3A_256 = arith.cmpi sge, %get3A_249, %ge3A_255 : vector<16xi32>
    %lt3A_257 = arith.constant 50048 : i32
    %lt3A_258 = vector.broadcast %lt3A_257 : i32 to vector<16xi32>
    %lt3A_259 = arith.cmpi slt, %get3A_249, %lt3A_258 : vector<16xi32>
    %and3A_260 = arith.andi %ge3A_256, %lt3A_259 : vector<16xi1>
    %sub3A_261 = arith.constant 0 : i32
    %sub3A_262 = vector.broadcast %sub3A_261 : i32 to vector<16xi32>
    %sub3A_263 = arith.subi %get3A_249, %sub3A_262 : vector<16xi32>
    %jit3A_264 = arith.constant 0 : i32
    %broadcast_in_dim3A_265 = vector.broadcast %jit3A_264 : i32 to vector<16xi32>
    %select_n3A_266 = arith.select %and3A_260, %sub3A_263, %broadcast_in_dim3A_265 : vector<16xi1>, vector<16xi32>
    tpu.vector_store_idx %arg6[%select_n3A_266], %convert_element_type3A_253 masked %and3A_260 : memref<50048xf32, #tpu.memory_space<vmem>>[vector<16xi32>], vector<16xf32>, vector<16xi1>
    %get3A_267 = arith.constant 192 : index
    %get3A_268 = tpu.vector_load %arg10[%get3A_267] {strides = array<i32>} : memref<256xi32, #tpu.memory_space<vmem>>, vector<16xi32>,
    %add3A_269 = arith.constant 193 : i32
    %add3A_270 = vector.broadcast %add3A_269 : i32 to vector<16xi32>
    %add3A_271 = arith.addi %iota3A, %add3A_270 : vector<16xi32>
    %convert_element_type3A_272 = arith.sitofp %add3A_271 : vector<16xi32> to vector<16xf32>
    %ge3A_273 = arith.constant 0 : i32
    %ge3A_274 = vector.broadcast %ge3A_273 : i32 to vector<16xi32>
    %ge3A_275 = arith.cmpi sge, %get3A_268, %ge3A_274 : vector<16xi32>
    %lt3A_276 = arith.constant 50048 : i32
    %lt3A_277 = vector.broadcast %lt3A_276 : i32 to vector<16xi32>
    %lt3A_278 = arith.cmpi slt, %get3A_268, %lt3A_277 : vector<16xi32>
    %and3A_279 = arith.andi %ge3A_275, %lt3A_278 : vector<16xi1>
    %sub3A_280 = arith.constant 0 : i32
    %sub3A_281 = vector.broadcast %sub3A_280 : i32 to vector<16xi32>
    %sub3A_282 = arith.subi %get3A_268, %sub3A_281 : vector<16xi32>
    %jit3A_283 = arith.constant 0 : i32
    %broadcast_in_dim3A_284 = vector.broadcast %jit3A_283 : i32 to vector<16xi32>
    %select_n3A_285 = arith.select %and3A_279, %sub3A_282, %broadcast_in_dim3A_284 : vector<16xi1>, vector<16xi32>
    tpu.vector_store_idx %arg6[%select_n3A_285], %convert_element_type3A_272 masked %and3A_279 : memref<50048xf32, #tpu.memory_space<vmem>>[vector<16xi32>], vector<16xf32>, vector<16xi1>
    %get3A_286 = arith.constant 208 : index
    %get3A_287 = tpu.vector_load %arg10[%get3A_286] {strides = array<i32>} : memref<256xi32, #tpu.memory_space<vmem>>, vector<16xi32>,
    %add3A_288 = arith.constant 209 : i32
    %add3A_289 = vector.broadcast %add3A_288 : i32 to vector<16xi32>
    %add3A_290 = arith.addi %iota3A, %add3A_289 : vector<16xi32>
    %convert_element_type3A_291 = arith.sitofp %add3A_290 : vector<16xi32> to vector<16xf32>
    %ge3A_292 = arith.constant 0 : i32
    %ge3A_293 = vector.broadcast %ge3A_292 : i32 to vector<16xi32>
    %ge3A_294 = arith.cmpi sge, %get3A_287, %ge3A_293 : vector<16xi32>
    %lt3A_295 = arith.constant 50048 : i32
    %lt3A_296 = vector.broadcast %lt3A_295 : i32 to vector<16xi32>
    %lt3A_297 = arith.cmpi slt, %get3A_287, %lt3A_296 : vector<16xi32>
    %and3A_298 = arith.andi %ge3A_294, %lt3A_297 : vector<16xi1>
    %sub3A_299 = arith.constant 0 : i32
    %sub3A_300 = vector.broadcast %sub3A_299 : i32 to vector<16xi32>
    %sub3A_301 = arith.subi %get3A_287, %sub3A_300 : vector<16xi32>
    %jit3A_302 = arith.constant 0 : i32
    %broadcast_in_dim3A_303 = vector.broadcast %jit3A_302 : i32 to vector<16xi32>
    %select_n3A_304 = arith.select %and3A_298, %sub3A_301, %broadcast_in_dim3A_303 : vector<16xi1>, vector<16xi32>
    tpu.vector_store_idx %arg6[%select_n3A_304], %convert_element_type3A_291 masked %and3A_298 : memref<50048xf32, #tpu.memory_space<vmem>>[vector<16xi32>], vector<16xf32>, vector<16xi1>
    %get3A_305 = arith.constant 224 : index
    %get3A_306 = tpu.vector_load %arg10[%get3A_305] {strides = array<i32>} : memref<256xi32, #tpu.memory_space<vmem>>, vector<16xi32>,
    %add3A_307 = arith.constant 225 : i32
    %add3A_308 = vector.broadcast %add3A_307 : i32 to vector<16xi32>
    %add3A_309 = arith.addi %iota3A, %add3A_308 : vector<16xi32>
    %convert_element_type3A_310 = arith.sitofp %add3A_309 : vector<16xi32> to vector<16xf32>
    %ge3A_311 = arith.constant 0 : i32
    %ge3A_312 = vector.broadcast %ge3A_311 : i32 to vector<16xi32>
    %ge3A_313 = arith.cmpi sge, %get3A_306, %ge3A_312 : vector<16xi32>
    %lt3A_314 = arith.constant 50048 : i32
    %lt3A_315 = vector.broadcast %lt3A_314 : i32 to vector<16xi32>
    %lt3A_316 = arith.cmpi slt, %get3A_306, %lt3A_315 : vector<16xi32>
    %and3A_317 = arith.andi %ge3A_313, %lt3A_316 : vector<16xi1>
    %sub3A_318 = arith.constant 0 : i32
    %sub3A_319 = vector.broadcast %sub3A_318 : i32 to vector<16xi32>
    %sub3A_320 = arith.subi %get3A_306, %sub3A_319 : vector<16xi32>
    %jit3A_321 = arith.constant 0 : i32
    %broadcast_in_dim3A_322 = vector.broadcast %jit3A_321 : i32 to vector<16xi32>
    %select_n3A_323 = arith.select %and3A_317, %sub3A_320, %broadcast_in_dim3A_322 : vector<16xi1>, vector<16xi32>
    tpu.vector_store_idx %arg6[%select_n3A_323], %convert_element_type3A_310 masked %and3A_317 : memref<50048xf32, #tpu.memory_space<vmem>>[vector<16xi32>], vector<16xf32>, vector<16xi1>
    %get3A_324 = arith.constant 240 : index
    %get3A_325 = tpu.vector_load %arg10[%get3A_324] {strides = array<i32>} : memref<256xi32, #tpu.memory_space<vmem>>, vector<16xi32>,
    %add3A_326 = arith.constant 241 : i32
    %add3A_327 = vector.broadcast %add3A_326 : i32 to vector<16xi32>
    %add3A_328 = arith.addi %iota3A, %add3A_327 : vector<16xi32>
    %convert_element_type3A_329 = arith.sitofp %add3A_328 : vector<16xi32> to vector<16xf32>
    %ge3A_330 = arith.constant 0 : i32
    %ge3A_331 = vector.broadcast %ge3A_330 : i32 to vector<16xi32>
    %ge3A_332 = arith.cmpi sge, %get3A_325, %ge3A_331 : vector<16xi32>
    %lt3A_333 = arith.constant 50048 : i32
    %lt3A_334 = vector.broadcast %lt3A_333 : i32 to vector<16xi32>
    %lt3A_335 = arith.cmpi slt, %get3A_325, %lt3A_334 : vector<16xi32>
    %and3A_336 = arith.andi %ge3A_332, %lt3A_335 : vector<16xi1>
    %sub3A_337 = arith.constant 0 : i32
    %sub3A_338 = vector.broadcast %sub3A_337 : i32 to vector<16xi32>
    %sub3A_339 = arith.subi %get3A_325, %sub3A_338 : vector<16xi32>
    %jit3A_340 = arith.constant 0 : i32
    %broadcast_in_dim3A_341 = vector.broadcast %jit3A_340 : i32 to vector<16xi32>
    %select_n3A_342 = arith.select %and3A_336, %sub3A_339, %broadcast_in_dim3A_341 : vector<16xi1>, vector<16xi32>
    tpu.vector_store_idx %arg6[%select_n3A_342], %convert_element_type3A_329 masked %and3A_336 : memref<50048xf32, #tpu.memory_space<vmem>>[vector<16xi32>], vector<16xf32>, vector<16xi1>
    %get3A_343 = arith.constant 0 : index
    %get3A_344 = tpu.vector_load %arg10[%get3A_343] {strides = array<i32>} : memref<256xi32, #tpu.memory_space<vmem>>, vector<16xi32>,
    %add3A_345 = arith.constant 1 : i32
    %add3A_346 = vector.broadcast %add3A_345 : i32 to vector<16xi32>
    %add3A_347 = arith.addi %iota3A, %add3A_346 : vector<16xi32>
    %convert_element_type3A_348 = arith.sitofp %add3A_347 : vector<16xi32> to vector<16xf32>
    %ge3A_349 = arith.constant 0 : i32
    %ge3A_350 = vector.broadcast %ge3A_349 : i32 to vector<16xi32>
    %ge3A_351 = arith.cmpi sge, %get3A_344, %ge3A_350 : vector<16xi32>
    %lt3A_352 = arith.constant 50048 : i32
    %lt3A_353 = vector.broadcast %lt3A_352 : i32 to vector<16xi32>
    %lt3A_354 = arith.cmpi slt, %get3A_344, %lt3A_353 : vector<16xi32>
    %and3A_355 = arith.andi %ge3A_351, %lt3A_354 : vector<16xi1>
    %sub3A_356 = arith.constant 0 : i32
    %sub3A_357 = vector.broadcast %sub3A_356 : i32 to vector<16xi32>
    %sub3A_358 = arith.subi %get3A_344, %sub3A_357 : vector<16xi32>
    %jit3A_359 = arith.constant 0 : i32
    %broadcast_in_dim3A_360 = vector.broadcast %jit3A_359 : i32 to vector<16xi32>
    %select_n3A_361 = arith.select %and3A_355, %sub3A_358, %broadcast_in_dim3A_360 : vector<16xi1>, vector<16xi32>
    %gather3A = tpu.vector_load_idx %arg6[%select_n3A_361] : memref<50048xf32, #tpu.memory_space<vmem>>[vector<16xi32>], vector<16xf32>,
    %eq3A = arith.cmpf oeq, %gather3A, %convert_element_type3A_348 : vector<16xf32>
    %and3A_362 = arith.andi %and3A_355, %eq3A : vector<16xi1>
    %jit3A_363 = arith.constant 3.000000e+00 : f32
    %jit3A_364 = arith.constant 0.000000e+00 : f32
    %broadcast_in_dim3A_365 = vector.broadcast %jit3A_363 : f32 to vector<16xf32>
    %broadcast_in_dim3A_366 = vector.broadcast %jit3A_364 : f32 to vector<16xf32>
    %select_n3A_367 = arith.select %and3A_362, %broadcast_in_dim3A_365, %broadcast_in_dim3A_366 : vector<16xi1>, vector<16xf32>
    %swap3A = arith.constant 0 : index
    %swap3A_368 = tpu.vector_load %arg11[%swap3A] {strides = array<i32>} : memref<256xf32, #tpu.memory_space<vmem>>, vector<16xf32>,
    tpu.vector_store %arg11[%swap3A], %select_n3A_367 {strides = array<i32>} : memref<256xf32, #tpu.memory_space<vmem>>, vector<16xf32>,
    %get3A_369 = arith.constant 16 : index
    %get3A_370 = tpu.vector_load %arg10[%get3A_369] {strides = array<i32>} : memref<256xi32, #tpu.memory_space<vmem>>, vector<16xi32>,
    %add3A_371 = arith.constant 17 : i32
    %add3A_372 = vector.broadcast %add3A_371 : i32 to vector<16xi32>
    %add3A_373 = arith.addi %iota3A, %add3A_372 : vector<16xi32>
    %convert_element_type3A_374 = arith.sitofp %add3A_373 : vector<16xi32> to vector<16xf32>
    %ge3A_375 = arith.constant 0 : i32
    %ge3A_376 = vector.broadcast %ge3A_375 : i32 to vector<16xi32>
    %ge3A_377 = arith.cmpi sge, %get3A_370, %ge3A_376 : vector<16xi32>
    %lt3A_378 = arith.constant 50048 : i32
    %lt3A_379 = vector.broadcast %lt3A_378 : i32 to vector<16xi32>
    %lt3A_380 = arith.cmpi slt, %get3A_370, %lt3A_379 : vector<16xi32>
    %and3A_381 = arith.andi %ge3A_377, %lt3A_380 : vector<16xi1>
    %sub3A_382 = arith.constant 0 : i32
    %sub3A_383 = vector.broadcast %sub3A_382 : i32 to vector<16xi32>
    %sub3A_384 = arith.subi %get3A_370, %sub3A_383 : vector<16xi32>
    %jit3A_385 = arith.constant 0 : i32
    %broadcast_in_dim3A_386 = vector.broadcast %jit3A_385 : i32 to vector<16xi32>
    %select_n3A_387 = arith.select %and3A_381, %sub3A_384, %broadcast_in_dim3A_386 : vector<16xi1>, vector<16xi32>
    %gather3A_388 = tpu.vector_load_idx %arg6[%select_n3A_387] : memref<50048xf32, #tpu.memory_space<vmem>>[vector<16xi32>], vector<16xf32>,
    %eq3A_389 = arith.cmpf oeq, %gather3A_388, %convert_element_type3A_374 : vector<16xf32>
    %and3A_390 = arith.andi %and3A_381, %eq3A_389 : vector<16xi1>
    %jit3A_391 = arith.constant 3.000000e+00 : f32
    %jit3A_392 = arith.constant 0.000000e+00 : f32
    %broadcast_in_dim3A_393 = vector.broadcast %jit3A_391 : f32 to vector<16xf32>
    %broadcast_in_dim3A_394 = vector.broadcast %jit3A_392 : f32 to vector<16xf32>
    %select_n3A_395 = arith.select %and3A_390, %broadcast_in_dim3A_393, %broadcast_in_dim3A_394 : vector<16xi1>, vector<16xf32>
    %swap3A_396 = arith.constant 16 : index
    %swap3A_397 = tpu.vector_load %arg11[%swap3A_396] {strides = array<i32>} : memref<256xf32, #tpu.memory_space<vmem>>, vector<16xf32>,
    tpu.vector_store %arg11[%swap3A_396], %select_n3A_395 {strides = array<i32>} : memref<256xf32, #tpu.memory_space<vmem>>, vector<16xf32>,
    %get3A_398 = arith.constant 32 : index
    %get3A_399 = tpu.vector_load %arg10[%get3A_398] {strides = array<i32>} : memref<256xi32, #tpu.memory_space<vmem>>, vector<16xi32>,
    %add3A_400 = arith.constant 33 : i32
    %add3A_401 = vector.broadcast %add3A_400 : i32 to vector<16xi32>
    %add3A_402 = arith.addi %iota3A, %add3A_401 : vector<16xi32>
    %convert_element_type3A_403 = arith.sitofp %add3A_402 : vector<16xi32> to vector<16xf32>
    %ge3A_404 = arith.constant 0 : i32
    %ge3A_405 = vector.broadcast %ge3A_404 : i32 to vector<16xi32>
    %ge3A_406 = arith.cmpi sge, %get3A_399, %ge3A_405 : vector<16xi32>
    %lt3A_407 = arith.constant 50048 : i32
    %lt3A_408 = vector.broadcast %lt3A_407 : i32 to vector<16xi32>
    %lt3A_409 = arith.cmpi slt, %get3A_399, %lt3A_408 : vector<16xi32>
    %and3A_410 = arith.andi %ge3A_406, %lt3A_409 : vector<16xi1>
    %sub3A_411 = arith.constant 0 : i32
    %sub3A_412 = vector.broadcast %sub3A_411 : i32 to vector<16xi32>
    %sub3A_413 = arith.subi %get3A_399, %sub3A_412 : vector<16xi32>
    %jit3A_414 = arith.constant 0 : i32
    %broadcast_in_dim3A_415 = vector.broadcast %jit3A_414 : i32 to vector<16xi32>
    %select_n3A_416 = arith.select %and3A_410, %sub3A_413, %broadcast_in_dim3A_415 : vector<16xi1>, vector<16xi32>
    %gather3A_417 = tpu.vector_load_idx %arg6[%select_n3A_416] : memref<50048xf32, #tpu.memory_space<vmem>>[vector<16xi32>], vector<16xf32>,
    %eq3A_418 = arith.cmpf oeq, %gather3A_417, %convert_element_type3A_403 : vector<16xf32>
    %and3A_419 = arith.andi %and3A_410, %eq3A_418 : vector<16xi1>
    %jit3A_420 = arith.constant 3.000000e+00 : f32
    %jit3A_421 = arith.constant 0.000000e+00 : f32
    %broadcast_in_dim3A_422 = vector.broadcast %jit3A_420 : f32 to vector<16xf32>
    %broadcast_in_dim3A_423 = vector.broadcast %jit3A_421 : f32 to vector<16xf32>
    %select_n3A_424 = arith.select %and3A_419, %broadcast_in_dim3A_422, %broadcast_in_dim3A_423 : vector<16xi1>, vector<16xf32>
    %swap3A_425 = arith.constant 32 : index
    %swap3A_426 = tpu.vector_load %arg11[%swap3A_425] {strides = array<i32>} : memref<256xf32, #tpu.memory_space<vmem>>, vector<16xf32>,
    tpu.vector_store %arg11[%swap3A_425], %select_n3A_424 {strides = array<i32>} : memref<256xf32, #tpu.memory_space<vmem>>, vector<16xf32>,
    %get3A_427 = arith.constant 48 : index
    %get3A_428 = tpu.vector_load %arg10[%get3A_427] {strides = array<i32>} : memref<256xi32, #tpu.memory_space<vmem>>, vector<16xi32>,
    %add3A_429 = arith.constant 49 : i32
    %add3A_430 = vector.broadcast %add3A_429 : i32 to vector<16xi32>
    %add3A_431 = arith.addi %iota3A, %add3A_430 : vector<16xi32>
    %convert_element_type3A_432 = arith.sitofp %add3A_431 : vector<16xi32> to vector<16xf32>
    %ge3A_433 = arith.constant 0 : i32
    %ge3A_434 = vector.broadcast %ge3A_433 : i32 to vector<16xi32>
    %ge3A_435 = arith.cmpi sge, %get3A_428, %ge3A_434 : vector<16xi32>
    %lt3A_436 = arith.constant 50048 : i32
    %lt3A_437 = vector.broadcast %lt3A_436 : i32 to vector<16xi32>
    %lt3A_438 = arith.cmpi slt, %get3A_428, %lt3A_437 : vector<16xi32>
    %and3A_439 = arith.andi %ge3A_435, %lt3A_438 : vector<16xi1>
    %sub3A_440 = arith.constant 0 : i32
    %sub3A_441 = vector.broadcast %sub3A_440 : i32 to vector<16xi32>
    %sub3A_442 = arith.subi %get3A_428, %sub3A_441 : vector<16xi32>
    %jit3A_443 = arith.constant 0 : i32
    %broadcast_in_dim3A_444 = vector.broadcast %jit3A_443 : i32 to vector<16xi32>
    %select_n3A_445 = arith.select %and3A_439, %sub3A_442, %broadcast_in_dim3A_444 : vector<16xi1>, vector<16xi32>
    %gather3A_446 = tpu.vector_load_idx %arg6[%select_n3A_445] : memref<50048xf32, #tpu.memory_space<vmem>>[vector<16xi32>], vector<16xf32>,
    %eq3A_447 = arith.cmpf oeq, %gather3A_446, %convert_element_type3A_432 : vector<16xf32>
    %and3A_448 = arith.andi %and3A_439, %eq3A_447 : vector<16xi1>
    %jit3A_449 = arith.constant 3.000000e+00 : f32
    %jit3A_450 = arith.constant 0.000000e+00 : f32
    %broadcast_in_dim3A_451 = vector.broadcast %jit3A_449 : f32 to vector<16xf32>
    %broadcast_in_dim3A_452 = vector.broadcast %jit3A_450 : f32 to vector<16xf32>
    %select_n3A_453 = arith.select %and3A_448, %broadcast_in_dim3A_451, %broadcast_in_dim3A_452 : vector<16xi1>, vector<16xf32>
    %swap3A_454 = arith.constant 48 : index
    %swap3A_455 = tpu.vector_load %arg11[%swap3A_454] {strides = array<i32>} : memref<256xf32, #tpu.memory_space<vmem>>, vector<16xf32>,
    tpu.vector_store %arg11[%swap3A_454], %select_n3A_453 {strides = array<i32>} : memref<256xf32, #tpu.memory_space<vmem>>, vector<16xf32>,
    %get3A_456 = arith.constant 64 : index
    %get3A_457 = tpu.vector_load %arg10[%get3A_456] {strides = array<i32>} : memref<256xi32, #tpu.memory_space<vmem>>, vector<16xi32>,
    %add3A_458 = arith.constant 65 : i32
    %add3A_459 = vector.broadcast %add3A_458 : i32 to vector<16xi32>
    %add3A_460 = arith.addi %iota3A, %add3A_459 : vector<16xi32>
    %convert_element_type3A_461 = arith.sitofp %add3A_460 : vector<16xi32> to vector<16xf32>
    %ge3A_462 = arith.constant 0 : i32
    %ge3A_463 = vector.broadcast %ge3A_462 : i32 to vector<16xi32>
    %ge3A_464 = arith.cmpi sge, %get3A_457, %ge3A_463 : vector<16xi32>
    %lt3A_465 = arith.constant 50048 : i32
    %lt3A_466 = vector.broadcast %lt3A_465 : i32 to vector<16xi32>
    %lt3A_467 = arith.cmpi slt, %get3A_457, %lt3A_466 : vector<16xi32>
    %and3A_468 = arith.andi %ge3A_464, %lt3A_467 : vector<16xi1>
    %sub3A_469 = arith.constant 0 : i32
    %sub3A_470 = vector.broadcast %sub3A_469 : i32 to vector<16xi32>
    %sub3A_471 = arith.subi %get3A_457, %sub3A_470 : vector<16xi32>
    %jit3A_472 = arith.constant 0 : i32
    %broadcast_in_dim3A_473 = vector.broadcast %jit3A_472 : i32 to vector<16xi32>
    %select_n3A_474 = arith.select %and3A_468, %sub3A_471, %broadcast_in_dim3A_473 : vector<16xi1>, vector<16xi32>
    %gather3A_475 = tpu.vector_load_idx %arg6[%select_n3A_474] : memref<50048xf32, #tpu.memory_space<vmem>>[vector<16xi32>], vector<16xf32>,
    %eq3A_476 = arith.cmpf oeq, %gather3A_475, %convert_element_type3A_461 : vector<16xf32>
    %and3A_477 = arith.andi %and3A_468, %eq3A_476 : vector<16xi1>
    %jit3A_478 = arith.constant 3.000000e+00 : f32
    %jit3A_479 = arith.constant 0.000000e+00 : f32
    %broadcast_in_dim3A_480 = vector.broadcast %jit3A_478 : f32 to vector<16xf32>
    %broadcast_in_dim3A_481 = vector.broadcast %jit3A_479 : f32 to vector<16xf32>
    %select_n3A_482 = arith.select %and3A_477, %broadcast_in_dim3A_480, %broadcast_in_dim3A_481 : vector<16xi1>, vector<16xf32>
    %swap3A_483 = arith.constant 64 : index
    %swap3A_484 = tpu.vector_load %arg11[%swap3A_483] {strides = array<i32>} : memref<256xf32, #tpu.memory_space<vmem>>, vector<16xf32>,
    tpu.vector_store %arg11[%swap3A_483], %select_n3A_482 {strides = array<i32>} : memref<256xf32, #tpu.memory_space<vmem>>, vector<16xf32>,
    %get3A_485 = arith.constant 80 : index
    %get3A_486 = tpu.vector_load %arg10[%get3A_485] {strides = array<i32>} : memref<256xi32, #tpu.memory_space<vmem>>, vector<16xi32>,
    %add3A_487 = arith.constant 81 : i32
    %add3A_488 = vector.broadcast %add3A_487 : i32 to vector<16xi32>
    %add3A_489 = arith.addi %iota3A, %add3A_488 : vector<16xi32>
    %convert_element_type3A_490 = arith.sitofp %add3A_489 : vector<16xi32> to vector<16xf32>
    %ge3A_491 = arith.constant 0 : i32
    %ge3A_492 = vector.broadcast %ge3A_491 : i32 to vector<16xi32>
    %ge3A_493 = arith.cmpi sge, %get3A_486, %ge3A_492 : vector<16xi32>
    %lt3A_494 = arith.constant 50048 : i32
    %lt3A_495 = vector.broadcast %lt3A_494 : i32 to vector<16xi32>
    %lt3A_496 = arith.cmpi slt, %get3A_486, %lt3A_495 : vector<16xi32>
    %and3A_497 = arith.andi %ge3A_493, %lt3A_496 : vector<16xi1>
    %sub3A_498 = arith.constant 0 : i32
    %sub3A_499 = vector.broadcast %sub3A_498 : i32 to vector<16xi32>
    %sub3A_500 = arith.subi %get3A_486, %sub3A_499 : vector<16xi32>
    %jit3A_501 = arith.constant 0 : i32
    %broadcast_in_dim3A_502 = vector.broadcast %jit3A_501 : i32 to vector<16xi32>
    %select_n3A_503 = arith.select %and3A_497, %sub3A_500, %broadcast_in_dim3A_502 : vector<16xi1>, vector<16xi32>
    %gather3A_504 = tpu.vector_load_idx %arg6[%select_n3A_503] : memref<50048xf32, #tpu.memory_space<vmem>>[vector<16xi32>], vector<16xf32>,
    %eq3A_505 = arith.cmpf oeq, %gather3A_504, %convert_element_type3A_490 : vector<16xf32>
    %and3A_506 = arith.andi %and3A_497, %eq3A_505 : vector<16xi1>
    %jit3A_507 = arith.constant 3.000000e+00 : f32
    %jit3A_508 = arith.constant 0.000000e+00 : f32
    %broadcast_in_dim3A_509 = vector.broadcast %jit3A_507 : f32 to vector<16xf32>
    %broadcast_in_dim3A_510 = vector.broadcast %jit3A_508 : f32 to vector<16xf32>
    %select_n3A_511 = arith.select %and3A_506, %broadcast_in_dim3A_509, %broadcast_in_dim3A_510 : vector<16xi1>, vector<16xf32>
    %swap3A_512 = arith.constant 80 : index
    %swap3A_513 = tpu.vector_load %arg11[%swap3A_512] {strides = array<i32>} : memref<256xf32, #tpu.memory_space<vmem>>, vector<16xf32>,
    tpu.vector_store %arg11[%swap3A_512], %select_n3A_511 {strides = array<i32>} : memref<256xf32, #tpu.memory_space<vmem>>, vector<16xf32>,
    %get3A_514 = arith.constant 96 : index
    %get3A_515 = tpu.vector_load %arg10[%get3A_514] {strides = array<i32>} : memref<256xi32, #tpu.memory_space<vmem>>, vector<16xi32>,
    %add3A_516 = arith.constant 97 : i32
    %add3A_517 = vector.broadcast %add3A_516 : i32 to vector<16xi32>
    %add3A_518 = arith.addi %iota3A, %add3A_517 : vector<16xi32>
    %convert_element_type3A_519 = arith.sitofp %add3A_518 : vector<16xi32> to vector<16xf32>
    %ge3A_520 = arith.constant 0 : i32
    %ge3A_521 = vector.broadcast %ge3A_520 : i32 to vector<16xi32>
    %ge3A_522 = arith.cmpi sge, %get3A_515, %ge3A_521 : vector<16xi32>
    %lt3A_523 = arith.constant 50048 : i32
    %lt3A_524 = vector.broadcast %lt3A_523 : i32 to vector<16xi32>
    %lt3A_525 = arith.cmpi slt, %get3A_515, %lt3A_524 : vector<16xi32>
    %and3A_526 = arith.andi %ge3A_522, %lt3A_525 : vector<16xi1>
    %sub3A_527 = arith.constant 0 : i32
    %sub3A_528 = vector.broadcast %sub3A_527 : i32 to vector<16xi32>
    %sub3A_529 = arith.subi %get3A_515, %sub3A_528 : vector<16xi32>
    %jit3A_530 = arith.constant 0 : i32
    %broadcast_in_dim3A_531 = vector.broadcast %jit3A_530 : i32 to vector<16xi32>
    %select_n3A_532 = arith.select %and3A_526, %sub3A_529, %broadcast_in_dim3A_531 : vector<16xi1>, vector<16xi32>
    %gather3A_533 = tpu.vector_load_idx %arg6[%select_n3A_532] : memref<50048xf32, #tpu.memory_space<vmem>>[vector<16xi32>], vector<16xf32>,
    %eq3A_534 = arith.cmpf oeq, %gather3A_533, %convert_element_type3A_519 : vector<16xf32>
    %and3A_535 = arith.andi %and3A_526, %eq3A_534 : vector<16xi1>
    %jit3A_536 = arith.constant 3.000000e+00 : f32
    %jit3A_537 = arith.constant 0.000000e+00 : f32
    %broadcast_in_dim3A_538 = vector.broadcast %jit3A_536 : f32 to vector<16xf32>
    %broadcast_in_dim3A_539 = vector.broadcast %jit3A_537 : f32 to vector<16xf32>
    %select_n3A_540 = arith.select %and3A_535, %broadcast_in_dim3A_538, %broadcast_in_dim3A_539 : vector<16xi1>, vector<16xf32>
    %swap3A_541 = arith.constant 96 : index
    %swap3A_542 = tpu.vector_load %arg11[%swap3A_541] {strides = array<i32>} : memref<256xf32, #tpu.memory_space<vmem>>, vector<16xf32>,
    tpu.vector_store %arg11[%swap3A_541], %select_n3A_540 {strides = array<i32>} : memref<256xf32, #tpu.memory_space<vmem>>, vector<16xf32>,
    %get3A_543 = arith.constant 112 : index
    %get3A_544 = tpu.vector_load %arg10[%get3A_543] {strides = array<i32>} : memref<256xi32, #tpu.memory_space<vmem>>, vector<16xi32>,
    %add3A_545 = arith.constant 113 : i32
    %add3A_546 = vector.broadcast %add3A_545 : i32 to vector<16xi32>
    %add3A_547 = arith.addi %iota3A, %add3A_546 : vector<16xi32>
    %convert_element_type3A_548 = arith.sitofp %add3A_547 : vector<16xi32> to vector<16xf32>
    %ge3A_549 = arith.constant 0 : i32
    %ge3A_550 = vector.broadcast %ge3A_549 : i32 to vector<16xi32>
    %ge3A_551 = arith.cmpi sge, %get3A_544, %ge3A_550 : vector<16xi32>
    %lt3A_552 = arith.constant 50048 : i32
    %lt3A_553 = vector.broadcast %lt3A_552 : i32 to vector<16xi32>
    %lt3A_554 = arith.cmpi slt, %get3A_544, %lt3A_553 : vector<16xi32>
    %and3A_555 = arith.andi %ge3A_551, %lt3A_554 : vector<16xi1>
    %sub3A_556 = arith.constant 0 : i32
    %sub3A_557 = vector.broadcast %sub3A_556 : i32 to vector<16xi32>
    %sub3A_558 = arith.subi %get3A_544, %sub3A_557 : vector<16xi32>
    %jit3A_559 = arith.constant 0 : i32
    %broadcast_in_dim3A_560 = vector.broadcast %jit3A_559 : i32 to vector<16xi32>
    %select_n3A_561 = arith.select %and3A_555, %sub3A_558, %broadcast_in_dim3A_560 : vector<16xi1>, vector<16xi32>
    %gather3A_562 = tpu.vector_load_idx %arg6[%select_n3A_561] : memref<50048xf32, #tpu.memory_space<vmem>>[vector<16xi32>], vector<16xf32>,
    %eq3A_563 = arith.cmpf oeq, %gather3A_562, %convert_element_type3A_548 : vector<16xf32>
    %and3A_564 = arith.andi %and3A_555, %eq3A_563 : vector<16xi1>
    %jit3A_565 = arith.constant 3.000000e+00 : f32
    %jit3A_566 = arith.constant 0.000000e+00 : f32
    %broadcast_in_dim3A_567 = vector.broadcast %jit3A_565 : f32 to vector<16xf32>
    %broadcast_in_dim3A_568 = vector.broadcast %jit3A_566 : f32 to vector<16xf32>
    %select_n3A_569 = arith.select %and3A_564, %broadcast_in_dim3A_567, %broadcast_in_dim3A_568 : vector<16xi1>, vector<16xf32>
    %swap3A_570 = arith.constant 112 : index
    %swap3A_571 = tpu.vector_load %arg11[%swap3A_570] {strides = array<i32>} : memref<256xf32, #tpu.memory_space<vmem>>, vector<16xf32>,
    tpu.vector_store %arg11[%swap3A_570], %select_n3A_569 {strides = array<i32>} : memref<256xf32, #tpu.memory_space<vmem>>, vector<16xf32>,
    %get3A_572 = arith.constant 128 : index
    %get3A_573 = tpu.vector_load %arg10[%get3A_572] {strides = array<i32>} : memref<256xi32, #tpu.memory_space<vmem>>, vector<16xi32>,
    %add3A_574 = arith.constant 129 : i32
    %add3A_575 = vector.broadcast %add3A_574 : i32 to vector<16xi32>
    %add3A_576 = arith.addi %iota3A, %add3A_575 : vector<16xi32>
    %convert_element_type3A_577 = arith.sitofp %add3A_576 : vector<16xi32> to vector<16xf32>
    %ge3A_578 = arith.constant 0 : i32
    %ge3A_579 = vector.broadcast %ge3A_578 : i32 to vector<16xi32>
    %ge3A_580 = arith.cmpi sge, %get3A_573, %ge3A_579 : vector<16xi32>
    %lt3A_581 = arith.constant 50048 : i32
    %lt3A_582 = vector.broadcast %lt3A_581 : i32 to vector<16xi32>
    %lt3A_583 = arith.cmpi slt, %get3A_573, %lt3A_582 : vector<16xi32>
    %and3A_584 = arith.andi %ge3A_580, %lt3A_583 : vector<16xi1>
    %sub3A_585 = arith.constant 0 : i32
    %sub3A_586 = vector.broadcast %sub3A_585 : i32 to vector<16xi32>
    %sub3A_587 = arith.subi %get3A_573, %sub3A_586 : vector<16xi32>
    %jit3A_588 = arith.constant 0 : i32
    %broadcast_in_dim3A_589 = vector.broadcast %jit3A_588 : i32 to vector<16xi32>
    %select_n3A_590 = arith.select %and3A_584, %sub3A_587, %broadcast_in_dim3A_589 : vector<16xi1>, vector<16xi32>
    %gather3A_591 = tpu.vector_load_idx %arg6[%select_n3A_590] : memref<50048xf32, #tpu.memory_space<vmem>>[vector<16xi32>], vector<16xf32>,
    %eq3A_592 = arith.cmpf oeq, %gather3A_591, %convert_element_type3A_577 : vector<16xf32>
    %and3A_593 = arith.andi %and3A_584, %eq3A_592 : vector<16xi1>
    %jit3A_594 = arith.constant 3.000000e+00 : f32
    %jit3A_595 = arith.constant 0.000000e+00 : f32
    %broadcast_in_dim3A_596 = vector.broadcast %jit3A_594 : f32 to vector<16xf32>
    %broadcast_in_dim3A_597 = vector.broadcast %jit3A_595 : f32 to vector<16xf32>
    %select_n3A_598 = arith.select %and3A_593, %broadcast_in_dim3A_596, %broadcast_in_dim3A_597 : vector<16xi1>, vector<16xf32>
    %swap3A_599 = arith.constant 128 : index
    %swap3A_600 = tpu.vector_load %arg11[%swap3A_599] {strides = array<i32>} : memref<256xf32, #tpu.memory_space<vmem>>, vector<16xf32>,
    tpu.vector_store %arg11[%swap3A_599], %select_n3A_598 {strides = array<i32>} : memref<256xf32, #tpu.memory_space<vmem>>, vector<16xf32>,
    %get3A_601 = arith.constant 144 : index
    %get3A_602 = tpu.vector_load %arg10[%get3A_601] {strides = array<i32>} : memref<256xi32, #tpu.memory_space<vmem>>, vector<16xi32>,
    %add3A_603 = arith.constant 145 : i32
    %add3A_604 = vector.broadcast %add3A_603 : i32 to vector<16xi32>
    %add3A_605 = arith.addi %iota3A, %add3A_604 : vector<16xi32>
    %convert_element_type3A_606 = arith.sitofp %add3A_605 : vector<16xi32> to vector<16xf32>
    %ge3A_607 = arith.constant 0 : i32
    %ge3A_608 = vector.broadcast %ge3A_607 : i32 to vector<16xi32>
    %ge3A_609 = arith.cmpi sge, %get3A_602, %ge3A_608 : vector<16xi32>
    %lt3A_610 = arith.constant 50048 : i32
    %lt3A_611 = vector.broadcast %lt3A_610 : i32 to vector<16xi32>
    %lt3A_612 = arith.cmpi slt, %get3A_602, %lt3A_611 : vector<16xi32>
    %and3A_613 = arith.andi %ge3A_609, %lt3A_612 : vector<16xi1>
    %sub3A_614 = arith.constant 0 : i32
    %sub3A_615 = vector.broadcast %sub3A_614 : i32 to vector<16xi32>
    %sub3A_616 = arith.subi %get3A_602, %sub3A_615 : vector<16xi32>
    %jit3A_617 = arith.constant 0 : i32
    %broadcast_in_dim3A_618 = vector.broadcast %jit3A_617 : i32 to vector<16xi32>
    %select_n3A_619 = arith.select %and3A_613, %sub3A_616, %broadcast_in_dim3A_618 : vector<16xi1>, vector<16xi32>
    %gather3A_620 = tpu.vector_load_idx %arg6[%select_n3A_619] : memref<50048xf32, #tpu.memory_space<vmem>>[vector<16xi32>], vector<16xf32>,
    %eq3A_621 = arith.cmpf oeq, %gather3A_620, %convert_element_type3A_606 : vector<16xf32>
    %and3A_622 = arith.andi %and3A_613, %eq3A_621 : vector<16xi1>
    %jit3A_623 = arith.constant 3.000000e+00 : f32
    %jit3A_624 = arith.constant 0.000000e+00 : f32
    %broadcast_in_dim3A_625 = vector.broadcast %jit3A_623 : f32 to vector<16xf32>
    %broadcast_in_dim3A_626 = vector.broadcast %jit3A_624 : f32 to vector<16xf32>
    %select_n3A_627 = arith.select %and3A_622, %broadcast_in_dim3A_625, %broadcast_in_dim3A_626 : vector<16xi1>, vector<16xf32>
    %swap3A_628 = arith.constant 144 : index
    %swap3A_629 = tpu.vector_load %arg11[%swap3A_628] {strides = array<i32>} : memref<256xf32, #tpu.memory_space<vmem>>, vector<16xf32>,
    tpu.vector_store %arg11[%swap3A_628], %select_n3A_627 {strides = array<i32>} : memref<256xf32, #tpu.memory_space<vmem>>, vector<16xf32>,
    %get3A_630 = arith.constant 160 : index
    %get3A_631 = tpu.vector_load %arg10[%get3A_630] {strides = array<i32>} : memref<256xi32, #tpu.memory_space<vmem>>, vector<16xi32>,
    %add3A_632 = arith.constant 161 : i32
    %add3A_633 = vector.broadcast %add3A_632 : i32 to vector<16xi32>
    %add3A_634 = arith.addi %iota3A, %add3A_633 : vector<16xi32>
    %convert_element_type3A_635 = arith.sitofp %add3A_634 : vector<16xi32> to vector<16xf32>
    %ge3A_636 = arith.constant 0 : i32
    %ge3A_637 = vector.broadcast %ge3A_636 : i32 to vector<16xi32>
    %ge3A_638 = arith.cmpi sge, %get3A_631, %ge3A_637 : vector<16xi32>
    %lt3A_639 = arith.constant 50048 : i32
    %lt3A_640 = vector.broadcast %lt3A_639 : i32 to vector<16xi32>
    %lt3A_641 = arith.cmpi slt, %get3A_631, %lt3A_640 : vector<16xi32>
    %and3A_642 = arith.andi %ge3A_638, %lt3A_641 : vector<16xi1>
    %sub3A_643 = arith.constant 0 : i32
    %sub3A_644 = vector.broadcast %sub3A_643 : i32 to vector<16xi32>
    %sub3A_645 = arith.subi %get3A_631, %sub3A_644 : vector<16xi32>
    %jit3A_646 = arith.constant 0 : i32
    %broadcast_in_dim3A_647 = vector.broadcast %jit3A_646 : i32 to vector<16xi32>
    %select_n3A_648 = arith.select %and3A_642, %sub3A_645, %broadcast_in_dim3A_647 : vector<16xi1>, vector<16xi32>
    %gather3A_649 = tpu.vector_load_idx %arg6[%select_n3A_648] : memref<50048xf32, #tpu.memory_space<vmem>>[vector<16xi32>], vector<16xf32>,
    %eq3A_650 = arith.cmpf oeq, %gather3A_649, %convert_element_type3A_635 : vector<16xf32>
    %and3A_651 = arith.andi %and3A_642, %eq3A_650 : vector<16xi1>
    %jit3A_652 = arith.constant 3.000000e+00 : f32
    %jit3A_653 = arith.constant 0.000000e+00 : f32
    %broadcast_in_dim3A_654 = vector.broadcast %jit3A_652 : f32 to vector<16xf32>
    %broadcast_in_dim3A_655 = vector.broadcast %jit3A_653 : f32 to vector<16xf32>
    %select_n3A_656 = arith.select %and3A_651, %broadcast_in_dim3A_654, %broadcast_in_dim3A_655 : vector<16xi1>, vector<16xf32>
    %swap3A_657 = arith.constant 160 : index
    %swap3A_658 = tpu.vector_load %arg11[%swap3A_657] {strides = array<i32>} : memref<256xf32, #tpu.memory_space<vmem>>, vector<16xf32>,
    tpu.vector_store %arg11[%swap3A_657], %select_n3A_656 {strides = array<i32>} : memref<256xf32, #tpu.memory_space<vmem>>, vector<16xf32>,
    %get3A_659 = arith.constant 176 : index
    %get3A_660 = tpu.vector_load %arg10[%get3A_659] {strides = array<i32>} : memref<256xi32, #tpu.memory_space<vmem>>, vector<16xi32>,
    %add3A_661 = arith.constant 177 : i32
    %add3A_662 = vector.broadcast %add3A_661 : i32 to vector<16xi32>
    %add3A_663 = arith.addi %iota3A, %add3A_662 : vector<16xi32>
    %convert_element_type3A_664 = arith.sitofp %add3A_663 : vector<16xi32> to vector<16xf32>
    %ge3A_665 = arith.constant 0 : i32
    %ge3A_666 = vector.broadcast %ge3A_665 : i32 to vector<16xi32>
    %ge3A_667 = arith.cmpi sge, %get3A_660, %ge3A_666 : vector<16xi32>
    %lt3A_668 = arith.constant 50048 : i32
    %lt3A_669 = vector.broadcast %lt3A_668 : i32 to vector<16xi32>
    %lt3A_670 = arith.cmpi slt, %get3A_660, %lt3A_669 : vector<16xi32>
    %and3A_671 = arith.andi %ge3A_667, %lt3A_670 : vector<16xi1>
    %sub3A_672 = arith.constant 0 : i32
    %sub3A_673 = vector.broadcast %sub3A_672 : i32 to vector<16xi32>
    %sub3A_674 = arith.subi %get3A_660, %sub3A_673 : vector<16xi32>
    %jit3A_675 = arith.constant 0 : i32
    %broadcast_in_dim3A_676 = vector.broadcast %jit3A_675 : i32 to vector<16xi32>
    %select_n3A_677 = arith.select %and3A_671, %sub3A_674, %broadcast_in_dim3A_676 : vector<16xi1>, vector<16xi32>
    %gather3A_678 = tpu.vector_load_idx %arg6[%select_n3A_677] : memref<50048xf32, #tpu.memory_space<vmem>>[vector<16xi32>], vector<16xf32>,
    %eq3A_679 = arith.cmpf oeq, %gather3A_678, %convert_element_type3A_664 : vector<16xf32>
    %and3A_680 = arith.andi %and3A_671, %eq3A_679 : vector<16xi1>
    %jit3A_681 = arith.constant 3.000000e+00 : f32
    %jit3A_682 = arith.constant 0.000000e+00 : f32
    %broadcast_in_dim3A_683 = vector.broadcast %jit3A_681 : f32 to vector<16xf32>
    %broadcast_in_dim3A_684 = vector.broadcast %jit3A_682 : f32 to vector<16xf32>
    %select_n3A_685 = arith.select %and3A_680, %broadcast_in_dim3A_683, %broadcast_in_dim3A_684 : vector<16xi1>, vector<16xf32>
    %swap3A_686 = arith.constant 176 : index
    %swap3A_687 = tpu.vector_load %arg11[%swap3A_686] {strides = array<i32>} : memref<256xf32, #tpu.memory_space<vmem>>, vector<16xf32>,
    tpu.vector_store %arg11[%swap3A_686], %select_n3A_685 {strides = array<i32>} : memref<256xf32, #tpu.memory_space<vmem>>, vector<16xf32>,
    %get3A_688 = arith.constant 192 : index
    %get3A_689 = tpu.vector_load %arg10[%get3A_688] {strides = array<i32>} : memref<256xi32, #tpu.memory_space<vmem>>, vector<16xi32>,
    %add3A_690 = arith.constant 193 : i32
    %add3A_691 = vector.broadcast %add3A_690 : i32 to vector<16xi32>
    %add3A_692 = arith.addi %iota3A, %add3A_691 : vector<16xi32>
    %convert_element_type3A_693 = arith.sitofp %add3A_692 : vector<16xi32> to vector<16xf32>
    %ge3A_694 = arith.constant 0 : i32
    %ge3A_695 = vector.broadcast %ge3A_694 : i32 to vector<16xi32>
    %ge3A_696 = arith.cmpi sge, %get3A_689, %ge3A_695 : vector<16xi32>
    %lt3A_697 = arith.constant 50048 : i32
    %lt3A_698 = vector.broadcast %lt3A_697 : i32 to vector<16xi32>
    %lt3A_699 = arith.cmpi slt, %get3A_689, %lt3A_698 : vector<16xi32>
    %and3A_700 = arith.andi %ge3A_696, %lt3A_699 : vector<16xi1>
    %sub3A_701 = arith.constant 0 : i32
    %sub3A_702 = vector.broadcast %sub3A_701 : i32 to vector<16xi32>
    %sub3A_703 = arith.subi %get3A_689, %sub3A_702 : vector<16xi32>
    %jit3A_704 = arith.constant 0 : i32
    %broadcast_in_dim3A_705 = vector.broadcast %jit3A_704 : i32 to vector<16xi32>
    %select_n3A_706 = arith.select %and3A_700, %sub3A_703, %broadcast_in_dim3A_705 : vector<16xi1>, vector<16xi32>
    %gather3A_707 = tpu.vector_load_idx %arg6[%select_n3A_706] : memref<50048xf32, #tpu.memory_space<vmem>>[vector<16xi32>], vector<16xf32>,
    %eq3A_708 = arith.cmpf oeq, %gather3A_707, %convert_element_type3A_693 : vector<16xf32>
    %and3A_709 = arith.andi %and3A_700, %eq3A_708 : vector<16xi1>
    %jit3A_710 = arith.constant 3.000000e+00 : f32
    %jit3A_711 = arith.constant 0.000000e+00 : f32
    %broadcast_in_dim3A_712 = vector.broadcast %jit3A_710 : f32 to vector<16xf32>
    %broadcast_in_dim3A_713 = vector.broadcast %jit3A_711 : f32 to vector<16xf32>
    %select_n3A_714 = arith.select %and3A_709, %broadcast_in_dim3A_712, %broadcast_in_dim3A_713 : vector<16xi1>, vector<16xf32>
    %swap3A_715 = arith.constant 192 : index
    %swap3A_716 = tpu.vector_load %arg11[%swap3A_715] {strides = array<i32>} : memref<256xf32, #tpu.memory_space<vmem>>, vector<16xf32>,
    tpu.vector_store %arg11[%swap3A_715], %select_n3A_714 {strides = array<i32>} : memref<256xf32, #tpu.memory_space<vmem>>, vector<16xf32>,
    %get3A_717 = arith.constant 208 : index
    %get3A_718 = tpu.vector_load %arg10[%get3A_717] {strides = array<i32>} : memref<256xi32, #tpu.memory_space<vmem>>, vector<16xi32>,
    %add3A_719 = arith.constant 209 : i32
    %add3A_720 = vector.broadcast %add3A_719 : i32 to vector<16xi32>
    %add3A_721 = arith.addi %iota3A, %add3A_720 : vector<16xi32>
    %convert_element_type3A_722 = arith.sitofp %add3A_721 : vector<16xi32> to vector<16xf32>
    %ge3A_723 = arith.constant 0 : i32
    %ge3A_724 = vector.broadcast %ge3A_723 : i32 to vector<16xi32>
    %ge3A_725 = arith.cmpi sge, %get3A_718, %ge3A_724 : vector<16xi32>
    %lt3A_726 = arith.constant 50048 : i32
    %lt3A_727 = vector.broadcast %lt3A_726 : i32 to vector<16xi32>
    %lt3A_728 = arith.cmpi slt, %get3A_718, %lt3A_727 : vector<16xi32>
    %and3A_729 = arith.andi %ge3A_725, %lt3A_728 : vector<16xi1>
    %sub3A_730 = arith.constant 0 : i32
    %sub3A_731 = vector.broadcast %sub3A_730 : i32 to vector<16xi32>
    %sub3A_732 = arith.subi %get3A_718, %sub3A_731 : vector<16xi32>
    %jit3A_733 = arith.constant 0 : i32
    %broadcast_in_dim3A_734 = vector.broadcast %jit3A_733 : i32 to vector<16xi32>
    %select_n3A_735 = arith.select %and3A_729, %sub3A_732, %broadcast_in_dim3A_734 : vector<16xi1>, vector<16xi32>
    %gather3A_736 = tpu.vector_load_idx %arg6[%select_n3A_735] : memref<50048xf32, #tpu.memory_space<vmem>>[vector<16xi32>], vector<16xf32>,
    %eq3A_737 = arith.cmpf oeq, %gather3A_736, %convert_element_type3A_722 : vector<16xf32>
    %and3A_738 = arith.andi %and3A_729, %eq3A_737 : vector<16xi1>
    %jit3A_739 = arith.constant 3.000000e+00 : f32
    %jit3A_740 = arith.constant 0.000000e+00 : f32
    %broadcast_in_dim3A_741 = vector.broadcast %jit3A_739 : f32 to vector<16xf32>
    %broadcast_in_dim3A_742 = vector.broadcast %jit3A_740 : f32 to vector<16xf32>
    %select_n3A_743 = arith.select %and3A_738, %broadcast_in_dim3A_741, %broadcast_in_dim3A_742 : vector<16xi1>, vector<16xf32>
    %swap3A_744 = arith.constant 208 : index
    %swap3A_745 = tpu.vector_load %arg11[%swap3A_744] {strides = array<i32>} : memref<256xf32, #tpu.memory_space<vmem>>, vector<16xf32>,
    tpu.vector_store %arg11[%swap3A_744], %select_n3A_743 {strides = array<i32>} : memref<256xf32, #tpu.memory_space<vmem>>, vector<16xf32>,
    %get3A_746 = arith.constant 224 : index
    %get3A_747 = tpu.vector_load %arg10[%get3A_746] {strides = array<i32>} : memref<256xi32, #tpu.memory_space<vmem>>, vector<16xi32>,
    %add3A_748 = arith.constant 225 : i32
    %add3A_749 = vector.broadcast %add3A_748 : i32 to vector<16xi32>
    %add3A_750 = arith.addi %iota3A, %add3A_749 : vector<16xi32>
    %convert_element_type3A_751 = arith.sitofp %add3A_750 : vector<16xi32> to vector<16xf32>
    %ge3A_752 = arith.constant 0 : i32
    %ge3A_753 = vector.broadcast %ge3A_752 : i32 to vector<16xi32>
    %ge3A_754 = arith.cmpi sge, %get3A_747, %ge3A_753 : vector<16xi32>
    %lt3A_755 = arith.constant 50048 : i32
    %lt3A_756 = vector.broadcast %lt3A_755 : i32 to vector<16xi32>
    %lt3A_757 = arith.cmpi slt, %get3A_747, %lt3A_756 : vector<16xi32>
    %and3A_758 = arith.andi %ge3A_754, %lt3A_757 : vector<16xi1>
    %sub3A_759 = arith.constant 0 : i32
    %sub3A_760 = vector.broadcast %sub3A_759 : i32 to vector<16xi32>
    %sub3A_761 = arith.subi %get3A_747, %sub3A_760 : vector<16xi32>
    %jit3A_762 = arith.constant 0 : i32
    %broadcast_in_dim3A_763 = vector.broadcast %jit3A_762 : i32 to vector<16xi32>
    %select_n3A_764 = arith.select %and3A_758, %sub3A_761, %broadcast_in_dim3A_763 : vector<16xi1>, vector<16xi32>
    %gather3A_765 = tpu.vector_load_idx %arg6[%select_n3A_764] : memref<50048xf32, #tpu.memory_space<vmem>>[vector<16xi32>], vector<16xf32>,
    %eq3A_766 = arith.cmpf oeq, %gather3A_765, %convert_element_type3A_751 : vector<16xf32>
    %and3A_767 = arith.andi %and3A_758, %eq3A_766 : vector<16xi1>
    %jit3A_768 = arith.constant 3.000000e+00 : f32
    %jit3A_769 = arith.constant 0.000000e+00 : f32
    %broadcast_in_dim3A_770 = vector.broadcast %jit3A_768 : f32 to vector<16xf32>
    %broadcast_in_dim3A_771 = vector.broadcast %jit3A_769 : f32 to vector<16xf32>
    %select_n3A_772 = arith.select %and3A_767, %broadcast_in_dim3A_770, %broadcast_in_dim3A_771 : vector<16xi1>, vector<16xf32>
    %swap3A_773 = arith.constant 224 : index
    %swap3A_774 = tpu.vector_load %arg11[%swap3A_773] {strides = array<i32>} : memref<256xf32, #tpu.memory_space<vmem>>, vector<16xf32>,
    tpu.vector_store %arg11[%swap3A_773], %select_n3A_772 {strides = array<i32>} : memref<256xf32, #tpu.memory_space<vmem>>, vector<16xf32>,
    %get3A_775 = arith.constant 240 : index
    %get3A_776 = tpu.vector_load %arg10[%get3A_775] {strides = array<i32>} : memref<256xi32, #tpu.memory_space<vmem>>, vector<16xi32>,
    %add3A_777 = arith.constant 241 : i32
    %add3A_778 = vector.broadcast %add3A_777 : i32 to vector<16xi32>
    %add3A_779 = arith.addi %iota3A, %add3A_778 : vector<16xi32>
    %convert_element_type3A_780 = arith.sitofp %add3A_779 : vector<16xi32> to vector<16xf32>
    %ge3A_781 = arith.constant 0 : i32
    %ge3A_782 = vector.broadcast %ge3A_781 : i32 to vector<16xi32>
    %ge3A_783 = arith.cmpi sge, %get3A_776, %ge3A_782 : vector<16xi32>
    %lt3A_784 = arith.constant 50048 : i32
    %lt3A_785 = vector.broadcast %lt3A_784 : i32 to vector<16xi32>
    %lt3A_786 = arith.cmpi slt, %get3A_776, %lt3A_785 : vector<16xi32>
    %and3A_787 = arith.andi %ge3A_783, %lt3A_786 : vector<16xi1>
    %sub3A_788 = arith.constant 0 : i32
    %sub3A_789 = vector.broadcast %sub3A_788 : i32 to vector<16xi32>
    %sub3A_790 = arith.subi %get3A_776, %sub3A_789 : vector<16xi32>
    %jit3A_791 = arith.constant 0 : i32
    %broadcast_in_dim3A_792 = vector.broadcast %jit3A_791 : i32 to vector<16xi32>
    %select_n3A_793 = arith.select %and3A_787, %sub3A_790, %broadcast_in_dim3A_792 : vector<16xi1>, vector<16xi32>
    %gather3A_794 = tpu.vector_load_idx %arg6[%select_n3A_793] : memref<50048xf32, #tpu.memory_space<vmem>>[vector<16xi32>], vector<16xf32>,
    %eq3A_795 = arith.cmpf oeq, %gather3A_794, %convert_element_type3A_780 : vector<16xf32>
    %and3A_796 = arith.andi %and3A_787, %eq3A_795 : vector<16xi1>
    %jit3A_797 = arith.constant 3.000000e+00 : f32
    %jit3A_798 = arith.constant 0.000000e+00 : f32
    %broadcast_in_dim3A_799 = vector.broadcast %jit3A_797 : f32 to vector<16xf32>
    %broadcast_in_dim3A_800 = vector.broadcast %jit3A_798 : f32 to vector<16xf32>
    %select_n3A_801 = arith.select %and3A_796, %broadcast_in_dim3A_799, %broadcast_in_dim3A_800 : vector<16xi1>, vector<16xf32>
    %swap3A_802 = arith.constant 240 : index
    %swap3A_803 = tpu.vector_load %arg11[%swap3A_802] {strides = array<i32>} : memref<256xf32, #tpu.memory_space<vmem>>, vector<16xf32>,
    tpu.vector_store %arg11[%swap3A_802], %select_n3A_801 {strides = array<i32>} : memref<256xf32, #tpu.memory_space<vmem>>, vector<16xf32>,
    %get3A_804 = arith.constant 0 : index
    %get3A_805 = tpu.vector_load %arg10[%get3A_804] {strides = array<i32>} : memref<256xi32, #tpu.memory_space<vmem>>, vector<16xi32>,
    %add3A_806 = arith.constant 1 : i32
    %add3A_807 = vector.broadcast %add3A_806 : i32 to vector<16xi32>
    %add3A_808 = arith.addi %iota3A, %add3A_807 : vector<16xi32>
    %convert_element_type3A_809 = arith.sitofp %add3A_808 : vector<16xi32> to vector<16xf32>
    %ge3A_810 = arith.constant 50048 : i32
    %ge3A_811 = vector.broadcast %ge3A_810 : i32 to vector<16xi32>
    %ge3A_812 = arith.cmpi sge, %get3A_805, %ge3A_811 : vector<16xi32>
    %lt3A_813 = arith.constant 100000 : i32
    %lt3A_814 = vector.broadcast %lt3A_813 : i32 to vector<16xi32>
    %lt3A_815 = arith.cmpi slt, %get3A_805, %lt3A_814 : vector<16xi32>
    %and3A_816 = arith.andi %ge3A_812, %lt3A_815 : vector<16xi1>
    %sub3A_817 = arith.constant 50048 : i32
    %sub3A_818 = vector.broadcast %sub3A_817 : i32 to vector<16xi32>
    %sub3A_819 = arith.subi %get3A_805, %sub3A_818 : vector<16xi32>
    %jit3A_820 = arith.constant 0 : i32
    %broadcast_in_dim3A_821 = vector.broadcast %jit3A_820 : i32 to vector<16xi32>
    %select_n3A_822 = arith.select %and3A_816, %sub3A_819, %broadcast_in_dim3A_821 : vector<16xi1>, vector<16xi32>
    tpu.vector_store_idx %arg6[%select_n3A_822], %convert_element_type3A_809 masked %and3A_816 : memref<50048xf32, #tpu.memory_space<vmem>>[vector<16xi32>], vector<16xf32>, vector<16xi1>
    %get3A_823 = arith.constant 16 : index
    %get3A_824 = tpu.vector_load %arg10[%get3A_823] {strides = array<i32>} : memref<256xi32, #tpu.memory_space<vmem>>, vector<16xi32>,
    %add3A_825 = arith.constant 17 : i32
    %add3A_826 = vector.broadcast %add3A_825 : i32 to vector<16xi32>
    %add3A_827 = arith.addi %iota3A, %add3A_826 : vector<16xi32>
    %convert_element_type3A_828 = arith.sitofp %add3A_827 : vector<16xi32> to vector<16xf32>
    %ge3A_829 = arith.constant 50048 : i32
    %ge3A_830 = vector.broadcast %ge3A_829 : i32 to vector<16xi32>
    %ge3A_831 = arith.cmpi sge, %get3A_824, %ge3A_830 : vector<16xi32>
    %lt3A_832 = arith.constant 100000 : i32
    %lt3A_833 = vector.broadcast %lt3A_832 : i32 to vector<16xi32>
    %lt3A_834 = arith.cmpi slt, %get3A_824, %lt3A_833 : vector<16xi32>
    %and3A_835 = arith.andi %ge3A_831, %lt3A_834 : vector<16xi1>
    %sub3A_836 = arith.constant 50048 : i32
    %sub3A_837 = vector.broadcast %sub3A_836 : i32 to vector<16xi32>
    %sub3A_838 = arith.subi %get3A_824, %sub3A_837 : vector<16xi32>
    %jit3A_839 = arith.constant 0 : i32
    %broadcast_in_dim3A_840 = vector.broadcast %jit3A_839 : i32 to vector<16xi32>
    %select_n3A_841 = arith.select %and3A_835, %sub3A_838, %broadcast_in_dim3A_840 : vector<16xi1>, vector<16xi32>
    tpu.vector_store_idx %arg6[%select_n3A_841], %convert_element_type3A_828 masked %and3A_835 : memref<50048xf32, #tpu.memory_space<vmem>>[vector<16xi32>], vector<16xf32>, vector<16xi1>
    %get3A_842 = arith.constant 32 : index
    %get3A_843 = tpu.vector_load %arg10[%get3A_842] {strides = array<i32>} : memref<256xi32, #tpu.memory_space<vmem>>, vector<16xi32>,
    %add3A_844 = arith.constant 33 : i32
    %add3A_845 = vector.broadcast %add3A_844 : i32 to vector<16xi32>
    %add3A_846 = arith.addi %iota3A, %add3A_845 : vector<16xi32>
    %convert_element_type3A_847 = arith.sitofp %add3A_846 : vector<16xi32> to vector<16xf32>
    %ge3A_848 = arith.constant 50048 : i32
    %ge3A_849 = vector.broadcast %ge3A_848 : i32 to vector<16xi32>
    %ge3A_850 = arith.cmpi sge, %get3A_843, %ge3A_849 : vector<16xi32>
    %lt3A_851 = arith.constant 100000 : i32
    %lt3A_852 = vector.broadcast %lt3A_851 : i32 to vector<16xi32>
    %lt3A_853 = arith.cmpi slt, %get3A_843, %lt3A_852 : vector<16xi32>
    %and3A_854 = arith.andi %ge3A_850, %lt3A_853 : vector<16xi1>
    %sub3A_855 = arith.constant 50048 : i32
    %sub3A_856 = vector.broadcast %sub3A_855 : i32 to vector<16xi32>
    %sub3A_857 = arith.subi %get3A_843, %sub3A_856 : vector<16xi32>
    %jit3A_858 = arith.constant 0 : i32
    %broadcast_in_dim3A_859 = vector.broadcast %jit3A_858 : i32 to vector<16xi32>
    %select_n3A_860 = arith.select %and3A_854, %sub3A_857, %broadcast_in_dim3A_859 : vector<16xi1>, vector<16xi32>
    tpu.vector_store_idx %arg6[%select_n3A_860], %convert_element_type3A_847 masked %and3A_854 : memref<50048xf32, #tpu.memory_space<vmem>>[vector<16xi32>], vector<16xf32>, vector<16xi1>
    %get3A_861 = arith.constant 48 : index
    %get3A_862 = tpu.vector_load %arg10[%get3A_861] {strides = array<i32>} : memref<256xi32, #tpu.memory_space<vmem>>, vector<16xi32>,
    %add3A_863 = arith.constant 49 : i32
    %add3A_864 = vector.broadcast %add3A_863 : i32 to vector<16xi32>
    %add3A_865 = arith.addi %iota3A, %add3A_864 : vector<16xi32>
    %convert_element_type3A_866 = arith.sitofp %add3A_865 : vector<16xi32> to vector<16xf32>
    %ge3A_867 = arith.constant 50048 : i32
    %ge3A_868 = vector.broadcast %ge3A_867 : i32 to vector<16xi32>
    %ge3A_869 = arith.cmpi sge, %get3A_862, %ge3A_868 : vector<16xi32>
    %lt3A_870 = arith.constant 100000 : i32
    %lt3A_871 = vector.broadcast %lt3A_870 : i32 to vector<16xi32>
    %lt3A_872 = arith.cmpi slt, %get3A_862, %lt3A_871 : vector<16xi32>
    %and3A_873 = arith.andi %ge3A_869, %lt3A_872 : vector<16xi1>
    %sub3A_874 = arith.constant 50048 : i32
    %sub3A_875 = vector.broadcast %sub3A_874 : i32 to vector<16xi32>
    %sub3A_876 = arith.subi %get3A_862, %sub3A_875 : vector<16xi32>
    %jit3A_877 = arith.constant 0 : i32
    %broadcast_in_dim3A_878 = vector.broadcast %jit3A_877 : i32 to vector<16xi32>
    %select_n3A_879 = arith.select %and3A_873, %sub3A_876, %broadcast_in_dim3A_878 : vector<16xi1>, vector<16xi32>
    tpu.vector_store_idx %arg6[%select_n3A_879], %convert_element_type3A_866 masked %and3A_873 : memref<50048xf32, #tpu.memory_space<vmem>>[vector<16xi32>], vector<16xf32>, vector<16xi1>
    %get3A_880 = arith.constant 64 : index
    %get3A_881 = tpu.vector_load %arg10[%get3A_880] {strides = array<i32>} : memref<256xi32, #tpu.memory_space<vmem>>, vector<16xi32>,
    %add3A_882 = arith.constant 65 : i32
    %add3A_883 = vector.broadcast %add3A_882 : i32 to vector<16xi32>
    %add3A_884 = arith.addi %iota3A, %add3A_883 : vector<16xi32>
    %convert_element_type3A_885 = arith.sitofp %add3A_884 : vector<16xi32> to vector<16xf32>
    %ge3A_886 = arith.constant 50048 : i32
    %ge3A_887 = vector.broadcast %ge3A_886 : i32 to vector<16xi32>
    %ge3A_888 = arith.cmpi sge, %get3A_881, %ge3A_887 : vector<16xi32>
    %lt3A_889 = arith.constant 100000 : i32
    %lt3A_890 = vector.broadcast %lt3A_889 : i32 to vector<16xi32>
    %lt3A_891 = arith.cmpi slt, %get3A_881, %lt3A_890 : vector<16xi32>
    %and3A_892 = arith.andi %ge3A_888, %lt3A_891 : vector<16xi1>
    %sub3A_893 = arith.constant 50048 : i32
    %sub3A_894 = vector.broadcast %sub3A_893 : i32 to vector<16xi32>
    %sub3A_895 = arith.subi %get3A_881, %sub3A_894 : vector<16xi32>
    %jit3A_896 = arith.constant 0 : i32
    %broadcast_in_dim3A_897 = vector.broadcast %jit3A_896 : i32 to vector<16xi32>
    %select_n3A_898 = arith.select %and3A_892, %sub3A_895, %broadcast_in_dim3A_897 : vector<16xi1>, vector<16xi32>
    tpu.vector_store_idx %arg6[%select_n3A_898], %convert_element_type3A_885 masked %and3A_892 : memref<50048xf32, #tpu.memory_space<vmem>>[vector<16xi32>], vector<16xf32>, vector<16xi1>
    %get3A_899 = arith.constant 80 : index
    %get3A_900 = tpu.vector_load %arg10[%get3A_899] {strides = array<i32>} : memref<256xi32, #tpu.memory_space<vmem>>, vector<16xi32>,
    %add3A_901 = arith.constant 81 : i32
    %add3A_902 = vector.broadcast %add3A_901 : i32 to vector<16xi32>
    %add3A_903 = arith.addi %iota3A, %add3A_902 : vector<16xi32>
    %convert_element_type3A_904 = arith.sitofp %add3A_903 : vector<16xi32> to vector<16xf32>
    %ge3A_905 = arith.constant 50048 : i32
    %ge3A_906 = vector.broadcast %ge3A_905 : i32 to vector<16xi32>
    %ge3A_907 = arith.cmpi sge, %get3A_900, %ge3A_906 : vector<16xi32>
    %lt3A_908 = arith.constant 100000 : i32
    %lt3A_909 = vector.broadcast %lt3A_908 : i32 to vector<16xi32>
    %lt3A_910 = arith.cmpi slt, %get3A_900, %lt3A_909 : vector<16xi32>
    %and3A_911 = arith.andi %ge3A_907, %lt3A_910 : vector<16xi1>
    %sub3A_912 = arith.constant 50048 : i32
    %sub3A_913 = vector.broadcast %sub3A_912 : i32 to vector<16xi32>
    %sub3A_914 = arith.subi %get3A_900, %sub3A_913 : vector<16xi32>
    %jit3A_915 = arith.constant 0 : i32
    %broadcast_in_dim3A_916 = vector.broadcast %jit3A_915 : i32 to vector<16xi32>
    %select_n3A_917 = arith.select %and3A_911, %sub3A_914, %broadcast_in_dim3A_916 : vector<16xi1>, vector<16xi32>
    tpu.vector_store_idx %arg6[%select_n3A_917], %convert_element_type3A_904 masked %and3A_911 : memref<50048xf32, #tpu.memory_space<vmem>>[vector<16xi32>], vector<16xf32>, vector<16xi1>
    %get3A_918 = arith.constant 96 : index
    %get3A_919 = tpu.vector_load %arg10[%get3A_918] {strides = array<i32>} : memref<256xi32, #tpu.memory_space<vmem>>, vector<16xi32>,
    %add3A_920 = arith.constant 97 : i32
    %add3A_921 = vector.broadcast %add3A_920 : i32 to vector<16xi32>
    %add3A_922 = arith.addi %iota3A, %add3A_921 : vector<16xi32>
    %convert_element_type3A_923 = arith.sitofp %add3A_922 : vector<16xi32> to vector<16xf32>
    %ge3A_924 = arith.constant 50048 : i32
    %ge3A_925 = vector.broadcast %ge3A_924 : i32 to vector<16xi32>
    %ge3A_926 = arith.cmpi sge, %get3A_919, %ge3A_925 : vector<16xi32>
    %lt3A_927 = arith.constant 100000 : i32
    %lt3A_928 = vector.broadcast %lt3A_927 : i32 to vector<16xi32>
    %lt3A_929 = arith.cmpi slt, %get3A_919, %lt3A_928 : vector<16xi32>
    %and3A_930 = arith.andi %ge3A_926, %lt3A_929 : vector<16xi1>
    %sub3A_931 = arith.constant 50048 : i32
    %sub3A_932 = vector.broadcast %sub3A_931 : i32 to vector<16xi32>
    %sub3A_933 = arith.subi %get3A_919, %sub3A_932 : vector<16xi32>
    %jit3A_934 = arith.constant 0 : i32
    %broadcast_in_dim3A_935 = vector.broadcast %jit3A_934 : i32 to vector<16xi32>
    %select_n3A_936 = arith.select %and3A_930, %sub3A_933, %broadcast_in_dim3A_935 : vector<16xi1>, vector<16xi32>
    tpu.vector_store_idx %arg6[%select_n3A_936], %convert_element_type3A_923 masked %and3A_930 : memref<50048xf32, #tpu.memory_space<vmem>>[vector<16xi32>], vector<16xf32>, vector<16xi1>
    %get3A_937 = arith.constant 112 : index
    %get3A_938 = tpu.vector_load %arg10[%get3A_937] {strides = array<i32>} : memref<256xi32, #tpu.memory_space<vmem>>, vector<16xi32>,
    %add3A_939 = arith.constant 113 : i32
    %add3A_940 = vector.broadcast %add3A_939 : i32 to vector<16xi32>
    %add3A_941 = arith.addi %iota3A, %add3A_940 : vector<16xi32>
    %convert_element_type3A_942 = arith.sitofp %add3A_941 : vector<16xi32> to vector<16xf32>
    %ge3A_943 = arith.constant 50048 : i32
    %ge3A_944 = vector.broadcast %ge3A_943 : i32 to vector<16xi32>
    %ge3A_945 = arith.cmpi sge, %get3A_938, %ge3A_944 : vector<16xi32>
    %lt3A_946 = arith.constant 100000 : i32
    %lt3A_947 = vector.broadcast %lt3A_946 : i32 to vector<16xi32>
    %lt3A_948 = arith.cmpi slt, %get3A_938, %lt3A_947 : vector<16xi32>
    %and3A_949 = arith.andi %ge3A_945, %lt3A_948 : vector<16xi1>
    %sub3A_950 = arith.constant 50048 : i32
    %sub3A_951 = vector.broadcast %sub3A_950 : i32 to vector<16xi32>
    %sub3A_952 = arith.subi %get3A_938, %sub3A_951 : vector<16xi32>
    %jit3A_953 = arith.constant 0 : i32
    %broadcast_in_dim3A_954 = vector.broadcast %jit3A_953 : i32 to vector<16xi32>
    %select_n3A_955 = arith.select %and3A_949, %sub3A_952, %broadcast_in_dim3A_954 : vector<16xi1>, vector<16xi32>
    tpu.vector_store_idx %arg6[%select_n3A_955], %convert_element_type3A_942 masked %and3A_949 : memref<50048xf32, #tpu.memory_space<vmem>>[vector<16xi32>], vector<16xf32>, vector<16xi1>
    %get3A_956 = arith.constant 128 : index
    %get3A_957 = tpu.vector_load %arg10[%get3A_956] {strides = array<i32>} : memref<256xi32, #tpu.memory_space<vmem>>, vector<16xi32>,
    %add3A_958 = arith.constant 129 : i32
    %add3A_959 = vector.broadcast %add3A_958 : i32 to vector<16xi32>
    %add3A_960 = arith.addi %iota3A, %add3A_959 : vector<16xi32>
    %convert_element_type3A_961 = arith.sitofp %add3A_960 : vector<16xi32> to vector<16xf32>
    %ge3A_962 = arith.constant 50048 : i32
    %ge3A_963 = vector.broadcast %ge3A_962 : i32 to vector<16xi32>
    %ge3A_964 = arith.cmpi sge, %get3A_957, %ge3A_963 : vector<16xi32>
    %lt3A_965 = arith.constant 100000 : i32
    %lt3A_966 = vector.broadcast %lt3A_965 : i32 to vector<16xi32>
    %lt3A_967 = arith.cmpi slt, %get3A_957, %lt3A_966 : vector<16xi32>
    %and3A_968 = arith.andi %ge3A_964, %lt3A_967 : vector<16xi1>
    %sub3A_969 = arith.constant 50048 : i32
    %sub3A_970 = vector.broadcast %sub3A_969 : i32 to vector<16xi32>
    %sub3A_971 = arith.subi %get3A_957, %sub3A_970 : vector<16xi32>
    %jit3A_972 = arith.constant 0 : i32
    %broadcast_in_dim3A_973 = vector.broadcast %jit3A_972 : i32 to vector<16xi32>
    %select_n3A_974 = arith.select %and3A_968, %sub3A_971, %broadcast_in_dim3A_973 : vector<16xi1>, vector<16xi32>
    tpu.vector_store_idx %arg6[%select_n3A_974], %convert_element_type3A_961 masked %and3A_968 : memref<50048xf32, #tpu.memory_space<vmem>>[vector<16xi32>], vector<16xf32>, vector<16xi1>
    %get3A_975 = arith.constant 144 : index
    %get3A_976 = tpu.vector_load %arg10[%get3A_975] {strides = array<i32>} : memref<256xi32, #tpu.memory_space<vmem>>, vector<16xi32>,
    %add3A_977 = arith.constant 145 : i32
    %add3A_978 = vector.broadcast %add3A_977 : i32 to vector<16xi32>
    %add3A_979 = arith.addi %iota3A, %add3A_978 : vector<16xi32>
    %convert_element_type3A_980 = arith.sitofp %add3A_979 : vector<16xi32> to vector<16xf32>
    %ge3A_981 = arith.constant 50048 : i32
    %ge3A_982 = vector.broadcast %ge3A_981 : i32 to vector<16xi32>
    %ge3A_983 = arith.cmpi sge, %get3A_976, %ge3A_982 : vector<16xi32>
    %lt3A_984 = arith.constant 100000 : i32
    %lt3A_985 = vector.broadcast %lt3A_984 : i32 to vector<16xi32>
    %lt3A_986 = arith.cmpi slt, %get3A_976, %lt3A_985 : vector<16xi32>
    %and3A_987 = arith.andi %ge3A_983, %lt3A_986 : vector<16xi1>
    %sub3A_988 = arith.constant 50048 : i32
    %sub3A_989 = vector.broadcast %sub3A_988 : i32 to vector<16xi32>
    %sub3A_990 = arith.subi %get3A_976, %sub3A_989 : vector<16xi32>
    %jit3A_991 = arith.constant 0 : i32
    %broadcast_in_dim3A_992 = vector.broadcast %jit3A_991 : i32 to vector<16xi32>
    %select_n3A_993 = arith.select %and3A_987, %sub3A_990, %broadcast_in_dim3A_992 : vector<16xi1>, vector<16xi32>
    tpu.vector_store_idx %arg6[%select_n3A_993], %convert_element_type3A_980 masked %and3A_987 : memref<50048xf32, #tpu.memory_space<vmem>>[vector<16xi32>], vector<16xf32>, vector<16xi1>
    %get3A_994 = arith.constant 160 : index
    %get3A_995 = tpu.vector_load %arg10[%get3A_994] {strides = array<i32>} : memref<256xi32, #tpu.memory_space<vmem>>, vector<16xi32>,
    %add3A_996 = arith.constant 161 : i32
    %add3A_997 = vector.broadcast %add3A_996 : i32 to vector<16xi32>
    %add3A_998 = arith.addi %iota3A, %add3A_997 : vector<16xi32>
    %convert_element_type3A_999 = arith.sitofp %add3A_998 : vector<16xi32> to vector<16xf32>
    %ge3A_1000 = arith.constant 50048 : i32
    %ge3A_1001 = vector.broadcast %ge3A_1000 : i32 to vector<16xi32>
    %ge3A_1002 = arith.cmpi sge, %get3A_995, %ge3A_1001 : vector<16xi32>
    %lt3A_1003 = arith.constant 100000 : i32
    %lt3A_1004 = vector.broadcast %lt3A_1003 : i32 to vector<16xi32>
    %lt3A_1005 = arith.cmpi slt, %get3A_995, %lt3A_1004 : vector<16xi32>
    %and3A_1006 = arith.andi %ge3A_1002, %lt3A_1005 : vector<16xi1>
    %sub3A_1007 = arith.constant 50048 : i32
    %sub3A_1008 = vector.broadcast %sub3A_1007 : i32 to vector<16xi32>
    %sub3A_1009 = arith.subi %get3A_995, %sub3A_1008 : vector<16xi32>
    %jit3A_1010 = arith.constant 0 : i32
    %broadcast_in_dim3A_1011 = vector.broadcast %jit3A_1010 : i32 to vector<16xi32>
    %select_n3A_1012 = arith.select %and3A_1006, %sub3A_1009, %broadcast_in_dim3A_1011 : vector<16xi1>, vector<16xi32>
    tpu.vector_store_idx %arg6[%select_n3A_1012], %convert_element_type3A_999 masked %and3A_1006 : memref<50048xf32, #tpu.memory_space<vmem>>[vector<16xi32>], vector<16xf32>, vector<16xi1>
    %get3A_1013 = arith.constant 176 : index
    %get3A_1014 = tpu.vector_load %arg10[%get3A_1013] {strides = array<i32>} : memref<256xi32, #tpu.memory_space<vmem>>, vector<16xi32>,
    %add3A_1015 = arith.constant 177 : i32
    %add3A_1016 = vector.broadcast %add3A_1015 : i32 to vector<16xi32>
    %add3A_1017 = arith.addi %iota3A, %add3A_1016 : vector<16xi32>
    %convert_element_type3A_1018 = arith.sitofp %add3A_1017 : vector<16xi32> to vector<16xf32>
    %ge3A_1019 = arith.constant 50048 : i32
    %ge3A_1020 = vector.broadcast %ge3A_1019 : i32 to vector<16xi32>
    %ge3A_1021 = arith.cmpi sge, %get3A_1014, %ge3A_1020 : vector<16xi32>
    %lt3A_1022 = arith.constant 100000 : i32
    %lt3A_1023 = vector.broadcast %lt3A_1022 : i32 to vector<16xi32>
    %lt3A_1024 = arith.cmpi slt, %get3A_1014, %lt3A_1023 : vector<16xi32>
    %and3A_1025 = arith.andi %ge3A_1021, %lt3A_1024 : vector<16xi1>
    %sub3A_1026 = arith.constant 50048 : i32
    %sub3A_1027 = vector.broadcast %sub3A_1026 : i32 to vector<16xi32>
    %sub3A_1028 = arith.subi %get3A_1014, %sub3A_1027 : vector<16xi32>
    %jit3A_1029 = arith.constant 0 : i32
    %broadcast_in_dim3A_1030 = vector.broadcast %jit3A_1029 : i32 to vector<16xi32>
    %select_n3A_1031 = arith.select %and3A_1025, %sub3A_1028, %broadcast_in_dim3A_1030 : vector<16xi1>, vector<16xi32>
    tpu.vector_store_idx %arg6[%select_n3A_1031], %convert_element_type3A_1018 masked %and3A_1025 : memref<50048xf32, #tpu.memory_space<vmem>>[vector<16xi32>], vector<16xf32>, vector<16xi1>
    %get3A_1032 = arith.constant 192 : index
    %get3A_1033 = tpu.vector_load %arg10[%get3A_1032] {strides = array<i32>} : memref<256xi32, #tpu.memory_space<vmem>>, vector<16xi32>,
    %add3A_1034 = arith.constant 193 : i32
    %add3A_1035 = vector.broadcast %add3A_1034 : i32 to vector<16xi32>
    %add3A_1036 = arith.addi %iota3A, %add3A_1035 : vector<16xi32>
    %convert_element_type3A_1037 = arith.sitofp %add3A_1036 : vector<16xi32> to vector<16xf32>
    %ge3A_1038 = arith.constant 50048 : i32
    %ge3A_1039 = vector.broadcast %ge3A_1038 : i32 to vector<16xi32>
    %ge3A_1040 = arith.cmpi sge, %get3A_1033, %ge3A_1039 : vector<16xi32>
    %lt3A_1041 = arith.constant 100000 : i32
    %lt3A_1042 = vector.broadcast %lt3A_1041 : i32 to vector<16xi32>
    %lt3A_1043 = arith.cmpi slt, %get3A_1033, %lt3A_1042 : vector<16xi32>
    %and3A_1044 = arith.andi %ge3A_1040, %lt3A_1043 : vector<16xi1>
    %sub3A_1045 = arith.constant 50048 : i32
    %sub3A_1046 = vector.broadcast %sub3A_1045 : i32 to vector<16xi32>
    %sub3A_1047 = arith.subi %get3A_1033, %sub3A_1046 : vector<16xi32>
    %jit3A_1048 = arith.constant 0 : i32
    %broadcast_in_dim3A_1049 = vector.broadcast %jit3A_1048 : i32 to vector<16xi32>
    %select_n3A_1050 = arith.select %and3A_1044, %sub3A_1047, %broadcast_in_dim3A_1049 : vector<16xi1>, vector<16xi32>
    tpu.vector_store_idx %arg6[%select_n3A_1050], %convert_element_type3A_1037 masked %and3A_1044 : memref<50048xf32, #tpu.memory_space<vmem>>[vector<16xi32>], vector<16xf32>, vector<16xi1>
    %get3A_1051 = arith.constant 208 : index
    %get3A_1052 = tpu.vector_load %arg10[%get3A_1051] {strides = array<i32>} : memref<256xi32, #tpu.memory_space<vmem>>, vector<16xi32>,
    %add3A_1053 = arith.constant 209 : i32
    %add3A_1054 = vector.broadcast %add3A_1053 : i32 to vector<16xi32>
    %add3A_1055 = arith.addi %iota3A, %add3A_1054 : vector<16xi32>
    %convert_element_type3A_1056 = arith.sitofp %add3A_1055 : vector<16xi32> to vector<16xf32>
    %ge3A_1057 = arith.constant 50048 : i32
    %ge3A_1058 = vector.broadcast %ge3A_1057 : i32 to vector<16xi32>
    %ge3A_1059 = arith.cmpi sge, %get3A_1052, %ge3A_1058 : vector<16xi32>
    %lt3A_1060 = arith.constant 100000 : i32
    %lt3A_1061 = vector.broadcast %lt3A_1060 : i32 to vector<16xi32>
    %lt3A_1062 = arith.cmpi slt, %get3A_1052, %lt3A_1061 : vector<16xi32>
    %and3A_1063 = arith.andi %ge3A_1059, %lt3A_1062 : vector<16xi1>
    %sub3A_1064 = arith.constant 50048 : i32
    %sub3A_1065 = vector.broadcast %sub3A_1064 : i32 to vector<16xi32>
    %sub3A_1066 = arith.subi %get3A_1052, %sub3A_1065 : vector<16xi32>
    %jit3A_1067 = arith.constant 0 : i32
    %broadcast_in_dim3A_1068 = vector.broadcast %jit3A_1067 : i32 to vector<16xi32>
    %select_n3A_1069 = arith.select %and3A_1063, %sub3A_1066, %broadcast_in_dim3A_1068 : vector<16xi1>, vector<16xi32>
    tpu.vector_store_idx %arg6[%select_n3A_1069], %convert_element_type3A_1056 masked %and3A_1063 : memref<50048xf32, #tpu.memory_space<vmem>>[vector<16xi32>], vector<16xf32>, vector<16xi1>
    %get3A_1070 = arith.constant 224 : index
    %get3A_1071 = tpu.vector_load %arg10[%get3A_1070] {strides = array<i32>} : memref<256xi32, #tpu.memory_space<vmem>>, vector<16xi32>,
    %add3A_1072 = arith.constant 225 : i32
    %add3A_1073 = vector.broadcast %add3A_1072 : i32 to vector<16xi32>
    %add3A_1074 = arith.addi %iota3A, %add3A_1073 : vector<16xi32>
    %convert_element_type3A_1075 = arith.sitofp %add3A_1074 : vector<16xi32> to vector<16xf32>
    %ge3A_1076 = arith.constant 50048 : i32
    %ge3A_1077 = vector.broadcast %ge3A_1076 : i32 to vector<16xi32>
    %ge3A_1078 = arith.cmpi sge, %get3A_1071, %ge3A_1077 : vector<16xi32>
    %lt3A_1079 = arith.constant 100000 : i32
    %lt3A_1080 = vector.broadcast %lt3A_1079 : i32 to vector<16xi32>
    %lt3A_1081 = arith.cmpi slt, %get3A_1071, %lt3A_1080 : vector<16xi32>
    %and3A_1082 = arith.andi %ge3A_1078, %lt3A_1081 : vector<16xi1>
    %sub3A_1083 = arith.constant 50048 : i32
    %sub3A_1084 = vector.broadcast %sub3A_1083 : i32 to vector<16xi32>
    %sub3A_1085 = arith.subi %get3A_1071, %sub3A_1084 : vector<16xi32>
    %jit3A_1086 = arith.constant 0 : i32
    %broadcast_in_dim3A_1087 = vector.broadcast %jit3A_1086 : i32 to vector<16xi32>
    %select_n3A_1088 = arith.select %and3A_1082, %sub3A_1085, %broadcast_in_dim3A_1087 : vector<16xi1>, vector<16xi32>
    tpu.vector_store_idx %arg6[%select_n3A_1088], %convert_element_type3A_1075 masked %and3A_1082 : memref<50048xf32, #tpu.memory_space<vmem>>[vector<16xi32>], vector<16xf32>, vector<16xi1>
    %get3A_1089 = arith.constant 240 : index
    %get3A_1090 = tpu.vector_load %arg10[%get3A_1089] {strides = array<i32>} : memref<256xi32, #tpu.memory_space<vmem>>, vector<16xi32>,
    %add3A_1091 = arith.constant 241 : i32
    %add3A_1092 = vector.broadcast %add3A_1091 : i32 to vector<16xi32>
    %add3A_1093 = arith.addi %iota3A, %add3A_1092 : vector<16xi32>
    %convert_element_type3A_1094 = arith.sitofp %add3A_1093 : vector<16xi32> to vector<16xf32>
    %ge3A_1095 = arith.constant 50048 : i32
    %ge3A_1096 = vector.broadcast %ge3A_1095 : i32 to vector<16xi32>
    %ge3A_1097 = arith.cmpi sge, %get3A_1090, %ge3A_1096 : vector<16xi32>
    %lt3A_1098 = arith.constant 100000 : i32
    %lt3A_1099 = vector.broadcast %lt3A_1098 : i32 to vector<16xi32>
    %lt3A_1100 = arith.cmpi slt, %get3A_1090, %lt3A_1099 : vector<16xi32>
    %and3A_1101 = arith.andi %ge3A_1097, %lt3A_1100 : vector<16xi1>
    %sub3A_1102 = arith.constant 50048 : i32
    %sub3A_1103 = vector.broadcast %sub3A_1102 : i32 to vector<16xi32>
    %sub3A_1104 = arith.subi %get3A_1090, %sub3A_1103 : vector<16xi32>
    %jit3A_1105 = arith.constant 0 : i32
    %broadcast_in_dim3A_1106 = vector.broadcast %jit3A_1105 : i32 to vector<16xi32>
    %select_n3A_1107 = arith.select %and3A_1101, %sub3A_1104, %broadcast_in_dim3A_1106 : vector<16xi1>, vector<16xi32>
    tpu.vector_store_idx %arg6[%select_n3A_1107], %convert_element_type3A_1094 masked %and3A_1101 : memref<50048xf32, #tpu.memory_space<vmem>>[vector<16xi32>], vector<16xf32>, vector<16xi1>
    %get3A_1108 = arith.constant 0 : index
    %get3A_1109 = tpu.vector_load %arg10[%get3A_1108] {strides = array<i32>} : memref<256xi32, #tpu.memory_space<vmem>>, vector<16xi32>,
    %add3A_1110 = arith.constant 1 : i32
    %add3A_1111 = vector.broadcast %add3A_1110 : i32 to vector<16xi32>
    %add3A_1112 = arith.addi %iota3A, %add3A_1111 : vector<16xi32>
    %convert_element_type3A_1113 = arith.sitofp %add3A_1112 : vector<16xi32> to vector<16xf32>
    %ge3A_1114 = arith.constant 50048 : i32
    %ge3A_1115 = vector.broadcast %ge3A_1114 : i32 to vector<16xi32>
    %ge3A_1116 = arith.cmpi sge, %get3A_1109, %ge3A_1115 : vector<16xi32>
    %lt3A_1117 = arith.constant 100000 : i32
    %lt3A_1118 = vector.broadcast %lt3A_1117 : i32 to vector<16xi32>
    %lt3A_1119 = arith.cmpi slt, %get3A_1109, %lt3A_1118 : vector<16xi32>
    %and3A_1120 = arith.andi %ge3A_1116, %lt3A_1119 : vector<16xi1>
    %sub3A_1121 = arith.constant 50048 : i32
    %sub3A_1122 = vector.broadcast %sub3A_1121 : i32 to vector<16xi32>
    %sub3A_1123 = arith.subi %get3A_1109, %sub3A_1122 : vector<16xi32>
    %jit3A_1124 = arith.constant 0 : i32
    %broadcast_in_dim3A_1125 = vector.broadcast %jit3A_1124 : i32 to vector<16xi32>
    %select_n3A_1126 = arith.select %and3A_1120, %sub3A_1123, %broadcast_in_dim3A_1125 : vector<16xi1>, vector<16xi32>
    %gather3A_1127 = tpu.vector_load_idx %arg6[%select_n3A_1126] : memref<50048xf32, #tpu.memory_space<vmem>>[vector<16xi32>], vector<16xf32>,
    %eq3A_1128 = arith.cmpf oeq, %gather3A_1127, %convert_element_type3A_1113 : vector<16xf32>
    %and3A_1129 = arith.andi %and3A_1120, %eq3A_1128 : vector<16xi1>
    %jit3A_1130 = arith.constant 3.000000e+00 : f32
    %jit3A_1131 = arith.constant 0.000000e+00 : f32
    %broadcast_in_dim3A_1132 = vector.broadcast %jit3A_1130 : f32 to vector<16xf32>
    %broadcast_in_dim3A_1133 = vector.broadcast %jit3A_1131 : f32 to vector<16xf32>
    %select_n3A_1134 = arith.select %and3A_1129, %broadcast_in_dim3A_1132, %broadcast_in_dim3A_1133 : vector<16xi1>, vector<16xf32>
    %get3A_1135 = arith.constant 0 : index
    %get3A_1136 = tpu.vector_load %arg11[%get3A_1135] {strides = array<i32>} : memref<256xf32, #tpu.memory_space<vmem>>, vector<16xf32>,
    %add3A_1137 = arith.addf %get3A_1136, %select_n3A_1134 : vector<16xf32>
    %swap3A_1138 = arith.constant 0 : index
    %swap3A_1139 = tpu.vector_load %arg11[%swap3A_1138] {strides = array<i32>} : memref<256xf32, #tpu.memory_space<vmem>>, vector<16xf32>,
    tpu.vector_store %arg11[%swap3A_1138], %add3A_1137 {strides = array<i32>} : memref<256xf32, #tpu.memory_space<vmem>>, vector<16xf32>,
    %get3A_1140 = arith.constant 16 : index
    %get3A_1141 = tpu.vector_load %arg10[%get3A_1140] {strides = array<i32>} : memref<256xi32, #tpu.memory_space<vmem>>, vector<16xi32>,
    %add3A_1142 = arith.constant 17 : i32
    %add3A_1143 = vector.broadcast %add3A_1142 : i32 to vector<16xi32>
    %add3A_1144 = arith.addi %iota3A, %add3A_1143 : vector<16xi32>
    %convert_element_type3A_1145 = arith.sitofp %add3A_1144 : vector<16xi32> to vector<16xf32>
    %ge3A_1146 = arith.constant 50048 : i32
    %ge3A_1147 = vector.broadcast %ge3A_1146 : i32 to vector<16xi32>
    %ge3A_1148 = arith.cmpi sge, %get3A_1141, %ge3A_1147 : vector<16xi32>
    %lt3A_1149 = arith.constant 100000 : i32
    %lt3A_1150 = vector.broadcast %lt3A_1149 : i32 to vector<16xi32>
    %lt3A_1151 = arith.cmpi slt, %get3A_1141, %lt3A_1150 : vector<16xi32>
    %and3A_1152 = arith.andi %ge3A_1148, %lt3A_1151 : vector<16xi1>
    %sub3A_1153 = arith.constant 50048 : i32
    %sub3A_1154 = vector.broadcast %sub3A_1153 : i32 to vector<16xi32>
    %sub3A_1155 = arith.subi %get3A_1141, %sub3A_1154 : vector<16xi32>
    %jit3A_1156 = arith.constant 0 : i32
    %broadcast_in_dim3A_1157 = vector.broadcast %jit3A_1156 : i32 to vector<16xi32>
    %select_n3A_1158 = arith.select %and3A_1152, %sub3A_1155, %broadcast_in_dim3A_1157 : vector<16xi1>, vector<16xi32>
    %gather3A_1159 = tpu.vector_load_idx %arg6[%select_n3A_1158] : memref<50048xf32, #tpu.memory_space<vmem>>[vector<16xi32>], vector<16xf32>,
    %eq3A_1160 = arith.cmpf oeq, %gather3A_1159, %convert_element_type3A_1145 : vector<16xf32>
    %and3A_1161 = arith.andi %and3A_1152, %eq3A_1160 : vector<16xi1>
    %jit3A_1162 = arith.constant 3.000000e+00 : f32
    %jit3A_1163 = arith.constant 0.000000e+00 : f32
    %broadcast_in_dim3A_1164 = vector.broadcast %jit3A_1162 : f32 to vector<16xf32>
    %broadcast_in_dim3A_1165 = vector.broadcast %jit3A_1163 : f32 to vector<16xf32>
    %select_n3A_1166 = arith.select %and3A_1161, %broadcast_in_dim3A_1164, %broadcast_in_dim3A_1165 : vector<16xi1>, vector<16xf32>
    %get3A_1167 = arith.constant 16 : index
    %get3A_1168 = tpu.vector_load %arg11[%get3A_1167] {strides = array<i32>} : memref<256xf32, #tpu.memory_space<vmem>>, vector<16xf32>,
    %add3A_1169 = arith.addf %get3A_1168, %select_n3A_1166 : vector<16xf32>
    %swap3A_1170 = arith.constant 16 : index
    %swap3A_1171 = tpu.vector_load %arg11[%swap3A_1170] {strides = array<i32>} : memref<256xf32, #tpu.memory_space<vmem>>, vector<16xf32>,
    tpu.vector_store %arg11[%swap3A_1170], %add3A_1169 {strides = array<i32>} : memref<256xf32, #tpu.memory_space<vmem>>, vector<16xf32>,
    %get3A_1172 = arith.constant 32 : index
    %get3A_1173 = tpu.vector_load %arg10[%get3A_1172] {strides = array<i32>} : memref<256xi32, #tpu.memory_space<vmem>>, vector<16xi32>,
    %add3A_1174 = arith.constant 33 : i32
    %add3A_1175 = vector.broadcast %add3A_1174 : i32 to vector<16xi32>
    %add3A_1176 = arith.addi %iota3A, %add3A_1175 : vector<16xi32>
    %convert_element_type3A_1177 = arith.sitofp %add3A_1176 : vector<16xi32> to vector<16xf32>
    %ge3A_1178 = arith.constant 50048 : i32
    %ge3A_1179 = vector.broadcast %ge3A_1178 : i32 to vector<16xi32>
    %ge3A_1180 = arith.cmpi sge, %get3A_1173, %ge3A_1179 : vector<16xi32>
    %lt3A_1181 = arith.constant 100000 : i32
    %lt3A_1182 = vector.broadcast %lt3A_1181 : i32 to vector<16xi32>
    %lt3A_1183 = arith.cmpi slt, %get3A_1173, %lt3A_1182 : vector<16xi32>
    %and3A_1184 = arith.andi %ge3A_1180, %lt3A_1183 : vector<16xi1>
    %sub3A_1185 = arith.constant 50048 : i32
    %sub3A_1186 = vector.broadcast %sub3A_1185 : i32 to vector<16xi32>
    %sub3A_1187 = arith.subi %get3A_1173, %sub3A_1186 : vector<16xi32>
    %jit3A_1188 = arith.constant 0 : i32
    %broadcast_in_dim3A_1189 = vector.broadcast %jit3A_1188 : i32 to vector<16xi32>
    %select_n3A_1190 = arith.select %and3A_1184, %sub3A_1187, %broadcast_in_dim3A_1189 : vector<16xi1>, vector<16xi32>
    %gather3A_1191 = tpu.vector_load_idx %arg6[%select_n3A_1190] : memref<50048xf32, #tpu.memory_space<vmem>>[vector<16xi32>], vector<16xf32>,
    %eq3A_1192 = arith.cmpf oeq, %gather3A_1191, %convert_element_type3A_1177 : vector<16xf32>
    %and3A_1193 = arith.andi %and3A_1184, %eq3A_1192 : vector<16xi1>
    %jit3A_1194 = arith.constant 3.000000e+00 : f32
    %jit3A_1195 = arith.constant 0.000000e+00 : f32
    %broadcast_in_dim3A_1196 = vector.broadcast %jit3A_1194 : f32 to vector<16xf32>
    %broadcast_in_dim3A_1197 = vector.broadcast %jit3A_1195 : f32 to vector<16xf32>
    %select_n3A_1198 = arith.select %and3A_1193, %broadcast_in_dim3A_1196, %broadcast_in_dim3A_1197 : vector<16xi1>, vector<16xf32>
    %get3A_1199 = arith.constant 32 : index
    %get3A_1200 = tpu.vector_load %arg11[%get3A_1199] {strides = array<i32>} : memref<256xf32, #tpu.memory_space<vmem>>, vector<16xf32>,
    %add3A_1201 = arith.addf %get3A_1200, %select_n3A_1198 : vector<16xf32>
    %swap3A_1202 = arith.constant 32 : index
    %swap3A_1203 = tpu.vector_load %arg11[%swap3A_1202] {strides = array<i32>} : memref<256xf32, #tpu.memory_space<vmem>>, vector<16xf32>,
    tpu.vector_store %arg11[%swap3A_1202], %add3A_1201 {strides = array<i32>} : memref<256xf32, #tpu.memory_space<vmem>>, vector<16xf32>,
    %get3A_1204 = arith.constant 48 : index
    %get3A_1205 = tpu.vector_load %arg10[%get3A_1204] {strides = array<i32>} : memref<256xi32, #tpu.memory_space<vmem>>, vector<16xi32>,
    %add3A_1206 = arith.constant 49 : i32
    %add3A_1207 = vector.broadcast %add3A_1206 : i32 to vector<16xi32>
    %add3A_1208 = arith.addi %iota3A, %add3A_1207 : vector<16xi32>
    %convert_element_type3A_1209 = arith.sitofp %add3A_1208 : vector<16xi32> to vector<16xf32>
    %ge3A_1210 = arith.constant 50048 : i32
    %ge3A_1211 = vector.broadcast %ge3A_1210 : i32 to vector<16xi32>
    %ge3A_1212 = arith.cmpi sge, %get3A_1205, %ge3A_1211 : vector<16xi32>
    %lt3A_1213 = arith.constant 100000 : i32
    %lt3A_1214 = vector.broadcast %lt3A_1213 : i32 to vector<16xi32>
    %lt3A_1215 = arith.cmpi slt, %get3A_1205, %lt3A_1214 : vector<16xi32>
    %and3A_1216 = arith.andi %ge3A_1212, %lt3A_1215 : vector<16xi1>
    %sub3A_1217 = arith.constant 50048 : i32
    %sub3A_1218 = vector.broadcast %sub3A_1217 : i32 to vector<16xi32>
    %sub3A_1219 = arith.subi %get3A_1205, %sub3A_1218 : vector<16xi32>
    %jit3A_1220 = arith.constant 0 : i32
    %broadcast_in_dim3A_1221 = vector.broadcast %jit3A_1220 : i32 to vector<16xi32>
    %select_n3A_1222 = arith.select %and3A_1216, %sub3A_1219, %broadcast_in_dim3A_1221 : vector<16xi1>, vector<16xi32>
    %gather3A_1223 = tpu.vector_load_idx %arg6[%select_n3A_1222] : memref<50048xf32, #tpu.memory_space<vmem>>[vector<16xi32>], vector<16xf32>,
    %eq3A_1224 = arith.cmpf oeq, %gather3A_1223, %convert_element_type3A_1209 : vector<16xf32>
    %and3A_1225 = arith.andi %and3A_1216, %eq3A_1224 : vector<16xi1>
    %jit3A_1226 = arith.constant 3.000000e+00 : f32
    %jit3A_1227 = arith.constant 0.000000e+00 : f32
    %broadcast_in_dim3A_1228 = vector.broadcast %jit3A_1226 : f32 to vector<16xf32>
    %broadcast_in_dim3A_1229 = vector.broadcast %jit3A_1227 : f32 to vector<16xf32>
    %select_n3A_1230 = arith.select %and3A_1225, %broadcast_in_dim3A_1228, %broadcast_in_dim3A_1229 : vector<16xi1>, vector<16xf32>
    %get3A_1231 = arith.constant 48 : index
    %get3A_1232 = tpu.vector_load %arg11[%get3A_1231] {strides = array<i32>} : memref<256xf32, #tpu.memory_space<vmem>>, vector<16xf32>,
    %add3A_1233 = arith.addf %get3A_1232, %select_n3A_1230 : vector<16xf32>
    %swap3A_1234 = arith.constant 48 : index
    %swap3A_1235 = tpu.vector_load %arg11[%swap3A_1234] {strides = array<i32>} : memref<256xf32, #tpu.memory_space<vmem>>, vector<16xf32>,
    tpu.vector_store %arg11[%swap3A_1234], %add3A_1233 {strides = array<i32>} : memref<256xf32, #tpu.memory_space<vmem>>, vector<16xf32>,
    %get3A_1236 = arith.constant 64 : index
    %get3A_1237 = tpu.vector_load %arg10[%get3A_1236] {strides = array<i32>} : memref<256xi32, #tpu.memory_space<vmem>>, vector<16xi32>,
    %add3A_1238 = arith.constant 65 : i32
    %add3A_1239 = vector.broadcast %add3A_1238 : i32 to vector<16xi32>
    %add3A_1240 = arith.addi %iota3A, %add3A_1239 : vector<16xi32>
    %convert_element_type3A_1241 = arith.sitofp %add3A_1240 : vector<16xi32> to vector<16xf32>
    %ge3A_1242 = arith.constant 50048 : i32
    %ge3A_1243 = vector.broadcast %ge3A_1242 : i32 to vector<16xi32>
    %ge3A_1244 = arith.cmpi sge, %get3A_1237, %ge3A_1243 : vector<16xi32>
    %lt3A_1245 = arith.constant 100000 : i32
    %lt3A_1246 = vector.broadcast %lt3A_1245 : i32 to vector<16xi32>
    %lt3A_1247 = arith.cmpi slt, %get3A_1237, %lt3A_1246 : vector<16xi32>
    %and3A_1248 = arith.andi %ge3A_1244, %lt3A_1247 : vector<16xi1>
    %sub3A_1249 = arith.constant 50048 : i32
    %sub3A_1250 = vector.broadcast %sub3A_1249 : i32 to vector<16xi32>
    %sub3A_1251 = arith.subi %get3A_1237, %sub3A_1250 : vector<16xi32>
    %jit3A_1252 = arith.constant 0 : i32
    %broadcast_in_dim3A_1253 = vector.broadcast %jit3A_1252 : i32 to vector<16xi32>
    %select_n3A_1254 = arith.select %and3A_1248, %sub3A_1251, %broadcast_in_dim3A_1253 : vector<16xi1>, vector<16xi32>
    %gather3A_1255 = tpu.vector_load_idx %arg6[%select_n3A_1254] : memref<50048xf32, #tpu.memory_space<vmem>>[vector<16xi32>], vector<16xf32>,
    %eq3A_1256 = arith.cmpf oeq, %gather3A_1255, %convert_element_type3A_1241 : vector<16xf32>
    %and3A_1257 = arith.andi %and3A_1248, %eq3A_1256 : vector<16xi1>
    %jit3A_1258 = arith.constant 3.000000e+00 : f32
    %jit3A_1259 = arith.constant 0.000000e+00 : f32
    %broadcast_in_dim3A_1260 = vector.broadcast %jit3A_1258 : f32 to vector<16xf32>
    %broadcast_in_dim3A_1261 = vector.broadcast %jit3A_1259 : f32 to vector<16xf32>
    %select_n3A_1262 = arith.select %and3A_1257, %broadcast_in_dim3A_1260, %broadcast_in_dim3A_1261 : vector<16xi1>, vector<16xf32>
    %get3A_1263 = arith.constant 64 : index
    %get3A_1264 = tpu.vector_load %arg11[%get3A_1263] {strides = array<i32>} : memref<256xf32, #tpu.memory_space<vmem>>, vector<16xf32>,
    %add3A_1265 = arith.addf %get3A_1264, %select_n3A_1262 : vector<16xf32>
    %swap3A_1266 = arith.constant 64 : index
    %swap3A_1267 = tpu.vector_load %arg11[%swap3A_1266] {strides = array<i32>} : memref<256xf32, #tpu.memory_space<vmem>>, vector<16xf32>,
    tpu.vector_store %arg11[%swap3A_1266], %add3A_1265 {strides = array<i32>} : memref<256xf32, #tpu.memory_space<vmem>>, vector<16xf32>,
    %get3A_1268 = arith.constant 80 : index
    %get3A_1269 = tpu.vector_load %arg10[%get3A_1268] {strides = array<i32>} : memref<256xi32, #tpu.memory_space<vmem>>, vector<16xi32>,
    %add3A_1270 = arith.constant 81 : i32
    %add3A_1271 = vector.broadcast %add3A_1270 : i32 to vector<16xi32>
    %add3A_1272 = arith.addi %iota3A, %add3A_1271 : vector<16xi32>
    %convert_element_type3A_1273 = arith.sitofp %add3A_1272 : vector<16xi32> to vector<16xf32>
    %ge3A_1274 = arith.constant 50048 : i32
    %ge3A_1275 = vector.broadcast %ge3A_1274 : i32 to vector<16xi32>
    %ge3A_1276 = arith.cmpi sge, %get3A_1269, %ge3A_1275 : vector<16xi32>
    %lt3A_1277 = arith.constant 100000 : i32
    %lt3A_1278 = vector.broadcast %lt3A_1277 : i32 to vector<16xi32>
    %lt3A_1279 = arith.cmpi slt, %get3A_1269, %lt3A_1278 : vector<16xi32>
    %and3A_1280 = arith.andi %ge3A_1276, %lt3A_1279 : vector<16xi1>
    %sub3A_1281 = arith.constant 50048 : i32
    %sub3A_1282 = vector.broadcast %sub3A_1281 : i32 to vector<16xi32>
    %sub3A_1283 = arith.subi %get3A_1269, %sub3A_1282 : vector<16xi32>
    %jit3A_1284 = arith.constant 0 : i32
    %broadcast_in_dim3A_1285 = vector.broadcast %jit3A_1284 : i32 to vector<16xi32>
    %select_n3A_1286 = arith.select %and3A_1280, %sub3A_1283, %broadcast_in_dim3A_1285 : vector<16xi1>, vector<16xi32>
    %gather3A_1287 = tpu.vector_load_idx %arg6[%select_n3A_1286] : memref<50048xf32, #tpu.memory_space<vmem>>[vector<16xi32>], vector<16xf32>,
    %eq3A_1288 = arith.cmpf oeq, %gather3A_1287, %convert_element_type3A_1273 : vector<16xf32>
    %and3A_1289 = arith.andi %and3A_1280, %eq3A_1288 : vector<16xi1>
    %jit3A_1290 = arith.constant 3.000000e+00 : f32
    %jit3A_1291 = arith.constant 0.000000e+00 : f32
    %broadcast_in_dim3A_1292 = vector.broadcast %jit3A_1290 : f32 to vector<16xf32>
    %broadcast_in_dim3A_1293 = vector.broadcast %jit3A_1291 : f32 to vector<16xf32>
    %select_n3A_1294 = arith.select %and3A_1289, %broadcast_in_dim3A_1292, %broadcast_in_dim3A_1293 : vector<16xi1>, vector<16xf32>
    %get3A_1295 = arith.constant 80 : index
    %get3A_1296 = tpu.vector_load %arg11[%get3A_1295] {strides = array<i32>} : memref<256xf32, #tpu.memory_space<vmem>>, vector<16xf32>,
    %add3A_1297 = arith.addf %get3A_1296, %select_n3A_1294 : vector<16xf32>
    %swap3A_1298 = arith.constant 80 : index
    %swap3A_1299 = tpu.vector_load %arg11[%swap3A_1298] {strides = array<i32>} : memref<256xf32, #tpu.memory_space<vmem>>, vector<16xf32>,
    tpu.vector_store %arg11[%swap3A_1298], %add3A_1297 {strides = array<i32>} : memref<256xf32, #tpu.memory_space<vmem>>, vector<16xf32>,
    %get3A_1300 = arith.constant 96 : index
    %get3A_1301 = tpu.vector_load %arg10[%get3A_1300] {strides = array<i32>} : memref<256xi32, #tpu.memory_space<vmem>>, vector<16xi32>,
    %add3A_1302 = arith.constant 97 : i32
    %add3A_1303 = vector.broadcast %add3A_1302 : i32 to vector<16xi32>
    %add3A_1304 = arith.addi %iota3A, %add3A_1303 : vector<16xi32>
    %convert_element_type3A_1305 = arith.sitofp %add3A_1304 : vector<16xi32> to vector<16xf32>
    %ge3A_1306 = arith.constant 50048 : i32
    %ge3A_1307 = vector.broadcast %ge3A_1306 : i32 to vector<16xi32>
    %ge3A_1308 = arith.cmpi sge, %get3A_1301, %ge3A_1307 : vector<16xi32>
    %lt3A_1309 = arith.constant 100000 : i32
    %lt3A_1310 = vector.broadcast %lt3A_1309 : i32 to vector<16xi32>
    %lt3A_1311 = arith.cmpi slt, %get3A_1301, %lt3A_1310 : vector<16xi32>
    %and3A_1312 = arith.andi %ge3A_1308, %lt3A_1311 : vector<16xi1>
    %sub3A_1313 = arith.constant 50048 : i32
    %sub3A_1314 = vector.broadcast %sub3A_1313 : i32 to vector<16xi32>
    %sub3A_1315 = arith.subi %get3A_1301, %sub3A_1314 : vector<16xi32>
    %jit3A_1316 = arith.constant 0 : i32
    %broadcast_in_dim3A_1317 = vector.broadcast %jit3A_1316 : i32 to vector<16xi32>
    %select_n3A_1318 = arith.select %and3A_1312, %sub3A_1315, %broadcast_in_dim3A_1317 : vector<16xi1>, vector<16xi32>
    %gather3A_1319 = tpu.vector_load_idx %arg6[%select_n3A_1318] : memref<50048xf32, #tpu.memory_space<vmem>>[vector<16xi32>], vector<16xf32>,
    %eq3A_1320 = arith.cmpf oeq, %gather3A_1319, %convert_element_type3A_1305 : vector<16xf32>
    %and3A_1321 = arith.andi %and3A_1312, %eq3A_1320 : vector<16xi1>
    %jit3A_1322 = arith.constant 3.000000e+00 : f32
    %jit3A_1323 = arith.constant 0.000000e+00 : f32
    %broadcast_in_dim3A_1324 = vector.broadcast %jit3A_1322 : f32 to vector<16xf32>
    %broadcast_in_dim3A_1325 = vector.broadcast %jit3A_1323 : f32 to vector<16xf32>
    %select_n3A_1326 = arith.select %and3A_1321, %broadcast_in_dim3A_1324, %broadcast_in_dim3A_1325 : vector<16xi1>, vector<16xf32>
    %get3A_1327 = arith.constant 96 : index
    %get3A_1328 = tpu.vector_load %arg11[%get3A_1327] {strides = array<i32>} : memref<256xf32, #tpu.memory_space<vmem>>, vector<16xf32>,
    %add3A_1329 = arith.addf %get3A_1328, %select_n3A_1326 : vector<16xf32>
    %swap3A_1330 = arith.constant 96 : index
    %swap3A_1331 = tpu.vector_load %arg11[%swap3A_1330] {strides = array<i32>} : memref<256xf32, #tpu.memory_space<vmem>>, vector<16xf32>,
    tpu.vector_store %arg11[%swap3A_1330], %add3A_1329 {strides = array<i32>} : memref<256xf32, #tpu.memory_space<vmem>>, vector<16xf32>,
    %get3A_1332 = arith.constant 112 : index
    %get3A_1333 = tpu.vector_load %arg10[%get3A_1332] {strides = array<i32>} : memref<256xi32, #tpu.memory_space<vmem>>, vector<16xi32>,
    %add3A_1334 = arith.constant 113 : i32
    %add3A_1335 = vector.broadcast %add3A_1334 : i32 to vector<16xi32>
    %add3A_1336 = arith.addi %iota3A, %add3A_1335 : vector<16xi32>
    %convert_element_type3A_1337 = arith.sitofp %add3A_1336 : vector<16xi32> to vector<16xf32>
    %ge3A_1338 = arith.constant 50048 : i32
    %ge3A_1339 = vector.broadcast %ge3A_1338 : i32 to vector<16xi32>
    %ge3A_1340 = arith.cmpi sge, %get3A_1333, %ge3A_1339 : vector<16xi32>
    %lt3A_1341 = arith.constant 100000 : i32
    %lt3A_1342 = vector.broadcast %lt3A_1341 : i32 to vector<16xi32>
    %lt3A_1343 = arith.cmpi slt, %get3A_1333, %lt3A_1342 : vector<16xi32>
    %and3A_1344 = arith.andi %ge3A_1340, %lt3A_1343 : vector<16xi1>
    %sub3A_1345 = arith.constant 50048 : i32
    %sub3A_1346 = vector.broadcast %sub3A_1345 : i32 to vector<16xi32>
    %sub3A_1347 = arith.subi %get3A_1333, %sub3A_1346 : vector<16xi32>
    %jit3A_1348 = arith.constant 0 : i32
    %broadcast_in_dim3A_1349 = vector.broadcast %jit3A_1348 : i32 to vector<16xi32>
    %select_n3A_1350 = arith.select %and3A_1344, %sub3A_1347, %broadcast_in_dim3A_1349 : vector<16xi1>, vector<16xi32>
    %gather3A_1351 = tpu.vector_load_idx %arg6[%select_n3A_1350] : memref<50048xf32, #tpu.memory_space<vmem>>[vector<16xi32>], vector<16xf32>,
    %eq3A_1352 = arith.cmpf oeq, %gather3A_1351, %convert_element_type3A_1337 : vector<16xf32>
    %and3A_1353 = arith.andi %and3A_1344, %eq3A_1352 : vector<16xi1>
    %jit3A_1354 = arith.constant 3.000000e+00 : f32
    %jit3A_1355 = arith.constant 0.000000e+00 : f32
    %broadcast_in_dim3A_1356 = vector.broadcast %jit3A_1354 : f32 to vector<16xf32>
    %broadcast_in_dim3A_1357 = vector.broadcast %jit3A_1355 : f32 to vector<16xf32>
    %select_n3A_1358 = arith.select %and3A_1353, %broadcast_in_dim3A_1356, %broadcast_in_dim3A_1357 : vector<16xi1>, vector<16xf32>
    %get3A_1359 = arith.constant 112 : index
    %get3A_1360 = tpu.vector_load %arg11[%get3A_1359] {strides = array<i32>} : memref<256xf32, #tpu.memory_space<vmem>>, vector<16xf32>,
    %add3A_1361 = arith.addf %get3A_1360, %select_n3A_1358 : vector<16xf32>
    %swap3A_1362 = arith.constant 112 : index
    %swap3A_1363 = tpu.vector_load %arg11[%swap3A_1362] {strides = array<i32>} : memref<256xf32, #tpu.memory_space<vmem>>, vector<16xf32>,
    tpu.vector_store %arg11[%swap3A_1362], %add3A_1361 {strides = array<i32>} : memref<256xf32, #tpu.memory_space<vmem>>, vector<16xf32>,
    %get3A_1364 = arith.constant 128 : index
    %get3A_1365 = tpu.vector_load %arg10[%get3A_1364] {strides = array<i32>} : memref<256xi32, #tpu.memory_space<vmem>>, vector<16xi32>,
    %add3A_1366 = arith.constant 129 : i32
    %add3A_1367 = vector.broadcast %add3A_1366 : i32 to vector<16xi32>
    %add3A_1368 = arith.addi %iota3A, %add3A_1367 : vector<16xi32>
    %convert_element_type3A_1369 = arith.sitofp %add3A_1368 : vector<16xi32> to vector<16xf32>
    %ge3A_1370 = arith.constant 50048 : i32
    %ge3A_1371 = vector.broadcast %ge3A_1370 : i32 to vector<16xi32>
    %ge3A_1372 = arith.cmpi sge, %get3A_1365, %ge3A_1371 : vector<16xi32>
    %lt3A_1373 = arith.constant 100000 : i32
    %lt3A_1374 = vector.broadcast %lt3A_1373 : i32 to vector<16xi32>
    %lt3A_1375 = arith.cmpi slt, %get3A_1365, %lt3A_1374 : vector<16xi32>
    %and3A_1376 = arith.andi %ge3A_1372, %lt3A_1375 : vector<16xi1>
    %sub3A_1377 = arith.constant 50048 : i32
    %sub3A_1378 = vector.broadcast %sub3A_1377 : i32 to vector<16xi32>
    %sub3A_1379 = arith.subi %get3A_1365, %sub3A_1378 : vector<16xi32>
    %jit3A_1380 = arith.constant 0 : i32
    %broadcast_in_dim3A_1381 = vector.broadcast %jit3A_1380 : i32 to vector<16xi32>
    %select_n3A_1382 = arith.select %and3A_1376, %sub3A_1379, %broadcast_in_dim3A_1381 : vector<16xi1>, vector<16xi32>
    %gather3A_1383 = tpu.vector_load_idx %arg6[%select_n3A_1382] : memref<50048xf32, #tpu.memory_space<vmem>>[vector<16xi32>], vector<16xf32>,
    %eq3A_1384 = arith.cmpf oeq, %gather3A_1383, %convert_element_type3A_1369 : vector<16xf32>
    %and3A_1385 = arith.andi %and3A_1376, %eq3A_1384 : vector<16xi1>
    %jit3A_1386 = arith.constant 3.000000e+00 : f32
    %jit3A_1387 = arith.constant 0.000000e+00 : f32
    %broadcast_in_dim3A_1388 = vector.broadcast %jit3A_1386 : f32 to vector<16xf32>
    %broadcast_in_dim3A_1389 = vector.broadcast %jit3A_1387 : f32 to vector<16xf32>
    %select_n3A_1390 = arith.select %and3A_1385, %broadcast_in_dim3A_1388, %broadcast_in_dim3A_1389 : vector<16xi1>, vector<16xf32>
    %get3A_1391 = arith.constant 128 : index
    %get3A_1392 = tpu.vector_load %arg11[%get3A_1391] {strides = array<i32>} : memref<256xf32, #tpu.memory_space<vmem>>, vector<16xf32>,
    %add3A_1393 = arith.addf %get3A_1392, %select_n3A_1390 : vector<16xf32>
    %swap3A_1394 = arith.constant 128 : index
    %swap3A_1395 = tpu.vector_load %arg11[%swap3A_1394] {strides = array<i32>} : memref<256xf32, #tpu.memory_space<vmem>>, vector<16xf32>,
    tpu.vector_store %arg11[%swap3A_1394], %add3A_1393 {strides = array<i32>} : memref<256xf32, #tpu.memory_space<vmem>>, vector<16xf32>,
    %get3A_1396 = arith.constant 144 : index
    %get3A_1397 = tpu.vector_load %arg10[%get3A_1396] {strides = array<i32>} : memref<256xi32, #tpu.memory_space<vmem>>, vector<16xi32>,
    %add3A_1398 = arith.constant 145 : i32
    %add3A_1399 = vector.broadcast %add3A_1398 : i32 to vector<16xi32>
    %add3A_1400 = arith.addi %iota3A, %add3A_1399 : vector<16xi32>
    %convert_element_type3A_1401 = arith.sitofp %add3A_1400 : vector<16xi32> to vector<16xf32>
    %ge3A_1402 = arith.constant 50048 : i32
    %ge3A_1403 = vector.broadcast %ge3A_1402 : i32 to vector<16xi32>
    %ge3A_1404 = arith.cmpi sge, %get3A_1397, %ge3A_1403 : vector<16xi32>
    %lt3A_1405 = arith.constant 100000 : i32
    %lt3A_1406 = vector.broadcast %lt3A_1405 : i32 to vector<16xi32>
    %lt3A_1407 = arith.cmpi slt, %get3A_1397, %lt3A_1406 : vector<16xi32>
    %and3A_1408 = arith.andi %ge3A_1404, %lt3A_1407 : vector<16xi1>
    %sub3A_1409 = arith.constant 50048 : i32
    %sub3A_1410 = vector.broadcast %sub3A_1409 : i32 to vector<16xi32>
    %sub3A_1411 = arith.subi %get3A_1397, %sub3A_1410 : vector<16xi32>
    %jit3A_1412 = arith.constant 0 : i32
    %broadcast_in_dim3A_1413 = vector.broadcast %jit3A_1412 : i32 to vector<16xi32>
    %select_n3A_1414 = arith.select %and3A_1408, %sub3A_1411, %broadcast_in_dim3A_1413 : vector<16xi1>, vector<16xi32>
    %gather3A_1415 = tpu.vector_load_idx %arg6[%select_n3A_1414] : memref<50048xf32, #tpu.memory_space<vmem>>[vector<16xi32>], vector<16xf32>,
    %eq3A_1416 = arith.cmpf oeq, %gather3A_1415, %convert_element_type3A_1401 : vector<16xf32>
    %and3A_1417 = arith.andi %and3A_1408, %eq3A_1416 : vector<16xi1>
    %jit3A_1418 = arith.constant 3.000000e+00 : f32
    %jit3A_1419 = arith.constant 0.000000e+00 : f32
    %broadcast_in_dim3A_1420 = vector.broadcast %jit3A_1418 : f32 to vector<16xf32>
    %broadcast_in_dim3A_1421 = vector.broadcast %jit3A_1419 : f32 to vector<16xf32>
    %select_n3A_1422 = arith.select %and3A_1417, %broadcast_in_dim3A_1420, %broadcast_in_dim3A_1421 : vector<16xi1>, vector<16xf32>
    %get3A_1423 = arith.constant 144 : index
    %get3A_1424 = tpu.vector_load %arg11[%get3A_1423] {strides = array<i32>} : memref<256xf32, #tpu.memory_space<vmem>>, vector<16xf32>,
    %add3A_1425 = arith.addf %get3A_1424, %select_n3A_1422 : vector<16xf32>
    %swap3A_1426 = arith.constant 144 : index
    %swap3A_1427 = tpu.vector_load %arg11[%swap3A_1426] {strides = array<i32>} : memref<256xf32, #tpu.memory_space<vmem>>, vector<16xf32>,
    tpu.vector_store %arg11[%swap3A_1426], %add3A_1425 {strides = array<i32>} : memref<256xf32, #tpu.memory_space<vmem>>, vector<16xf32>,
    %get3A_1428 = arith.constant 160 : index
    %get3A_1429 = tpu.vector_load %arg10[%get3A_1428] {strides = array<i32>} : memref<256xi32, #tpu.memory_space<vmem>>, vector<16xi32>,
    %add3A_1430 = arith.constant 161 : i32
    %add3A_1431 = vector.broadcast %add3A_1430 : i32 to vector<16xi32>
    %add3A_1432 = arith.addi %iota3A, %add3A_1431 : vector<16xi32>
    %convert_element_type3A_1433 = arith.sitofp %add3A_1432 : vector<16xi32> to vector<16xf32>
    %ge3A_1434 = arith.constant 50048 : i32
    %ge3A_1435 = vector.broadcast %ge3A_1434 : i32 to vector<16xi32>
    %ge3A_1436 = arith.cmpi sge, %get3A_1429, %ge3A_1435 : vector<16xi32>
    %lt3A_1437 = arith.constant 100000 : i32
    %lt3A_1438 = vector.broadcast %lt3A_1437 : i32 to vector<16xi32>
    %lt3A_1439 = arith.cmpi slt, %get3A_1429, %lt3A_1438 : vector<16xi32>
    %and3A_1440 = arith.andi %ge3A_1436, %lt3A_1439 : vector<16xi1>
    %sub3A_1441 = arith.constant 50048 : i32
    %sub3A_1442 = vector.broadcast %sub3A_1441 : i32 to vector<16xi32>
    %sub3A_1443 = arith.subi %get3A_1429, %sub3A_1442 : vector<16xi32>
    %jit3A_1444 = arith.constant 0 : i32
    %broadcast_in_dim3A_1445 = vector.broadcast %jit3A_1444 : i32 to vector<16xi32>
    %select_n3A_1446 = arith.select %and3A_1440, %sub3A_1443, %broadcast_in_dim3A_1445 : vector<16xi1>, vector<16xi32>
    %gather3A_1447 = tpu.vector_load_idx %arg6[%select_n3A_1446] : memref<50048xf32, #tpu.memory_space<vmem>>[vector<16xi32>], vector<16xf32>,
    %eq3A_1448 = arith.cmpf oeq, %gather3A_1447, %convert_element_type3A_1433 : vector<16xf32>
    %and3A_1449 = arith.andi %and3A_1440, %eq3A_1448 : vector<16xi1>
    %jit3A_1450 = arith.constant 3.000000e+00 : f32
    %jit3A_1451 = arith.constant 0.000000e+00 : f32
    %broadcast_in_dim3A_1452 = vector.broadcast %jit3A_1450 : f32 to vector<16xf32>
    %broadcast_in_dim3A_1453 = vector.broadcast %jit3A_1451 : f32 to vector<16xf32>
    %select_n3A_1454 = arith.select %and3A_1449, %broadcast_in_dim3A_1452, %broadcast_in_dim3A_1453 : vector<16xi1>, vector<16xf32>
    %get3A_1455 = arith.constant 160 : index
    %get3A_1456 = tpu.vector_load %arg11[%get3A_1455] {strides = array<i32>} : memref<256xf32, #tpu.memory_space<vmem>>, vector<16xf32>,
    %add3A_1457 = arith.addf %get3A_1456, %select_n3A_1454 : vector<16xf32>
    %swap3A_1458 = arith.constant 160 : index
    %swap3A_1459 = tpu.vector_load %arg11[%swap3A_1458] {strides = array<i32>} : memref<256xf32, #tpu.memory_space<vmem>>, vector<16xf32>,
    tpu.vector_store %arg11[%swap3A_1458], %add3A_1457 {strides = array<i32>} : memref<256xf32, #tpu.memory_space<vmem>>, vector<16xf32>,
    %get3A_1460 = arith.constant 176 : index
    %get3A_1461 = tpu.vector_load %arg10[%get3A_1460] {strides = array<i32>} : memref<256xi32, #tpu.memory_space<vmem>>, vector<16xi32>,
    %add3A_1462 = arith.constant 177 : i32
    %add3A_1463 = vector.broadcast %add3A_1462 : i32 to vector<16xi32>
    %add3A_1464 = arith.addi %iota3A, %add3A_1463 : vector<16xi32>
    %convert_element_type3A_1465 = arith.sitofp %add3A_1464 : vector<16xi32> to vector<16xf32>
    %ge3A_1466 = arith.constant 50048 : i32
    %ge3A_1467 = vector.broadcast %ge3A_1466 : i32 to vector<16xi32>
    %ge3A_1468 = arith.cmpi sge, %get3A_1461, %ge3A_1467 : vector<16xi32>
    %lt3A_1469 = arith.constant 100000 : i32
    %lt3A_1470 = vector.broadcast %lt3A_1469 : i32 to vector<16xi32>
    %lt3A_1471 = arith.cmpi slt, %get3A_1461, %lt3A_1470 : vector<16xi32>
    %and3A_1472 = arith.andi %ge3A_1468, %lt3A_1471 : vector<16xi1>
    %sub3A_1473 = arith.constant 50048 : i32
    %sub3A_1474 = vector.broadcast %sub3A_1473 : i32 to vector<16xi32>
    %sub3A_1475 = arith.subi %get3A_1461, %sub3A_1474 : vector<16xi32>
    %jit3A_1476 = arith.constant 0 : i32
    %broadcast_in_dim3A_1477 = vector.broadcast %jit3A_1476 : i32 to vector<16xi32>
    %select_n3A_1478 = arith.select %and3A_1472, %sub3A_1475, %broadcast_in_dim3A_1477 : vector<16xi1>, vector<16xi32>
    %gather3A_1479 = tpu.vector_load_idx %arg6[%select_n3A_1478] : memref<50048xf32, #tpu.memory_space<vmem>>[vector<16xi32>], vector<16xf32>,
    %eq3A_1480 = arith.cmpf oeq, %gather3A_1479, %convert_element_type3A_1465 : vector<16xf32>
    %and3A_1481 = arith.andi %and3A_1472, %eq3A_1480 : vector<16xi1>
    %jit3A_1482 = arith.constant 3.000000e+00 : f32
    %jit3A_1483 = arith.constant 0.000000e+00 : f32
    %broadcast_in_dim3A_1484 = vector.broadcast %jit3A_1482 : f32 to vector<16xf32>
    %broadcast_in_dim3A_1485 = vector.broadcast %jit3A_1483 : f32 to vector<16xf32>
    %select_n3A_1486 = arith.select %and3A_1481, %broadcast_in_dim3A_1484, %broadcast_in_dim3A_1485 : vector<16xi1>, vector<16xf32>
    %get3A_1487 = arith.constant 176 : index
    %get3A_1488 = tpu.vector_load %arg11[%get3A_1487] {strides = array<i32>} : memref<256xf32, #tpu.memory_space<vmem>>, vector<16xf32>,
    %add3A_1489 = arith.addf %get3A_1488, %select_n3A_1486 : vector<16xf32>
    %swap3A_1490 = arith.constant 176 : index
    %swap3A_1491 = tpu.vector_load %arg11[%swap3A_1490] {strides = array<i32>} : memref<256xf32, #tpu.memory_space<vmem>>, vector<16xf32>,
    tpu.vector_store %arg11[%swap3A_1490], %add3A_1489 {strides = array<i32>} : memref<256xf32, #tpu.memory_space<vmem>>, vector<16xf32>,
    %get3A_1492 = arith.constant 192 : index
    %get3A_1493 = tpu.vector_load %arg10[%get3A_1492] {strides = array<i32>} : memref<256xi32, #tpu.memory_space<vmem>>, vector<16xi32>,
    %add3A_1494 = arith.constant 193 : i32
    %add3A_1495 = vector.broadcast %add3A_1494 : i32 to vector<16xi32>
    %add3A_1496 = arith.addi %iota3A, %add3A_1495 : vector<16xi32>
    %convert_element_type3A_1497 = arith.sitofp %add3A_1496 : vector<16xi32> to vector<16xf32>
    %ge3A_1498 = arith.constant 50048 : i32
    %ge3A_1499 = vector.broadcast %ge3A_1498 : i32 to vector<16xi32>
    %ge3A_1500 = arith.cmpi sge, %get3A_1493, %ge3A_1499 : vector<16xi32>
    %lt3A_1501 = arith.constant 100000 : i32
    %lt3A_1502 = vector.broadcast %lt3A_1501 : i32 to vector<16xi32>
    %lt3A_1503 = arith.cmpi slt, %get3A_1493, %lt3A_1502 : vector<16xi32>
    %and3A_1504 = arith.andi %ge3A_1500, %lt3A_1503 : vector<16xi1>
    %sub3A_1505 = arith.constant 50048 : i32
    %sub3A_1506 = vector.broadcast %sub3A_1505 : i32 to vector<16xi32>
    %sub3A_1507 = arith.subi %get3A_1493, %sub3A_1506 : vector<16xi32>
    %jit3A_1508 = arith.constant 0 : i32
    %broadcast_in_dim3A_1509 = vector.broadcast %jit3A_1508 : i32 to vector<16xi32>
    %select_n3A_1510 = arith.select %and3A_1504, %sub3A_1507, %broadcast_in_dim3A_1509 : vector<16xi1>, vector<16xi32>
    %gather3A_1511 = tpu.vector_load_idx %arg6[%select_n3A_1510] : memref<50048xf32, #tpu.memory_space<vmem>>[vector<16xi32>], vector<16xf32>,
    %eq3A_1512 = arith.cmpf oeq, %gather3A_1511, %convert_element_type3A_1497 : vector<16xf32>
    %and3A_1513 = arith.andi %and3A_1504, %eq3A_1512 : vector<16xi1>
    %jit3A_1514 = arith.constant 3.000000e+00 : f32
    %jit3A_1515 = arith.constant 0.000000e+00 : f32
    %broadcast_in_dim3A_1516 = vector.broadcast %jit3A_1514 : f32 to vector<16xf32>
    %broadcast_in_dim3A_1517 = vector.broadcast %jit3A_1515 : f32 to vector<16xf32>
    %select_n3A_1518 = arith.select %and3A_1513, %broadcast_in_dim3A_1516, %broadcast_in_dim3A_1517 : vector<16xi1>, vector<16xf32>
    %get3A_1519 = arith.constant 192 : index
    %get3A_1520 = tpu.vector_load %arg11[%get3A_1519] {strides = array<i32>} : memref<256xf32, #tpu.memory_space<vmem>>, vector<16xf32>,
    %add3A_1521 = arith.addf %get3A_1520, %select_n3A_1518 : vector<16xf32>
    %swap3A_1522 = arith.constant 192 : index
    %swap3A_1523 = tpu.vector_load %arg11[%swap3A_1522] {strides = array<i32>} : memref<256xf32, #tpu.memory_space<vmem>>, vector<16xf32>,
    tpu.vector_store %arg11[%swap3A_1522], %add3A_1521 {strides = array<i32>} : memref<256xf32, #tpu.memory_space<vmem>>, vector<16xf32>,
    %get3A_1524 = arith.constant 208 : index
    %get3A_1525 = tpu.vector_load %arg10[%get3A_1524] {strides = array<i32>} : memref<256xi32, #tpu.memory_space<vmem>>, vector<16xi32>,
    %add3A_1526 = arith.constant 209 : i32
    %add3A_1527 = vector.broadcast %add3A_1526 : i32 to vector<16xi32>
    %add3A_1528 = arith.addi %iota3A, %add3A_1527 : vector<16xi32>
    %convert_element_type3A_1529 = arith.sitofp %add3A_1528 : vector<16xi32> to vector<16xf32>
    %ge3A_1530 = arith.constant 50048 : i32
    %ge3A_1531 = vector.broadcast %ge3A_1530 : i32 to vector<16xi32>
    %ge3A_1532 = arith.cmpi sge, %get3A_1525, %ge3A_1531 : vector<16xi32>
    %lt3A_1533 = arith.constant 100000 : i32
    %lt3A_1534 = vector.broadcast %lt3A_1533 : i32 to vector<16xi32>
    %lt3A_1535 = arith.cmpi slt, %get3A_1525, %lt3A_1534 : vector<16xi32>
    %and3A_1536 = arith.andi %ge3A_1532, %lt3A_1535 : vector<16xi1>
    %sub3A_1537 = arith.constant 50048 : i32
    %sub3A_1538 = vector.broadcast %sub3A_1537 : i32 to vector<16xi32>
    %sub3A_1539 = arith.subi %get3A_1525, %sub3A_1538 : vector<16xi32>
    %jit3A_1540 = arith.constant 0 : i32
    %broadcast_in_dim3A_1541 = vector.broadcast %jit3A_1540 : i32 to vector<16xi32>
    %select_n3A_1542 = arith.select %and3A_1536, %sub3A_1539, %broadcast_in_dim3A_1541 : vector<16xi1>, vector<16xi32>
    %gather3A_1543 = tpu.vector_load_idx %arg6[%select_n3A_1542] : memref<50048xf32, #tpu.memory_space<vmem>>[vector<16xi32>], vector<16xf32>,
    %eq3A_1544 = arith.cmpf oeq, %gather3A_1543, %convert_element_type3A_1529 : vector<16xf32>
    %and3A_1545 = arith.andi %and3A_1536, %eq3A_1544 : vector<16xi1>
    %jit3A_1546 = arith.constant 3.000000e+00 : f32
    %jit3A_1547 = arith.constant 0.000000e+00 : f32
    %broadcast_in_dim3A_1548 = vector.broadcast %jit3A_1546 : f32 to vector<16xf32>
    %broadcast_in_dim3A_1549 = vector.broadcast %jit3A_1547 : f32 to vector<16xf32>
    %select_n3A_1550 = arith.select %and3A_1545, %broadcast_in_dim3A_1548, %broadcast_in_dim3A_1549 : vector<16xi1>, vector<16xf32>
    %get3A_1551 = arith.constant 208 : index
    %get3A_1552 = tpu.vector_load %arg11[%get3A_1551] {strides = array<i32>} : memref<256xf32, #tpu.memory_space<vmem>>, vector<16xf32>,
    %add3A_1553 = arith.addf %get3A_1552, %select_n3A_1550 : vector<16xf32>
    %swap3A_1554 = arith.constant 208 : index
    %swap3A_1555 = tpu.vector_load %arg11[%swap3A_1554] {strides = array<i32>} : memref<256xf32, #tpu.memory_space<vmem>>, vector<16xf32>,
    tpu.vector_store %arg11[%swap3A_1554], %add3A_1553 {strides = array<i32>} : memref<256xf32, #tpu.memory_space<vmem>>, vector<16xf32>,
    %get3A_1556 = arith.constant 224 : index
    %get3A_1557 = tpu.vector_load %arg10[%get3A_1556] {strides = array<i32>} : memref<256xi32, #tpu.memory_space<vmem>>, vector<16xi32>,
    %add3A_1558 = arith.constant 225 : i32
    %add3A_1559 = vector.broadcast %add3A_1558 : i32 to vector<16xi32>
    %add3A_1560 = arith.addi %iota3A, %add3A_1559 : vector<16xi32>
    %convert_element_type3A_1561 = arith.sitofp %add3A_1560 : vector<16xi32> to vector<16xf32>
    %ge3A_1562 = arith.constant 50048 : i32
    %ge3A_1563 = vector.broadcast %ge3A_1562 : i32 to vector<16xi32>
    %ge3A_1564 = arith.cmpi sge, %get3A_1557, %ge3A_1563 : vector<16xi32>
    %lt3A_1565 = arith.constant 100000 : i32
    %lt3A_1566 = vector.broadcast %lt3A_1565 : i32 to vector<16xi32>
    %lt3A_1567 = arith.cmpi slt, %get3A_1557, %lt3A_1566 : vector<16xi32>
    %and3A_1568 = arith.andi %ge3A_1564, %lt3A_1567 : vector<16xi1>
    %sub3A_1569 = arith.constant 50048 : i32
    %sub3A_1570 = vector.broadcast %sub3A_1569 : i32 to vector<16xi32>
    %sub3A_1571 = arith.subi %get3A_1557, %sub3A_1570 : vector<16xi32>
    %jit3A_1572 = arith.constant 0 : i32
    %broadcast_in_dim3A_1573 = vector.broadcast %jit3A_1572 : i32 to vector<16xi32>
    %select_n3A_1574 = arith.select %and3A_1568, %sub3A_1571, %broadcast_in_dim3A_1573 : vector<16xi1>, vector<16xi32>
    %gather3A_1575 = tpu.vector_load_idx %arg6[%select_n3A_1574] : memref<50048xf32, #tpu.memory_space<vmem>>[vector<16xi32>], vector<16xf32>,
    %eq3A_1576 = arith.cmpf oeq, %gather3A_1575, %convert_element_type3A_1561 : vector<16xf32>
    %and3A_1577 = arith.andi %and3A_1568, %eq3A_1576 : vector<16xi1>
    %jit3A_1578 = arith.constant 3.000000e+00 : f32
    %jit3A_1579 = arith.constant 0.000000e+00 : f32
    %broadcast_in_dim3A_1580 = vector.broadcast %jit3A_1578 : f32 to vector<16xf32>
    %broadcast_in_dim3A_1581 = vector.broadcast %jit3A_1579 : f32 to vector<16xf32>
    %select_n3A_1582 = arith.select %and3A_1577, %broadcast_in_dim3A_1580, %broadcast_in_dim3A_1581 : vector<16xi1>, vector<16xf32>
    %get3A_1583 = arith.constant 224 : index
    %get3A_1584 = tpu.vector_load %arg11[%get3A_1583] {strides = array<i32>} : memref<256xf32, #tpu.memory_space<vmem>>, vector<16xf32>,
    %add3A_1585 = arith.addf %get3A_1584, %select_n3A_1582 : vector<16xf32>
    %swap3A_1586 = arith.constant 224 : index
    %swap3A_1587 = tpu.vector_load %arg11[%swap3A_1586] {strides = array<i32>} : memref<256xf32, #tpu.memory_space<vmem>>, vector<16xf32>,
    tpu.vector_store %arg11[%swap3A_1586], %add3A_1585 {strides = array<i32>} : memref<256xf32, #tpu.memory_space<vmem>>, vector<16xf32>,
    %get3A_1588 = arith.constant 240 : index
    %get3A_1589 = tpu.vector_load %arg10[%get3A_1588] {strides = array<i32>} : memref<256xi32, #tpu.memory_space<vmem>>, vector<16xi32>,
    %add3A_1590 = arith.constant 241 : i32
    %add3A_1591 = vector.broadcast %add3A_1590 : i32 to vector<16xi32>
    %add3A_1592 = arith.addi %iota3A, %add3A_1591 : vector<16xi32>
    %convert_element_type3A_1593 = arith.sitofp %add3A_1592 : vector<16xi32> to vector<16xf32>
    %ge3A_1594 = arith.constant 50048 : i32
    %ge3A_1595 = vector.broadcast %ge3A_1594 : i32 to vector<16xi32>
    %ge3A_1596 = arith.cmpi sge, %get3A_1589, %ge3A_1595 : vector<16xi32>
    %lt3A_1597 = arith.constant 100000 : i32
    %lt3A_1598 = vector.broadcast %lt3A_1597 : i32 to vector<16xi32>
    %lt3A_1599 = arith.cmpi slt, %get3A_1589, %lt3A_1598 : vector<16xi32>
    %and3A_1600 = arith.andi %ge3A_1596, %lt3A_1599 : vector<16xi1>
    %sub3A_1601 = arith.constant 50048 : i32
    %sub3A_1602 = vector.broadcast %sub3A_1601 : i32 to vector<16xi32>
    %sub3A_1603 = arith.subi %get3A_1589, %sub3A_1602 : vector<16xi32>
    %jit3A_1604 = arith.constant 0 : i32
    %broadcast_in_dim3A_1605 = vector.broadcast %jit3A_1604 : i32 to vector<16xi32>
    %select_n3A_1606 = arith.select %and3A_1600, %sub3A_1603, %broadcast_in_dim3A_1605 : vector<16xi1>, vector<16xi32>
    %gather3A_1607 = tpu.vector_load_idx %arg6[%select_n3A_1606] : memref<50048xf32, #tpu.memory_space<vmem>>[vector<16xi32>], vector<16xf32>,
    %eq3A_1608 = arith.cmpf oeq, %gather3A_1607, %convert_element_type3A_1593 : vector<16xf32>
    %and3A_1609 = arith.andi %and3A_1600, %eq3A_1608 : vector<16xi1>
    %jit3A_1610 = arith.constant 3.000000e+00 : f32
    %jit3A_1611 = arith.constant 0.000000e+00 : f32
    %broadcast_in_dim3A_1612 = vector.broadcast %jit3A_1610 : f32 to vector<16xf32>
    %broadcast_in_dim3A_1613 = vector.broadcast %jit3A_1611 : f32 to vector<16xf32>
    %select_n3A_1614 = arith.select %and3A_1609, %broadcast_in_dim3A_1612, %broadcast_in_dim3A_1613 : vector<16xi1>, vector<16xf32>
    %get3A_1615 = arith.constant 240 : index
    %get3A_1616 = tpu.vector_load %arg11[%get3A_1615] {strides = array<i32>} : memref<256xf32, #tpu.memory_space<vmem>>, vector<16xf32>,
    %add3A_1617 = arith.addf %get3A_1616, %select_n3A_1614 : vector<16xf32>
    %swap3A_1618 = arith.constant 240 : index
    %swap3A_1619 = tpu.vector_load %arg11[%swap3A_1618] {strides = array<i32>} : memref<256xf32, #tpu.memory_space<vmem>>, vector<16xf32>,
    tpu.vector_store %arg11[%swap3A_1618], %add3A_1617 {strides = array<i32>} : memref<256xf32, #tpu.memory_space<vmem>>, vector<16xf32>,
    %mul3A_1620 = arith.constant 2 : i32
    %mul3A_1621 = arith.muli %add3A, %mul3A_1620 : i32
    %add3A_1622 = arith.constant 0 : i32
    %add3A_1623 = arith.addi %mul3A_1621, %add3A_1622 : i32
    %dma_start3A_1624 = arith.constant 0 : i32
    %dma_start3A_1625 = tpu.memref_slice %arg2[%add3A_1623, %dma_start3A_1624] : memref<64x100000xf32, #tpu.memory_space<hbm>> -> memref<1x100000xf32, #tpu.memory_space<hbm>>
    %dma_start3A_1626 = tpu.memref_squeeze %dma_start3A_1625 : memref<1x100000xf32, #tpu.memory_space<hbm>> -> memref<100000xf32, #tpu.memory_space<hbm>>
    %dma_start3A_1627 = arith.constant 0 : i32
    %dma_start3A_1628 = tpu.memref_slice %dma_start3A_1626[%dma_start3A_1627] : memref<100000xf32, #tpu.memory_space<hbm>> -> memref<50048xf32, #tpu.memory_space<hbm>>
    %dma_start3A_1629 = arith.constant 0 : i32
    %dma_start3A_1630 = tpu.memref_slice %arg2[%add3A_1623, %dma_start3A_1629] : memref<64x100000xf32, #tpu.memory_space<hbm>> -> memref<1x100000xf32, #tpu.memory_space<hbm>>
    %dma_start3A_1631 = tpu.memref_squeeze %dma_start3A_1630 : memref<1x100000xf32, #tpu.memory_space<hbm>> -> memref<100000xf32, #tpu.memory_space<hbm>>
    %dma_start3A_1632 = arith.constant 0 : i32
    %dma_start3A_1633 = tpu.memref_slice %dma_start3A_1631[%dma_start3A_1632] : memref<100000xf32, #tpu.memory_space<hbm>> -> memref<50048xf32, #tpu.memory_space<hbm>>
    tpu.enqueue_dma source(%dma_start3A_1633 : memref<50048xf32, #tpu.memory_space<hbm>>) target(%arg6 : memref<50048xf32, #tpu.memory_space<vmem>>) target_semaphore(%arg13 : memref<!tpu.dma_semaphore, #tpu.memory_space<semaphore_mem>>)
    %dma_wait3A = arith.constant 0 : i32
    %dma_wait3A_1634 = arith.constant 0 : i32
    %dma_wait3A_1635 = tpu.memref_slice %arg8[%dma_wait3A, %dma_wait3A_1634] : memref<2x512xi32, #tpu.memory_space<vmem>> -> memref<1x512xi32, #tpu.memory_space<vmem>>
    %dma_wait3A_1636 = tpu.memref_squeeze %dma_wait3A_1635 : memref<1x512xi32, #tpu.memory_space<vmem>> -> memref<512xi32, #tpu.memory_space<vmem>>
    %dma_wait3A_1637 = arith.constant 0 : i32
    %dma_wait3A_1638 = tpu.memref_slice %arg3[%add3A_17, %dma_wait3A_1637] : memref<64x512xi32, #tpu.memory_space<hbm>> -> memref<1x512xi32, #tpu.memory_space<hbm>>
    %dma_wait3A_1639 = tpu.memref_squeeze %dma_wait3A_1638 : memref<1x512xi32, #tpu.memory_space<hbm>> -> memref<512xi32, #tpu.memory_space<hbm>>
    %dma_wait3A_1640 = arith.constant 0 : i32
    %dma_wait3A_1641 = tpu.memref_slice %arg8[%dma_wait3A, %dma_wait3A_1640] : memref<2x512xi32, #tpu.memory_space<vmem>> -> memref<1x512xi32, #tpu.memory_space<vmem>>
    %dma_wait3A_1642 = tpu.memref_squeeze %dma_wait3A_1641 : memref<1x512xi32, #tpu.memory_space<vmem>> -> memref<512xi32, #tpu.memory_space<vmem>>
    %dma_wait3A_1643 = arith.constant 0 : i32
    %dma_wait3A_1644 = tpu.memref_slice %arg3[%add3A_17, %dma_wait3A_1643] : memref<64x512xi32, #tpu.memory_space<hbm>> -> memref<1x512xi32, #tpu.memory_space<hbm>>
    %dma_wait3A_1645 = tpu.memref_squeeze %dma_wait3A_1644 : memref<1x512xi32, #tpu.memory_space<hbm>> -> memref<512xi32, #tpu.memory_space<hbm>>
    tpu.wait_dma2 semaphore(%arg12 : memref<!tpu.dma_semaphore, #tpu.memory_space<semaphore_mem>>) src(%dma_wait3A_1645 : memref<512xi32, #tpu.memory_space<hbm>>) dst(%dma_wait3A_1642 : memref<512xi32, #tpu.memory_space<vmem>>)
    %dma_wait3A_1646 = arith.constant 1 : i32
    %dma_wait3A_1647 = arith.constant 0 : i32
    %dma_wait3A_1648 = tpu.memref_slice %arg8[%dma_wait3A_1646, %dma_wait3A_1647] : memref<2x512xi32, #tpu.memory_space<vmem>> -> memref<1x512xi32, #tpu.memory_space<vmem>>
    %dma_wait3A_1649 = tpu.memref_squeeze %dma_wait3A_1648 : memref<1x512xi32, #tpu.memory_space<vmem>> -> memref<512xi32, #tpu.memory_space<vmem>>
    %dma_wait3A_1650 = arith.constant 0 : i32
    %dma_wait3A_1651 = tpu.memref_slice %arg3[%add3A_34, %dma_wait3A_1650] : memref<64x512xi32, #tpu.memory_space<hbm>> -> memref<1x512xi32, #tpu.memory_space<hbm>>
    %dma_wait3A_1652 = tpu.memref_squeeze %dma_wait3A_1651 : memref<1x512xi32, #tpu.memory_space<hbm>> -> memref<512xi32, #tpu.memory_space<hbm>>
    %dma_wait3A_1653 = arith.constant 0 : i32
    %dma_wait3A_1654 = tpu.memref_slice %arg8[%dma_wait3A_1646, %dma_wait3A_1653] : memref<2x512xi32, #tpu.memory_space<vmem>> -> memref<1x512xi32, #tpu.memory_space<vmem>>
    %dma_wait3A_1655 = tpu.memref_squeeze %dma_wait3A_1654 : memref<1x512xi32, #tpu.memory_space<vmem>> -> memref<512xi32, #tpu.memory_space<vmem>>
    %dma_wait3A_1656 = arith.constant 0 : i32
    %dma_wait3A_1657 = tpu.memref_slice %arg3[%add3A_34, %dma_wait3A_1656] : memref<64x512xi32, #tpu.memory_space<hbm>> -> memref<1x512xi32, #tpu.memory_space<hbm>>
    %dma_wait3A_1658 = tpu.memref_squeeze %dma_wait3A_1657 : memref<1x512xi32, #tpu.memory_space<hbm>> -> memref<512xi32, #tpu.memory_space<hbm>>
    tpu.wait_dma2 semaphore(%arg12 : memref<!tpu.dma_semaphore, #tpu.memory_space<semaphore_mem>>) src(%dma_wait3A_1658 : memref<512xi32, #tpu.memory_space<hbm>>) dst(%dma_wait3A_1655 : memref<512xi32, #tpu.memory_space<vmem>>)
    %broadcast_in_dim3A_1659 = arith.constant 0xFF800000 : f32
    %broadcast_in_dim3A_1660 = vector.broadcast %broadcast_in_dim3A_1659 : f32 to vector<16xf32>
    %mul3A_1661 = arith.constant 2 : i32
    %mul3A_1662 = arith.muli %add3A, %mul3A_1661 : i32
    %add3A_1663 = arith.constant 0 : i32
    %add3A_1664 = arith.addi %mul3A_1662, %add3A_1663 : i32
    %dma_wait3A_1665 = arith.constant 0 : i32
    %dma_wait3A_1666 = tpu.memref_slice %arg2[%add3A_4, %dma_wait3A_1665] : memref<64x100000xf32, #tpu.memory_space<hbm>> -> memref<1x100000xf32, #tpu.memory_space<hbm>>
    %dma_wait3A_1667 = tpu.memref_squeeze %dma_wait3A_1666 : memref<1x100000xf32, #tpu.memory_space<hbm>> -> memref<100000xf32, #tpu.memory_space<hbm>>
    %dma_wait3A_1668 = arith.constant 50048 : i32
    %dma_wait3A_1669 = tpu.memref_slice %dma_wait3A_1667[%dma_wait3A_1668] : memref<100000xf32, #tpu.memory_space<hbm>> -> memref<49952xf32, #tpu.memory_space<hbm>>
    %dma_wait3A_1670 = arith.constant 0 : i32
    %dma_wait3A_1671 = tpu.memref_slice %arg2[%add3A_4, %dma_wait3A_1670] : memref<64x100000xf32, #tpu.memory_space<hbm>> -> memref<1x100000xf32, #tpu.memory_space<hbm>>
    %dma_wait3A_1672 = tpu.memref_squeeze %dma_wait3A_1671 : memref<1x100000xf32, #tpu.memory_space<hbm>> -> memref<100000xf32, #tpu.memory_space<hbm>>
    %dma_wait3A_1673 = arith.constant 50048 : i32
    %dma_wait3A_1674 = tpu.memref_slice %dma_wait3A_1672[%dma_wait3A_1673] : memref<100000xf32, #tpu.memory_space<hbm>> -> memref<49952xf32, #tpu.memory_space<hbm>>
    tpu.wait_dma2 semaphore(%arg14 : memref<!tpu.dma_semaphore, #tpu.memory_space<semaphore_mem>>) src(%dma_wait3A_1674 : memref<49952xf32, #tpu.memory_space<hbm>>) dst(%arg7 : memref<49952xf32, #tpu.memory_space<vmem>>)
    %scan3A = arith.constant 0 : i32
    %scan3A_1675 = arith.constant 0 : i32
    %scan3A_1676 = arith.constant 32 : i32
    %scan3A_1677 = arith.addi %scan3A_1675, %scan3A_1676 : i32
    %scan3A_1678 = arith.constant 1 : i32
    %scan3A_1679 = scf.for %scan3A_2076 = %scan3A_1675 to %scan3A_1677 step %scan3A_1678 iter_args(%scan3A_2077 = %scan3A) -> (i32)  : i32 {
      %mul3A_2078 = arith.constant 16 : i32
      %mul3A_2079 = arith.muli %scan3A_2076, %mul3A_2078 : i32
      %get3A_2080 = arith.constant 0 : i32
      %get3A_2081 = arith.index_cast %get3A_2080 : i32 to index
      %get3A_2082 = arith.index_cast %mul3A_2079 : i32 to index
      %get3A_2083 = tpu.vector_load %arg8[%get3A_2081, %get3A_2082] {strides = array<i32>} : memref<2x512xi32, #tpu.memory_space<vmem>>, vector<16xi32>,
      %ge3A_2084 = arith.constant 50048 : i32
      %ge3A_2085 = vector.broadcast %ge3A_2084 : i32 to vector<16xi32>
      %ge3A_2086 = arith.cmpi sge, %get3A_2083, %ge3A_2085 : vector<16xi32>
      %lt3A_2087 = arith.constant 100000 : i32
      %lt3A_2088 = vector.broadcast %lt3A_2087 : i32 to vector<16xi32>
      %lt3A_2089 = arith.cmpi slt, %get3A_2083, %lt3A_2088 : vector<16xi32>
      %and3A_2090 = arith.andi %ge3A_2086, %lt3A_2089 : vector<16xi1>
      %sub3A_2091 = arith.constant 50048 : i32
      %sub3A_2092 = vector.broadcast %sub3A_2091 : i32 to vector<16xi32>
      %sub3A_2093 = arith.subi %get3A_2083, %sub3A_2092 : vector<16xi32>
      %jit3A_2094 = arith.constant 0 : i32
      %broadcast_in_dim3A_2095 = vector.broadcast %jit3A_2094 : i32 to vector<16xi32>
      %select_n3A_2096 = arith.select %and3A_2090, %sub3A_2093, %broadcast_in_dim3A_2095 : vector<16xi1>, vector<16xi32>
      %gather3A_2097 = tpu.vector_load_idx %arg7[%select_n3A_2096] : memref<49952xf32, #tpu.memory_space<vmem>>[vector<16xi32>], vector<16xf32>,
      %mul3A_2098 = arith.constant 16 : i32
      %mul3A_2099 = arith.muli %scan3A_2076, %mul3A_2098 : i32
      %swap3A_2100 = arith.index_cast %mul3A_2099 : i32 to index
      %swap3A_2101 = tpu.vector_load %arg9[%swap3A_2100] {strides = array<i32>} : memref<512xf32, #tpu.memory_space<vmem>>, vector<16xf32>,
      tpu.vector_store %arg9[%swap3A_2100], %gather3A_2097 {strides = array<i32>} : memref<512xf32, #tpu.memory_space<vmem>>, vector<16xf32>,
      %scan3A_2102 = arith.constant 0 : i32
      scf.yield %scan3A_2102 : i32
    }
    %scan3A_1680 = arith.constant 32 : i32
    %scan3A_1681 = arith.constant 0 : i32
    %scan3A_1682 = arith.constant 0 : i32
    %scan3A_1683 = arith.constant 3120 : i32
    %scan3A_1684 = arith.addi %scan3A_1682, %scan3A_1683 : i32
    %scan3A_1685 = arith.constant 16 : i32
    %scan3A_1686 = scf.for %scan3A_2076 = %scan3A_1682 to %scan3A_1684 step %scan3A_1685 iter_args(%scan3A_2077 = %scan3A_1681) -> (i32)  : i32 {
      %mul3A_2078 = arith.constant 16 : i32
      %mul3A_2079 = arith.muli %scan3A_2076, %mul3A_2078 : i32
      %swap3A_2080 = arith.index_cast %mul3A_2079 : i32 to index
      %swap3A_2081 = tpu.vector_load %arg7[%swap3A_2080] {strides = array<i32>} : memref<49952xf32, #tpu.memory_space<vmem>>, vector<16xf32>,
      tpu.vector_store %arg7[%swap3A_2080], %broadcast_in_dim3A_1660 {strides = array<i32>} : memref<49952xf32, #tpu.memory_space<vmem>>, vector<16xf32>,
      %scan3A_2082 = arith.constant 0 : i32
      %scan3A_2083 = arith.constant 1 : i32
      %scan3A_2084 = arith.addi %scan3A_2076, %scan3A_2083 : i32
      %mul3A_2085 = arith.constant 16 : i32
      %mul3A_2086 = arith.muli %scan3A_2084, %mul3A_2085 : i32
      %swap3A_2087 = arith.index_cast %mul3A_2086 : i32 to index
      %swap3A_2088 = tpu.vector_load %arg7[%swap3A_2087] {strides = array<i32>} : memref<49952xf32, #tpu.memory_space<vmem>>, vector<16xf32>,
      tpu.vector_store %arg7[%swap3A_2087], %broadcast_in_dim3A_1660 {strides = array<i32>} : memref<49952xf32, #tpu.memory_space<vmem>>, vector<16xf32>,
      %scan3A_2089 = arith.constant 0 : i32
      %scan3A_2090 = arith.constant 2 : i32
      %scan3A_2091 = arith.addi %scan3A_2076, %scan3A_2090 : i32
      %mul3A_2092 = arith.constant 16 : i32
      %mul3A_2093 = arith.muli %scan3A_2091, %mul3A_2092 : i32
      %swap3A_2094 = arith.index_cast %mul3A_2093 : i32 to index
      %swap3A_2095 = tpu.vector_load %arg7[%swap3A_2094] {strides = array<i32>} : memref<49952xf32, #tpu.memory_space<vmem>>, vector<16xf32>,
      tpu.vector_store %arg7[%swap3A_2094], %broadcast_in_dim3A_1660 {strides = array<i32>} : memref<49952xf32, #tpu.memory_space<vmem>>, vector<16xf32>,
      %scan3A_2096 = arith.constant 0 : i32
      %scan3A_2097 = arith.constant 3 : i32
      %scan3A_2098 = arith.addi %scan3A_2076, %scan3A_2097 : i32
      %mul3A_2099 = arith.constant 16 : i32
      %mul3A_2100 = arith.muli %scan3A_2098, %mul3A_2099 : i32
      %swap3A_2101 = arith.index_cast %mul3A_2100 : i32 to index
      %swap3A_2102 = tpu.vector_load %arg7[%swap3A_2101] {strides = array<i32>} : memref<49952xf32, #tpu.memory_space<vmem>>, vector<16xf32>,
      tpu.vector_store %arg7[%swap3A_2101], %broadcast_in_dim3A_1660 {strides = array<i32>} : memref<49952xf32, #tpu.memory_space<vmem>>, vector<16xf32>,
      %scan3A_2103 = arith.constant 0 : i32
      %scan3A_2104 = arith.constant 4 : i32
      %scan3A_2105 = arith.addi %scan3A_2076, %scan3A_2104 : i32
      %mul3A_2106 = arith.constant 16 : i32
      %mul3A_2107 = arith.muli %scan3A_2105, %mul3A_2106 : i32
      %swap3A_2108 = arith.index_cast %mul3A_2107 : i32 to index
      %swap3A_2109 = tpu.vector_load %arg7[%swap3A_2108] {strides = array<i32>} : memref<49952xf32, #tpu.memory_space<vmem>>, vector<16xf32>,
      tpu.vector_store %arg7[%swap3A_2108], %broadcast_in_dim3A_1660 {strides = array<i32>} : memref<49952xf32, #tpu.memory_space<vmem>>, vector<16xf32>,
      %scan3A_2110 = arith.constant 0 : i32
      %scan3A_2111 = arith.constant 5 : i32
      %scan3A_2112 = arith.addi %scan3A_2076, %scan3A_2111 : i32
      %mul3A_2113 = arith.constant 16 : i32
      %mul3A_2114 = arith.muli %scan3A_2112, %mul3A_2113 : i32
      %swap3A_2115 = arith.index_cast %mul3A_2114 : i32 to index
      %swap3A_2116 = tpu.vector_load %arg7[%swap3A_2115] {strides = array<i32>} : memref<49952xf32, #tpu.memory_space<vmem>>, vector<16xf32>,
      tpu.vector_store %arg7[%swap3A_2115], %broadcast_in_dim3A_1660 {strides = array<i32>} : memref<49952xf32, #tpu.memory_space<vmem>>, vector<16xf32>,
      %scan3A_2117 = arith.constant 0 : i32
      %scan3A_2118 = arith.constant 6 : i32
      %scan3A_2119 = arith.addi %scan3A_2076, %scan3A_2118 : i32
      %mul3A_2120 = arith.constant 16 : i32
      %mul3A_2121 = arith.muli %scan3A_2119, %mul3A_2120 : i32
      %swap3A_2122 = arith.index_cast %mul3A_2121 : i32 to index
      %swap3A_2123 = tpu.vector_load %arg7[%swap3A_2122] {strides = array<i32>} : memref<49952xf32, #tpu.memory_space<vmem>>, vector<16xf32>,
      tpu.vector_store %arg7[%swap3A_2122], %broadcast_in_dim3A_1660 {strides = array<i32>} : memref<49952xf32, #tpu.memory_space<vmem>>, vector<16xf32>,
      %scan3A_2124 = arith.constant 0 : i32
      %scan3A_2125 = arith.constant 7 : i32
      %scan3A_2126 = arith.addi %scan3A_2076, %scan3A_2125 : i32
      %mul3A_2127 = arith.constant 16 : i32
      %mul3A_2128 = arith.muli %scan3A_2126, %mul3A_2127 : i32
      %swap3A_2129 = arith.index_cast %mul3A_2128 : i32 to index
      %swap3A_2130 = tpu.vector_load %arg7[%swap3A_2129] {strides = array<i32>} : memref<49952xf32, #tpu.memory_space<vmem>>, vector<16xf32>,
      tpu.vector_store %arg7[%swap3A_2129], %broadcast_in_dim3A_1660 {strides = array<i32>} : memref<49952xf32, #tpu.memory_space<vmem>>, vector<16xf32>,
      %scan3A_2131 = arith.constant 0 : i32
      %scan3A_2132 = arith.constant 8 : i32
      %scan3A_2133 = arith.addi %scan3A_2076, %scan3A_2132 : i32
      %mul3A_2134 = arith.constant 16 : i32
      %mul3A_2135 = arith.muli %scan3A_2133, %mul3A_2134 : i32
      %swap3A_2136 = arith.index_cast %mul3A_2135 : i32 to index
      %swap3A_2137 = tpu.vector_load %arg7[%swap3A_2136] {strides = array<i32>} : memref<49952xf32, #tpu.memory_space<vmem>>, vector<16xf32>,
      tpu.vector_store %arg7[%swap3A_2136], %broadcast_in_dim3A_1660 {strides = array<i32>} : memref<49952xf32, #tpu.memory_space<vmem>>, vector<16xf32>,
      %scan3A_2138 = arith.constant 0 : i32
      %scan3A_2139 = arith.constant 9 : i32
      %scan3A_2140 = arith.addi %scan3A_2076, %scan3A_2139 : i32
      %mul3A_2141 = arith.constant 16 : i32
      %mul3A_2142 = arith.muli %scan3A_2140, %mul3A_2141 : i32
      %swap3A_2143 = arith.index_cast %mul3A_2142 : i32 to index
      %swap3A_2144 = tpu.vector_load %arg7[%swap3A_2143] {strides = array<i32>} : memref<49952xf32, #tpu.memory_space<vmem>>, vector<16xf32>,
      tpu.vector_store %arg7[%swap3A_2143], %broadcast_in_dim3A_1660 {strides = array<i32>} : memref<49952xf32, #tpu.memory_space<vmem>>, vector<16xf32>,
      %scan3A_2145 = arith.constant 0 : i32
      %scan3A_2146 = arith.constant 10 : i32
      %scan3A_2147 = arith.addi %scan3A_2076, %scan3A_2146 : i32
      %mul3A_2148 = arith.constant 16 : i32
      %mul3A_2149 = arith.muli %scan3A_2147, %mul3A_2148 : i32
      %swap3A_2150 = arith.index_cast %mul3A_2149 : i32 to index
      %swap3A_2151 = tpu.vector_load %arg7[%swap3A_2150] {strides = array<i32>} : memref<49952xf32, #tpu.memory_space<vmem>>, vector<16xf32>,
      tpu.vector_store %arg7[%swap3A_2150], %broadcast_in_dim3A_1660 {strides = array<i32>} : memref<49952xf32, #tpu.memory_space<vmem>>, vector<16xf32>,
      %scan3A_2152 = arith.constant 0 : i32
      %scan3A_2153 = arith.constant 11 : i32
      %scan3A_2154 = arith.addi %scan3A_2076, %scan3A_2153 : i32
      %mul3A_2155 = arith.constant 16 : i32
      %mul3A_2156 = arith.muli %scan3A_2154, %mul3A_2155 : i32
      %swap3A_2157 = arith.index_cast %mul3A_2156 : i32 to index
      %swap3A_2158 = tpu.vector_load %arg7[%swap3A_2157] {strides = array<i32>} : memref<49952xf32, #tpu.memory_space<vmem>>, vector<16xf32>,
      tpu.vector_store %arg7[%swap3A_2157], %broadcast_in_dim3A_1660 {strides = array<i32>} : memref<49952xf32, #tpu.memory_space<vmem>>, vector<16xf32>,
      %scan3A_2159 = arith.constant 0 : i32
      %scan3A_2160 = arith.constant 12 : i32
      %scan3A_2161 = arith.addi %scan3A_2076, %scan3A_2160 : i32
      %mul3A_2162 = arith.constant 16 : i32
      %mul3A_2163 = arith.muli %scan3A_2161, %mul3A_2162 : i32
      %swap3A_2164 = arith.index_cast %mul3A_2163 : i32 to index
      %swap3A_2165 = tpu.vector_load %arg7[%swap3A_2164] {strides = array<i32>} : memref<49952xf32, #tpu.memory_space<vmem>>, vector<16xf32>,
      tpu.vector_store %arg7[%swap3A_2164], %broadcast_in_dim3A_1660 {strides = array<i32>} : memref<49952xf32, #tpu.memory_space<vmem>>, vector<16xf32>,
      %scan3A_2166 = arith.constant 0 : i32
      %scan3A_2167 = arith.constant 13 : i32
      %scan3A_2168 = arith.addi %scan3A_2076, %scan3A_2167 : i32
      %mul3A_2169 = arith.constant 16 : i32
      %mul3A_2170 = arith.muli %scan3A_2168, %mul3A_2169 : i32
      %swap3A_2171 = arith.index_cast %mul3A_2170 : i32 to index
      %swap3A_2172 = tpu.vector_load %arg7[%swap3A_2171] {strides = array<i32>} : memref<49952xf32, #tpu.memory_space<vmem>>, vector<16xf32>,
      tpu.vector_store %arg7[%swap3A_2171], %broadcast_in_dim3A_1660 {strides = array<i32>} : memref<49952xf32, #tpu.memory_space<vmem>>, vector<16xf32>,
      %scan3A_2173 = arith.constant 0 : i32
      %scan3A_2174 = arith.constant 14 : i32
      %scan3A_2175 = arith.addi %scan3A_2076, %scan3A_2174 : i32
      %mul3A_2176 = arith.constant 16 : i32
      %mul3A_2177 = arith.muli %scan3A_2175, %mul3A_2176 : i32
      %swap3A_2178 = arith.index_cast %mul3A_2177 : i32 to index
      %swap3A_2179 = tpu.vector_load %arg7[%swap3A_2178] {strides = array<i32>} : memref<49952xf32, #tpu.memory_space<vmem>>, vector<16xf32>,
      tpu.vector_store %arg7[%swap3A_2178], %broadcast_in_dim3A_1660 {strides = array<i32>} : memref<49952xf32, #tpu.memory_space<vmem>>, vector<16xf32>,
      %scan3A_2180 = arith.constant 0 : i32
      %scan3A_2181 = arith.constant 15 : i32
      %scan3A_2182 = arith.addi %scan3A_2076, %scan3A_2181 : i32
      %mul3A_2183 = arith.constant 16 : i32
      %mul3A_2184 = arith.muli %scan3A_2182, %mul3A_2183 : i32
      %swap3A_2185 = arith.index_cast %mul3A_2184 : i32 to index
      %swap3A_2186 = tpu.vector_load %arg7[%swap3A_2185] {strides = array<i32>} : memref<49952xf32, #tpu.memory_space<vmem>>, vector<16xf32>,
      tpu.vector_store %arg7[%swap3A_2185], %broadcast_in_dim3A_1660 {strides = array<i32>} : memref<49952xf32, #tpu.memory_space<vmem>>, vector<16xf32>,
      %scan3A_2187 = arith.constant 0 : i32
      scf.yield %scan3A_2187 : i32
    }
    %scan3A_1687 = arith.constant 3120 : i32
    %scan3A_1688 = arith.addi %scan3A_1682, %scan3A_1687 : i32
    %mul3A_1689 = arith.constant 16 : i32
    %mul3A_1690 = arith.muli %scan3A_1688, %mul3A_1689 : i32
    %swap3A_1691 = arith.index_cast %mul3A_1690 : i32 to index
    %swap3A_1692 = tpu.vector_load %arg7[%swap3A_1691] {strides = array<i32>} : memref<49952xf32, #tpu.memory_space<vmem>>, vector<16xf32>,
    tpu.vector_store %arg7[%swap3A_1691], %broadcast_in_dim3A_1660 {strides = array<i32>} : memref<49952xf32, #tpu.memory_space<vmem>>, vector<16xf32>,
    %scan3A_1693 = arith.constant 0 : i32
    %scan3A_1694 = arith.constant 3121 : i32
    %scan3A_1695 = arith.addi %scan3A_1682, %scan3A_1694 : i32
    %mul3A_1696 = arith.constant 16 : i32
    %mul3A_1697 = arith.muli %scan3A_1695, %mul3A_1696 : i32
    %swap3A_1698 = arith.index_cast %mul3A_1697 : i32 to index
    %swap3A_1699 = tpu.vector_load %arg7[%swap3A_1698] {strides = array<i32>} : memref<49952xf32, #tpu.memory_space<vmem>>, vector<16xf32>,
    tpu.vector_store %arg7[%swap3A_1698], %broadcast_in_dim3A_1660 {strides = array<i32>} : memref<49952xf32, #tpu.memory_space<vmem>>, vector<16xf32>,
    %scan3A_1700 = arith.constant 0 : i32
    %scan3A_1701 = arith.constant 3122 : i32
    %scan3A_1702 = arith.constant 0 : i32
    %scan3A_1703 = arith.constant 0 : i32
    %scan3A_1704 = arith.constant 32 : i32
    %scan3A_1705 = arith.addi %scan3A_1703, %scan3A_1704 : i32
    %scan3A_1706 = arith.constant 1 : i32
    %scan3A_1707 = scf.for %scan3A_2076 = %scan3A_1703 to %scan3A_1705 step %scan3A_1706 iter_args(%scan3A_2077 = %scan3A_1702) -> (i32)  : i32 {
      %mul3A_2078 = arith.constant 16 : i32
      %mul3A_2079 = arith.muli %scan3A_2076, %mul3A_2078 : i32
      %get3A_2080 = arith.constant 0 : i32
      %get3A_2081 = arith.index_cast %get3A_2080 : i32 to index
      %get3A_2082 = arith.index_cast %mul3A_2079 : i32 to index
      %get3A_2083 = tpu.vector_load %arg8[%get3A_2081, %get3A_2082] {strides = array<i32>} : memref<2x512xi32, #tpu.memory_space<vmem>>, vector<16xi32>,
      %mul3A_2084 = arith.constant 16 : i32
      %mul3A_2085 = arith.muli %scan3A_2076, %mul3A_2084 : i32
      %get3A_2086 = arith.index_cast %mul3A_2085 : i32 to index
      %get3A_2087 = tpu.vector_load %arg9[%get3A_2086] {strides = array<i32>} : memref<512xf32, #tpu.memory_space<vmem>>, vector<16xf32>,
      %ge3A_2088 = arith.constant 50048 : i32
      %ge3A_2089 = vector.broadcast %ge3A_2088 : i32 to vector<16xi32>
      %ge3A_2090 = arith.cmpi sge, %get3A_2083, %ge3A_2089 : vector<16xi32>
      %lt3A_2091 = arith.constant 100000 : i32
      %lt3A_2092 = vector.broadcast %lt3A_2091 : i32 to vector<16xi32>
      %lt3A_2093 = arith.cmpi slt, %get3A_2083, %lt3A_2092 : vector<16xi32>
      %and3A_2094 = arith.andi %ge3A_2090, %lt3A_2093 : vector<16xi1>
      %sub3A_2095 = arith.constant 50048 : i32
      %sub3A_2096 = vector.broadcast %sub3A_2095 : i32 to vector<16xi32>
      %sub3A_2097 = arith.subi %get3A_2083, %sub3A_2096 : vector<16xi32>
      tpu.vector_store_idx %arg7[%sub3A_2097], %get3A_2087 masked %and3A_2094 : memref<49952xf32, #tpu.memory_space<vmem>>[vector<16xi32>], vector<16xf32>, vector<16xi1>
      %scan3A_2098 = arith.constant 0 : i32
      scf.yield %scan3A_2098 : i32
    }
    %scan3A_1708 = arith.constant 32 : i32
    %scan3A_1709 = arith.constant 0 : i32
    %scan3A_1710 = arith.constant 0 : i32
    %scan3A_1711 = arith.constant 16 : i32
    %scan3A_1712 = arith.addi %scan3A_1710, %scan3A_1711 : i32
    %scan3A_1713 = arith.constant 1 : i32
    %scan3A_1714 = scf.for %scan3A_2076 = %scan3A_1710 to %scan3A_1712 step %scan3A_1713 iter_args(%scan3A_2077 = %scan3A_1709) -> (i32)  : i32 {
      %mul3A_2078 = arith.constant 16 : i32
      %mul3A_2079 = arith.muli %scan3A_2076, %mul3A_2078 : i32
      %get3A_2080 = arith.index_cast %mul3A_2079 : i32 to index
      %get3A_2081 = tpu.vector_load %arg10[%get3A_2080] {strides = array<i32>} : memref<256xi32, #tpu.memory_space<vmem>>, vector<16xi32>,
      %mul3A_2082 = arith.constant 16 : i32
      %mul3A_2083 = arith.muli %scan3A_2076, %mul3A_2082 : i32
      %get3A_2084 = arith.index_cast %mul3A_2083 : i32 to index
      %get3A_2085 = tpu.vector_load %arg11[%get3A_2084] {strides = array<i32>} : memref<256xf32, #tpu.memory_space<vmem>>, vector<16xf32>,
      %ge3A_2086 = arith.constant 50048 : i32
      %ge3A_2087 = vector.broadcast %ge3A_2086 : i32 to vector<16xi32>
      %ge3A_2088 = arith.cmpi sge, %get3A_2081, %ge3A_2087 : vector<16xi32>
      %lt3A_2089 = arith.constant 100000 : i32
      %lt3A_2090 = vector.broadcast %lt3A_2089 : i32 to vector<16xi32>
      %lt3A_2091 = arith.cmpi slt, %get3A_2081, %lt3A_2090 : vector<16xi32>
      %and3A_2092 = arith.andi %ge3A_2088, %lt3A_2091 : vector<16xi1>
      %gt3A = arith.constant 0.000000e+00 : f32
      %gt3A_2093 = vector.broadcast %gt3A : f32 to vector<16xf32>
      %gt3A_2094 = arith.cmpf ogt, %get3A_2085, %gt3A_2093 : vector<16xf32>
      %and3A_2095 = arith.andi %and3A_2092, %gt3A_2094 : vector<16xi1>
      %sub3A_2096 = arith.constant 50048 : i32
      %sub3A_2097 = vector.broadcast %sub3A_2096 : i32 to vector<16xi32>
      %sub3A_2098 = arith.subi %get3A_2081, %sub3A_2097 : vector<16xi32>
      tpu.vector_store_idx %arg7[%sub3A_2098], %get3A_2085 masked %and3A_2095 {add = true} : memref<49952xf32, #tpu.memory_space<vmem>>[vector<16xi32>], vector<16xf32>, vector<16xi1>
      %scan3A_2099 = arith.constant 0 : i32
      scf.yield %scan3A_2099 : i32
    }
    %scan3A_1715 = arith.constant 16 : i32
    %dma_start3A_1716 = arith.constant 0 : i32
    %dma_start3A_1717 = tpu.memref_slice %arg5[%add3A_1664, %dma_start3A_1716] : memref<64x100000xf32, #tpu.memory_space<hbm>> -> memref<1x100000xf32, #tpu.memory_space<hbm>>
    %dma_start3A_1718 = tpu.memref_squeeze %dma_start3A_1717 : memref<1x100000xf32, #tpu.memory_space<hbm>> -> memref<100000xf32, #tpu.memory_space<hbm>>
    %dma_start3A_1719 = arith.constant 50048 : i32
    %dma_start3A_1720 = tpu.memref_slice %dma_start3A_1718[%dma_start3A_1719] : memref<100000xf32, #tpu.memory_space<hbm>> -> memref<49952xf32, #tpu.memory_space<hbm>>
    %dma_start3A_1721 = arith.constant 0 : i32
    %dma_start3A_1722 = tpu.memref_slice %arg5[%add3A_1664, %dma_start3A_1721] : memref<64x100000xf32, #tpu.memory_space<hbm>> -> memref<1x100000xf32, #tpu.memory_space<hbm>>
    %dma_start3A_1723 = tpu.memref_squeeze %dma_start3A_1722 : memref<1x100000xf32, #tpu.memory_space<hbm>> -> memref<100000xf32, #tpu.memory_space<hbm>>
    %dma_start3A_1724 = arith.constant 50048 : i32
    %dma_start3A_1725 = tpu.memref_slice %dma_start3A_1723[%dma_start3A_1724] : memref<100000xf32, #tpu.memory_space<hbm>> -> memref<49952xf32, #tpu.memory_space<hbm>>
    tpu.enqueue_dma source(%arg7 : memref<49952xf32, #tpu.memory_space<vmem>>) target(%dma_start3A_1725 : memref<49952xf32, #tpu.memory_space<hbm>>) target_semaphore(%arg16 : memref<!tpu.dma_semaphore, #tpu.memory_space<semaphore_mem>>)
    %mul3A_1726 = arith.constant 2 : i32
    %mul3A_1727 = arith.muli %add3A, %mul3A_1726 : i32
    %add3A_1728 = arith.constant 0 : i32
    %add3A_1729 = arith.addi %mul3A_1727, %add3A_1728 : i32
    %dma_wait3A_1730 = arith.constant 0 : i32
    %dma_wait3A_1731 = tpu.memref_slice %arg5[%add3A_1664, %dma_wait3A_1730] : memref<64x100000xf32, #tpu.memory_space<hbm>> -> memref<1x100000xf32, #tpu.memory_space<hbm>>
    %dma_wait3A_1732 = tpu.memref_squeeze %dma_wait3A_1731 : memref<1x100000xf32, #tpu.memory_space<hbm>> -> memref<100000xf32, #tpu.memory_space<hbm>>
    %dma_wait3A_1733 = arith.constant 50048 : i32
    %dma_wait3A_1734 = tpu.memref_slice %dma_wait3A_1732[%dma_wait3A_1733] : memref<100000xf32, #tpu.memory_space<hbm>> -> memref<49952xf32, #tpu.memory_space<hbm>>
    %dma_wait3A_1735 = arith.constant 0 : i32
    %dma_wait3A_1736 = tpu.memref_slice %arg5[%add3A_1664, %dma_wait3A_1735] : memref<64x100000xf32, #tpu.memory_space<hbm>> -> memref<1x100000xf32, #tpu.memory_space<hbm>>
    %dma_wait3A_1737 = tpu.memref_squeeze %dma_wait3A_1736 : memref<1x100000xf32, #tpu.memory_space<hbm>> -> memref<100000xf32, #tpu.memory_space<hbm>>
    %dma_wait3A_1738 = arith.constant 50048 : i32
    %dma_wait3A_1739 = tpu.memref_slice %dma_wait3A_1737[%dma_wait3A_1738] : memref<100000xf32, #tpu.memory_space<hbm>> -> memref<49952xf32, #tpu.memory_space<hbm>>
    tpu.wait_dma2 semaphore(%arg16 : memref<!tpu.dma_semaphore, #tpu.memory_space<semaphore_mem>>) src(%arg7 : memref<49952xf32, #tpu.memory_space<vmem>>) dst(%dma_wait3A_1739 : memref<49952xf32, #tpu.memory_space<hbm>>)
    %mul3A_1740 = arith.constant 2 : i32
    %mul3A_1741 = arith.muli %add3A, %mul3A_1740 : i32
    %add3A_1742 = arith.constant 1 : i32
    %add3A_1743 = arith.addi %mul3A_1741, %add3A_1742 : i32
    %dma_start3A_1744 = arith.constant 0 : i32
    %dma_start3A_1745 = tpu.memref_slice %arg2[%add3A_1743, %dma_start3A_1744] : memref<64x100000xf32, #tpu.memory_space<hbm>> -> memref<1x100000xf32, #tpu.memory_space<hbm>>
    %dma_start3A_1746 = tpu.memref_squeeze %dma_start3A_1745 : memref<1x100000xf32, #tpu.memory_space<hbm>> -> memref<100000xf32, #tpu.memory_space<hbm>>
    %dma_start3A_1747 = arith.constant 50048 : i32
    %dma_start3A_1748 = tpu.memref_slice %dma_start3A_1746[%dma_start3A_1747] : memref<100000xf32, #tpu.memory_space<hbm>> -> memref<49952xf32, #tpu.memory_space<hbm>>
    %dma_start3A_1749 = arith.constant 0 : i32
    %dma_start3A_1750 = tpu.memref_slice %arg2[%add3A_1743, %dma_start3A_1749] : memref<64x100000xf32, #tpu.memory_space<hbm>> -> memref<1x100000xf32, #tpu.memory_space<hbm>>
    %dma_start3A_1751 = tpu.memref_squeeze %dma_start3A_1750 : memref<1x100000xf32, #tpu.memory_space<hbm>> -> memref<100000xf32, #tpu.memory_space<hbm>>
    %dma_start3A_1752 = arith.constant 50048 : i32
    %dma_start3A_1753 = tpu.memref_slice %dma_start3A_1751[%dma_start3A_1752] : memref<100000xf32, #tpu.memory_space<hbm>> -> memref<49952xf32, #tpu.memory_space<hbm>>
    tpu.enqueue_dma source(%dma_start3A_1753 : memref<49952xf32, #tpu.memory_space<hbm>>) target(%arg7 : memref<49952xf32, #tpu.memory_space<vmem>>) target_semaphore(%arg14 : memref<!tpu.dma_semaphore, #tpu.memory_space<semaphore_mem>>)
    %dma_wait3A_1754 = arith.constant 0 : i32
    %dma_wait3A_1755 = tpu.memref_slice %arg2[%add3A_1623, %dma_wait3A_1754] : memref<64x100000xf32, #tpu.memory_space<hbm>> -> memref<1x100000xf32, #tpu.memory_space<hbm>>
    %dma_wait3A_1756 = tpu.memref_squeeze %dma_wait3A_1755 : memref<1x100000xf32, #tpu.memory_space<hbm>> -> memref<100000xf32, #tpu.memory_space<hbm>>
    %dma_wait3A_1757 = arith.constant 0 : i32
    %dma_wait3A_1758 = tpu.memref_slice %dma_wait3A_1756[%dma_wait3A_1757] : memref<100000xf32, #tpu.memory_space<hbm>> -> memref<50048xf32, #tpu.memory_space<hbm>>
    %dma_wait3A_1759 = arith.constant 0 : i32
    %dma_wait3A_1760 = tpu.memref_slice %arg2[%add3A_1623, %dma_wait3A_1759] : memref<64x100000xf32, #tpu.memory_space<hbm>> -> memref<1x100000xf32, #tpu.memory_space<hbm>>
    %dma_wait3A_1761 = tpu.memref_squeeze %dma_wait3A_1760 : memref<1x100000xf32, #tpu.memory_space<hbm>> -> memref<100000xf32, #tpu.memory_space<hbm>>
    %dma_wait3A_1762 = arith.constant 0 : i32
    %dma_wait3A_1763 = tpu.memref_slice %dma_wait3A_1761[%dma_wait3A_1762] : memref<100000xf32, #tpu.memory_space<hbm>> -> memref<50048xf32, #tpu.memory_space<hbm>>
    tpu.wait_dma2 semaphore(%arg13 : memref<!tpu.dma_semaphore, #tpu.memory_space<semaphore_mem>>) src(%dma_wait3A_1763 : memref<50048xf32, #tpu.memory_space<hbm>>) dst(%arg6 : memref<50048xf32, #tpu.memory_space<vmem>>)
    %scan3A_1764 = arith.constant 0 : i32
    %scan3A_1765 = arith.constant 0 : i32
    %scan3A_1766 = arith.constant 32 : i32
    %scan3A_1767 = arith.addi %scan3A_1765, %scan3A_1766 : i32
    %scan3A_1768 = arith.constant 1 : i32
    %scan3A_1769 = scf.for %scan3A_2076 = %scan3A_1765 to %scan3A_1767 step %scan3A_1768 iter_args(%scan3A_2077 = %scan3A_1764) -> (i32)  : i32 {
      %mul3A_2078 = arith.constant 16 : i32
      %mul3A_2079 = arith.muli %scan3A_2076, %mul3A_2078 : i32
      %get3A_2080 = arith.constant 0 : i32
      %get3A_2081 = arith.index_cast %get3A_2080 : i32 to index
      %get3A_2082 = arith.index_cast %mul3A_2079 : i32 to index
      %get3A_2083 = tpu.vector_load %arg8[%get3A_2081, %get3A_2082] {strides = array<i32>} : memref<2x512xi32, #tpu.memory_space<vmem>>, vector<16xi32>,
      %ge3A_2084 = arith.constant 0 : i32
      %ge3A_2085 = vector.broadcast %ge3A_2084 : i32 to vector<16xi32>
      %ge3A_2086 = arith.cmpi sge, %get3A_2083, %ge3A_2085 : vector<16xi32>
      %lt3A_2087 = arith.constant 50048 : i32
      %lt3A_2088 = vector.broadcast %lt3A_2087 : i32 to vector<16xi32>
      %lt3A_2089 = arith.cmpi slt, %get3A_2083, %lt3A_2088 : vector<16xi32>
      %and3A_2090 = arith.andi %ge3A_2086, %lt3A_2089 : vector<16xi1>
      %sub3A_2091 = arith.constant 0 : i32
      %sub3A_2092 = vector.broadcast %sub3A_2091 : i32 to vector<16xi32>
      %sub3A_2093 = arith.subi %get3A_2083, %sub3A_2092 : vector<16xi32>
      %jit3A_2094 = arith.constant 0 : i32
      %broadcast_in_dim3A_2095 = vector.broadcast %jit3A_2094 : i32 to vector<16xi32>
      %select_n3A_2096 = arith.select %and3A_2090, %sub3A_2093, %broadcast_in_dim3A_2095 : vector<16xi1>, vector<16xi32>
      %gather3A_2097 = tpu.vector_load_idx %arg6[%select_n3A_2096] : memref<50048xf32, #tpu.memory_space<vmem>>[vector<16xi32>], vector<16xf32>,
      %mul3A_2098 = arith.constant 16 : i32
      %mul3A_2099 = arith.muli %scan3A_2076, %mul3A_2098 : i32
      %swap3A_2100 = arith.index_cast %mul3A_2099 : i32 to index
      %swap3A_2101 = tpu.vector_load %arg9[%swap3A_2100] {strides = array<i32>} : memref<512xf32, #tpu.memory_space<vmem>>, vector<16xf32>,
      tpu.vector_store %arg9[%swap3A_2100], %gather3A_2097 {strides = array<i32>} : memref<512xf32, #tpu.memory_space<vmem>>, vector<16xf32>,
      %scan3A_2102 = arith.constant 0 : i32
      scf.yield %scan3A_2102 : i32
    }
    %scan3A_1770 = arith.constant 32 : i32
    %scan3A_1771 = arith.constant 0 : i32
    %scan3A_1772 = arith.constant 0 : i32
    %scan3A_1773 = arith.constant 3120 : i32
    %scan3A_1774 = arith.addi %scan3A_1772, %scan3A_1773 : i32
    %scan3A_1775 = arith.constant 16 : i32
    %scan3A_1776 = scf.for %scan3A_2076 = %scan3A_1772 to %scan3A_1774 step %scan3A_1775 iter_args(%scan3A_2077 = %scan3A_1771) -> (i32)  : i32 {
      %mul3A_2078 = arith.constant 16 : i32
      %mul3A_2079 = arith.muli %scan3A_2076, %mul3A_2078 : i32
      %swap3A_2080 = arith.index_cast %mul3A_2079 : i32 to index
      %swap3A_2081 = tpu.vector_load %arg6[%swap3A_2080] {strides = array<i32>} : memref<50048xf32, #tpu.memory_space<vmem>>, vector<16xf32>,
      tpu.vector_store %arg6[%swap3A_2080], %broadcast_in_dim3A_1660 {strides = array<i32>} : memref<50048xf32, #tpu.memory_space<vmem>>, vector<16xf32>,
      %scan3A_2082 = arith.constant 0 : i32
      %scan3A_2083 = arith.constant 1 : i32
      %scan3A_2084 = arith.addi %scan3A_2076, %scan3A_2083 : i32
      %mul3A_2085 = arith.constant 16 : i32
      %mul3A_2086 = arith.muli %scan3A_2084, %mul3A_2085 : i32
      %swap3A_2087 = arith.index_cast %mul3A_2086 : i32 to index
      %swap3A_2088 = tpu.vector_load %arg6[%swap3A_2087] {strides = array<i32>} : memref<50048xf32, #tpu.memory_space<vmem>>, vector<16xf32>,
      tpu.vector_store %arg6[%swap3A_2087], %broadcast_in_dim3A_1660 {strides = array<i32>} : memref<50048xf32, #tpu.memory_space<vmem>>, vector<16xf32>,
      %scan3A_2089 = arith.constant 0 : i32
      %scan3A_2090 = arith.constant 2 : i32
      %scan3A_2091 = arith.addi %scan3A_2076, %scan3A_2090 : i32
      %mul3A_2092 = arith.constant 16 : i32
      %mul3A_2093 = arith.muli %scan3A_2091, %mul3A_2092 : i32
      %swap3A_2094 = arith.index_cast %mul3A_2093 : i32 to index
      %swap3A_2095 = tpu.vector_load %arg6[%swap3A_2094] {strides = array<i32>} : memref<50048xf32, #tpu.memory_space<vmem>>, vector<16xf32>,
      tpu.vector_store %arg6[%swap3A_2094], %broadcast_in_dim3A_1660 {strides = array<i32>} : memref<50048xf32, #tpu.memory_space<vmem>>, vector<16xf32>,
      %scan3A_2096 = arith.constant 0 : i32
      %scan3A_2097 = arith.constant 3 : i32
      %scan3A_2098 = arith.addi %scan3A_2076, %scan3A_2097 : i32
      %mul3A_2099 = arith.constant 16 : i32
      %mul3A_2100 = arith.muli %scan3A_2098, %mul3A_2099 : i32
      %swap3A_2101 = arith.index_cast %mul3A_2100 : i32 to index
      %swap3A_2102 = tpu.vector_load %arg6[%swap3A_2101] {strides = array<i32>} : memref<50048xf32, #tpu.memory_space<vmem>>, vector<16xf32>,
      tpu.vector_store %arg6[%swap3A_2101], %broadcast_in_dim3A_1660 {strides = array<i32>} : memref<50048xf32, #tpu.memory_space<vmem>>, vector<16xf32>,
      %scan3A_2103 = arith.constant 0 : i32
      %scan3A_2104 = arith.constant 4 : i32
      %scan3A_2105 = arith.addi %scan3A_2076, %scan3A_2104 : i32
      %mul3A_2106 = arith.constant 16 : i32
      %mul3A_2107 = arith.muli %scan3A_2105, %mul3A_2106 : i32
      %swap3A_2108 = arith.index_cast %mul3A_2107 : i32 to index
      %swap3A_2109 = tpu.vector_load %arg6[%swap3A_2108] {strides = array<i32>} : memref<50048xf32, #tpu.memory_space<vmem>>, vector<16xf32>,
      tpu.vector_store %arg6[%swap3A_2108], %broadcast_in_dim3A_1660 {strides = array<i32>} : memref<50048xf32, #tpu.memory_space<vmem>>, vector<16xf32>,
      %scan3A_2110 = arith.constant 0 : i32
      %scan3A_2111 = arith.constant 5 : i32
      %scan3A_2112 = arith.addi %scan3A_2076, %scan3A_2111 : i32
      %mul3A_2113 = arith.constant 16 : i32
      %mul3A_2114 = arith.muli %scan3A_2112, %mul3A_2113 : i32
      %swap3A_2115 = arith.index_cast %mul3A_2114 : i32 to index
      %swap3A_2116 = tpu.vector_load %arg6[%swap3A_2115] {strides = array<i32>} : memref<50048xf32, #tpu.memory_space<vmem>>, vector<16xf32>,
      tpu.vector_store %arg6[%swap3A_2115], %broadcast_in_dim3A_1660 {strides = array<i32>} : memref<50048xf32, #tpu.memory_space<vmem>>, vector<16xf32>,
      %scan3A_2117 = arith.constant 0 : i32
      %scan3A_2118 = arith.constant 6 : i32
      %scan3A_2119 = arith.addi %scan3A_2076, %scan3A_2118 : i32
      %mul3A_2120 = arith.constant 16 : i32
      %mul3A_2121 = arith.muli %scan3A_2119, %mul3A_2120 : i32
      %swap3A_2122 = arith.index_cast %mul3A_2121 : i32 to index
      %swap3A_2123 = tpu.vector_load %arg6[%swap3A_2122] {strides = array<i32>} : memref<50048xf32, #tpu.memory_space<vmem>>, vector<16xf32>,
      tpu.vector_store %arg6[%swap3A_2122], %broadcast_in_dim3A_1660 {strides = array<i32>} : memref<50048xf32, #tpu.memory_space<vmem>>, vector<16xf32>,
      %scan3A_2124 = arith.constant 0 : i32
      %scan3A_2125 = arith.constant 7 : i32
      %scan3A_2126 = arith.addi %scan3A_2076, %scan3A_2125 : i32
      %mul3A_2127 = arith.constant 16 : i32
      %mul3A_2128 = arith.muli %scan3A_2126, %mul3A_2127 : i32
      %swap3A_2129 = arith.index_cast %mul3A_2128 : i32 to index
      %swap3A_2130 = tpu.vector_load %arg6[%swap3A_2129] {strides = array<i32>} : memref<50048xf32, #tpu.memory_space<vmem>>, vector<16xf32>,
      tpu.vector_store %arg6[%swap3A_2129], %broadcast_in_dim3A_1660 {strides = array<i32>} : memref<50048xf32, #tpu.memory_space<vmem>>, vector<16xf32>,
      %scan3A_2131 = arith.constant 0 : i32
      %scan3A_2132 = arith.constant 8 : i32
      %scan3A_2133 = arith.addi %scan3A_2076, %scan3A_2132 : i32
      %mul3A_2134 = arith.constant 16 : i32
      %mul3A_2135 = arith.muli %scan3A_2133, %mul3A_2134 : i32
      %swap3A_2136 = arith.index_cast %mul3A_2135 : i32 to index
      %swap3A_2137 = tpu.vector_load %arg6[%swap3A_2136] {strides = array<i32>} : memref<50048xf32, #tpu.memory_space<vmem>>, vector<16xf32>,
      tpu.vector_store %arg6[%swap3A_2136], %broadcast_in_dim3A_1660 {strides = array<i32>} : memref<50048xf32, #tpu.memory_space<vmem>>, vector<16xf32>,
      %scan3A_2138 = arith.constant 0 : i32
      %scan3A_2139 = arith.constant 9 : i32
      %scan3A_2140 = arith.addi %scan3A_2076, %scan3A_2139 : i32
      %mul3A_2141 = arith.constant 16 : i32
      %mul3A_2142 = arith.muli %scan3A_2140, %mul3A_2141 : i32
      %swap3A_2143 = arith.index_cast %mul3A_2142 : i32 to index
      %swap3A_2144 = tpu.vector_load %arg6[%swap3A_2143] {strides = array<i32>} : memref<50048xf32, #tpu.memory_space<vmem>>, vector<16xf32>,
      tpu.vector_store %arg6[%swap3A_2143], %broadcast_in_dim3A_1660 {strides = array<i32>} : memref<50048xf32, #tpu.memory_space<vmem>>, vector<16xf32>,
      %scan3A_2145 = arith.constant 0 : i32
      %scan3A_2146 = arith.constant 10 : i32
      %scan3A_2147 = arith.addi %scan3A_2076, %scan3A_2146 : i32
      %mul3A_2148 = arith.constant 16 : i32
      %mul3A_2149 = arith.muli %scan3A_2147, %mul3A_2148 : i32
      %swap3A_2150 = arith.index_cast %mul3A_2149 : i32 to index
      %swap3A_2151 = tpu.vector_load %arg6[%swap3A_2150] {strides = array<i32>} : memref<50048xf32, #tpu.memory_space<vmem>>, vector<16xf32>,
      tpu.vector_store %arg6[%swap3A_2150], %broadcast_in_dim3A_1660 {strides = array<i32>} : memref<50048xf32, #tpu.memory_space<vmem>>, vector<16xf32>,
      %scan3A_2152 = arith.constant 0 : i32
      %scan3A_2153 = arith.constant 11 : i32
      %scan3A_2154 = arith.addi %scan3A_2076, %scan3A_2153 : i32
      %mul3A_2155 = arith.constant 16 : i32
      %mul3A_2156 = arith.muli %scan3A_2154, %mul3A_2155 : i32
      %swap3A_2157 = arith.index_cast %mul3A_2156 : i32 to index
      %swap3A_2158 = tpu.vector_load %arg6[%swap3A_2157] {strides = array<i32>} : memref<50048xf32, #tpu.memory_space<vmem>>, vector<16xf32>,
      tpu.vector_store %arg6[%swap3A_2157], %broadcast_in_dim3A_1660 {strides = array<i32>} : memref<50048xf32, #tpu.memory_space<vmem>>, vector<16xf32>,
      %scan3A_2159 = arith.constant 0 : i32
      %scan3A_2160 = arith.constant 12 : i32
      %scan3A_2161 = arith.addi %scan3A_2076, %scan3A_2160 : i32
      %mul3A_2162 = arith.constant 16 : i32
      %mul3A_2163 = arith.muli %scan3A_2161, %mul3A_2162 : i32
      %swap3A_2164 = arith.index_cast %mul3A_2163 : i32 to index
      %swap3A_2165 = tpu.vector_load %arg6[%swap3A_2164] {strides = array<i32>} : memref<50048xf32, #tpu.memory_space<vmem>>, vector<16xf32>,
      tpu.vector_store %arg6[%swap3A_2164], %broadcast_in_dim3A_1660 {strides = array<i32>} : memref<50048xf32, #tpu.memory_space<vmem>>, vector<16xf32>,
      %scan3A_2166 = arith.constant 0 : i32
      %scan3A_2167 = arith.constant 13 : i32
      %scan3A_2168 = arith.addi %scan3A_2076, %scan3A_2167 : i32
      %mul3A_2169 = arith.constant 16 : i32
      %mul3A_2170 = arith.muli %scan3A_2168, %mul3A_2169 : i32
      %swap3A_2171 = arith.index_cast %mul3A_2170 : i32 to index
      %swap3A_2172 = tpu.vector_load %arg6[%swap3A_2171] {strides = array<i32>} : memref<50048xf32, #tpu.memory_space<vmem>>, vector<16xf32>,
      tpu.vector_store %arg6[%swap3A_2171], %broadcast_in_dim3A_1660 {strides = array<i32>} : memref<50048xf32, #tpu.memory_space<vmem>>, vector<16xf32>,
      %scan3A_2173 = arith.constant 0 : i32
      %scan3A_2174 = arith.constant 14 : i32
      %scan3A_2175 = arith.addi %scan3A_2076, %scan3A_2174 : i32
      %mul3A_2176 = arith.constant 16 : i32
      %mul3A_2177 = arith.muli %scan3A_2175, %mul3A_2176 : i32
      %swap3A_2178 = arith.index_cast %mul3A_2177 : i32 to index
      %swap3A_2179 = tpu.vector_load %arg6[%swap3A_2178] {strides = array<i32>} : memref<50048xf32, #tpu.memory_space<vmem>>, vector<16xf32>,
      tpu.vector_store %arg6[%swap3A_2178], %broadcast_in_dim3A_1660 {strides = array<i32>} : memref<50048xf32, #tpu.memory_space<vmem>>, vector<16xf32>,
      %scan3A_2180 = arith.constant 0 : i32
      %scan3A_2181 = arith.constant 15 : i32
      %scan3A_2182 = arith.addi %scan3A_2076, %scan3A_2181 : i32
      %mul3A_2183 = arith.constant 16 : i32
      %mul3A_2184 = arith.muli %scan3A_2182, %mul3A_2183 : i32
      %swap3A_2185 = arith.index_cast %mul3A_2184 : i32 to index
      %swap3A_2186 = tpu.vector_load %arg6[%swap3A_2185] {strides = array<i32>} : memref<50048xf32, #tpu.memory_space<vmem>>, vector<16xf32>,
      tpu.vector_store %arg6[%swap3A_2185], %broadcast_in_dim3A_1660 {strides = array<i32>} : memref<50048xf32, #tpu.memory_space<vmem>>, vector<16xf32>,
      %scan3A_2187 = arith.constant 0 : i32
      scf.yield %scan3A_2187 : i32
    }
    %scan3A_1777 = arith.constant 3120 : i32
    %scan3A_1778 = arith.addi %scan3A_1772, %scan3A_1777 : i32
    %mul3A_1779 = arith.constant 16 : i32
    %mul3A_1780 = arith.muli %scan3A_1778, %mul3A_1779 : i32
    %swap3A_1781 = arith.index_cast %mul3A_1780 : i32 to index
    %swap3A_1782 = tpu.vector_load %arg6[%swap3A_1781] {strides = array<i32>} : memref<50048xf32, #tpu.memory_space<vmem>>, vector<16xf32>,
    tpu.vector_store %arg6[%swap3A_1781], %broadcast_in_dim3A_1660 {strides = array<i32>} : memref<50048xf32, #tpu.memory_space<vmem>>, vector<16xf32>,
    %scan3A_1783 = arith.constant 0 : i32
    %scan3A_1784 = arith.constant 3121 : i32
    %scan3A_1785 = arith.addi %scan3A_1772, %scan3A_1784 : i32
    %mul3A_1786 = arith.constant 16 : i32
    %mul3A_1787 = arith.muli %scan3A_1785, %mul3A_1786 : i32
    %swap3A_1788 = arith.index_cast %mul3A_1787 : i32 to index
    %swap3A_1789 = tpu.vector_load %arg6[%swap3A_1788] {strides = array<i32>} : memref<50048xf32, #tpu.memory_space<vmem>>, vector<16xf32>,
    tpu.vector_store %arg6[%swap3A_1788], %broadcast_in_dim3A_1660 {strides = array<i32>} : memref<50048xf32, #tpu.memory_space<vmem>>, vector<16xf32>,
    %scan3A_1790 = arith.constant 0 : i32
    %scan3A_1791 = arith.constant 3122 : i32
    %scan3A_1792 = arith.addi %scan3A_1772, %scan3A_1791 : i32
    %mul3A_1793 = arith.constant 16 : i32
    %mul3A_1794 = arith.muli %scan3A_1792, %mul3A_1793 : i32
    %swap3A_1795 = arith.index_cast %mul3A_1794 : i32 to index
    %swap3A_1796 = tpu.vector_load %arg6[%swap3A_1795] {strides = array<i32>} : memref<50048xf32, #tpu.memory_space<vmem>>, vector<16xf32>,
    tpu.vector_store %arg6[%swap3A_1795], %broadcast_in_dim3A_1660 {strides = array<i32>} : memref<50048xf32, #tpu.memory_space<vmem>>, vector<16xf32>,
    %scan3A_1797 = arith.constant 0 : i32
    %scan3A_1798 = arith.constant 3123 : i32
    %scan3A_1799 = arith.addi %scan3A_1772, %scan3A_1798 : i32
    %mul3A_1800 = arith.constant 16 : i32
    %mul3A_1801 = arith.muli %scan3A_1799, %mul3A_1800 : i32
    %swap3A_1802 = arith.index_cast %mul3A_1801 : i32 to index
    %swap3A_1803 = tpu.vector_load %arg6[%swap3A_1802] {strides = array<i32>} : memref<50048xf32, #tpu.memory_space<vmem>>, vector<16xf32>,
    tpu.vector_store %arg6[%swap3A_1802], %broadcast_in_dim3A_1660 {strides = array<i32>} : memref<50048xf32, #tpu.memory_space<vmem>>, vector<16xf32>,
    %scan3A_1804 = arith.constant 0 : i32
    %scan3A_1805 = arith.constant 3124 : i32
    %scan3A_1806 = arith.addi %scan3A_1772, %scan3A_1805 : i32
    %mul3A_1807 = arith.constant 16 : i32
    %mul3A_1808 = arith.muli %scan3A_1806, %mul3A_1807 : i32
    %swap3A_1809 = arith.index_cast %mul3A_1808 : i32 to index
    %swap3A_1810 = tpu.vector_load %arg6[%swap3A_1809] {strides = array<i32>} : memref<50048xf32, #tpu.memory_space<vmem>>, vector<16xf32>,
    tpu.vector_store %arg6[%swap3A_1809], %broadcast_in_dim3A_1660 {strides = array<i32>} : memref<50048xf32, #tpu.memory_space<vmem>>, vector<16xf32>,
    %scan3A_1811 = arith.constant 0 : i32
    %scan3A_1812 = arith.constant 3125 : i32
    %scan3A_1813 = arith.addi %scan3A_1772, %scan3A_1812 : i32
    %mul3A_1814 = arith.constant 16 : i32
    %mul3A_1815 = arith.muli %scan3A_1813, %mul3A_1814 : i32
    %swap3A_1816 = arith.index_cast %mul3A_1815 : i32 to index
    %swap3A_1817 = tpu.vector_load %arg6[%swap3A_1816] {strides = array<i32>} : memref<50048xf32, #tpu.memory_space<vmem>>, vector<16xf32>,
    tpu.vector_store %arg6[%swap3A_1816], %broadcast_in_dim3A_1660 {strides = array<i32>} : memref<50048xf32, #tpu.memory_space<vmem>>, vector<16xf32>,
    %scan3A_1818 = arith.constant 0 : i32
    %scan3A_1819 = arith.constant 3126 : i32
    %scan3A_1820 = arith.addi %scan3A_1772, %scan3A_1819 : i32
    %mul3A_1821 = arith.constant 16 : i32
    %mul3A_1822 = arith.muli %scan3A_1820, %mul3A_1821 : i32
    %swap3A_1823 = arith.index_cast %mul3A_1822 : i32 to index
    %swap3A_1824 = tpu.vector_load %arg6[%swap3A_1823] {strides = array<i32>} : memref<50048xf32, #tpu.memory_space<vmem>>, vector<16xf32>,
    tpu.vector_store %arg6[%swap3A_1823], %broadcast_in_dim3A_1660 {strides = array<i32>} : memref<50048xf32, #tpu.memory_space<vmem>>, vector<16xf32>,
    %scan3A_1825 = arith.constant 0 : i32
    %scan3A_1826 = arith.constant 3127 : i32
    %scan3A_1827 = arith.addi %scan3A_1772, %scan3A_1826 : i32
    %mul3A_1828 = arith.constant 16 : i32
    %mul3A_1829 = arith.muli %scan3A_1827, %mul3A_1828 : i32
    %swap3A_1830 = arith.index_cast %mul3A_1829 : i32 to index
    %swap3A_1831 = tpu.vector_load %arg6[%swap3A_1830] {strides = array<i32>} : memref<50048xf32, #tpu.memory_space<vmem>>, vector<16xf32>,
    tpu.vector_store %arg6[%swap3A_1830], %broadcast_in_dim3A_1660 {strides = array<i32>} : memref<50048xf32, #tpu.memory_space<vmem>>, vector<16xf32>,
    %scan3A_1832 = arith.constant 0 : i32
    %scan3A_1833 = arith.constant 3128 : i32
    %scan3A_1834 = arith.constant 0 : i32
    %scan3A_1835 = arith.constant 0 : i32
    %scan3A_1836 = arith.constant 32 : i32
    %scan3A_1837 = arith.addi %scan3A_1835, %scan3A_1836 : i32
    %scan3A_1838 = arith.constant 1 : i32
    %scan3A_1839 = scf.for %scan3A_2076 = %scan3A_1835 to %scan3A_1837 step %scan3A_1838 iter_args(%scan3A_2077 = %scan3A_1834) -> (i32)  : i32 {
      %mul3A_2078 = arith.constant 16 : i32
      %mul3A_2079 = arith.muli %scan3A_2076, %mul3A_2078 : i32
      %get3A_2080 = arith.constant 0 : i32
      %get3A_2081 = arith.index_cast %get3A_2080 : i32 to index
      %get3A_2082 = arith.index_cast %mul3A_2079 : i32 to index
      %get3A_2083 = tpu.vector_load %arg8[%get3A_2081, %get3A_2082] {strides = array<i32>} : memref<2x512xi32, #tpu.memory_space<vmem>>, vector<16xi32>,
      %mul3A_2084 = arith.constant 16 : i32
      %mul3A_2085 = arith.muli %scan3A_2076, %mul3A_2084 : i32
      %get3A_2086 = arith.index_cast %mul3A_2085 : i32 to index
      %get3A_2087 = tpu.vector_load %arg9[%get3A_2086] {strides = array<i32>} : memref<512xf32, #tpu.memory_space<vmem>>, vector<16xf32>,
      %ge3A_2088 = arith.constant 0 : i32
      %ge3A_2089 = vector.broadcast %ge3A_2088 : i32 to vector<16xi32>
      %ge3A_2090 = arith.cmpi sge, %get3A_2083, %ge3A_2089 : vector<16xi32>
      %lt3A_2091 = arith.constant 50048 : i32
      %lt3A_2092 = vector.broadcast %lt3A_2091 : i32 to vector<16xi32>
      %lt3A_2093 = arith.cmpi slt, %get3A_2083, %lt3A_2092 : vector<16xi32>
      %and3A_2094 = arith.andi %ge3A_2090, %lt3A_2093 : vector<16xi1>
      %sub3A_2095 = arith.constant 0 : i32
      %sub3A_2096 = vector.broadcast %sub3A_2095 : i32 to vector<16xi32>
      %sub3A_2097 = arith.subi %get3A_2083, %sub3A_2096 : vector<16xi32>
      tpu.vector_store_idx %arg6[%sub3A_2097], %get3A_2087 masked %and3A_2094 : memref<50048xf32, #tpu.memory_space<vmem>>[vector<16xi32>], vector<16xf32>, vector<16xi1>
      %scan3A_2098 = arith.constant 0 : i32
      scf.yield %scan3A_2098 : i32
    }
    %scan3A_1840 = arith.constant 32 : i32
    %scan3A_1841 = arith.constant 0 : i32
    %scan3A_1842 = arith.constant 0 : i32
    %scan3A_1843 = arith.constant 16 : i32
    %scan3A_1844 = arith.addi %scan3A_1842, %scan3A_1843 : i32
    %scan3A_1845 = arith.constant 1 : i32
    %scan3A_1846 = scf.for %scan3A_2076 = %scan3A_1842 to %scan3A_1844 step %scan3A_1845 iter_args(%scan3A_2077 = %scan3A_1841) -> (i32)  : i32 {
      %mul3A_2078 = arith.constant 16 : i32
      %mul3A_2079 = arith.muli %scan3A_2076, %mul3A_2078 : i32
      %get3A_2080 = arith.index_cast %mul3A_2079 : i32 to index
      %get3A_2081 = tpu.vector_load %arg10[%get3A_2080] {strides = array<i32>} : memref<256xi32, #tpu.memory_space<vmem>>, vector<16xi32>,
      %mul3A_2082 = arith.constant 16 : i32
      %mul3A_2083 = arith.muli %scan3A_2076, %mul3A_2082 : i32
      %get3A_2084 = arith.index_cast %mul3A_2083 : i32 to index
      %get3A_2085 = tpu.vector_load %arg11[%get3A_2084] {strides = array<i32>} : memref<256xf32, #tpu.memory_space<vmem>>, vector<16xf32>,
      %ge3A_2086 = arith.constant 0 : i32
      %ge3A_2087 = vector.broadcast %ge3A_2086 : i32 to vector<16xi32>
      %ge3A_2088 = arith.cmpi sge, %get3A_2081, %ge3A_2087 : vector<16xi32>
      %lt3A_2089 = arith.constant 50048 : i32
      %lt3A_2090 = vector.broadcast %lt3A_2089 : i32 to vector<16xi32>
      %lt3A_2091 = arith.cmpi slt, %get3A_2081, %lt3A_2090 : vector<16xi32>
      %and3A_2092 = arith.andi %ge3A_2088, %lt3A_2091 : vector<16xi1>
      %gt3A = arith.constant 0.000000e+00 : f32
      %gt3A_2093 = vector.broadcast %gt3A : f32 to vector<16xf32>
      %gt3A_2094 = arith.cmpf ogt, %get3A_2085, %gt3A_2093 : vector<16xf32>
      %and3A_2095 = arith.andi %and3A_2092, %gt3A_2094 : vector<16xi1>
      %sub3A_2096 = arith.constant 0 : i32
      %sub3A_2097 = vector.broadcast %sub3A_2096 : i32 to vector<16xi32>
      %sub3A_2098 = arith.subi %get3A_2081, %sub3A_2097 : vector<16xi32>
      tpu.vector_store_idx %arg6[%sub3A_2098], %get3A_2085 masked %and3A_2095 {add = true} : memref<50048xf32, #tpu.memory_space<vmem>>[vector<16xi32>], vector<16xf32>, vector<16xi1>
      %scan3A_2099 = arith.constant 0 : i32
      scf.yield %scan3A_2099 : i32
    }
    %scan3A_1847 = arith.constant 16 : i32
    %dma_start3A_1848 = arith.constant 0 : i32
    %dma_start3A_1849 = tpu.memref_slice %arg5[%add3A_1729, %dma_start3A_1848] : memref<64x100000xf32, #tpu.memory_space<hbm>> -> memref<1x100000xf32, #tpu.memory_space<hbm>>
    %dma_start3A_1850 = tpu.memref_squeeze %dma_start3A_1849 : memref<1x100000xf32, #tpu.memory_space<hbm>> -> memref<100000xf32, #tpu.memory_space<hbm>>
    %dma_start3A_1851 = arith.constant 0 : i32
    %dma_start3A_1852 = tpu.memref_slice %dma_start3A_1850[%dma_start3A_1851] : memref<100000xf32, #tpu.memory_space<hbm>> -> memref<50048xf32, #tpu.memory_space<hbm>>
    %dma_start3A_1853 = arith.constant 0 : i32
    %dma_start3A_1854 = tpu.memref_slice %arg5[%add3A_1729, %dma_start3A_1853] : memref<64x100000xf32, #tpu.memory_space<hbm>> -> memref<1x100000xf32, #tpu.memory_space<hbm>>
    %dma_start3A_1855 = tpu.memref_squeeze %dma_start3A_1854 : memref<1x100000xf32, #tpu.memory_space<hbm>> -> memref<100000xf32, #tpu.memory_space<hbm>>
    %dma_start3A_1856 = arith.constant 0 : i32
    %dma_start3A_1857 = tpu.memref_slice %dma_start3A_1855[%dma_start3A_1856] : memref<100000xf32, #tpu.memory_space<hbm>> -> memref<50048xf32, #tpu.memory_space<hbm>>
    tpu.enqueue_dma source(%arg6 : memref<50048xf32, #tpu.memory_space<vmem>>) target(%dma_start3A_1857 : memref<50048xf32, #tpu.memory_space<hbm>>) target_semaphore(%arg15 : memref<!tpu.dma_semaphore, #tpu.memory_space<semaphore_mem>>)
    %mul3A_1858 = arith.constant 2 : i32
    %mul3A_1859 = arith.muli %add3A, %mul3A_1858 : i32
    %add3A_1860 = arith.constant 1 : i32
    %add3A_1861 = arith.addi %mul3A_1859, %add3A_1860 : i32
    %dma_wait3A_1862 = arith.constant 0 : i32
    %dma_wait3A_1863 = tpu.memref_slice %arg5[%add3A_1729, %dma_wait3A_1862] : memref<64x100000xf32, #tpu.memory_space<hbm>> -> memref<1x100000xf32, #tpu.memory_space<hbm>>
    %dma_wait3A_1864 = tpu.memref_squeeze %dma_wait3A_1863 : memref<1x100000xf32, #tpu.memory_space<hbm>> -> memref<100000xf32, #tpu.memory_space<hbm>>
    %dma_wait3A_1865 = arith.constant 0 : i32
    %dma_wait3A_1866 = tpu.memref_slice %dma_wait3A_1864[%dma_wait3A_1865] : memref<100000xf32, #tpu.memory_space<hbm>> -> memref<50048xf32, #tpu.memory_space<hbm>>
    %dma_wait3A_1867 = arith.constant 0 : i32
    %dma_wait3A_1868 = tpu.memref_slice %arg5[%add3A_1729, %dma_wait3A_1867] : memref<64x100000xf32, #tpu.memory_space<hbm>> -> memref<1x100000xf32, #tpu.memory_space<hbm>>
    %dma_wait3A_1869 = tpu.memref_squeeze %dma_wait3A_1868 : memref<1x100000xf32, #tpu.memory_space<hbm>> -> memref<100000xf32, #tpu.memory_space<hbm>>
    %dma_wait3A_1870 = arith.constant 0 : i32
    %dma_wait3A_1871 = tpu.memref_slice %dma_wait3A_1869[%dma_wait3A_1870] : memref<100000xf32, #tpu.memory_space<hbm>> -> memref<50048xf32, #tpu.memory_space<hbm>>
    tpu.wait_dma2 semaphore(%arg15 : memref<!tpu.dma_semaphore, #tpu.memory_space<semaphore_mem>>) src(%arg6 : memref<50048xf32, #tpu.memory_space<vmem>>) dst(%dma_wait3A_1871 : memref<50048xf32, #tpu.memory_space<hbm>>)
    %mul3A_1872 = arith.constant 2 : i32
    %mul3A_1873 = arith.muli %add3A, %mul3A_1872 : i32
    %add3A_1874 = arith.constant 1 : i32
    %add3A_1875 = arith.addi %mul3A_1873, %add3A_1874 : i32
    %dma_start3A_1876 = arith.constant 0 : i32
    %dma_start3A_1877 = tpu.memref_slice %arg2[%add3A_1875, %dma_start3A_1876] : memref<64x100000xf32, #tpu.memory_space<hbm>> -> memref<1x100000xf32, #tpu.memory_space<hbm>>
    %dma_start3A_1878 = tpu.memref_squeeze %dma_start3A_1877 : memref<1x100000xf32, #tpu.memory_space<hbm>> -> memref<100000xf32, #tpu.memory_space<hbm>>
    %dma_start3A_1879 = arith.constant 0 : i32
    %dma_start3A_1880 = tpu.memref_slice %dma_start3A_1878[%dma_start3A_1879] : memref<100000xf32, #tpu.memory_space<hbm>> -> memref<50048xf32, #tpu.memory_space<hbm>>
    %dma_start3A_1881 = arith.constant 0 : i32
    %dma_start3A_1882 = tpu.memref_slice %arg2[%add3A_1875, %dma_start3A_1881] : memref<64x100000xf32, #tpu.memory_space<hbm>> -> memref<1x100000xf32, #tpu.memory_space<hbm>>
    %dma_start3A_1883 = tpu.memref_squeeze %dma_start3A_1882 : memref<1x100000xf32, #tpu.memory_space<hbm>> -> memref<100000xf32, #tpu.memory_space<hbm>>
    %dma_start3A_1884 = arith.constant 0 : i32
    %dma_start3A_1885 = tpu.memref_slice %dma_start3A_1883[%dma_start3A_1884] : memref<100000xf32, #tpu.memory_space<hbm>> -> memref<50048xf32, #tpu.memory_space<hbm>>
    tpu.enqueue_dma source(%dma_start3A_1885 : memref<50048xf32, #tpu.memory_space<hbm>>) target(%arg6 : memref<50048xf32, #tpu.memory_space<vmem>>) target_semaphore(%arg13 : memref<!tpu.dma_semaphore, #tpu.memory_space<semaphore_mem>>)
    %dma_wait3A_1886 = arith.constant 0 : i32
    %dma_wait3A_1887 = tpu.memref_slice %arg2[%add3A_1743, %dma_wait3A_1886] : memref<64x100000xf32, #tpu.memory_space<hbm>> -> memref<1x100000xf32, #tpu.memory_space<hbm>>
    %dma_wait3A_1888 = tpu.memref_squeeze %dma_wait3A_1887 : memref<1x100000xf32, #tpu.memory_space<hbm>> -> memref<100000xf32, #tpu.memory_space<hbm>>
    %dma_wait3A_1889 = arith.constant 50048 : i32
    %dma_wait3A_1890 = tpu.memref_slice %dma_wait3A_1888[%dma_wait3A_1889] : memref<100000xf32, #tpu.memory_space<hbm>> -> memref<49952xf32, #tpu.memory_space<hbm>>
    %dma_wait3A_1891 = arith.constant 0 : i32
    %dma_wait3A_1892 = tpu.memref_slice %arg2[%add3A_1743, %dma_wait3A_1891] : memref<64x100000xf32, #tpu.memory_space<hbm>> -> memref<1x100000xf32, #tpu.memory_space<hbm>>
    %dma_wait3A_1893 = tpu.memref_squeeze %dma_wait3A_1892 : memref<1x100000xf32, #tpu.memory_space<hbm>> -> memref<100000xf32, #tpu.memory_space<hbm>>
    %dma_wait3A_1894 = arith.constant 50048 : i32
    %dma_wait3A_1895 = tpu.memref_slice %dma_wait3A_1893[%dma_wait3A_1894] : memref<100000xf32, #tpu.memory_space<hbm>> -> memref<49952xf32, #tpu.memory_space<hbm>>
    tpu.wait_dma2 semaphore(%arg14 : memref<!tpu.dma_semaphore, #tpu.memory_space<semaphore_mem>>) src(%dma_wait3A_1895 : memref<49952xf32, #tpu.memory_space<hbm>>) dst(%arg7 : memref<49952xf32, #tpu.memory_space<vmem>>)
    %scan3A_1896 = arith.constant 0 : i32
    %scan3A_1897 = arith.constant 0 : i32
    %scan3A_1898 = arith.constant 32 : i32
    %scan3A_1899 = arith.addi %scan3A_1897, %scan3A_1898 : i32
    %scan3A_1900 = arith.constant 1 : i32
    %scan3A_1901 = scf.for %scan3A_2076 = %scan3A_1897 to %scan3A_1899 step %scan3A_1900 iter_args(%scan3A_2077 = %scan3A_1896) -> (i32)  : i32 {
      %mul3A_2078 = arith.constant 16 : i32
      %mul3A_2079 = arith.muli %scan3A_2076, %mul3A_2078 : i32
      %get3A_2080 = arith.constant 1 : i32
      %get3A_2081 = arith.index_cast %get3A_2080 : i32 to index
      %get3A_2082 = arith.index_cast %mul3A_2079 : i32 to index
      %get3A_2083 = tpu.vector_load %arg8[%get3A_2081, %get3A_2082] {strides = array<i32>} : memref<2x512xi32, #tpu.memory_space<vmem>>, vector<16xi32>,
      %ge3A_2084 = arith.constant 50048 : i32
      %ge3A_2085 = vector.broadcast %ge3A_2084 : i32 to vector<16xi32>
      %ge3A_2086 = arith.cmpi sge, %get3A_2083, %ge3A_2085 : vector<16xi32>
      %lt3A_2087 = arith.constant 100000 : i32
      %lt3A_2088 = vector.broadcast %lt3A_2087 : i32 to vector<16xi32>
      %lt3A_2089 = arith.cmpi slt, %get3A_2083, %lt3A_2088 : vector<16xi32>
      %and3A_2090 = arith.andi %ge3A_2086, %lt3A_2089 : vector<16xi1>
      %sub3A_2091 = arith.constant 50048 : i32
      %sub3A_2092 = vector.broadcast %sub3A_2091 : i32 to vector<16xi32>
      %sub3A_2093 = arith.subi %get3A_2083, %sub3A_2092 : vector<16xi32>
      %jit3A_2094 = arith.constant 0 : i32
      %broadcast_in_dim3A_2095 = vector.broadcast %jit3A_2094 : i32 to vector<16xi32>
      %select_n3A_2096 = arith.select %and3A_2090, %sub3A_2093, %broadcast_in_dim3A_2095 : vector<16xi1>, vector<16xi32>
      %gather3A_2097 = tpu.vector_load_idx %arg7[%select_n3A_2096] : memref<49952xf32, #tpu.memory_space<vmem>>[vector<16xi32>], vector<16xf32>,
      %mul3A_2098 = arith.constant 16 : i32
      %mul3A_2099 = arith.muli %scan3A_2076, %mul3A_2098 : i32
      %swap3A_2100 = arith.index_cast %mul3A_2099 : i32 to index
      %swap3A_2101 = tpu.vector_load %arg9[%swap3A_2100] {strides = array<i32>} : memref<512xf32, #tpu.memory_space<vmem>>, vector<16xf32>,
      tpu.vector_store %arg9[%swap3A_2100], %gather3A_2097 {strides = array<i32>} : memref<512xf32, #tpu.memory_space<vmem>>, vector<16xf32>,
      %scan3A_2102 = arith.constant 0 : i32
      scf.yield %scan3A_2102 : i32
    }
    %scan3A_1902 = arith.constant 32 : i32
    %scan3A_1903 = arith.constant 0 : i32
    %scan3A_1904 = arith.constant 0 : i32
    %scan3A_1905 = arith.constant 3120 : i32
    %scan3A_1906 = arith.addi %scan3A_1904, %scan3A_1905 : i32
    %scan3A_1907 = arith.constant 16 : i32
    %scan3A_1908 = scf.for %scan3A_2076 = %scan3A_1904 to %scan3A_1906 step %scan3A_1907 iter_args(%scan3A_2077 = %scan3A_1903) -> (i32)  : i32 {
      %mul3A_2078 = arith.constant 16 : i32
      %mul3A_2079 = arith.muli %scan3A_2076, %mul3A_2078 : i32
      %swap3A_2080 = arith.index_cast %mul3A_2079 : i32 to index
      %swap3A_2081 = tpu.vector_load %arg7[%swap3A_2080] {strides = array<i32>} : memref<49952xf32, #tpu.memory_space<vmem>>, vector<16xf32>,
      tpu.vector_store %arg7[%swap3A_2080], %broadcast_in_dim3A_1660 {strides = array<i32>} : memref<49952xf32, #tpu.memory_space<vmem>>, vector<16xf32>,
      %scan3A_2082 = arith.constant 0 : i32
      %scan3A_2083 = arith.constant 1 : i32
      %scan3A_2084 = arith.addi %scan3A_2076, %scan3A_2083 : i32
      %mul3A_2085 = arith.constant 16 : i32
      %mul3A_2086 = arith.muli %scan3A_2084, %mul3A_2085 : i32
      %swap3A_2087 = arith.index_cast %mul3A_2086 : i32 to index
      %swap3A_2088 = tpu.vector_load %arg7[%swap3A_2087] {strides = array<i32>} : memref<49952xf32, #tpu.memory_space<vmem>>, vector<16xf32>,
      tpu.vector_store %arg7[%swap3A_2087], %broadcast_in_dim3A_1660 {strides = array<i32>} : memref<49952xf32, #tpu.memory_space<vmem>>, vector<16xf32>,
      %scan3A_2089 = arith.constant 0 : i32
      %scan3A_2090 = arith.constant 2 : i32
      %scan3A_2091 = arith.addi %scan3A_2076, %scan3A_2090 : i32
      %mul3A_2092 = arith.constant 16 : i32
      %mul3A_2093 = arith.muli %scan3A_2091, %mul3A_2092 : i32
      %swap3A_2094 = arith.index_cast %mul3A_2093 : i32 to index
      %swap3A_2095 = tpu.vector_load %arg7[%swap3A_2094] {strides = array<i32>} : memref<49952xf32, #tpu.memory_space<vmem>>, vector<16xf32>,
      tpu.vector_store %arg7[%swap3A_2094], %broadcast_in_dim3A_1660 {strides = array<i32>} : memref<49952xf32, #tpu.memory_space<vmem>>, vector<16xf32>,
      %scan3A_2096 = arith.constant 0 : i32
      %scan3A_2097 = arith.constant 3 : i32
      %scan3A_2098 = arith.addi %scan3A_2076, %scan3A_2097 : i32
      %mul3A_2099 = arith.constant 16 : i32
      %mul3A_2100 = arith.muli %scan3A_2098, %mul3A_2099 : i32
      %swap3A_2101 = arith.index_cast %mul3A_2100 : i32 to index
      %swap3A_2102 = tpu.vector_load %arg7[%swap3A_2101] {strides = array<i32>} : memref<49952xf32, #tpu.memory_space<vmem>>, vector<16xf32>,
      tpu.vector_store %arg7[%swap3A_2101], %broadcast_in_dim3A_1660 {strides = array<i32>} : memref<49952xf32, #tpu.memory_space<vmem>>, vector<16xf32>,
      %scan3A_2103 = arith.constant 0 : i32
      %scan3A_2104 = arith.constant 4 : i32
      %scan3A_2105 = arith.addi %scan3A_2076, %scan3A_2104 : i32
      %mul3A_2106 = arith.constant 16 : i32
      %mul3A_2107 = arith.muli %scan3A_2105, %mul3A_2106 : i32
      %swap3A_2108 = arith.index_cast %mul3A_2107 : i32 to index
      %swap3A_2109 = tpu.vector_load %arg7[%swap3A_2108] {strides = array<i32>} : memref<49952xf32, #tpu.memory_space<vmem>>, vector<16xf32>,
      tpu.vector_store %arg7[%swap3A_2108], %broadcast_in_dim3A_1660 {strides = array<i32>} : memref<49952xf32, #tpu.memory_space<vmem>>, vector<16xf32>,
      %scan3A_2110 = arith.constant 0 : i32
      %scan3A_2111 = arith.constant 5 : i32
      %scan3A_2112 = arith.addi %scan3A_2076, %scan3A_2111 : i32
      %mul3A_2113 = arith.constant 16 : i32
      %mul3A_2114 = arith.muli %scan3A_2112, %mul3A_2113 : i32
      %swap3A_2115 = arith.index_cast %mul3A_2114 : i32 to index
      %swap3A_2116 = tpu.vector_load %arg7[%swap3A_2115] {strides = array<i32>} : memref<49952xf32, #tpu.memory_space<vmem>>, vector<16xf32>,
      tpu.vector_store %arg7[%swap3A_2115], %broadcast_in_dim3A_1660 {strides = array<i32>} : memref<49952xf32, #tpu.memory_space<vmem>>, vector<16xf32>,
      %scan3A_2117 = arith.constant 0 : i32
      %scan3A_2118 = arith.constant 6 : i32
      %scan3A_2119 = arith.addi %scan3A_2076, %scan3A_2118 : i32
      %mul3A_2120 = arith.constant 16 : i32
      %mul3A_2121 = arith.muli %scan3A_2119, %mul3A_2120 : i32
      %swap3A_2122 = arith.index_cast %mul3A_2121 : i32 to index
      %swap3A_2123 = tpu.vector_load %arg7[%swap3A_2122] {strides = array<i32>} : memref<49952xf32, #tpu.memory_space<vmem>>, vector<16xf32>,
      tpu.vector_store %arg7[%swap3A_2122], %broadcast_in_dim3A_1660 {strides = array<i32>} : memref<49952xf32, #tpu.memory_space<vmem>>, vector<16xf32>,
      %scan3A_2124 = arith.constant 0 : i32
      %scan3A_2125 = arith.constant 7 : i32
      %scan3A_2126 = arith.addi %scan3A_2076, %scan3A_2125 : i32
      %mul3A_2127 = arith.constant 16 : i32
      %mul3A_2128 = arith.muli %scan3A_2126, %mul3A_2127 : i32
      %swap3A_2129 = arith.index_cast %mul3A_2128 : i32 to index
      %swap3A_2130 = tpu.vector_load %arg7[%swap3A_2129] {strides = array<i32>} : memref<49952xf32, #tpu.memory_space<vmem>>, vector<16xf32>,
      tpu.vector_store %arg7[%swap3A_2129], %broadcast_in_dim3A_1660 {strides = array<i32>} : memref<49952xf32, #tpu.memory_space<vmem>>, vector<16xf32>,
      %scan3A_2131 = arith.constant 0 : i32
      %scan3A_2132 = arith.constant 8 : i32
      %scan3A_2133 = arith.addi %scan3A_2076, %scan3A_2132 : i32
      %mul3A_2134 = arith.constant 16 : i32
      %mul3A_2135 = arith.muli %scan3A_2133, %mul3A_2134 : i32
      %swap3A_2136 = arith.index_cast %mul3A_2135 : i32 to index
      %swap3A_2137 = tpu.vector_load %arg7[%swap3A_2136] {strides = array<i32>} : memref<49952xf32, #tpu.memory_space<vmem>>, vector<16xf32>,
      tpu.vector_store %arg7[%swap3A_2136], %broadcast_in_dim3A_1660 {strides = array<i32>} : memref<49952xf32, #tpu.memory_space<vmem>>, vector<16xf32>,
      %scan3A_2138 = arith.constant 0 : i32
      %scan3A_2139 = arith.constant 9 : i32
      %scan3A_2140 = arith.addi %scan3A_2076, %scan3A_2139 : i32
      %mul3A_2141 = arith.constant 16 : i32
      %mul3A_2142 = arith.muli %scan3A_2140, %mul3A_2141 : i32
      %swap3A_2143 = arith.index_cast %mul3A_2142 : i32 to index
      %swap3A_2144 = tpu.vector_load %arg7[%swap3A_2143] {strides = array<i32>} : memref<49952xf32, #tpu.memory_space<vmem>>, vector<16xf32>,
      tpu.vector_store %arg7[%swap3A_2143], %broadcast_in_dim3A_1660 {strides = array<i32>} : memref<49952xf32, #tpu.memory_space<vmem>>, vector<16xf32>,
      %scan3A_2145 = arith.constant 0 : i32
      %scan3A_2146 = arith.constant 10 : i32
      %scan3A_2147 = arith.addi %scan3A_2076, %scan3A_2146 : i32
      %mul3A_2148 = arith.constant 16 : i32
      %mul3A_2149 = arith.muli %scan3A_2147, %mul3A_2148 : i32
      %swap3A_2150 = arith.index_cast %mul3A_2149 : i32 to index
      %swap3A_2151 = tpu.vector_load %arg7[%swap3A_2150] {strides = array<i32>} : memref<49952xf32, #tpu.memory_space<vmem>>, vector<16xf32>,
      tpu.vector_store %arg7[%swap3A_2150], %broadcast_in_dim3A_1660 {strides = array<i32>} : memref<49952xf32, #tpu.memory_space<vmem>>, vector<16xf32>,
      %scan3A_2152 = arith.constant 0 : i32
      %scan3A_2153 = arith.constant 11 : i32
      %scan3A_2154 = arith.addi %scan3A_2076, %scan3A_2153 : i32
      %mul3A_2155 = arith.constant 16 : i32
      %mul3A_2156 = arith.muli %scan3A_2154, %mul3A_2155 : i32
      %swap3A_2157 = arith.index_cast %mul3A_2156 : i32 to index
      %swap3A_2158 = tpu.vector_load %arg7[%swap3A_2157] {strides = array<i32>} : memref<49952xf32, #tpu.memory_space<vmem>>, vector<16xf32>,
      tpu.vector_store %arg7[%swap3A_2157], %broadcast_in_dim3A_1660 {strides = array<i32>} : memref<49952xf32, #tpu.memory_space<vmem>>, vector<16xf32>,
      %scan3A_2159 = arith.constant 0 : i32
      %scan3A_2160 = arith.constant 12 : i32
      %scan3A_2161 = arith.addi %scan3A_2076, %scan3A_2160 : i32
      %mul3A_2162 = arith.constant 16 : i32
      %mul3A_2163 = arith.muli %scan3A_2161, %mul3A_2162 : i32
      %swap3A_2164 = arith.index_cast %mul3A_2163 : i32 to index
      %swap3A_2165 = tpu.vector_load %arg7[%swap3A_2164] {strides = array<i32>} : memref<49952xf32, #tpu.memory_space<vmem>>, vector<16xf32>,
      tpu.vector_store %arg7[%swap3A_2164], %broadcast_in_dim3A_1660 {strides = array<i32>} : memref<49952xf32, #tpu.memory_space<vmem>>, vector<16xf32>,
      %scan3A_2166 = arith.constant 0 : i32
      %scan3A_2167 = arith.constant 13 : i32
      %scan3A_2168 = arith.addi %scan3A_2076, %scan3A_2167 : i32
      %mul3A_2169 = arith.constant 16 : i32
      %mul3A_2170 = arith.muli %scan3A_2168, %mul3A_2169 : i32
      %swap3A_2171 = arith.index_cast %mul3A_2170 : i32 to index
      %swap3A_2172 = tpu.vector_load %arg7[%swap3A_2171] {strides = array<i32>} : memref<49952xf32, #tpu.memory_space<vmem>>, vector<16xf32>,
      tpu.vector_store %arg7[%swap3A_2171], %broadcast_in_dim3A_1660 {strides = array<i32>} : memref<49952xf32, #tpu.memory_space<vmem>>, vector<16xf32>,
      %scan3A_2173 = arith.constant 0 : i32
      %scan3A_2174 = arith.constant 14 : i32
      %scan3A_2175 = arith.addi %scan3A_2076, %scan3A_2174 : i32
      %mul3A_2176 = arith.constant 16 : i32
      %mul3A_2177 = arith.muli %scan3A_2175, %mul3A_2176 : i32
      %swap3A_2178 = arith.index_cast %mul3A_2177 : i32 to index
      %swap3A_2179 = tpu.vector_load %arg7[%swap3A_2178] {strides = array<i32>} : memref<49952xf32, #tpu.memory_space<vmem>>, vector<16xf32>,
      tpu.vector_store %arg7[%swap3A_2178], %broadcast_in_dim3A_1660 {strides = array<i32>} : memref<49952xf32, #tpu.memory_space<vmem>>, vector<16xf32>,
      %scan3A_2180 = arith.constant 0 : i32
      %scan3A_2181 = arith.constant 15 : i32
      %scan3A_2182 = arith.addi %scan3A_2076, %scan3A_2181 : i32
      %mul3A_2183 = arith.constant 16 : i32
      %mul3A_2184 = arith.muli %scan3A_2182, %mul3A_2183 : i32
      %swap3A_2185 = arith.index_cast %mul3A_2184 : i32 to index
      %swap3A_2186 = tpu.vector_load %arg7[%swap3A_2185] {strides = array<i32>} : memref<49952xf32, #tpu.memory_space<vmem>>, vector<16xf32>,
      tpu.vector_store %arg7[%swap3A_2185], %broadcast_in_dim3A_1660 {strides = array<i32>} : memref<49952xf32, #tpu.memory_space<vmem>>, vector<16xf32>,
      %scan3A_2187 = arith.constant 0 : i32
      scf.yield %scan3A_2187 : i32
    }
    %scan3A_1909 = arith.constant 3120 : i32
    %scan3A_1910 = arith.addi %scan3A_1904, %scan3A_1909 : i32
    %mul3A_1911 = arith.constant 16 : i32
    %mul3A_1912 = arith.muli %scan3A_1910, %mul3A_1911 : i32
    %swap3A_1913 = arith.index_cast %mul3A_1912 : i32 to index
    %swap3A_1914 = tpu.vector_load %arg7[%swap3A_1913] {strides = array<i32>} : memref<49952xf32, #tpu.memory_space<vmem>>, vector<16xf32>,
    tpu.vector_store %arg7[%swap3A_1913], %broadcast_in_dim3A_1660 {strides = array<i32>} : memref<49952xf32, #tpu.memory_space<vmem>>, vector<16xf32>,
    %scan3A_1915 = arith.constant 0 : i32
    %scan3A_1916 = arith.constant 3121 : i32
    %scan3A_1917 = arith.addi %scan3A_1904, %scan3A_1916 : i32
    %mul3A_1918 = arith.constant 16 : i32
    %mul3A_1919 = arith.muli %scan3A_1917, %mul3A_1918 : i32
    %swap3A_1920 = arith.index_cast %mul3A_1919 : i32 to index
    %swap3A_1921 = tpu.vector_load %arg7[%swap3A_1920] {strides = array<i32>} : memref<49952xf32, #tpu.memory_space<vmem>>, vector<16xf32>,
    tpu.vector_store %arg7[%swap3A_1920], %broadcast_in_dim3A_1660 {strides = array<i32>} : memref<49952xf32, #tpu.memory_space<vmem>>, vector<16xf32>,
    %scan3A_1922 = arith.constant 0 : i32
    %scan3A_1923 = arith.constant 3122 : i32
    %scan3A_1924 = arith.constant 0 : i32
    %scan3A_1925 = arith.constant 0 : i32
    %scan3A_1926 = arith.constant 32 : i32
    %scan3A_1927 = arith.addi %scan3A_1925, %scan3A_1926 : i32
    %scan3A_1928 = arith.constant 1 : i32
    %scan3A_1929 = scf.for %scan3A_2076 = %scan3A_1925 to %scan3A_1927 step %scan3A_1928 iter_args(%scan3A_2077 = %scan3A_1924) -> (i32)  : i32 {
      %mul3A_2078 = arith.constant 16 : i32
      %mul3A_2079 = arith.muli %scan3A_2076, %mul3A_2078 : i32
      %get3A_2080 = arith.constant 1 : i32
      %get3A_2081 = arith.index_cast %get3A_2080 : i32 to index
      %get3A_2082 = arith.index_cast %mul3A_2079 : i32 to index
      %get3A_2083 = tpu.vector_load %arg8[%get3A_2081, %get3A_2082] {strides = array<i32>} : memref<2x512xi32, #tpu.memory_space<vmem>>, vector<16xi32>,
      %mul3A_2084 = arith.constant 16 : i32
      %mul3A_2085 = arith.muli %scan3A_2076, %mul3A_2084 : i32
      %get3A_2086 = arith.index_cast %mul3A_2085 : i32 to index
      %get3A_2087 = tpu.vector_load %arg9[%get3A_2086] {strides = array<i32>} : memref<512xf32, #tpu.memory_space<vmem>>, vector<16xf32>,
      %ge3A_2088 = arith.constant 50048 : i32
      %ge3A_2089 = vector.broadcast %ge3A_2088 : i32 to vector<16xi32>
      %ge3A_2090 = arith.cmpi sge, %get3A_2083, %ge3A_2089 : vector<16xi32>
      %lt3A_2091 = arith.constant 100000 : i32
      %lt3A_2092 = vector.broadcast %lt3A_2091 : i32 to vector<16xi32>
      %lt3A_2093 = arith.cmpi slt, %get3A_2083, %lt3A_2092 : vector<16xi32>
      %and3A_2094 = arith.andi %ge3A_2090, %lt3A_2093 : vector<16xi1>
      %sub3A_2095 = arith.constant 50048 : i32
      %sub3A_2096 = vector.broadcast %sub3A_2095 : i32 to vector<16xi32>
      %sub3A_2097 = arith.subi %get3A_2083, %sub3A_2096 : vector<16xi32>
      tpu.vector_store_idx %arg7[%sub3A_2097], %get3A_2087 masked %and3A_2094 : memref<49952xf32, #tpu.memory_space<vmem>>[vector<16xi32>], vector<16xf32>, vector<16xi1>
      %scan3A_2098 = arith.constant 0 : i32
      scf.yield %scan3A_2098 : i32
    }
    %scan3A_1930 = arith.constant 32 : i32
    %scan3A_1931 = arith.constant 0 : i32
    %scan3A_1932 = arith.constant 0 : i32
    %scan3A_1933 = arith.constant 16 : i32
    %scan3A_1934 = arith.addi %scan3A_1932, %scan3A_1933 : i32
    %scan3A_1935 = arith.constant 1 : i32
    %scan3A_1936 = scf.for %scan3A_2076 = %scan3A_1932 to %scan3A_1934 step %scan3A_1935 iter_args(%scan3A_2077 = %scan3A_1931) -> (i32)  : i32 {
      %mul3A_2078 = arith.constant 16 : i32
      %mul3A_2079 = arith.muli %scan3A_2076, %mul3A_2078 : i32
      %get3A_2080 = arith.index_cast %mul3A_2079 : i32 to index
      %get3A_2081 = tpu.vector_load %arg10[%get3A_2080] {strides = array<i32>} : memref<256xi32, #tpu.memory_space<vmem>>, vector<16xi32>,
      %mul3A_2082 = arith.constant 16 : i32
      %mul3A_2083 = arith.muli %scan3A_2076, %mul3A_2082 : i32
      %get3A_2084 = arith.index_cast %mul3A_2083 : i32 to index
      %get3A_2085 = tpu.vector_load %arg11[%get3A_2084] {strides = array<i32>} : memref<256xf32, #tpu.memory_space<vmem>>, vector<16xf32>,
      %ge3A_2086 = arith.constant 50048 : i32
      %ge3A_2087 = vector.broadcast %ge3A_2086 : i32 to vector<16xi32>
      %ge3A_2088 = arith.cmpi sge, %get3A_2081, %ge3A_2087 : vector<16xi32>
      %lt3A_2089 = arith.constant 100000 : i32
      %lt3A_2090 = vector.broadcast %lt3A_2089 : i32 to vector<16xi32>
      %lt3A_2091 = arith.cmpi slt, %get3A_2081, %lt3A_2090 : vector<16xi32>
      %and3A_2092 = arith.andi %ge3A_2088, %lt3A_2091 : vector<16xi1>
      %gt3A = arith.constant 0.000000e+00 : f32
      %gt3A_2093 = vector.broadcast %gt3A : f32 to vector<16xf32>
      %gt3A_2094 = arith.cmpf ogt, %get3A_2085, %gt3A_2093 : vector<16xf32>
      %and3A_2095 = arith.andi %and3A_2092, %gt3A_2094 : vector<16xi1>
      %sub3A_2096 = arith.constant 50048 : i32
      %sub3A_2097 = vector.broadcast %sub3A_2096 : i32 to vector<16xi32>
      %sub3A_2098 = arith.subi %get3A_2081, %sub3A_2097 : vector<16xi32>
      tpu.vector_store_idx %arg7[%sub3A_2098], %get3A_2085 masked %and3A_2095 {add = true} : memref<49952xf32, #tpu.memory_space<vmem>>[vector<16xi32>], vector<16xf32>, vector<16xi1>
      %scan3A_2099 = arith.constant 0 : i32
      scf.yield %scan3A_2099 : i32
    }
    %scan3A_1937 = arith.constant 16 : i32
    %dma_start3A_1938 = arith.constant 0 : i32
    %dma_start3A_1939 = tpu.memref_slice %arg5[%add3A_1861, %dma_start3A_1938] : memref<64x100000xf32, #tpu.memory_space<hbm>> -> memref<1x100000xf32, #tpu.memory_space<hbm>>
    %dma_start3A_1940 = tpu.memref_squeeze %dma_start3A_1939 : memref<1x100000xf32, #tpu.memory_space<hbm>> -> memref<100000xf32, #tpu.memory_space<hbm>>
    %dma_start3A_1941 = arith.constant 50048 : i32
    %dma_start3A_1942 = tpu.memref_slice %dma_start3A_1940[%dma_start3A_1941] : memref<100000xf32, #tpu.memory_space<hbm>> -> memref<49952xf32, #tpu.memory_space<hbm>>
    %dma_start3A_1943 = arith.constant 0 : i32
    %dma_start3A_1944 = tpu.memref_slice %arg5[%add3A_1861, %dma_start3A_1943] : memref<64x100000xf32, #tpu.memory_space<hbm>> -> memref<1x100000xf32, #tpu.memory_space<hbm>>
    %dma_start3A_1945 = tpu.memref_squeeze %dma_start3A_1944 : memref<1x100000xf32, #tpu.memory_space<hbm>> -> memref<100000xf32, #tpu.memory_space<hbm>>
    %dma_start3A_1946 = arith.constant 50048 : i32
    %dma_start3A_1947 = tpu.memref_slice %dma_start3A_1945[%dma_start3A_1946] : memref<100000xf32, #tpu.memory_space<hbm>> -> memref<49952xf32, #tpu.memory_space<hbm>>
    tpu.enqueue_dma source(%arg7 : memref<49952xf32, #tpu.memory_space<vmem>>) target(%dma_start3A_1947 : memref<49952xf32, #tpu.memory_space<hbm>>) target_semaphore(%arg16 : memref<!tpu.dma_semaphore, #tpu.memory_space<semaphore_mem>>)
    %mul3A_1948 = arith.constant 2 : i32
    %mul3A_1949 = arith.muli %add3A, %mul3A_1948 : i32
    %add3A_1950 = arith.constant 1 : i32
    %add3A_1951 = arith.addi %mul3A_1949, %add3A_1950 : i32
    %dma_wait3A_1952 = arith.constant 0 : i32
    %dma_wait3A_1953 = tpu.memref_slice %arg2[%add3A_1875, %dma_wait3A_1952] : memref<64x100000xf32, #tpu.memory_space<hbm>> -> memref<1x100000xf32, #tpu.memory_space<hbm>>
    %dma_wait3A_1954 = tpu.memref_squeeze %dma_wait3A_1953 : memref<1x100000xf32, #tpu.memory_space<hbm>> -> memref<100000xf32, #tpu.memory_space<hbm>>
    %dma_wait3A_1955 = arith.constant 0 : i32
    %dma_wait3A_1956 = tpu.memref_slice %dma_wait3A_1954[%dma_wait3A_1955] : memref<100000xf32, #tpu.memory_space<hbm>> -> memref<50048xf32, #tpu.memory_space<hbm>>
    %dma_wait3A_1957 = arith.constant 0 : i32
    %dma_wait3A_1958 = tpu.memref_slice %arg2[%add3A_1875, %dma_wait3A_1957] : memref<64x100000xf32, #tpu.memory_space<hbm>> -> memref<1x100000xf32, #tpu.memory_space<hbm>>
    %dma_wait3A_1959 = tpu.memref_squeeze %dma_wait3A_1958 : memref<1x100000xf32, #tpu.memory_space<hbm>> -> memref<100000xf32, #tpu.memory_space<hbm>>
    %dma_wait3A_1960 = arith.constant 0 : i32
    %dma_wait3A_1961 = tpu.memref_slice %dma_wait3A_1959[%dma_wait3A_1960] : memref<100000xf32, #tpu.memory_space<hbm>> -> memref<50048xf32, #tpu.memory_space<hbm>>
    tpu.wait_dma2 semaphore(%arg13 : memref<!tpu.dma_semaphore, #tpu.memory_space<semaphore_mem>>) src(%dma_wait3A_1961 : memref<50048xf32, #tpu.memory_space<hbm>>) dst(%arg6 : memref<50048xf32, #tpu.memory_space<vmem>>)
    %scan3A_1962 = arith.constant 0 : i32
    %scan3A_1963 = arith.constant 0 : i32
    %scan3A_1964 = arith.constant 32 : i32
    %scan3A_1965 = arith.addi %scan3A_1963, %scan3A_1964 : i32
    %scan3A_1966 = arith.constant 1 : i32
    %scan3A_1967 = scf.for %scan3A_2076 = %scan3A_1963 to %scan3A_1965 step %scan3A_1966 iter_args(%scan3A_2077 = %scan3A_1962) -> (i32)  : i32 {
      %mul3A_2078 = arith.constant 16 : i32
      %mul3A_2079 = arith.muli %scan3A_2076, %mul3A_2078 : i32
      %get3A_2080 = arith.constant 1 : i32
      %get3A_2081 = arith.index_cast %get3A_2080 : i32 to index
      %get3A_2082 = arith.index_cast %mul3A_2079 : i32 to index
      %get3A_2083 = tpu.vector_load %arg8[%get3A_2081, %get3A_2082] {strides = array<i32>} : memref<2x512xi32, #tpu.memory_space<vmem>>, vector<16xi32>,
      %ge3A_2084 = arith.constant 0 : i32
      %ge3A_2085 = vector.broadcast %ge3A_2084 : i32 to vector<16xi32>
      %ge3A_2086 = arith.cmpi sge, %get3A_2083, %ge3A_2085 : vector<16xi32>
      %lt3A_2087 = arith.constant 50048 : i32
      %lt3A_2088 = vector.broadcast %lt3A_2087 : i32 to vector<16xi32>
      %lt3A_2089 = arith.cmpi slt, %get3A_2083, %lt3A_2088 : vector<16xi32>
      %and3A_2090 = arith.andi %ge3A_2086, %lt3A_2089 : vector<16xi1>
      %sub3A_2091 = arith.constant 0 : i32
      %sub3A_2092 = vector.broadcast %sub3A_2091 : i32 to vector<16xi32>
      %sub3A_2093 = arith.subi %get3A_2083, %sub3A_2092 : vector<16xi32>
      %jit3A_2094 = arith.constant 0 : i32
      %broadcast_in_dim3A_2095 = vector.broadcast %jit3A_2094 : i32 to vector<16xi32>
      %select_n3A_2096 = arith.select %and3A_2090, %sub3A_2093, %broadcast_in_dim3A_2095 : vector<16xi1>, vector<16xi32>
      %gather3A_2097 = tpu.vector_load_idx %arg6[%select_n3A_2096] : memref<50048xf32, #tpu.memory_space<vmem>>[vector<16xi32>], vector<16xf32>,
      %mul3A_2098 = arith.constant 16 : i32
      %mul3A_2099 = arith.muli %scan3A_2076, %mul3A_2098 : i32
      %swap3A_2100 = arith.index_cast %mul3A_2099 : i32 to index
      %swap3A_2101 = tpu.vector_load %arg9[%swap3A_2100] {strides = array<i32>} : memref<512xf32, #tpu.memory_space<vmem>>, vector<16xf32>,
      tpu.vector_store %arg9[%swap3A_2100], %gather3A_2097 {strides = array<i32>} : memref<512xf32, #tpu.memory_space<vmem>>, vector<16xf32>,
      %scan3A_2102 = arith.constant 0 : i32
      scf.yield %scan3A_2102 : i32
    }
    %scan3A_1968 = arith.constant 32 : i32
    %scan3A_1969 = arith.constant 0 : i32
    %scan3A_1970 = arith.constant 0 : i32
    %scan3A_1971 = arith.constant 3120 : i32
    %scan3A_1972 = arith.addi %scan3A_1970, %scan3A_1971 : i32
    %scan3A_1973 = arith.constant 16 : i32
    %scan3A_1974 = scf.for %scan3A_2076 = %scan3A_1970 to %scan3A_1972 step %scan3A_1973 iter_args(%scan3A_2077 = %scan3A_1969) -> (i32)  : i32 {
      %mul3A_2078 = arith.constant 16 : i32
      %mul3A_2079 = arith.muli %scan3A_2076, %mul3A_2078 : i32
      %swap3A_2080 = arith.index_cast %mul3A_2079 : i32 to index
      %swap3A_2081 = tpu.vector_load %arg6[%swap3A_2080] {strides = array<i32>} : memref<50048xf32, #tpu.memory_space<vmem>>, vector<16xf32>,
      tpu.vector_store %arg6[%swap3A_2080], %broadcast_in_dim3A_1660 {strides = array<i32>} : memref<50048xf32, #tpu.memory_space<vmem>>, vector<16xf32>,
      %scan3A_2082 = arith.constant 0 : i32
      %scan3A_2083 = arith.constant 1 : i32
      %scan3A_2084 = arith.addi %scan3A_2076, %scan3A_2083 : i32
      %mul3A_2085 = arith.constant 16 : i32
      %mul3A_2086 = arith.muli %scan3A_2084, %mul3A_2085 : i32
      %swap3A_2087 = arith.index_cast %mul3A_2086 : i32 to index
      %swap3A_2088 = tpu.vector_load %arg6[%swap3A_2087] {strides = array<i32>} : memref<50048xf32, #tpu.memory_space<vmem>>, vector<16xf32>,
      tpu.vector_store %arg6[%swap3A_2087], %broadcast_in_dim3A_1660 {strides = array<i32>} : memref<50048xf32, #tpu.memory_space<vmem>>, vector<16xf32>,
      %scan3A_2089 = arith.constant 0 : i32
      %scan3A_2090 = arith.constant 2 : i32
      %scan3A_2091 = arith.addi %scan3A_2076, %scan3A_2090 : i32
      %mul3A_2092 = arith.constant 16 : i32
      %mul3A_2093 = arith.muli %scan3A_2091, %mul3A_2092 : i32
      %swap3A_2094 = arith.index_cast %mul3A_2093 : i32 to index
      %swap3A_2095 = tpu.vector_load %arg6[%swap3A_2094] {strides = array<i32>} : memref<50048xf32, #tpu.memory_space<vmem>>, vector<16xf32>,
      tpu.vector_store %arg6[%swap3A_2094], %broadcast_in_dim3A_1660 {strides = array<i32>} : memref<50048xf32, #tpu.memory_space<vmem>>, vector<16xf32>,
      %scan3A_2096 = arith.constant 0 : i32
      %scan3A_2097 = arith.constant 3 : i32
      %scan3A_2098 = arith.addi %scan3A_2076, %scan3A_2097 : i32
      %mul3A_2099 = arith.constant 16 : i32
      %mul3A_2100 = arith.muli %scan3A_2098, %mul3A_2099 : i32
      %swap3A_2101 = arith.index_cast %mul3A_2100 : i32 to index
      %swap3A_2102 = tpu.vector_load %arg6[%swap3A_2101] {strides = array<i32>} : memref<50048xf32, #tpu.memory_space<vmem>>, vector<16xf32>,
      tpu.vector_store %arg6[%swap3A_2101], %broadcast_in_dim3A_1660 {strides = array<i32>} : memref<50048xf32, #tpu.memory_space<vmem>>, vector<16xf32>,
      %scan3A_2103 = arith.constant 0 : i32
      %scan3A_2104 = arith.constant 4 : i32
      %scan3A_2105 = arith.addi %scan3A_2076, %scan3A_2104 : i32
      %mul3A_2106 = arith.constant 16 : i32
      %mul3A_2107 = arith.muli %scan3A_2105, %mul3A_2106 : i32
      %swap3A_2108 = arith.index_cast %mul3A_2107 : i32 to index
      %swap3A_2109 = tpu.vector_load %arg6[%swap3A_2108] {strides = array<i32>} : memref<50048xf32, #tpu.memory_space<vmem>>, vector<16xf32>,
      tpu.vector_store %arg6[%swap3A_2108], %broadcast_in_dim3A_1660 {strides = array<i32>} : memref<50048xf32, #tpu.memory_space<vmem>>, vector<16xf32>,
      %scan3A_2110 = arith.constant 0 : i32
      %scan3A_2111 = arith.constant 5 : i32
      %scan3A_2112 = arith.addi %scan3A_2076, %scan3A_2111 : i32
      %mul3A_2113 = arith.constant 16 : i32
      %mul3A_2114 = arith.muli %scan3A_2112, %mul3A_2113 : i32
      %swap3A_2115 = arith.index_cast %mul3A_2114 : i32 to index
      %swap3A_2116 = tpu.vector_load %arg6[%swap3A_2115] {strides = array<i32>} : memref<50048xf32, #tpu.memory_space<vmem>>, vector<16xf32>,
      tpu.vector_store %arg6[%swap3A_2115], %broadcast_in_dim3A_1660 {strides = array<i32>} : memref<50048xf32, #tpu.memory_space<vmem>>, vector<16xf32>,
      %scan3A_2117 = arith.constant 0 : i32
      %scan3A_2118 = arith.constant 6 : i32
      %scan3A_2119 = arith.addi %scan3A_2076, %scan3A_2118 : i32
      %mul3A_2120 = arith.constant 16 : i32
      %mul3A_2121 = arith.muli %scan3A_2119, %mul3A_2120 : i32
      %swap3A_2122 = arith.index_cast %mul3A_2121 : i32 to index
      %swap3A_2123 = tpu.vector_load %arg6[%swap3A_2122] {strides = array<i32>} : memref<50048xf32, #tpu.memory_space<vmem>>, vector<16xf32>,
      tpu.vector_store %arg6[%swap3A_2122], %broadcast_in_dim3A_1660 {strides = array<i32>} : memref<50048xf32, #tpu.memory_space<vmem>>, vector<16xf32>,
      %scan3A_2124 = arith.constant 0 : i32
      %scan3A_2125 = arith.constant 7 : i32
      %scan3A_2126 = arith.addi %scan3A_2076, %scan3A_2125 : i32
      %mul3A_2127 = arith.constant 16 : i32
      %mul3A_2128 = arith.muli %scan3A_2126, %mul3A_2127 : i32
      %swap3A_2129 = arith.index_cast %mul3A_2128 : i32 to index
      %swap3A_2130 = tpu.vector_load %arg6[%swap3A_2129] {strides = array<i32>} : memref<50048xf32, #tpu.memory_space<vmem>>, vector<16xf32>,
      tpu.vector_store %arg6[%swap3A_2129], %broadcast_in_dim3A_1660 {strides = array<i32>} : memref<50048xf32, #tpu.memory_space<vmem>>, vector<16xf32>,
      %scan3A_2131 = arith.constant 0 : i32
      %scan3A_2132 = arith.constant 8 : i32
      %scan3A_2133 = arith.addi %scan3A_2076, %scan3A_2132 : i32
      %mul3A_2134 = arith.constant 16 : i32
      %mul3A_2135 = arith.muli %scan3A_2133, %mul3A_2134 : i32
      %swap3A_2136 = arith.index_cast %mul3A_2135 : i32 to index
      %swap3A_2137 = tpu.vector_load %arg6[%swap3A_2136] {strides = array<i32>} : memref<50048xf32, #tpu.memory_space<vmem>>, vector<16xf32>,
      tpu.vector_store %arg6[%swap3A_2136], %broadcast_in_dim3A_1660 {strides = array<i32>} : memref<50048xf32, #tpu.memory_space<vmem>>, vector<16xf32>,
      %scan3A_2138 = arith.constant 0 : i32
      %scan3A_2139 = arith.constant 9 : i32
      %scan3A_2140 = arith.addi %scan3A_2076, %scan3A_2139 : i32
      %mul3A_2141 = arith.constant 16 : i32
      %mul3A_2142 = arith.muli %scan3A_2140, %mul3A_2141 : i32
      %swap3A_2143 = arith.index_cast %mul3A_2142 : i32 to index
      %swap3A_2144 = tpu.vector_load %arg6[%swap3A_2143] {strides = array<i32>} : memref<50048xf32, #tpu.memory_space<vmem>>, vector<16xf32>,
      tpu.vector_store %arg6[%swap3A_2143], %broadcast_in_dim3A_1660 {strides = array<i32>} : memref<50048xf32, #tpu.memory_space<vmem>>, vector<16xf32>,
      %scan3A_2145 = arith.constant 0 : i32
      %scan3A_2146 = arith.constant 10 : i32
      %scan3A_2147 = arith.addi %scan3A_2076, %scan3A_2146 : i32
      %mul3A_2148 = arith.constant 16 : i32
      %mul3A_2149 = arith.muli %scan3A_2147, %mul3A_2148 : i32
      %swap3A_2150 = arith.index_cast %mul3A_2149 : i32 to index
      %swap3A_2151 = tpu.vector_load %arg6[%swap3A_2150] {strides = array<i32>} : memref<50048xf32, #tpu.memory_space<vmem>>, vector<16xf32>,
      tpu.vector_store %arg6[%swap3A_2150], %broadcast_in_dim3A_1660 {strides = array<i32>} : memref<50048xf32, #tpu.memory_space<vmem>>, vector<16xf32>,
      %scan3A_2152 = arith.constant 0 : i32
      %scan3A_2153 = arith.constant 11 : i32
      %scan3A_2154 = arith.addi %scan3A_2076, %scan3A_2153 : i32
      %mul3A_2155 = arith.constant 16 : i32
      %mul3A_2156 = arith.muli %scan3A_2154, %mul3A_2155 : i32
      %swap3A_2157 = arith.index_cast %mul3A_2156 : i32 to index
      %swap3A_2158 = tpu.vector_load %arg6[%swap3A_2157] {strides = array<i32>} : memref<50048xf32, #tpu.memory_space<vmem>>, vector<16xf32>,
      tpu.vector_store %arg6[%swap3A_2157], %broadcast_in_dim3A_1660 {strides = array<i32>} : memref<50048xf32, #tpu.memory_space<vmem>>, vector<16xf32>,
      %scan3A_2159 = arith.constant 0 : i32
      %scan3A_2160 = arith.constant 12 : i32
      %scan3A_2161 = arith.addi %scan3A_2076, %scan3A_2160 : i32
      %mul3A_2162 = arith.constant 16 : i32
      %mul3A_2163 = arith.muli %scan3A_2161, %mul3A_2162 : i32
      %swap3A_2164 = arith.index_cast %mul3A_2163 : i32 to index
      %swap3A_2165 = tpu.vector_load %arg6[%swap3A_2164] {strides = array<i32>} : memref<50048xf32, #tpu.memory_space<vmem>>, vector<16xf32>,
      tpu.vector_store %arg6[%swap3A_2164], %broadcast_in_dim3A_1660 {strides = array<i32>} : memref<50048xf32, #tpu.memory_space<vmem>>, vector<16xf32>,
      %scan3A_2166 = arith.constant 0 : i32
      %scan3A_2167 = arith.constant 13 : i32
      %scan3A_2168 = arith.addi %scan3A_2076, %scan3A_2167 : i32
      %mul3A_2169 = arith.constant 16 : i32
      %mul3A_2170 = arith.muli %scan3A_2168, %mul3A_2169 : i32
      %swap3A_2171 = arith.index_cast %mul3A_2170 : i32 to index
      %swap3A_2172 = tpu.vector_load %arg6[%swap3A_2171] {strides = array<i32>} : memref<50048xf32, #tpu.memory_space<vmem>>, vector<16xf32>,
      tpu.vector_store %arg6[%swap3A_2171], %broadcast_in_dim3A_1660 {strides = array<i32>} : memref<50048xf32, #tpu.memory_space<vmem>>, vector<16xf32>,
      %scan3A_2173 = arith.constant 0 : i32
      %scan3A_2174 = arith.constant 14 : i32
      %scan3A_2175 = arith.addi %scan3A_2076, %scan3A_2174 : i32
      %mul3A_2176 = arith.constant 16 : i32
      %mul3A_2177 = arith.muli %scan3A_2175, %mul3A_2176 : i32
      %swap3A_2178 = arith.index_cast %mul3A_2177 : i32 to index
      %swap3A_2179 = tpu.vector_load %arg6[%swap3A_2178] {strides = array<i32>} : memref<50048xf32, #tpu.memory_space<vmem>>, vector<16xf32>,
      tpu.vector_store %arg6[%swap3A_2178], %broadcast_in_dim3A_1660 {strides = array<i32>} : memref<50048xf32, #tpu.memory_space<vmem>>, vector<16xf32>,
      %scan3A_2180 = arith.constant 0 : i32
      %scan3A_2181 = arith.constant 15 : i32
      %scan3A_2182 = arith.addi %scan3A_2076, %scan3A_2181 : i32
      %mul3A_2183 = arith.constant 16 : i32
      %mul3A_2184 = arith.muli %scan3A_2182, %mul3A_2183 : i32
      %swap3A_2185 = arith.index_cast %mul3A_2184 : i32 to index
      %swap3A_2186 = tpu.vector_load %arg6[%swap3A_2185] {strides = array<i32>} : memref<50048xf32, #tpu.memory_space<vmem>>, vector<16xf32>,
      tpu.vector_store %arg6[%swap3A_2185], %broadcast_in_dim3A_1660 {strides = array<i32>} : memref<50048xf32, #tpu.memory_space<vmem>>, vector<16xf32>,
      %scan3A_2187 = arith.constant 0 : i32
      scf.yield %scan3A_2187 : i32
    }
    %scan3A_1975 = arith.constant 3120 : i32
    %scan3A_1976 = arith.addi %scan3A_1970, %scan3A_1975 : i32
    %mul3A_1977 = arith.constant 16 : i32
    %mul3A_1978 = arith.muli %scan3A_1976, %mul3A_1977 : i32
    %swap3A_1979 = arith.index_cast %mul3A_1978 : i32 to index
    %swap3A_1980 = tpu.vector_load %arg6[%swap3A_1979] {strides = array<i32>} : memref<50048xf32, #tpu.memory_space<vmem>>, vector<16xf32>,
    tpu.vector_store %arg6[%swap3A_1979], %broadcast_in_dim3A_1660 {strides = array<i32>} : memref<50048xf32, #tpu.memory_space<vmem>>, vector<16xf32>,
    %scan3A_1981 = arith.constant 0 : i32
    %scan3A_1982 = arith.constant 3121 : i32
    %scan3A_1983 = arith.addi %scan3A_1970, %scan3A_1982 : i32
    %mul3A_1984 = arith.constant 16 : i32
    %mul3A_1985 = arith.muli %scan3A_1983, %mul3A_1984 : i32
    %swap3A_1986 = arith.index_cast %mul3A_1985 : i32 to index
    %swap3A_1987 = tpu.vector_load %arg6[%swap3A_1986] {strides = array<i32>} : memref<50048xf32, #tpu.memory_space<vmem>>, vector<16xf32>,
    tpu.vector_store %arg6[%swap3A_1986], %broadcast_in_dim3A_1660 {strides = array<i32>} : memref<50048xf32, #tpu.memory_space<vmem>>, vector<16xf32>,
    %scan3A_1988 = arith.constant 0 : i32
    %scan3A_1989 = arith.constant 3122 : i32
    %scan3A_1990 = arith.addi %scan3A_1970, %scan3A_1989 : i32
    %mul3A_1991 = arith.constant 16 : i32
    %mul3A_1992 = arith.muli %scan3A_1990, %mul3A_1991 : i32
    %swap3A_1993 = arith.index_cast %mul3A_1992 : i32 to index
    %swap3A_1994 = tpu.vector_load %arg6[%swap3A_1993] {strides = array<i32>} : memref<50048xf32, #tpu.memory_space<vmem>>, vector<16xf32>,
    tpu.vector_store %arg6[%swap3A_1993], %broadcast_in_dim3A_1660 {strides = array<i32>} : memref<50048xf32, #tpu.memory_space<vmem>>, vector<16xf32>,
    %scan3A_1995 = arith.constant 0 : i32
    %scan3A_1996 = arith.constant 3123 : i32
    %scan3A_1997 = arith.addi %scan3A_1970, %scan3A_1996 : i32
    %mul3A_1998 = arith.constant 16 : i32
    %mul3A_1999 = arith.muli %scan3A_1997, %mul3A_1998 : i32
    %swap3A_2000 = arith.index_cast %mul3A_1999 : i32 to index
    %swap3A_2001 = tpu.vector_load %arg6[%swap3A_2000] {strides = array<i32>} : memref<50048xf32, #tpu.memory_space<vmem>>, vector<16xf32>,
    tpu.vector_store %arg6[%swap3A_2000], %broadcast_in_dim3A_1660 {strides = array<i32>} : memref<50048xf32, #tpu.memory_space<vmem>>, vector<16xf32>,
    %scan3A_2002 = arith.constant 0 : i32
    %scan3A_2003 = arith.constant 3124 : i32
    %scan3A_2004 = arith.addi %scan3A_1970, %scan3A_2003 : i32
    %mul3A_2005 = arith.constant 16 : i32
    %mul3A_2006 = arith.muli %scan3A_2004, %mul3A_2005 : i32
    %swap3A_2007 = arith.index_cast %mul3A_2006 : i32 to index
    %swap3A_2008 = tpu.vector_load %arg6[%swap3A_2007] {strides = array<i32>} : memref<50048xf32, #tpu.memory_space<vmem>>, vector<16xf32>,
    tpu.vector_store %arg6[%swap3A_2007], %broadcast_in_dim3A_1660 {strides = array<i32>} : memref<50048xf32, #tpu.memory_space<vmem>>, vector<16xf32>,
    %scan3A_2009 = arith.constant 0 : i32
    %scan3A_2010 = arith.constant 3125 : i32
    %scan3A_2011 = arith.addi %scan3A_1970, %scan3A_2010 : i32
    %mul3A_2012 = arith.constant 16 : i32
    %mul3A_2013 = arith.muli %scan3A_2011, %mul3A_2012 : i32
    %swap3A_2014 = arith.index_cast %mul3A_2013 : i32 to index
    %swap3A_2015 = tpu.vector_load %arg6[%swap3A_2014] {strides = array<i32>} : memref<50048xf32, #tpu.memory_space<vmem>>, vector<16xf32>,
    tpu.vector_store %arg6[%swap3A_2014], %broadcast_in_dim3A_1660 {strides = array<i32>} : memref<50048xf32, #tpu.memory_space<vmem>>, vector<16xf32>,
    %scan3A_2016 = arith.constant 0 : i32
    %scan3A_2017 = arith.constant 3126 : i32
    %scan3A_2018 = arith.addi %scan3A_1970, %scan3A_2017 : i32
    %mul3A_2019 = arith.constant 16 : i32
    %mul3A_2020 = arith.muli %scan3A_2018, %mul3A_2019 : i32
    %swap3A_2021 = arith.index_cast %mul3A_2020 : i32 to index
    %swap3A_2022 = tpu.vector_load %arg6[%swap3A_2021] {strides = array<i32>} : memref<50048xf32, #tpu.memory_space<vmem>>, vector<16xf32>,
    tpu.vector_store %arg6[%swap3A_2021], %broadcast_in_dim3A_1660 {strides = array<i32>} : memref<50048xf32, #tpu.memory_space<vmem>>, vector<16xf32>,
    %scan3A_2023 = arith.constant 0 : i32
    %scan3A_2024 = arith.constant 3127 : i32
    %scan3A_2025 = arith.addi %scan3A_1970, %scan3A_2024 : i32
    %mul3A_2026 = arith.constant 16 : i32
    %mul3A_2027 = arith.muli %scan3A_2025, %mul3A_2026 : i32
    %swap3A_2028 = arith.index_cast %mul3A_2027 : i32 to index
    %swap3A_2029 = tpu.vector_load %arg6[%swap3A_2028] {strides = array<i32>} : memref<50048xf32, #tpu.memory_space<vmem>>, vector<16xf32>,
    tpu.vector_store %arg6[%swap3A_2028], %broadcast_in_dim3A_1660 {strides = array<i32>} : memref<50048xf32, #tpu.memory_space<vmem>>, vector<16xf32>,
    %scan3A_2030 = arith.constant 0 : i32
    %scan3A_2031 = arith.constant 3128 : i32
    %scan3A_2032 = arith.constant 0 : i32
    %scan3A_2033 = arith.constant 0 : i32
    %scan3A_2034 = arith.constant 32 : i32
    %scan3A_2035 = arith.addi %scan3A_2033, %scan3A_2034 : i32
    %scan3A_2036 = arith.constant 1 : i32
    %scan3A_2037 = scf.for %scan3A_2076 = %scan3A_2033 to %scan3A_2035 step %scan3A_2036 iter_args(%scan3A_2077 = %scan3A_2032) -> (i32)  : i32 {
      %mul3A_2078 = arith.constant 16 : i32
      %mul3A_2079 = arith.muli %scan3A_2076, %mul3A_2078 : i32
      %get3A_2080 = arith.constant 1 : i32
      %get3A_2081 = arith.index_cast %get3A_2080 : i32 to index
      %get3A_2082 = arith.index_cast %mul3A_2079 : i32 to index
      %get3A_2083 = tpu.vector_load %arg8[%get3A_2081, %get3A_2082] {strides = array<i32>} : memref<2x512xi32, #tpu.memory_space<vmem>>, vector<16xi32>,
      %mul3A_2084 = arith.constant 16 : i32
      %mul3A_2085 = arith.muli %scan3A_2076, %mul3A_2084 : i32
      %get3A_2086 = arith.index_cast %mul3A_2085 : i32 to index
      %get3A_2087 = tpu.vector_load %arg9[%get3A_2086] {strides = array<i32>} : memref<512xf32, #tpu.memory_space<vmem>>, vector<16xf32>,
      %ge3A_2088 = arith.constant 0 : i32
      %ge3A_2089 = vector.broadcast %ge3A_2088 : i32 to vector<16xi32>
      %ge3A_2090 = arith.cmpi sge, %get3A_2083, %ge3A_2089 : vector<16xi32>
      %lt3A_2091 = arith.constant 50048 : i32
      %lt3A_2092 = vector.broadcast %lt3A_2091 : i32 to vector<16xi32>
      %lt3A_2093 = arith.cmpi slt, %get3A_2083, %lt3A_2092 : vector<16xi32>
      %and3A_2094 = arith.andi %ge3A_2090, %lt3A_2093 : vector<16xi1>
      %sub3A_2095 = arith.constant 0 : i32
      %sub3A_2096 = vector.broadcast %sub3A_2095 : i32 to vector<16xi32>
      %sub3A_2097 = arith.subi %get3A_2083, %sub3A_2096 : vector<16xi32>
      tpu.vector_store_idx %arg6[%sub3A_2097], %get3A_2087 masked %and3A_2094 : memref<50048xf32, #tpu.memory_space<vmem>>[vector<16xi32>], vector<16xf32>, vector<16xi1>
      %scan3A_2098 = arith.constant 0 : i32
      scf.yield %scan3A_2098 : i32
    }
    %scan3A_2038 = arith.constant 32 : i32
    %scan3A_2039 = arith.constant 0 : i32
    %scan3A_2040 = arith.constant 0 : i32
    %scan3A_2041 = arith.constant 16 : i32
    %scan3A_2042 = arith.addi %scan3A_2040, %scan3A_2041 : i32
    %scan3A_2043 = arith.constant 1 : i32
    %scan3A_2044 = scf.for %scan3A_2076 = %scan3A_2040 to %scan3A_2042 step %scan3A_2043 iter_args(%scan3A_2077 = %scan3A_2039) -> (i32)  : i32 {
      %mul3A_2078 = arith.constant 16 : i32
      %mul3A_2079 = arith.muli %scan3A_2076, %mul3A_2078 : i32
      %get3A_2080 = arith.index_cast %mul3A_2079 : i32 to index
      %get3A_2081 = tpu.vector_load %arg10[%get3A_2080] {strides = array<i32>} : memref<256xi32, #tpu.memory_space<vmem>>, vector<16xi32>,
      %mul3A_2082 = arith.constant 16 : i32
      %mul3A_2083 = arith.muli %scan3A_2076, %mul3A_2082 : i32
      %get3A_2084 = arith.index_cast %mul3A_2083 : i32 to index
      %get3A_2085 = tpu.vector_load %arg11[%get3A_2084] {strides = array<i32>} : memref<256xf32, #tpu.memory_space<vmem>>, vector<16xf32>,
      %ge3A_2086 = arith.constant 0 : i32
      %ge3A_2087 = vector.broadcast %ge3A_2086 : i32 to vector<16xi32>
      %ge3A_2088 = arith.cmpi sge, %get3A_2081, %ge3A_2087 : vector<16xi32>
      %lt3A_2089 = arith.constant 50048 : i32
      %lt3A_2090 = vector.broadcast %lt3A_2089 : i32 to vector<16xi32>
      %lt3A_2091 = arith.cmpi slt, %get3A_2081, %lt3A_2090 : vector<16xi32>
      %and3A_2092 = arith.andi %ge3A_2088, %lt3A_2091 : vector<16xi1>
      %gt3A = arith.constant 0.000000e+00 : f32
      %gt3A_2093 = vector.broadcast %gt3A : f32 to vector<16xf32>
      %gt3A_2094 = arith.cmpf ogt, %get3A_2085, %gt3A_2093 : vector<16xf32>
      %and3A_2095 = arith.andi %and3A_2092, %gt3A_2094 : vector<16xi1>
      %sub3A_2096 = arith.constant 0 : i32
      %sub3A_2097 = vector.broadcast %sub3A_2096 : i32 to vector<16xi32>
      %sub3A_2098 = arith.subi %get3A_2081, %sub3A_2097 : vector<16xi32>
      tpu.vector_store_idx %arg6[%sub3A_2098], %get3A_2085 masked %and3A_2095 {add = true} : memref<50048xf32, #tpu.memory_space<vmem>>[vector<16xi32>], vector<16xf32>, vector<16xi1>
      %scan3A_2099 = arith.constant 0 : i32
      scf.yield %scan3A_2099 : i32
    }
    %scan3A_2045 = arith.constant 16 : i32
    %dma_start3A_2046 = arith.constant 0 : i32
    %dma_start3A_2047 = tpu.memref_slice %arg5[%add3A_1951, %dma_start3A_2046] : memref<64x100000xf32, #tpu.memory_space<hbm>> -> memref<1x100000xf32, #tpu.memory_space<hbm>>
    %dma_start3A_2048 = tpu.memref_squeeze %dma_start3A_2047 : memref<1x100000xf32, #tpu.memory_space<hbm>> -> memref<100000xf32, #tpu.memory_space<hbm>>
    %dma_start3A_2049 = arith.constant 0 : i32
    %dma_start3A_2050 = tpu.memref_slice %dma_start3A_2048[%dma_start3A_2049] : memref<100000xf32, #tpu.memory_space<hbm>> -> memref<50048xf32, #tpu.memory_space<hbm>>
    %dma_start3A_2051 = arith.constant 0 : i32
    %dma_start3A_2052 = tpu.memref_slice %arg5[%add3A_1951, %dma_start3A_2051] : memref<64x100000xf32, #tpu.memory_space<hbm>> -> memref<1x100000xf32, #tpu.memory_space<hbm>>
    %dma_start3A_2053 = tpu.memref_squeeze %dma_start3A_2052 : memref<1x100000xf32, #tpu.memory_space<hbm>> -> memref<100000xf32, #tpu.memory_space<hbm>>
    %dma_start3A_2054 = arith.constant 0 : i32
    %dma_start3A_2055 = tpu.memref_slice %dma_start3A_2053[%dma_start3A_2054] : memref<100000xf32, #tpu.memory_space<hbm>> -> memref<50048xf32, #tpu.memory_space<hbm>>
    tpu.enqueue_dma source(%arg6 : memref<50048xf32, #tpu.memory_space<vmem>>) target(%dma_start3A_2055 : memref<50048xf32, #tpu.memory_space<hbm>>) target_semaphore(%arg15 : memref<!tpu.dma_semaphore, #tpu.memory_space<semaphore_mem>>)
    %dma_wait3A_2056 = arith.constant 0 : i32
    %dma_wait3A_2057 = tpu.memref_slice %arg5[%add3A_1951, %dma_wait3A_2056] : memref<64x100000xf32, #tpu.memory_space<hbm>> -> memref<1x100000xf32, #tpu.memory_space<hbm>>
    %dma_wait3A_2058 = tpu.memref_squeeze %dma_wait3A_2057 : memref<1x100000xf32, #tpu.memory_space<hbm>> -> memref<100000xf32, #tpu.memory_space<hbm>>
    %dma_wait3A_2059 = arith.constant 0 : i32
    %dma_wait3A_2060 = tpu.memref_slice %dma_wait3A_2058[%dma_wait3A_2059] : memref<100000xf32, #tpu.memory_space<hbm>> -> memref<50048xf32, #tpu.memory_space<hbm>>
    %dma_wait3A_2061 = arith.constant 0 : i32
    %dma_wait3A_2062 = tpu.memref_slice %arg5[%add3A_1951, %dma_wait3A_2061] : memref<64x100000xf32, #tpu.memory_space<hbm>> -> memref<1x100000xf32, #tpu.memory_space<hbm>>
    %dma_wait3A_2063 = tpu.memref_squeeze %dma_wait3A_2062 : memref<1x100000xf32, #tpu.memory_space<hbm>> -> memref<100000xf32, #tpu.memory_space<hbm>>
    %dma_wait3A_2064 = arith.constant 0 : i32
    %dma_wait3A_2065 = tpu.memref_slice %dma_wait3A_2063[%dma_wait3A_2064] : memref<100000xf32, #tpu.memory_space<hbm>> -> memref<50048xf32, #tpu.memory_space<hbm>>
    tpu.wait_dma2 semaphore(%arg15 : memref<!tpu.dma_semaphore, #tpu.memory_space<semaphore_mem>>) src(%arg6 : memref<50048xf32, #tpu.memory_space<vmem>>) dst(%dma_wait3A_2065 : memref<50048xf32, #tpu.memory_space<hbm>>)
    %dma_wait3A_2066 = arith.constant 0 : i32
    %dma_wait3A_2067 = tpu.memref_slice %arg5[%add3A_1861, %dma_wait3A_2066] : memref<64x100000xf32, #tpu.memory_space<hbm>> -> memref<1x100000xf32, #tpu.memory_space<hbm>>
    %dma_wait3A_2068 = tpu.memref_squeeze %dma_wait3A_2067 : memref<1x100000xf32, #tpu.memory_space<hbm>> -> memref<100000xf32, #tpu.memory_space<hbm>>
    %dma_wait3A_2069 = arith.constant 50048 : i32
    %dma_wait3A_2070 = tpu.memref_slice %dma_wait3A_2068[%dma_wait3A_2069] : memref<100000xf32, #tpu.memory_space<hbm>> -> memref<49952xf32, #tpu.memory_space<hbm>>
    %dma_wait3A_2071 = arith.constant 0 : i32
    %dma_wait3A_2072 = tpu.memref_slice %arg5[%add3A_1861, %dma_wait3A_2071] : memref<64x100000xf32, #tpu.memory_space<hbm>> -> memref<1x100000xf32, #tpu.memory_space<hbm>>
    %dma_wait3A_2073 = tpu.memref_squeeze %dma_wait3A_2072 : memref<1x100000xf32, #tpu.memory_space<hbm>> -> memref<100000xf32, #tpu.memory_space<hbm>>
    %dma_wait3A_2074 = arith.constant 50048 : i32
    %dma_wait3A_2075 = tpu.memref_slice %dma_wait3A_2073[%dma_wait3A_2074] : memref<100000xf32, #tpu.memory_space<hbm>> -> memref<49952xf32, #tpu.memory_space<hbm>>
    tpu.wait_dma2 semaphore(%arg16 : memref<!tpu.dma_semaphore, #tpu.memory_space<semaphore_mem>>) src(%arg7 : memref<49952xf32, #tpu.memory_space<vmem>>) dst(%dma_wait3A_2075 : memref<49952xf32, #tpu.memory_space<hbm>>)
    return
  }
}

</mosaic_0001>

<sc_bundles>
// kernel: kernel.3.cloned.1.call-start
scs
__scs_entry_jumppad:
0x0: {  	(pc) =	sbr.rel $0x88, $3  }
0x1: {  	(tag) =	ssettag $0x0;
	lr =	simm.s32 $0x1  }
0x2: {  	[smem:$0x3F9E] =	sst lr;
	_ =	strace $0xD0000000  }
0x3: {  	_ = 	snop  }
0x4: {  	_ = 	snop  }
0x5: {  	_ = 	snop  }
0x6: {  	_ = 	snop  }
0x7: {  	_ = 	snop  }
__scs_overlays_trampoline_lowered:
0x8: {  	[smem:$0x3FAD] =	sst s0  }
0x9: {  	[smem:$0x3FAE] =	sst s1  }
0xa: {  	[smem:$0x3FAF] =	sst s2  }
0xb: {  	[smem:$0x3FB0] =	sst s3  }
0xc: {  	[smem:$0x3FB1] =	sst s4  }
0xd: {  	[smem:$0x3FB2] =	sst s5  }
0xe: {  	[smem:$0x3FB3] =	sst s6  }
0xf: {  	[smem:$0x3FB4] =	sst s7  }
0x10: {  	[smem:$0x3FB5] =	sst s8  }
0x11: {  	[smem:$0x3FB6] =	sst s9;
	s0 =	simm.s32 @!p0 $0x0  }
0x12: {  	s1 =	sld [smem:$0x3F9C];
	s0 =	simm.s32 @p0 $0x1  }
0x13: {  	[smem:$0x3FB7] =	sst s0;
	s0 =	simm.s32 @!p1 $0x0  }
0x14: {  	s2 =	sld [smem:$0x3F9B];
	s0 =	simm.s32 @p1 $0x1  }
0x15: {  	[smem:$0x3FB8] =	sst s0;
	s0 =	simm.s32 @!p2 $0x0  }
0x16: {  	s3 =	sld [smem:$0x3FDB];
	s0 =	simm.s32 @p2 $0x1  }
0x17: {  	s4 =	simm.s32 $0x1BF5;
	[smem:$0x3FBA] =	sst s0  }
0x18: {  	s0 =	sld [smem:$0x3F9D];
	_ =	swait.ge [sflag:s4], $0x0  }
0x19: {  	s7 =	sld [smem:$0x3F9E]  }
0x1a: {  	s8 =	sadd.s32 $0xFFFFE003, lr  }
0x1b: {  	s9 =	sadd.s32 $0xFFFFFEF7, lr;
	s5 =	simm.s32 $0xFFFFFFFF;
	p2 =	slt.u32 s8, $0xFFFFF086  }
0x1c: {  	p1 =	slt.u32 s9, $0xF7A;
	s5 =	simm.s32 @!p2 $0x0  }
0x1d: {  	s5 =	simm.s32 @p1 $0x1;
	p0 =	seq.s32 s7, s2  }
0x1e: {  	s7 =	smul.u32 @!p0 $0xF7A, s2;
	p2 =	seq.s32 @!p0 s5, $0x0  }
0x1f: {  	s9 =	smul.u32 $0xF7A, s1;
	s8 =	simm.s32 @!p0 $0x1BF5;
	p2 =	por !p2, p0  }
0x20: {  	[sflag:s8] =	ssyncset.s32 @!p0 $0xFFFFF086;
	s6 =	sadd.s32 @!p0 s3, s7;
	s7 =	simm.s32 @!p0 $0x108  }
0x21: {  	s3 =	sadd.s32 s3, s9;
	s6 =	sadd.s32 @!p0 $0x88, s6;
	s7 =	simm.s32 @p2 $0x1082  }
0x22: {  	[simem:s7], [sflag:s8] =	dma.local @!p0 [hbm:s6], $0xF7A  }
0x23: {  	s9 =	sor.u32 $0xD0000000, s2;
	s6 =	simm.s32 $0x108;
	_ =	swait.ge @!p0 [sflag:s8], $0x0  }
0x24: {  	s3 =	sadd.s32 $0x88, s3;
	s6 =	simm.s32 @!p1 $0x1082;
	[sflag:s4] =	ssyncset.s32 $0xFFFFF086  }
0x25: {  	[simem:s6], [sflag:s4] =	dma.local [hbm:s3], $0xF7A  }
0x26: {  	[smem:$0x3F9E] =	sst s1;
	(tag) =	ssettag s2;
	_ =	strace s9  }
0x27: {  	s1 =	sld [smem:$0x3FAE]  }
0x28: {  	s2 =	sld [smem:$0x3FAF]  }
0x29: {  	s4 =	sld [smem:$0x3FB1]  }
0x2a: {  	p0 =	seq.s32 s5, $0x0;
	s5 =	sld [smem:$0x3FB2]  }
0x2b: {  	s6 =	sld [smem:$0x3FB3]  }
0x2c: {  	s7 =	sld [smem:$0x3FB4]  }
0x2d: {  	s3 =	simm.s32 $0x108;
	s8 =	sld [smem:$0x3FB5]  }
0x2e: {  	s3 =	simm.s32 @!p0 $0x1082;
	s9 =	sld [smem:$0x3FB6]  }
0x2f: {  	lr =	sadd.s32 s0, s3;
	s0 =	sld [smem:$0x3FAD]  }
0x30: {  	s3 =	sld [smem:$0x3FB0]  }
0x31: {  	[smem:$0x3FB9] =	sst s10  }
0x32: {  	s10 =	sld [smem:$0x3FB7];
	_ =	sdelay $0x3  }
0x33: {  	p0 =	seq.s32 s10, $0x1;
	s10 =	sld [smem:$0x3FB9];
	_ =	sdelay $0x3  }
0x34: {  	[smem:$0x3FB9] =	sst s10  }
0x35: {  	s10 =	sld [smem:$0x3FB8];
	_ =	sdelay $0x3  }
0x36: {  	p1 =	seq.s32 s10, $0x1;
	s10 =	sld [smem:$0x3FB9];
	_ =	sdelay $0x3  }
0x37: {  	[smem:$0x3FB9] =	sst s10  }
0x38: {  	s10 =	sld [smem:$0x3FBA]  }
0x39: {  	_ = 	snop;
	(pc) =	sbr.ind lr, $3  }
0x3a: {  	_ = 	snop  }
0x3b: {  	_ = 	snop  }
0x3c: {  	p2 =	seq.s32 s10, $0x1;
	s10 =	sld [smem:$0x3FB9]  }
0x3d: {  	_ =	shalt  }
0x3e: {  	_ =	shalt  }
0x3f: {  	_ =	shalt  }
0x40: {  	_ =	shalt  }
0x41: {  	_ =	shalt  }
0x42: {  	_ =	shalt  }
0x43: {  	_ =	shalt  }
0x44: {  	_ =	shalt  }
0x45: {  	_ =	shalt  }
0x46: {  	_ =	shalt  }
0x47: {  	_ =	shalt  }
0x48: {  	_ =	shalt  }
0x49: {  	_ =	shalt  }
0x4a: {  	_ =	shalt  }
0x4b: {  	_ =	shalt  }
0x4c: {  	_ =	shalt  }
0x4d: {  	_ =	shalt  }
0x4e: {  	_ =	shalt  }
0x4f: {  	_ =	shalt  }
0x50: {  	_ =	shalt  }
0x51: {  	_ =	shalt  }
0x52: {  	_ =	shalt  }
0x53: {  	_ =	shalt  }
0x54: {  	_ =	shalt  }
0x55: {  	_ =	shalt  }
0x56: {  	_ =	shalt  }
0x57: {  	_ =	shalt  }
0x58: {  	_ =	shalt  }
0x59: {  	_ =	shalt  }
0x5a: {  	_ =	shalt  }
0x5b: {  	_ =	shalt  }
0x5c: {  	_ =	shalt  }
0x5d: {  	_ =	shalt  }
0x5e: {  	_ =	shalt  }
0x5f: {  	_ =	shalt  }
0x60: {  	_ =	shalt  }
0x61: {  	_ =	shalt  }
0x62: {  	_ =	shalt  }
0x63: {  	_ =	shalt  }
0x64: {  	_ =	shalt  }
0x65: {  	_ =	shalt  }
0x66: {  	_ =	shalt  }
0x67: {  	_ =	shalt  }
0x68: {  	_ =	shalt  }
0x69: {  	_ =	shalt  }
0x6a: {  	_ =	shalt  }
0x6b: {  	_ =	shalt  }
0x6c: {  	_ =	shalt  }
0x6d: {  	_ =	shalt  }
0x6e: {  	_ =	shalt  }
0x6f: {  	_ =	shalt  }
0x70: {  	_ =	shalt  }
0x71: {  	_ =	shalt  }
0x72: {  	_ =	shalt  }
0x73: {  	_ =	shalt  }
0x74: {  	_ =	shalt  }
0x75: {  	_ =	shalt  }
0x76: {  	_ =	shalt  }
0x77: {  	_ =	shalt  }
0x78: {  	_ =	shalt  }
0x79: {  	_ =	shalt  }
0x7a: {  	_ =	shalt  }
0x7b: {  	_ =	shalt  }
0x7c: {  	_ =	shalt  }
0x7d: {  	_ =	shalt  }
0x7e: {  	_ =	shalt  }
0x7f: {  	_ =	shalt  }
0x80: {  	_ =	shalt  }
0x81: {  	_ =	shalt  }
0x82: {  	_ =	shalt  }
0x83: {  	_ =	shalt  }
0x84: {  	_ =	shalt  }
0x85: {  	_ =	shalt  }
0x86: {  	_ =	shalt  }
0x87: {  	_ =	shalt  }
.Lfunc_end0:
.L_simem_size_0:
called_computation_lowered:
.L_overlay_start_0:
0x88: {  	s2 =	sld [smem:$0x3FD9]  }
0x89: {  	s3 =	sld [smem:$0x3FFE];
	_ =	sdelay $0x1  }
0x8a: {  	s1 =	srdreg.scid  }
0x8b: {  	s0 =	sand.u32 $0x1, s1  }
0x8c: {  	s18 =	sshll.u32 s0, $0xA;
	s2 =	sadd.s32 s3, s2  }
0x8d: {  	s2 =	sadd.s32 s2, s18  }
0x8e: {  	[smem:$0x3FC5] =	sst s2  }
0x8f: {  	_ = 	snop  }
0x90: {  	s2 =	sld [smem:$0x3FC9]  }
0x91: {  	s19 =	sld [smem:$0x3FC8]  }
0x92: {  	s4 =	sld [smem:$0x3FC7]  }
0x93: {  	s5 =	sld [smem:$0x3FD0];
	(tm) =	ssettm $0x1  }
0x94: {  	s6 =	sld [smem:$0x3FFB];
	_ =	sdelay $0x3  }
0x95: {  	_ =	strace s6  }
0x96: {  	s6 =	sld [smem:$0x3FFC];
	_ =	sdelay $0x3  }
0x97: {  	_ =	strace s6  }
0x98: {  	s6 =	sld [smem:$0x3FFD];
	_ =	sdelay $0x3  }
0x99: {  	_ =	strace s6  }
0x9a: {  	_ =	strace $0x8FFFFFFF  }
0x9b: {  	s20 =	sld [smem:$0x3FDB];
	_ =	sdelay $0x1  }
0x9c: {  	s7 =	simm.s32 $_scs_section_size  }
0x9d: {  	s8 =	simm.s32 $_size__tile_overlayer_lowered;
	s9 =	simm.s32 $_tile_overlayer_lowered  }
0x9e: {  	s23 =	simm.s32 $0x1BFF;
	s22 =	sshll.u32 s9, $0x1;
	s6 =	sadd.s32 s7, s20  }
0x9f: {  	s10 =	simm.s32 $0x0;
	s21 =	sshll.u32 s8, $0x1;
	s8 =	sadd.s32 s22, s6  }
0xa0: {  	[timem:s10], [sflag:s23] =	dma.local [hbm:s8], s21  }
0xa1: {  	_ =	swait.ge [sflag:s23], s21  }
0xa2: {  	s7 =	ssub.s32 $0x0, s21;
	[sflag:s23] =	ssyncset.done $0x0  }
0xa3: {  	[sflag:s23] =	ssyncadd.s32 s7;
	_ =	sdelay $0x1  }
0xa4: {  	s24 =	simm.s32 $0x1B8B  }
0xa5: {  	_ =	swait.ge [sflag:s24], $0x1  }
0xa6: {  	[sflag:s24] =	ssyncset.done $0x0  }
0xa7: {  	s25 =	simm.s32 $0x1B8E;
	[sflag:s24] =	ssyncadd.s32 $0xFFFFFFFF  }
0xa8: {  	s26 =	simm.s32 $execute0_lowered;
	[smem:$0x3FD2] =	sst s25  }
0xa9: {  	s7 =	sshll.u32 s26, $0x1;
	_ =	strace $0x80000046;
	[dreg:$0x1] =	wrdreg $0xFFFFFFFF  }
0xaa: {  	s28 =	simm.s32 $_size_execute0_lowered;
	s6 =	sadd.s32 s6, s7;
	[dreg:$0x0] =	wrdreg $0x0  }
0xab: {  	s7 =	sshll.u32 s28, $0x1;
	[dreg:$0x2] =	wrdreg s6  }
0xac: {  	[dreg:$0x3] =	wrdreg s7  }
0xad: {  	[dreg:$0x4] =	wrdreg $0xC0  }
0xae: {  	_ =	task [dreg:s10], $0x5FFFF  }
0xaf: {  	[dreg:$0x1] =	wrdreg $0xFFFFFFFF  }
0xb0: {  	[dreg:$0x0] =	wrdreg $0x60  }
0xb1: {  	[dreg:$0x2] =	wrdreg s2  }
0xb2: {  	[dreg:$0x3] =	wrdreg s19  }
0xb3: {  	[dreg:$0x4] =	wrdreg s4  }
0xb4: {  	[dreg:$0x5] =	wrdreg s5  }
0xb5: {  	[dreg:$0x6] =	wrdreg $0x9  }
0xb6: {  	_ =	task.clear_ibuf [dreg:s10], $0x7FFFF;
	_ =	strace $0x90000046  }
0xb7: {  	s29 =	simm.s32 $0x9;
	_ =	strace $0x80000048  }
0xb8: {  	_ =	swait.ge [sflag:s29], $0x1  }
0xb9: {  	[sflag:s29] =	ssyncadd.s32 $0xFFFFFFFF  }
0xba: {  	_ =	strace $0x90000048  }
0xbb: {  	_ =	sfence  }
0xbc: {  	s30 =	sld [smem:$0x0];
	_ =	sdelay $0x2  }
0xbd: {  	s31 =	sshll.u32 s1, $0xD;
	s1 =	sshrl.u32 s1, $0x2  }
0xbe: {  	s3 =	sand.u32 $0x4000, s31;
	s1 =	sadd.s32 s1, s30  }
0xbf: {  	s0 =	sor.u32 s3, s0;
	s1 =	sshll.u32 s1, $0x11  }
0xc0: {  	s0 =	sor.u32 s1, s0  }
0xc1: {  	s0 =	sadd.s32 $0x8F2B, s0  }
0xc2: {  	[sflag:s0] =	ssyncadd.remote.s32 $0x1  }
0xc3: {  	_ =	sfence.sel $0xFFFF  }
0xc4: {  	[dreg:$0x0] =	wrdreg $0xFFFFFFFF;
	(pc) =	sbr.abs _section_cstart, $3  }
0xc5: {  	[dreg:$0x1] =	wrdreg $0xFFFFFFFF  }
0xc6: {  	_ =	task.clear_ibuf [dreg:s10], $0x2FFFF;
	_ =	strace $0x9FFFFFFF  }
0xc7: {  	(tm) =	ssettm $0x7FFFFFFF  }
tec
execute0_lowered:
.L_overlay_start_1:
0x0: {  	(tag) =	ssettag $0x1  }
0x1: {  	v0 =	vimm.f32 $1.600000000e+01;
	vm14 =	vcmask $0x300;
	vm13 =	vcmask $0x704  }
0x2: {  	vm12 =	vcmask $0xB08;
	vm11 =	vcmask $0xF0C;
	vm10 =	vcmask $0x1310  }
0x3: {  	vm9 =	vcmask $0x1714;
	vm8 =	vcmask $0x1B18;
	vm7 =	vcmask $0x1F1C  }
0x4: {  	vm6 =	vcmask $0x2320;
	vm5 =	vcmask $0x2724;
	vm4 =	vcmask $0x2B28  }
0x5: {  	vm3 =	vcmask $0x2F2C;
	vm2 =	vcmask $0x3330;
	vm1 =	vcmask $0x3734  }
0x6: {  	vm0 =	vcmask $0x3B38;
	v1 =	vimm.f32 $3.200000000e+01;
	v2 =	vimm.f32 $4.800000000e+01  }
0x7: {  	v3 =	vimm.f32 $6.400000000e+01;
	v4 =	vimm.f32 $8.000000000e+01;
	v5 =	vimm.f32 $9.600000000e+01  }
0x8: {  	v6 =	vimm.f32 $1.120000000e+02;
	v7 =	vimm.f32 $1.280000000e+02;
	v8 =	vimm.f32 $1.440000000e+02  }
0x9: {  	v9 =	vimm.f32 $1.600000000e+02;
	v10 =	vimm.f32 $1.760000000e+02;
	v11 =	vimm.f32 $1.920000000e+02  }
0xa: {  	v12 =	vimm.f32 $2.080000000e+02;
	v13 =	vimm.f32 $2.240000000e+02;
	v14 =	vimm.f32 $2.400000000e+02  }
0xb: {  	v15 =	vimm.f32 $2.560000000e+02;
	v16 =	vimm.f32 $0.0e+00;
	v17 =	vimm.f32 $-Inf  }
0xc: {  	v0 =	vsel vm14, $0x3F800000, v0;
	v1 =	vsel vm14, $0x41880000, v1;
	v2 =	vsel vm14, $0x42040000, v2  }
0xd: {  	v3 =	vsel vm14, $0x42440000, v3;
	v4 =	vsel vm14, $0x42820000, v4;
	v5 =	vsel vm14, $0x42A20000, v5  }
0xe: {  	v6 =	vsel vm14, $0x42C20000, v6;
	v7 =	vsel vm14, $0x42E20000, v7;
	v8 =	vsel vm14, $0x43010000, v8  }
0xf: {  	v9 =	vsel vm14, $0x43110000, v9;
	v10 =	vsel vm14, $0x43210000, v10;
	v11 =	vsel vm14, $0x43310000, v11  }
0x10: {  	v12 =	vsel vm14, $0x43410000, v12;
	v13 =	vsel vm14, $0x43510000, v13;
	v14 =	vsel vm14, $0x43610000, v14  }
0x11: {  	v15 =	vsel vm14, $0x43710000, v15;
	v0 =	vsel vm13, $0x40000000, v0;
	v1 =	vsel vm13, $0x41900000, v1  }
0x12: {  	v2 =	vsel vm13, $0x42080000, v2;
	v3 =	vsel vm13, $0x42480000, v3;
	v4 =	vsel vm13, $0x42840000, v4  }
0x13: {  	v5 =	vsel vm13, $0x42A40000, v5;
	v6 =	vsel vm13, $0x42C40000, v6;
	v7 =	vsel vm13, $0x42E40000, v7  }
0x14: {  	v8 =	vsel vm13, $0x43020000, v8;
	v9 =	vsel vm13, $0x43120000, v9;
	v10 =	vsel vm13, $0x43220000, v10  }
0x15: {  	v11 =	vsel vm13, $0x43320000, v11;
	v12 =	vsel vm13, $0x43420000, v12;
	v13 =	vsel vm13, $0x43520000, v13  }
0x16: {  	v14 =	vsel vm13, $0x43620000, v14;
	v15 =	vsel vm13, $0x43720000, v15;
	v0 =	vsel vm12, $0x40400000, v0  }
0x17: {  	v1 =	vsel vm12, $0x41980000, v1;
	v2 =	vsel vm12, $0x420C0000, v2;
	v3 =	vsel vm12, $0x424C0000, v3  }
0x18: {  	v4 =	vsel vm12, $0x42860000, v4;
	v5 =	vsel vm12, $0x42A60000, v5;
	v6 =	vsel vm12, $0x42C60000, v6  }
0x19: {  	v7 =	vsel vm12, $0x42E60000, v7;
	v8 =	vsel vm12, $0x43030000, v8;
	v9 =	vsel vm12, $0x43130000, v9  }
0x1a: {  	v10 =	vsel vm12, $0x43230000, v10;
	v11 =	vsel vm12, $0x43330000, v11;
	v12 =	vsel vm12, $0x43430000, v12  }
0x1b: {  	v13 =	vsel vm12, $0x43530000, v13;
	v14 =	vsel vm12, $0x43630000, v14;
	v15 =	vsel vm12, $0x43730000, v15  }
0x1c: {  	v0 =	vsel vm11, $0x40800000, v0;
	v1 =	vsel vm11, $0x41A00000, v1;
	v2 =	vsel vm11, $0x42100000, v2  }
0x1d: {  	v3 =	vsel vm11, $0x42500000, v3;
	v4 =	vsel vm11, $0x42880000, v4;
	v5 =	vsel vm11, $0x42A80000, v5  }
0x1e: {  	v6 =	vsel vm11, $0x42C80000, v6;
	v7 =	vsel vm11, $0x42E80000, v7;
	v8 =	vsel vm11, $0x43040000, v8  }
0x1f: {  	v9 =	vsel vm11, $0x43140000, v9;
	v10 =	vsel vm11, $0x43240000, v10;
	v11 =	vsel vm11, $0x43340000, v11  }
0x20: {  	v12 =	vsel vm11, $0x43440000, v12;
	v13 =	vsel vm11, $0x43540000, v13;
	v14 =	vsel vm11, $0x43640000, v14  }
0x21: {  	v15 =	vsel vm11, $0x43740000, v15;
	v0 =	vsel vm10, $0x40A00000, v0;
	v1 =	vsel vm10, $0x41A80000, v1  }
0x22: {  	v2 =	vsel vm10, $0x42140000, v2;
	v3 =	vsel vm10, $0x42540000, v3;
	v4 =	vsel vm10, $0x428A0000, v4  }
0x23: {  	v5 =	vsel vm10, $0x42AA0000, v5;
	v6 =	vsel vm10, $0x42CA0000, v6;
	v7 =	vsel vm10, $0x42EA0000, v7  }
0x24: {  	v8 =	vsel vm10, $0x43050000, v8;
	v9 =	vsel vm10, $0x43150000, v9;
	v10 =	vsel vm10, $0x43250000, v10  }
0x25: {  	v11 =	vsel vm10, $0x43350000, v11;
	v12 =	vsel vm10, $0x43450000, v12;
	v13 =	vsel vm10, $0x43550000, v13  }
0x26: {  	v14 =	vsel vm10, $0x43650000, v14;
	v15 =	vsel vm10, $0x43750000, v15;
	v0 =	vsel vm9, $0x40C00000, v0  }
0x27: {  	v1 =	vsel vm9, $0x41B00000, v1;
	v2 =	vsel vm9, $0x42180000, v2;
	v3 =	vsel vm9, $0x42580000, v3  }
0x28: {  	v4 =	vsel vm9, $0x428C0000, v4;
	v5 =	vsel vm9, $0x42AC0000, v5;
	v6 =	vsel vm9, $0x42CC0000, v6  }
0x29: {  	v7 =	vsel vm9, $0x42EC0000, v7;
	v8 =	vsel vm9, $0x43060000, v8;
	v9 =	vsel vm9, $0x43160000, v9  }
0x2a: {  	v10 =	vsel vm9, $0x43260000, v10;
	v11 =	vsel vm9, $0x43360000, v11;
	v12 =	vsel vm9, $0x43460000, v12  }
0x2b: {  	v13 =	vsel vm9, $0x43560000, v13;
	v14 =	vsel vm9, $0x43660000, v14;
	v15 =	vsel vm9, $0x43760000, v15  }
0x2c: {  	v0 =	vsel vm8, $0x40E00000, v0;
	v1 =	vsel vm8, $0x41B80000, v1;
	v2 =	vsel vm8, $0x421C0000, v2  }
0x2d: {  	v3 =	vsel vm8, $0x425C0000, v3;
	v4 =	vsel vm8, $0x428E0000, v4;
	v5 =	vsel vm8, $0x42AE0000, v5  }
0x2e: {  	v6 =	vsel vm8, $0x42CE0000, v6;
	v7 =	vsel vm8, $0x42EE0000, v7;
	v8 =	vsel vm8, $0x43070000, v8  }
0x2f: {  	v9 =	vsel vm8, $0x43170000, v9;
	v10 =	vsel vm8, $0x43270000, v10;
	v11 =	vsel vm8, $0x43370000, v11  }
0x30: {  	v12 =	vsel vm8, $0x43470000, v12;
	v13 =	vsel vm8, $0x43570000, v13;
	v14 =	vsel vm8, $0x43670000, v14  }
0x31: {  	v15 =	vsel vm8, $0x43770000, v15;
	v0 =	vsel vm7, $0x41000000, v0;
	v1 =	vsel vm7, $0x41C00000, v1  }
0x32: {  	v2 =	vsel vm7, $0x42200000, v2;
	v3 =	vsel vm7, $0x42600000, v3;
	v4 =	vsel vm7, $0x42900000, v4  }
0x33: {  	v5 =	vsel vm7, $0x42B00000, v5;
	v6 =	vsel vm7, $0x42D00000, v6;
	v7 =	vsel vm7, $0x42F00000, v7  }
0x34: {  	v8 =	vsel vm7, $0x43080000, v8;
	v9 =	vsel vm7, $0x43180000, v9;
	v10 =	vsel vm7, $0x43280000, v10  }
0x35: {  	v11 =	vsel vm7, $0x43380000, v11;
	v12 =	vsel vm7, $0x43480000, v12;
	v13 =	vsel vm7, $0x43580000, v13  }
0x36: {  	v14 =	vsel vm7, $0x43680000, v14;
	v15 =	vsel vm7, $0x43780000, v15;
	v0 =	vsel vm6, $0x41100000, v0  }
0x37: {  	v1 =	vsel vm6, $0x41C80000, v1;
	v2 =	vsel vm6, $0x42240000, v2;
	v3 =	vsel vm6, $0x42640000, v3  }
0x38: {  	v4 =	vsel vm6, $0x42920000, v4;
	v5 =	vsel vm6, $0x42B20000, v5;
	v6 =	vsel vm6, $0x42D20000, v6  }
0x39: {  	v7 =	vsel vm6, $0x42F20000, v7;
	v8 =	vsel vm6, $0x43090000, v8;
	v9 =	vsel vm6, $0x43190000, v9  }
0x3a: {  	v10 =	vsel vm6, $0x43290000, v10;
	v11 =	vsel vm6, $0x43390000, v11;
	v12 =	vsel vm6, $0x43490000, v12  }
0x3b: {  	v13 =	vsel vm6, $0x43590000, v13;
	v14 =	vsel vm6, $0x43690000, v14;
	v15 =	vsel vm6, $0x43790000, v15  }
0x3c: {  	v0 =	vsel vm5, $0x41200000, v0;
	v1 =	vsel vm5, $0x41D00000, v1;
	v2 =	vsel vm5, $0x42280000, v2  }
0x3d: {  	v3 =	vsel vm5, $0x42680000, v3;
	v4 =	vsel vm5, $0x42940000, v4;
	v5 =	vsel vm5, $0x42B40000, v5  }
0x3e: {  	v6 =	vsel vm5, $0x42D40000, v6;
	v7 =	vsel vm5, $0x42F40000, v7;
	v8 =	vsel vm5, $0x430A0000, v8  }
0x3f: {  	v9 =	vsel vm5, $0x431A0000, v9;
	v10 =	vsel vm5, $0x432A0000, v10;
	v11 =	vsel vm5, $0x433A0000, v11  }
0x40: {  	v12 =	vsel vm5, $0x434A0000, v12;
	v13 =	vsel vm5, $0x435A0000, v13;
	v14 =	vsel vm5, $0x436A0000, v14  }
0x41: {  	v15 =	vsel vm5, $0x437A0000, v15;
	v0 =	vsel vm4, $0x41300000, v0;
	v1 =	vsel vm4, $0x41D80000, v1  }
0x42: {  	v2 =	vsel vm4, $0x422C0000, v2;
	v3 =	vsel vm4, $0x426C0000, v3;
	v4 =	vsel vm4, $0x42960000, v4  }
0x43: {  	v5 =	vsel vm4, $0x42B60000, v5;
	v6 =	vsel vm4, $0x42D60000, v6;
	v7 =	vsel vm4, $0x42F60000, v7  }
0x44: {  	v8 =	vsel vm4, $0x430B0000, v8;
	v9 =	vsel vm4, $0x431B0000, v9;
	v10 =	vsel vm4, $0x432B0000, v10  }
0x45: {  	v11 =	vsel vm4, $0x433B0000, v11;
	v12 =	vsel vm4, $0x434B0000, v12;
	v13 =	vsel vm4, $0x435B0000, v13  }
0x46: {  	v14 =	vsel vm4, $0x436B0000, v14;
	v15 =	vsel vm4, $0x437B0000, v15;
	v0 =	vsel vm3, $0x41400000, v0  }
0x47: {  	v1 =	vsel vm3, $0x41E00000, v1;
	v2 =	vsel vm3, $0x42300000, v2;
	v3 =	vsel vm3, $0x42700000, v3  }
0x48: {  	v4 =	vsel vm3, $0x42980000, v4;
	v5 =	vsel vm3, $0x42B80000, v5;
	v6 =	vsel vm3, $0x42D80000, v6  }
0x49: {  	s0 =	rddreg [dreg:$0x0];
	v7 =	vsel vm3, $0x42F80000, v7;
	v8 =	vsel vm3, $0x430C0000, v8;
	v9 =	vsel vm3, $0x431C0000, v9  }
0x4a: {  	s1 =	rddreg [dreg:$0x1];
	v10 =	vsel vm3, $0x432C0000, v10;
	v11 =	vsel vm3, $0x433C0000, v11;
	v12 =	vsel vm3, $0x434C0000, v12  }
0x4b: {  	s2 =	rddreg [dreg:$0x3];
	s3 =	srdreg.scid;
	v13 =	vsel vm3, $0x435C0000, v13;
	v14 =	vsel vm3, $0x436C0000, v14;
	v15 =	vsel vm3, $0x437C0000, v15  }
0x4c: {  	s5 =	stileid.u32;
	s18 =	simm.s32 $0x80;
	s19 =	simm.s32 $0x400;
	v0 =	vsel vm2, $0x41500000, v0;
	v1 =	vsel vm2, $0x41E80000, v1;
	v2 =	vsel vm2, $0x42340000, v2  }
0x4d: {  	s20 =	simm.s32 $0xC380;
	s31 =	simm.s32 $0x6;
	s21 =	simm.s32 $0x2;
	v3 =	vsel vm2, $0x42740000, v3;
	v4 =	vsel vm2, $0x429A0000, v4;
	v5 =	vsel vm2, $0x42BA0000, v5  }
0x4e: {  	s22 =	simm.s32 $0x4;
	s23 =	simm.s32 $0x0;
	s4 =	sand.u32 $0x1, s3;
	v6 =	vsel vm2, $0x42DA0000, v6;
	v7 =	vsel vm2, $0x42FA0000, v7;
	v8 =	vsel vm2, $0x430D0000, v8  }
0x4f: {  	s28 =	sshll.u32 s5, $0x9;
	s5 =	sshrl.u32 s5, $0x1;
	s3 =	simm.s32 $0x0;
	v9 =	vsel vm2, $0x431D0000, v9;
	v10 =	vsel vm2, $0x432D0000, v10;
	v11 =	vsel vm2, $0x433D0000, v11  }
0x50: {  	s6 =	sshll.u32 s4, $0x8;
	s7 =	sand.u32 $0x200, s28;
	s8 =	smul.u32 $0xC3800, s5;
	v12 =	vsel vm2, $0x434D0000, v12;
	v13 =	vsel vm2, $0x435D0000, v13;
	v14 =	vsel vm2, $0x436D0000, v14  }
0x51: {  	[smem:$0x7FF] =	sst s3;
	s4 =	ssub.s32 $0x2, s4;
	s29 =	sshll.u32 s5, $0xC;
	v15 =	vsel vm2, $0x437D0000, v15;
	v0 =	vsel vm1, $0x41600000, v0;
	v1 =	vsel vm1, $0x41F00000, v1  }
0x52: {  	s6 =	sor.u32 s6, s7;
	_ =	strace $0x80000047;
	s9 =	sshrl.u32 s4, $0x1;
	v2 =	vsel vm1, $0x42380000, v2;
	v3 =	vsel vm1, $0x42780000, v3;
	v4 =	vsel vm1, $0x429C0000, v4  }
0x53: {  	s7 =	sor.u32 s8, s6;
	s11 =	ssub.s32 s4, s9;
	s30 =	sor.u32 s29, s6;
	v5 =	vsel vm1, $0x42BC0000, v5;
	v6 =	vsel vm1, $0x42DC0000, v6;
	v7 =	vsel vm1, $0x42FC0000, v7  }
0x54: {  	s6 =	sor.u32 $0x80, s6;
	s10 =	sshrl.u32 s7, $0x3;
	s9 =	sshrl.u32 s30, $0x3;
	v8 =	vsel vm1, $0x430E0000, v8;
	v9 =	vsel vm1, $0x431E0000, v9;
	v10 =	vsel vm1, $0x432E0000, v10  }
0x55: {  	s7 =	sor.u32 s29, s6;
	s8 =	sor.u32 s8, s6;
	s11 =	smax.u32 s11, $0x1;
	v11 =	vsel vm1, $0x433E0000, v11;
	v12 =	vsel vm1, $0x434E0000, v12;
	v13 =	vsel vm1, $0x435E0000, v13  }
0x56: {  	s4 =	sadd.s32 s0, s10;
	s6 =	sadd.s32 s1, s9;
	s7 =	sshrl.u32 s7, $0x3;
	v14 =	vsel vm1, $0x436E0000, v14;
	v15 =	vsel vm1, $0x437E0000, v15;
	v0 =	vsel vm0, $0x41700000, v0  }
0x57: {  	s12 =	sshrl.u32 s8, $0x3;
	s8 =	sadd.s32 s2, s10;
	s5 =	sadd.s32 $0xC380, s4;
	v1 =	vsel vm0, $0x41F80000, v1;
	v2 =	vsel vm0, $0x423C0000, v2;
	v3 =	vsel vm0, $0x427C0000, v3  }
0x58: {  	s7 =	sadd.s32 s1, s7;
	s9 =	sadd.s32 s0, s12;
	s10 =	sadd.s32 s2, s12;
	v4 =	vsel vm0, $0x429E0000, v4;
	v5 =	vsel vm0, $0x42BE0000, v5;
	v6 =	vsel vm0, $0x42DE0000, v6  }
0x59: {  	s12 =	sadd.s32 $0x80, s6;
	s13 =	sadd.s32 $0x100, s6;
	s14 =	sadd.s32 $0x180, s6;
	v7 =	vsel vm0, $0x42FE0000, v7;
	v8 =	vsel vm0, $0x430F0000, v8;
	v9 =	vsel vm0, $0x431F0000, v9  }
0x5a: {  	s2 =	simm.s32 $0x1;
	s1 =	simm.s32 $0x3;
	s0 =	simm.s32 $0x5;
	v10 =	vsel vm0, $0x432F0000, v10;
	v11 =	vsel vm0, $0x433F0000, v11;
	v12 =	vsel vm0, $0x434F0000, v12  }
0x5b: {  	s15 =	sadd.s32 $0x80, s7;
	s16 =	sadd.s32 $0x100, s7;
	s17 =	sadd.s32 $0x180, s7;
	v13 =	vsel vm0, $0x435F0000, v13;
	v14 =	vsel vm0, $0x436F0000, v14;
	v15 =	vsel vm0, $0x437F0000, v15  }
.LBB2_1:
0x5c: {  	[tilespmem:s20], [sflag:$0x3] =	stream.strided.gather [hbm4b:s5+s18], $0xC380, s19, s18, $0x38;
	[tilespmem:$0x18F00] =	vst v63  }
0x5d: {  	s24 =	simm.s32 $0x18700  }
0x5e: {  	[tilespmem:s24], [sflag:$0x1] =	stream.linear.gather [hbm4b:s6+s3], $0x80, $0x38;
	[tilespmem:$0x18F00] =	vst v63  }
0x5f: {  	s28 =	simm.s32 $0x18800  }
0x60: {  	[tilespmem:s28], [sflag:$0x1] =	stream.linear.gather [hbm4b:s12+s3], $0x80, $0x38;
	[tilespmem:$0x18F00] =	vst v63  }
0x61: {  	s29 =	simm.s32 $0x18900  }
0x62: {  	[tilespmem:s29], [sflag:$0x1] =	stream.linear.gather [hbm4b:s13+s3], $0x80, $0x38;
	[tilespmem:$0x18F00] =	vst v63  }
0x63: {  	s30 =	simm.s32 $0x18A00  }
0x64: {  	[tilespmem:s30], [sflag:$0x1] =	stream.linear.gather [hbm4b:s14+s3], $0x80, $0x38;
	[tilespmem:$0x18F00] =	vst v63  }
0x65: {  	s25 =	simm.s32 $0x18780  }
0x66: {  	[tilespmem:s25], [sflag:$0x1] =	stream.linear.gather [hbm4b:s7+s3], $0x80, $0x38;
	[tilespmem:$0x18F00] =	vst v63  }
0x67: {  	s26 =	simm.s32 $0x18880  }
0x68: {  	[tilespmem:s26], [sflag:$0x1] =	stream.linear.gather [hbm4b:s15+s3], $0x80, $0x38;
	[tilespmem:$0x18F00] =	vst v63  }
0x69: {  	s28 =	simm.s32 $0x18980  }
0x6a: {  	[tilespmem:s28], [sflag:$0x1] =	stream.linear.gather [hbm4b:s16+s3], $0x80, $0x38;
	[tilespmem:$0x18F00] =	vst v63  }
0x6b: {  	s29 =	simm.s32 $0x18A80  }
0x6c: {  	[tilespmem:s29], [sflag:$0x1] =	stream.linear.gather [hbm4b:s17+s3], $0x80, $0x38;
	[tilespmem:$0x18F00] =	vst v63  }
0x6d: {  	s30 =	rddreg [dreg:$0x2];
	s25 =	simm.s32 $0x18D00  }
0x6e: {  	[tilespmem:s25], [sflag:$0x6] =	stream.linear.gather [hbm4b:s30+s3], $0x100, $0x38;
	[tilespmem:$0x18F00] =	vst v63  }
0x6f: {  	_ =	swait.ge [sflag:s31], $0x100  }
0x70: {  	[sflag:s31] =	ssyncset.done $0x0  }
0x71: {  	[sflag:s31] =	ssyncadd.s32 $0xFFFFFF00  }
0x72: {  	v18 =	vld [tilespmem:$0x18D00];
	_ =	sdelay $0x4  }
0x73: {  	vm0 =	vlt.u32 v18, $0xC380  }
0x74: {  	v18 =	vnsel vm0, $0x0, v18;
	_ =	sdelay $0x4  }
0x75: {  	[tilespmem:v18+s3+$0x0] =	vst.idx.msk vm0, v0  }
0x76: {  	v18 =	vld [tilespmem:$0x18D10];
	_ =	sdelay $0x4  }
0x77: {  	vm7 =	vlt.u32 v18, $0xC380  }
0x78: {  	v18 =	vnsel vm7, $0x0, v18;
	_ =	sdelay $0x4  }
0x79: {  	[tilespmem:v18+s3+$0x0] =	vst.idx.msk vm7, v1  }
0x7a: {  	v18 =	vld [tilespmem:$0x18D20];
	_ =	sdelay $0x4  }
0x7b: {  	vm8 =	vlt.u32 v18, $0xC380  }
0x7c: {  	v18 =	vnsel vm8, $0x0, v18;
	_ =	sdelay $0x4  }
0x7d: {  	[tilespmem:v18+s3+$0x0] =	vst.idx.msk vm8, v2  }
0x7e: {  	v18 =	vld [tilespmem:$0x18D30];
	_ =	sdelay $0x4  }
0x7f: {  	vm9 =	vlt.u32 v18, $0xC380  }
0x80: {  	v18 =	vnsel vm9, $0x0, v18;
	_ =	sdelay $0x4  }
0x81: {  	[tilespmem:v18+s3+$0x0] =	vst.idx.msk vm9, v3  }
0x82: {  	v18 =	vld [tilespmem:$0x18D40];
	_ =	sdelay $0x4  }
0x83: {  	vm10 =	vlt.u32 v18, $0xC380  }
0x84: {  	v18 =	vnsel vm10, $0x0, v18;
	_ =	sdelay $0x4  }
0x85: {  	[tilespmem:v18+s3+$0x0] =	vst.idx.msk vm10, v4  }
0x86: {  	v18 =	vld [tilespmem:$0x18D50];
	_ =	sdelay $0x4  }
0x87: {  	vm11 =	vlt.u32 v18, $0xC380  }
0x88: {  	v18 =	vnsel vm11, $0x0, v18;
	_ =	sdelay $0x4  }
0x89: {  	[tilespmem:v18+s3+$0x0] =	vst.idx.msk vm11, v5  }
0x8a: {  	v18 =	vld [tilespmem:$0x18D60];
	_ =	sdelay $0x4  }
0x8b: {  	vm12 =	vlt.u32 v18, $0xC380  }
0x8c: {  	v18 =	vnsel vm12, $0x0, v18;
	_ =	sdelay $0x4  }
0x8d: {  	[tilespmem:v18+s3+$0x0] =	vst.idx.msk vm12, v6  }
0x8e: {  	v18 =	vld [tilespmem:$0x18D70];
	_ =	sdelay $0x4  }
0x8f: {  	vm13 =	vlt.u32 v18, $0xC380  }
0x90: {  	v18 =	vnsel vm13, $0x0, v18;
	_ =	sdelay $0x4  }
0x91: {  	[tilespmem:v18+s3+$0x0] =	vst.idx.msk vm13, v7  }
0x92: {  	v18 =	vld [tilespmem:$0x18D80];
	_ =	sdelay $0x4  }
0x93: {  	vm14 =	vlt.u32 v18, $0xC380  }
0x94: {  	v18 =	vnsel vm14, $0x0, v18;
	_ =	sdelay $0x4  }
0x95: {  	[tilespmem:v18+s3+$0x0] =	vst.idx.msk vm14, v8  }
0x96: {  	v18 =	vld [tilespmem:$0x18D90];
	_ =	sdelay $0x4  }
0x97: {  	vm15 =	vlt.u32 v18, $0xC380  }
0x98: {  	v18 =	vnsel vm15, $0x0, v18;
	_ =	sdelay $0x4  }
0x99: {  	[tilespmem:v18+s3+$0x0] =	vst.idx.msk vm15, v9  }
0x9a: {  	v18 =	vld [tilespmem:$0x18DA0];
	_ =	sdelay $0x4  }
0x9b: {  	vm4 =	vlt.u32 v18, $0xC380  }
0x9c: {  	v18 =	vnsel vm4, $0x0, v18;
	_ =	sdelay $0x4  }
0x9d: {  	[tilespmem:v18+s3+$0x0] =	vst.idx.msk vm4, v10  }
0x9e: {  	v18 =	vld [tilespmem:$0x18DB0];
	_ =	sdelay $0x4  }
0x9f: {  	vm5 =	vlt.u32 v18, $0xC380  }
0xa0: {  	v18 =	vnsel vm5, $0x0, v18;
	_ =	sdelay $0x4  }
0xa1: {  	[tilespmem:v18+s3+$0x0] =	vst.idx.msk vm5, v11  }
0xa2: {  	v18 =	vld [tilespmem:$0x18DC0];
	_ =	sdelay $0x4  }
0xa3: {  	vm6 =	vlt.u32 v18, $0xC380  }
0xa4: {  	v18 =	vnsel vm6, $0x0, v18;
	_ =	sdelay $0x4  }
0xa5: {  	[tilespmem:v18+s3+$0x0] =	vst.idx.msk vm6, v12  }
0xa6: {  	v18 =	vld [tilespmem:$0x18DD0];
	_ =	sdelay $0x4  }
0xa7: {  	vm7 =	vlt.u32 v18, $0xC380  }
0xa8: {  	v18 =	vnsel vm7, $0x0, v18;
	_ =	sdelay $0x4  }
0xa9: {  	[tilespmem:v18+s3+$0x0] =	vst.idx.msk vm7, v13  }
0xaa: {  	v18 =	vld [tilespmem:$0x18DE0];
	_ =	sdelay $0x4  }
0xab: {  	vm8 =	vlt.u32 v18, $0xC380  }
0xac: {  	v18 =	vnsel vm8, $0x0, v18;
	_ =	sdelay $0x4  }
0xad: {  	[tilespmem:v18+s3+$0x0] =	vst.idx.msk vm8, v14  }
0xae: {  	v18 =	vld [tilespmem:$0x18DF0];
	_ =	sdelay $0x4  }
0xaf: {  	vm9 =	vlt.u32 v18, $0xC380  }
0xb0: {  	v18 =	vnsel vm9, $0x0, v18;
	_ =	sdelay $0x4  }
0xb1: {  	[tilespmem:v18+s3+$0x0] =	vst.idx.msk vm9, v15  }
0xb2: {  	v18 =	vld [tilespmem:$0x18D00];
	_ =	sdelay $0x4  }
0xb3: {  	vm10 =	vlt.u32 v18, $0xC380  }
0xb4: {  	v18 =	vnsel vm10, $0x0, v18;
	_ =	sdelay $0x2  }
0xb5: {  	v19 =	vld [tilespmem:$0x18D10];
	_ =	sdelay $0x1  }
0xb6: {  	v18 =	vld.idx.msk [tilespmem:v18+s3+$0x0], $0xffff;
	_ =	sdelay $0x2  }
0xb7: {  	vm1 =	vlt.u32 v19, $0xC380  }
0xb8: {  	v19 =	vnsel vm1, $0x0, v19  }
0xb9: {  	vm2 =	veq.f32 v18, v0  }
0xba: {  	vm0 =	vmand vm10, vm2  }
0xbb: {  	v20 =	vld [tilespmem:$0x18D20];
	v18 =	vsel vm0, $0x40400000, v16  }
0xbc: {  	[tilespmem:$0x18E00] =	vst v18  }
0xbd: {  	v18 =	vld.idx.msk [tilespmem:v19+s3+$0x0], $0xffff;
	_ =	sdelay $0x2  }
0xbe: {  	vm11 =	vlt.u32 v20, $0xC380  }
0xbf: {  	v19 =	vnsel vm11, $0x0, v20  }
0xc0: {  	vm12 =	veq.f32 v18, v1  }
0xc1: {  	vm1 =	vmand vm1, vm12  }
0xc2: {  	v35 =	vld [tilespmem:$0x18D30];
	v18 =	vsel vm1, $0x40400000, v16  }
0xc3: {  	[tilespmem:$0x18E10] =	vst v18  }
0xc4: {  	v18 =	vld.idx.msk [tilespmem:v19+s3+$0x0], $0xffff;
	_ =	sdelay $0x2  }
0xc5: {  	vm13 =	vlt.u32 v35, $0xC380  }
0xc6: {  	v19 =	vnsel vm13, $0x0, v35  }
0xc7: {  	vm14 =	veq.f32 v18, v2  }
0xc8: {  	vm0 =	vmand vm11, vm14  }
0xc9: {  	v36 =	vld [tilespmem:$0x18D40];
	v18 =	vsel vm0, $0x40400000, v16  }
0xca: {  	[tilespmem:$0x18E20] =	vst v18  }
0xcb: {  	v18 =	vld.idx.msk [tilespmem:v19+s3+$0x0], $0xffff;
	_ =	sdelay $0x2  }
0xcc: {  	vm15 =	vlt.u32 v36, $0xC380  }
0xcd: {  	v19 =	vnsel vm15, $0x0, v36  }
0xce: {  	vm4 =	veq.f32 v18, v3  }
0xcf: {  	vm1 =	vmand vm13, vm4  }
0xd0: {  	v37 =	vld [tilespmem:$0x18D50];
	v18 =	vsel vm1, $0x40400000, v16  }
0xd1: {  	[tilespmem:$0x18E30] =	vst v18  }
0xd2: {  	v18 =	vld.idx.msk [tilespmem:v19+s3+$0x0], $0xffff;
	_ =	sdelay $0x2  }
0xd3: {  	vm5 =	vlt.u32 v37, $0xC380  }
0xd4: {  	v19 =	vnsel vm5, $0x0, v37  }
0xd5: {  	vm6 =	veq.f32 v18, v4  }
0xd6: {  	vm0 =	vmand vm15, vm6  }
0xd7: {  	v38 =	vld [tilespmem:$0x18D60];
	v18 =	vsel vm0, $0x40400000, v16  }
0xd8: {  	[tilespmem:$0x18E40] =	vst v18  }
0xd9: {  	v18 =	vld.idx.msk [tilespmem:v19+s3+$0x0], $0xffff;
	_ =	sdelay $0x2  }
0xda: {  	vm7 =	vlt.u32 v38, $0xC380  }
0xdb: {  	v19 =	vnsel vm7, $0x0, v38  }
0xdc: {  	vm8 =	veq.f32 v18, v5  }
0xdd: {  	vm1 =	vmand vm5, vm8  }
0xde: {  	v39 =	vld [tilespmem:$0x18D70];
	v18 =	vsel vm1, $0x40400000, v16  }
0xdf: {  	[tilespmem:$0x18E50] =	vst v18  }
0xe0: {  	v18 =	vld.idx.msk [tilespmem:v19+s3+$0x0], $0xffff;
	_ =	sdelay $0x2  }
0xe1: {  	vm9 =	vlt.u32 v39, $0xC380  }
0xe2: {  	v19 =	vnsel vm9, $0x0, v39  }
0xe3: {  	vm10 =	veq.f32 v18, v6  }
0xe4: {  	vm0 =	vmand vm7, vm10  }
0xe5: {  	v40 =	vld [tilespmem:$0x18D80];
	v18 =	vsel vm0, $0x40400000, v16  }
0xe6: {  	[tilespmem:$0x18E60] =	vst v18  }
0xe7: {  	v18 =	vld.idx.msk [tilespmem:v19+s3+$0x0], $0xffff;
	_ =	sdelay $0x2  }
0xe8: {  	vm11 =	vlt.u32 v40, $0xC380  }
0xe9: {  	v19 =	vnsel vm11, $0x0, v40  }
0xea: {  	vm12 =	veq.f32 v18, v7  }
0xeb: {  	vm1 =	vmand vm9, vm12  }
0xec: {  	v41 =	vld [tilespmem:$0x18D90];
	v18 =	vsel vm1, $0x40400000, v16  }
0xed: {  	[tilespmem:$0x18E70] =	vst v18  }
0xee: {  	v18 =	vld.idx.msk [tilespmem:v19+s3+$0x0], $0xffff;
	_ =	sdelay $0x2  }
0xef: {  	vm13 =	vlt.u32 v41, $0xC380  }
0xf0: {  	v19 =	vnsel vm13, $0x0, v41  }
0xf1: {  	vm14 =	veq.f32 v18, v8  }
0xf2: {  	vm0 =	vmand vm11, vm14  }
0xf3: {  	v42 =	vld [tilespmem:$0x18DA0];
	v18 =	vsel vm0, $0x40400000, v16  }
0xf4: {  	[tilespmem:$0x18E80] =	vst v18  }
0xf5: {  	v18 =	vld.idx.msk [tilespmem:v19+s3+$0x0], $0xffff;
	_ =	sdelay $0x2  }
0xf6: {  	vm15 =	vlt.u32 v42, $0xC380  }
0xf7: {  	v19 =	vnsel vm15, $0x0, v42  }
0xf8: {  	vm4 =	veq.f32 v18, v9  }
0xf9: {  	vm1 =	vmand vm13, vm4  }
0xfa: {  	v43 =	vld [tilespmem:$0x18DB0];
	v18 =	vsel vm1, $0x40400000, v16  }
0xfb: {  	[tilespmem:$0x18E90] =	vst v18  }
0xfc: {  	v18 =	vld.idx.msk [tilespmem:v19+s3+$0x0], $0xffff;
	_ =	sdelay $0x2  }
0xfd: {  	vm5 =	vlt.u32 v43, $0xC380  }
0xfe: {  	v19 =	vnsel vm5, $0x0, v43  }
0xff: {  	vm6 =	veq.f32 v18, v10  }
0x100: {  	vm0 =	vmand vm15, vm6  }
0x101: {  	v44 =	vld [tilespmem:$0x18DC0];
	v18 =	vsel vm0, $0x40400000, v16  }
0x102: {  	[tilespmem:$0x18EA0] =	vst v18  }
0x103: {  	v18 =	vld.idx.msk [tilespmem:v19+s3+$0x0], $0xffff;
	_ =	sdelay $0x2  }
0x104: {  	vm7 =	vlt.u32 v44, $0xC380  }
0x105: {  	v19 =	vnsel vm7, $0x0, v44  }
0x106: {  	vm8 =	veq.f32 v18, v11  }
0x107: {  	vm1 =	vmand vm5, vm8  }
0x108: {  	v45 =	vld [tilespmem:$0x18DD0];
	v18 =	vsel vm1, $0x40400000, v16  }
0x109: {  	[tilespmem:$0x18EB0] =	vst v18  }
0x10a: {  	v18 =	vld.idx.msk [tilespmem:v19+s3+$0x0], $0xffff;
	_ =	sdelay $0x2  }
0x10b: {  	vm9 =	vlt.u32 v45, $0xC380  }
0x10c: {  	v19 =	vnsel vm9, $0x0, v45  }
0x10d: {  	vm10 =	veq.f32 v18, v12  }
0x10e: {  	vm0 =	vmand vm7, vm10  }
0x10f: {  	v46 =	vld [tilespmem:$0x18DE0];
	v18 =	vsel vm0, $0x40400000, v16  }
0x110: {  	[tilespmem:$0x18EC0] =	vst v18  }
0x111: {  	v18 =	vld.idx.msk [tilespmem:v19+s3+$0x0], $0xffff;
	_ =	sdelay $0x2  }
0x112: {  	vm11 =	vlt.u32 v46, $0xC380  }
0x113: {  	v19 =	vnsel vm11, $0x0, v46  }
0x114: {  	vm12 =	veq.f32 v18, v13  }
0x115: {  	vm1 =	vmand vm9, vm12  }
0x116: {  	v47 =	vld [tilespmem:$0x18DF0];
	v18 =	vsel vm1, $0x40400000, v16  }
0x117: {  	[tilespmem:$0x18ED0] =	vst v18  }
0x118: {  	v18 =	vld.idx.msk [tilespmem:v19+s3+$0x0], $0xffff;
	_ =	sdelay $0x2  }
0x119: {  	vm13 =	vlt.u32 v47, $0xC380  }
0x11a: {  	v19 =	vnsel vm13, $0x0, v47  }
0x11b: {  	vm14 =	veq.f32 v18, v14  }
0x11c: {  	v18 =	vld [tilespmem:$0x18D00];
	vm0 =	vmand vm11, vm14  }
0x11d: {  	v48 =	vsel vm0, $0x40400000, v16  }
0x11e: {  	[tilespmem:$0x18EE0] =	vst v48  }
0x11f: {  	v19 =	vld.idx.msk [tilespmem:v19+s3+$0x0], $0xffff;
	_ =	sdelay $0x1  }
0x120: {  	v18 =	vadd.s32 $0xFFFF3C80, v18  }
0x121: {  	vm15 =	vlt.u32 v18, $0xC320  }
0x122: {  	v18 =	vnsel vm15, $0x0, v18  }
0x123: {  	vm4 =	veq.f32 v19, v15  }
0x124: {  	vm1 =	vmand vm13, vm4  }
0x125: {  	v19 =	vsel vm1, $0x40400000, v16  }
0x126: {  	[tilespmem:$0x18EF0] =	vst v19  }
0x127: {  	[tilespmem:v18+s3+$0x0] =	vst.idx.msk vm15, v0  }
0x128: {  	v18 =	vld [tilespmem:$0x18D10];
	_ =	sdelay $0x4  }
0x129: {  	v18 =	vadd.s32 $0xFFFF3C80, v18  }
0x12a: {  	vm5 =	vlt.u32 v18, $0xC320  }
0x12b: {  	v18 =	vnsel vm5, $0x0, v18;
	_ =	sdelay $0x4  }
0x12c: {  	[tilespmem:v18+s3+$0x0] =	vst.idx.msk vm5, v1  }
0x12d: {  	v18 =	vld [tilespmem:$0x18D20];
	_ =	sdelay $0x4  }
0x12e: {  	v18 =	vadd.s32 $0xFFFF3C80, v18  }
0x12f: {  	vm6 =	vlt.u32 v18, $0xC320  }
0x130: {  	v18 =	vnsel vm6, $0x0, v18;
	_ =	sdelay $0x4  }
0x131: {  	[tilespmem:v18+s3+$0x0] =	vst.idx.msk vm6, v2  }
0x132: {  	v18 =	vld [tilespmem:$0x18D30];
	_ =	sdelay $0x4  }
0x133: {  	v18 =	vadd.s32 $0xFFFF3C80, v18  }
0x134: {  	vm7 =	vlt.u32 v18, $0xC320  }
0x135: {  	v18 =	vnsel vm7, $0x0, v18;
	_ =	sdelay $0x4  }
0x136: {  	[tilespmem:v18+s3+$0x0] =	vst.idx.msk vm7, v3  }
0x137: {  	v18 =	vld [tilespmem:$0x18D40];
	_ =	sdelay $0x4  }
0x138: {  	v18 =	vadd.s32 $0xFFFF3C80, v18  }
0x139: {  	vm8 =	vlt.u32 v18, $0xC320  }
0x13a: {  	v18 =	vnsel vm8, $0x0, v18;
	_ =	sdelay $0x4  }
0x13b: {  	[tilespmem:v18+s3+$0x0] =	vst.idx.msk vm8, v4  }
0x13c: {  	v18 =	vld [tilespmem:$0x18D50];
	_ =	sdelay $0x4  }
0x13d: {  	v18 =	vadd.s32 $0xFFFF3C80, v18  }
0x13e: {  	vm9 =	vlt.u32 v18, $0xC320  }
0x13f: {  	v18 =	vnsel vm9, $0x0, v18;
	_ =	sdelay $0x4  }
0x140: {  	[tilespmem:v18+s3+$0x0] =	vst.idx.msk vm9, v5  }
0x141: {  	v18 =	vld [tilespmem:$0x18D60];
	_ =	sdelay $0x4  }
0x142: {  	v18 =	vadd.s32 $0xFFFF3C80, v18  }
0x143: {  	vm10 =	vlt.u32 v18, $0xC320  }
0x144: {  	v18 =	vnsel vm10, $0x0, v18;
	_ =	sdelay $0x4  }
0x145: {  	[tilespmem:v18+s3+$0x0] =	vst.idx.msk vm10, v6  }
0x146: {  	v18 =	vld [tilespmem:$0x18D70];
	_ =	sdelay $0x4  }
0x147: {  	v18 =	vadd.s32 $0xFFFF3C80, v18  }
0x148: {  	vm11 =	vlt.u32 v18, $0xC320  }
0x149: {  	v18 =	vnsel vm11, $0x0, v18;
	_ =	sdelay $0x4  }
0x14a: {  	[tilespmem:v18+s3+$0x0] =	vst.idx.msk vm11, v7  }
0x14b: {  	v18 =	vld [tilespmem:$0x18D80];
	_ =	sdelay $0x4  }
0x14c: {  	v18 =	vadd.s32 $0xFFFF3C80, v18  }
0x14d: {  	vm12 =	vlt.u32 v18, $0xC320  }
0x14e: {  	v18 =	vnsel vm12, $0x0, v18;
	_ =	sdelay $0x4  }
0x14f: {  	[tilespmem:v18+s3+$0x0] =	vst.idx.msk vm12, v8  }
0x150: {  	v18 =	vld [tilespmem:$0x18D90];
	_ =	sdelay $0x4  }
0x151: {  	v18 =	vadd.s32 $0xFFFF3C80, v18  }
0x152: {  	vm13 =	vlt.u32 v18, $0xC320  }
0x153: {  	v18 =	vnsel vm13, $0x0, v18;
	_ =	sdelay $0x4  }
0x154: {  	[tilespmem:v18+s3+$0x0] =	vst.idx.msk vm13, v9  }
0x155: {  	v18 =	vld [tilespmem:$0x18DA0];
	_ =	sdelay $0x4  }
0x156: {  	v18 =	vadd.s32 $0xFFFF3C80, v18  }
0x157: {  	vm14 =	vlt.u32 v18, $0xC320  }
0x158: {  	v18 =	vnsel vm14, $0x0, v18;
	_ =	sdelay $0x4  }
0x159: {  	[tilespmem:v18+s3+$0x0] =	vst.idx.msk vm14, v10  }
0x15a: {  	v18 =	vld [tilespmem:$0x18DB0];
	_ =	sdelay $0x4  }
0x15b: {  	v18 =	vadd.s32 $0xFFFF3C80, v18  }
0x15c: {  	vm15 =	vlt.u32 v18, $0xC320  }
0x15d: {  	v18 =	vnsel vm15, $0x0, v18;
	_ =	sdelay $0x4  }
0x15e: {  	[tilespmem:v18+s3+$0x0] =	vst.idx.msk vm15, v11  }
0x15f: {  	v18 =	vld [tilespmem:$0x18DC0];
	_ =	sdelay $0x4  }
0x160: {  	v18 =	vadd.s32 $0xFFFF3C80, v18  }
0x161: {  	vm4 =	vlt.u32 v18, $0xC320  }
0x162: {  	v18 =	vnsel vm4, $0x0, v18;
	_ =	sdelay $0x4  }
0x163: {  	[tilespmem:v18+s3+$0x0] =	vst.idx.msk vm4, v12  }
0x164: {  	v18 =	vld [tilespmem:$0x18DD0];
	_ =	sdelay $0x4  }
0x165: {  	v18 =	vadd.s32 $0xFFFF3C80, v18  }
0x166: {  	vm5 =	vlt.u32 v18, $0xC320  }
0x167: {  	v18 =	vnsel vm5, $0x0, v18;
	_ =	sdelay $0x4  }
0x168: {  	[tilespmem:v18+s3+$0x0] =	vst.idx.msk vm5, v13  }
0x169: {  	v18 =	vld [tilespmem:$0x18DE0];
	_ =	sdelay $0x4  }
0x16a: {  	v18 =	vadd.s32 $0xFFFF3C80, v18  }
0x16b: {  	vm6 =	vlt.u32 v18, $0xC320  }
0x16c: {  	v18 =	vnsel vm6, $0x0, v18;
	_ =	sdelay $0x4  }
0x16d: {  	[tilespmem:v18+s3+$0x0] =	vst.idx.msk vm6, v14  }
0x16e: {  	v18 =	vld [tilespmem:$0x18DF0];
	_ =	sdelay $0x4  }
0x16f: {  	v18 =	vadd.s32 $0xFFFF3C80, v18  }
0x170: {  	vm7 =	vlt.u32 v18, $0xC320  }
0x171: {  	v18 =	vnsel vm7, $0x0, v18;
	_ =	sdelay $0x4  }
0x172: {  	[tilespmem:v18+s3+$0x0] =	vst.idx.msk vm7, v15  }
0x173: {  	v18 =	vld [tilespmem:$0x18D00];
	_ =	sdelay $0x4  }
0x174: {  	v18 =	vadd.s32 $0xFFFF3C80, v18  }
0x175: {  	vm8 =	vlt.u32 v18, $0xC320  }
0x176: {  	v18 =	vnsel vm8, $0x0, v18;
	_ =	sdelay $0x3  }
0x177: {  	v19 =	vld [tilespmem:$0x18D10]  }
0x178: {  	v18 =	vld.idx.msk [tilespmem:v18+s3+$0x0], $0xffff;
	_ =	sdelay $0x2  }
0x179: {  	v49 =	vld [tilespmem:$0x18E00]  }
0x17a: {  	v19 =	vadd.s32 $0xFFFF3C80, v19  }
0x17b: {  	vm10 =	vlt.u32 v19, $0xC320;
	vm9 =	veq.f32 v18, v0  }
0x17c: {  	v18 =	vnsel vm10, $0x0, v19;
	vm0 =	vmand vm8, vm9  }
0x17d: {  	v19 =	vsel vm0, $0x40400000, v16  }
0x17e: {  	v19 =	vadd.f32 v19, v49;
	_ =	sdelay $0x1  }
0x17f: {  	[tilespmem:$0x18E00] =	vst v19;
	v19 =	vld [tilespmem:$0x18D20]  }
0x180: {  	v18 =	vld.idx.msk [tilespmem:v18+s3+$0x0], $0xffff;
	_ =	sdelay $0x2  }
0x181: {  	v50 =	vld [tilespmem:$0x18E10]  }
0x182: {  	v19 =	vadd.s32 $0xFFFF3C80, v19  }
0x183: {  	vm11 =	veq.f32 v18, v1;
	vm12 =	vlt.u32 v19, $0xC320  }
0x184: {  	vm0 =	vmand vm10, vm11;
	v18 =	vnsel vm12, $0x0, v19  }
0x185: {  	v19 =	vsel vm0, $0x40400000, v16  }
0x186: {  	v19 =	vadd.f32 v19, v50;
	_ =	sdelay $0x1  }
0x187: {  	[tilespmem:$0x18E10] =	vst v19;
	v19 =	vld [tilespmem:$0x18D30]  }
0x188: {  	v18 =	vld.idx.msk [tilespmem:v18+s3+$0x0], $0xffff;
	_ =	sdelay $0x2  }
0x189: {  	v51 =	vld [tilespmem:$0x18E20]  }
0x18a: {  	v19 =	vadd.s32 $0xFFFF3C80, v19  }
0x18b: {  	vm13 =	veq.f32 v18, v2;
	vm14 =	vlt.u32 v19, $0xC320  }
0x18c: {  	vm0 =	vmand vm12, vm13;
	v18 =	vnsel vm14, $0x0, v19  }
0x18d: {  	v19 =	vsel vm0, $0x40400000, v16  }
0x18e: {  	v19 =	vadd.f32 v19, v51;
	_ =	sdelay $0x1  }
0x18f: {  	[tilespmem:$0x18E20] =	vst v19;
	v19 =	vld [tilespmem:$0x18D40]  }
0x190: {  	v18 =	vld.idx.msk [tilespmem:v18+s3+$0x0], $0xffff;
	_ =	sdelay $0x2  }
0x191: {  	v52 =	vld [tilespmem:$0x18E30]  }
0x192: {  	v19 =	vadd.s32 $0xFFFF3C80, v19  }
0x193: {  	vm15 =	veq.f32 v18, v3;
	vm4 =	vlt.u32 v19, $0xC320  }
0x194: {  	vm0 =	vmand vm14, vm15;
	v18 =	vnsel vm4, $0x0, v19  }
0x195: {  	v19 =	vsel vm0, $0x40400000, v16  }
0x196: {  	v19 =	vadd.f32 v19, v52;
	_ =	sdelay $0x1  }
0x197: {  	[tilespmem:$0x18E30] =	vst v19;
	v19 =	vld [tilespmem:$0x18D50]  }
0x198: {  	v18 =	vld.idx.msk [tilespmem:v18+s3+$0x0], $0xffff;
	_ =	sdelay $0x2  }
0x199: {  	v53 =	vld [tilespmem:$0x18E40]  }
0x19a: {  	v19 =	vadd.s32 $0xFFFF3C80, v19  }
0x19b: {  	vm5 =	veq.f32 v18, v4;
	vm6 =	vlt.u32 v19, $0xC320  }
0x19c: {  	vm0 =	vmand vm4, vm5;
	v18 =	vnsel vm6, $0x0, v19  }
0x19d: {  	v19 =	vsel vm0, $0x40400000, v16  }
0x19e: {  	v19 =	vadd.f32 v19, v53;
	_ =	sdelay $0x1  }
0x19f: {  	[tilespmem:$0x18E40] =	vst v19;
	v19 =	vld [tilespmem:$0x18D60]  }
0x1a0: {  	v18 =	vld.idx.msk [tilespmem:v18+s3+$0x0], $0xffff;
	_ =	sdelay $0x2  }
0x1a1: {  	v54 =	vld [tilespmem:$0x18E50]  }
0x1a2: {  	v19 =	vadd.s32 $0xFFFF3C80, v19  }
0x1a3: {  	vm7 =	veq.f32 v18, v5;
	vm8 =	vlt.u32 v19, $0xC320  }
0x1a4: {  	vm0 =	vmand vm6, vm7;
	v18 =	vnsel vm8, $0x0, v19  }
0x1a5: {  	v19 =	vsel vm0, $0x40400000, v16  }
0x1a6: {  	v19 =	vadd.f32 v19, v54;
	_ =	sdelay $0x1  }
0x1a7: {  	[tilespmem:$0x18E50] =	vst v19;
	v19 =	vld [tilespmem:$0x18D70]  }
0x1a8: {  	v18 =	vld.idx.msk [tilespmem:v18+s3+$0x0], $0xffff;
	_ =	sdelay $0x2  }
0x1a9: {  	v55 =	vld [tilespmem:$0x18E60]  }
0x1aa: {  	v19 =	vadd.s32 $0xFFFF3C80, v19  }
0x1ab: {  	vm9 =	veq.f32 v18, v6;
	vm10 =	vlt.u32 v19, $0xC320  }
0x1ac: {  	vm0 =	vmand vm8, vm9;
	v18 =	vnsel vm10, $0x0, v19  }
0x1ad: {  	v19 =	vsel vm0, $0x40400000, v16  }
0x1ae: {  	v19 =	vadd.f32 v19, v55;
	_ =	sdelay $0x1  }
0x1af: {  	[tilespmem:$0x18E60] =	vst v19;
	v19 =	vld [tilespmem:$0x18D80]  }
0x1b0: {  	v18 =	vld.idx.msk [tilespmem:v18+s3+$0x0], $0xffff;
	_ =	sdelay $0x2  }
0x1b1: {  	v56 =	vld [tilespmem:$0x18E70]  }
0x1b2: {  	v19 =	vadd.s32 $0xFFFF3C80, v19  }
0x1b3: {  	vm11 =	veq.f32 v18, v7;
	vm12 =	vlt.u32 v19, $0xC320  }
0x1b4: {  	vm0 =	vmand vm10, vm11;
	v18 =	vnsel vm12, $0x0, v19  }
0x1b5: {  	v19 =	vsel vm0, $0x40400000, v16  }
0x1b6: {  	v19 =	vadd.f32 v19, v56;
	_ =	sdelay $0x1  }
0x1b7: {  	[tilespmem:$0x18E70] =	vst v19;
	v19 =	vld [tilespmem:$0x18D90]  }
0x1b8: {  	v18 =	vld.idx.msk [tilespmem:v18+s3+$0x0], $0xffff;
	_ =	sdelay $0x2  }
0x1b9: {  	v57 =	vld [tilespmem:$0x18E80]  }
0x1ba: {  	v19 =	vadd.s32 $0xFFFF3C80, v19  }
0x1bb: {  	vm13 =	veq.f32 v18, v8;
	vm14 =	vlt.u32 v19, $0xC320  }
0x1bc: {  	vm0 =	vmand vm12, vm13;
	v18 =	vnsel vm14, $0x0, v19  }
0x1bd: {  	v19 =	vsel vm0, $0x40400000, v16  }
0x1be: {  	v19 =	vadd.f32 v19, v57;
	_ =	sdelay $0x1  }
0x1bf: {  	[tilespmem:$0x18E80] =	vst v19;
	v19 =	vld [tilespmem:$0x18DA0]  }
0x1c0: {  	v18 =	vld.idx.msk [tilespmem:v18+s3+$0x0], $0xffff;
	_ =	sdelay $0x2  }
0x1c1: {  	v58 =	vld [tilespmem:$0x18E90]  }
0x1c2: {  	v19 =	vadd.s32 $0xFFFF3C80, v19  }
0x1c3: {  	vm15 =	veq.f32 v18, v9;
	vm4 =	vlt.u32 v19, $0xC320  }
0x1c4: {  	vm0 =	vmand vm14, vm15;
	v18 =	vnsel vm4, $0x0, v19  }
0x1c5: {  	v19 =	vsel vm0, $0x40400000, v16  }
0x1c6: {  	v19 =	vadd.f32 v19, v58;
	_ =	sdelay $0x1  }
0x1c7: {  	[tilespmem:$0x18E90] =	vst v19;
	v19 =	vld [tilespmem:$0x18DB0]  }
0x1c8: {  	v18 =	vld.idx.msk [tilespmem:v18+s3+$0x0], $0xffff;
	_ =	sdelay $0x2  }
0x1c9: {  	v59 =	vld [tilespmem:$0x18EA0]  }
0x1ca: {  	v19 =	vadd.s32 $0xFFFF3C80, v19  }
0x1cb: {  	vm5 =	veq.f32 v18, v10;
	vm6 =	vlt.u32 v19, $0xC320  }
0x1cc: {  	vm0 =	vmand vm4, vm5;
	v18 =	vnsel vm6, $0x0, v19  }
0x1cd: {  	v19 =	vsel vm0, $0x40400000, v16  }
0x1ce: {  	v19 =	vadd.f32 v19, v59;
	_ =	sdelay $0x1  }
0x1cf: {  	[tilespmem:$0x18EA0] =	vst v19;
	v19 =	vld [tilespmem:$0x18DC0]  }
0x1d0: {  	v18 =	vld.idx.msk [tilespmem:v18+s3+$0x0], $0xffff;
	_ =	sdelay $0x2  }
0x1d1: {  	v60 =	vld [tilespmem:$0x18EB0]  }
0x1d2: {  	v19 =	vadd.s32 $0xFFFF3C80, v19  }
0x1d3: {  	vm7 =	veq.f32 v18, v11;
	vm8 =	vlt.u32 v19, $0xC320  }
0x1d4: {  	vm0 =	vmand vm6, vm7;
	v18 =	vnsel vm8, $0x0, v19  }
0x1d5: {  	v19 =	vsel vm0, $0x40400000, v16  }
0x1d6: {  	v19 =	vadd.f32 v19, v60;
	_ =	sdelay $0x1  }
0x1d7: {  	[tilespmem:$0x18EB0] =	vst v19;
	v19 =	vld [tilespmem:$0x18DD0]  }
0x1d8: {  	v18 =	vld.idx.msk [tilespmem:v18+s3+$0x0], $0xffff;
	_ =	sdelay $0x2  }
0x1d9: {  	v61 =	vld [tilespmem:$0x18EC0]  }
0x1da: {  	v19 =	vadd.s32 $0xFFFF3C80, v19  }
0x1db: {  	vm9 =	veq.f32 v18, v12;
	vm10 =	vlt.u32 v19, $0xC320  }
0x1dc: {  	vm0 =	vmand vm8, vm9;
	v18 =	vnsel vm10, $0x0, v19  }
0x1dd: {  	v19 =	vsel vm0, $0x40400000, v16  }
0x1de: {  	v19 =	vadd.f32 v19, v61;
	_ =	sdelay $0x1  }
0x1df: {  	[tilespmem:$0x18EC0] =	vst v19;
	v19 =	vld [tilespmem:$0x18DE0]  }
0x1e0: {  	v18 =	vld.idx.msk [tilespmem:v18+s3+$0x0], $0xffff;
	_ =	sdelay $0x2  }
0x1e1: {  	v62 =	vld [tilespmem:$0x18ED0]  }
0x1e2: {  	v19 =	vadd.s32 $0xFFFF3C80, v19  }
0x1e3: {  	vm11 =	veq.f32 v18, v13;
	vm12 =	vlt.u32 v19, $0xC320  }
0x1e4: {  	vm0 =	vmand vm10, vm11;
	v18 =	vnsel vm12, $0x0, v19  }
0x1e5: {  	v19 =	vsel vm0, $0x40400000, v16  }
0x1e6: {  	v19 =	vadd.f32 v19, v62;
	_ =	sdelay $0x1  }
0x1e7: {  	[tilespmem:$0x18ED0] =	vst v19;
	v19 =	vld [tilespmem:$0x18DF0]  }
0x1e8: {  	v18 =	vld.idx.msk [tilespmem:v18+s3+$0x0], $0xffff;
	_ =	sdelay $0x2  }
0x1e9: {  	v63 =	vld [tilespmem:$0x18EE0]  }
0x1ea: {  	v19 =	vadd.s32 $0xFFFF3C80, v19  }
0x1eb: {  	vm13 =	veq.f32 v18, v14;
	vm14 =	vlt.u32 v19, $0xC320  }
0x1ec: {  	vm0 =	vmand vm12, vm13;
	v18 =	vnsel vm14, $0x0, v19  }
0x1ed: {  	v19 =	vsel vm0, $0x40400000, v16  }
0x1ee: {  	v19 =	vadd.f32 v19, v63;
	_ =	sdelay $0x1  }
0x1ef: {  	[tilespmem:$0x18EE0] =	vst v19  }
0x1f0: {  	v18 =	vld.idx.msk [tilespmem:v18+s3+$0x0], $0xffff;
	_ =	sdelay $0x2  }
0x1f1: {  	v19 =	vld [tilespmem:$0x18EF0];
	_ =	sdelay $0x1  }
0x1f2: {  	vm15 =	veq.f32 v18, v15  }
0x1f3: {  	vm0 =	vmand vm14, vm15  }
0x1f4: {  	v18 =	vsel vm0, $0x40400000, v16  }
0x1f5: {  	v18 =	vadd.f32 v18, v19;
	_ =	sdelay $0x1  }
0x1f6: {  	[tilespmem:$0x18EF0] =	vst v18  }
0x1f7: {  	[tilespmem:s3], [sflag:$0x2] =	stream.strided.gather [hbm4b:s4+s18], $0xC380, s19, s18, $0x38;
	[tilespmem:$0x18F00] =	vst v63  }
0x1f8: {  	_ =	swait.ge [sflag:s2], $0x200  }
0x1f9: {  	[sflag:s2] =	ssyncset.done $0x0  }
0x1fa: {  	[sflag:s2] =	ssyncadd.s32 $0xFFFFFE00  }
0x1fb: {  	_ =	swait.ge [sflag:s2], $0x200  }
0x1fc: {  	[sflag:s2] =	ssyncset.done $0x0  }
0x1fd: {  	[sflag:s2] =	ssyncadd.s32 $0xFFFFFE00  }
0x1fe: {  	_ =	swait.ge [sflag:s1], $0xC380  }
0x1ff: {  	s24 =	simm.s32 $0x18B00;
	[sflag:s1] =	ssyncset.done $0x0  }
0x200: {  	s26 =	simm.s32 $0x0;
	s25 =	simm.s32 $0x0;
	[sflag:s1] =	ssyncadd.s32 $0xFFFF3C80  }
.LBB2_2:
0x201: {  	s28 =	sand.u32 $0xC00, s25  }
0x202: {  	s29 =	sand.u32 $0x70, s26;
	s28 =	sshrl.u32 s28, $0x2  }
0x203: {  	s28 =	sor.u32 s29, s28  }
0x204: {  	v18 =	vld [tilespmem:s28+$0x18700];
	_ =	sdelay $0x4  }
0x205: {  	v18 =	vadd.s32 $0xFFFF3C80, v18  }
0x206: {  	vm0 =	vlt.u32 v18, $0xC320  }
0x207: {  	v18 =	vnsel vm0, $0x0, v18;
	_ =	sdelay $0x4  }
0x208: {  	p0 =	sne.s32 s26, $0x1F0;
	v18 =	vld.idx.msk [tilespmem:v18+s20+$0x0], $0xffff  }
.Ltmp0:
0x209: {  	_ = 	snop;
	(pc) =	sbr.rel @p0 .LBB2_2-.Ltmp0, $2  }
0x20a: {  	_ =	sdelay $0x2  }
0x20b: {  	s25 =	sadd.s32 $0x80, s25;
	s26 =	sadd.s32 $0x10, s26;
	[tilespmem:s24+$0x0] =	vst v18;
	s24 =	sadd.s32 $0x10, s24  }
0x20c: {  	s24 =	simm.s32 $0xC400  }
0x20d: {  	[tilespmem:s24+$0xFFFFFF80] =	vst v17  }
0x20e: {  	[tilespmem:s24+$0x70] =	vst v17  }
0x20f: {  	[tilespmem:s24+$0x60] =	vst v17  }
0x210: {  	[tilespmem:s24+$0x50] =	vst v17  }
0x211: {  	[tilespmem:s24+$0x40] =	vst v17  }
0x212: {  	[tilespmem:s24+$0x30] =	vst v17  }
0x213: {  	[tilespmem:s24+$0x20] =	vst v17  }
0x214: {  	[tilespmem:s24+$0x10] =	vst v17  }
0x215: {  	[tilespmem:s24+$0x0] =	vst v17  }
0x216: {  	[tilespmem:s24+$0xFFFFFFF0] =	vst v17  }
0x217: {  	[tilespmem:s24+$0xFFFFFFE0] =	vst v17  }
0x218: {  	[tilespmem:s24+$0xFFFFFFD0] =	vst v17  }
0x219: {  	[tilespmem:s24+$0xFFFFFFC0] =	vst v17  }
0x21a: {  	[tilespmem:s24+$0xFFFFFFB0] =	vst v17  }
0x21b: {  	s25 =	simm.s32 $0x0;
	[tilespmem:s24+$0xFFFFFFA0] =	vst v17  }
.LBB2_4:
0x21c: {  	s25 =	sadd.s32 $0x10, s25;
	[tilespmem:s24+$0xFFFFFF90] =	vst v17;
	s24 =	sadd.s32 $0x100, s24  }
0x21d: {  	[tilespmem:s24+$0xFFFFFF80] =	vst v17;
	p0 =	slt.u32 s25, $0xC20  }
0x21e: {  	[tilespmem:s24+$0x70] =	vst v17  }
0x21f: {  	[tilespmem:s24+$0x60] =	vst v17  }
0x220: {  	[tilespmem:s24+$0x50] =	vst v17  }
0x221: {  	[tilespmem:s24+$0x40] =	vst v17  }
0x222: {  	[tilespmem:s24+$0x30] =	vst v17  }
0x223: {  	[tilespmem:s24+$0x20] =	vst v17  }
0x224: {  	[tilespmem:s24+$0x10] =	vst v17  }
0x225: {  	[tilespmem:s24+$0x0] =	vst v17  }
0x226: {  	[tilespmem:s24+$0xFFFFFFF0] =	vst v17  }
.Ltmp1:
0x227: {  	[tilespmem:s24+$0xFFFFFFE0] =	vst v17;
	(pc) =	sbr.rel @p0 .LBB2_4-.Ltmp1, $4  }
0x228: {  	[tilespmem:s24+$0xFFFFFFD0] =	vst v17  }
0x229: {  	[tilespmem:s24+$0xFFFFFFC0] =	vst v17  }
0x22a: {  	[tilespmem:s24+$0xFFFFFFB0] =	vst v17  }
0x22b: {  	[tilespmem:s24+$0xFFFFFFA0] =	vst v17  }
0x22c: {  	s25 =	simm.s32 $0x0  }
0x22d: {  	[tilespmem:s24+$0xFFFFFF90] =	vst v17;
	s30 =	sand.u32 $0xC00, s25  }
0x22e: {  	[tilespmem:$0x18680] =	vst v17;
	s25 =	sand.u32 $0x70, s25;
	s24 =	sshrl.u32 s30, $0x2  }
0x22f: {  	[tilespmem:$0x18690] =	vst v17;
	s24 =	sor.u32 s25, s24  }
0x230: {  	v18 =	vld [tilespmem:s24+$0x18700];
	_ =	sdelay $0x4  }
0x231: {  	v18 =	vadd.s32 $0xFFFF3C80, v18  }
0x232: {  	s24 =	simm.s32 $0x18B00;
	vm0 =	vlt.u32 v18, $0xC320  }
0x233: {  	v19 =	vld [tilespmem:s24+$0x0];
	_ =	sdelay $0x1  }
0x234: {  	s25 =	simm.s32 $0x80  }
0x235: {  	s26 =	simm.s32 $0x10;
	s28 =	simm.s32 $0x20;
	s29 =	sand.u32 $0xC00, s25  }
.LBB2_6:
0x236: {  	p0 =	sne.s32 s28, $0x1F0;
	s26 =	sand.u32 $0x70, s26;
	s29 =	sshrl.u32 s29, $0x2  }
0x237: {  	s29 =	sor.u32 s26, s29;
	[tilespmem:v18+s20+$0x0] =	vst.idx.msk vm0, v19;
	s26 =	smov.u32 s28  }
0x238: {  	v18 =	vld [tilespmem:s29+$0x18700];
	_ =	sdelay $0x4  }
0x239: {  	v18 =	vadd.s32 $0xFFFF3C80, v18  }
.Ltmp2:
0x23a: {  	s24 =	sadd.s32 $0x10, s24;
	vm0 =	vlt.u32 v18, $0xC320;
	(pc) =	sbr.rel @p0 .LBB2_6-.Ltmp2, $3  }
0x23b: {  	v19 =	vld [tilespmem:s24+$0x0];
	_ =	sdelay $0x1  }
0x23c: {  	s25 =	sadd.s32 $0x80, s25  }
0x23d: {  	s28 =	sadd.s32 $0x10, s28;
	s29 =	sand.u32 $0xC00, s25  }
0x23e: {  	_ =	sdelay $0x3  }
0x23f: {  	s25 =	sand.u32 $0x70, s26;
	s30 =	sshrl.u32 s29, $0x2  }
0x240: {  	s25 =	sor.u32 s25, s30;
	[tilespmem:v18+s20+$0x0] =	vst.idx.msk vm0, v19  }
0x241: {  	v18 =	vld [tilespmem:s25+$0x18700];
	_ =	sdelay $0x4  }
0x242: {  	v18 =	vadd.s32 $0xFFFF3C80, v18  }
0x243: {  	s24 =	sadd.s32 $0x10, s24;
	vm15 =	vlt.u32 v18, $0xC320  }
0x244: {  	v19 =	vld [tilespmem:s24+$0x0];
	_ =	sdelay $0x4  }
0x245: {  	s25 =	simm.s32 $0x0;
	s24 =	simm.s32 $0x40;
	[tilespmem:v18+s20+$0x0] =	vst.idx.msk vm15, v19  }
.LBB2_8:
0x246: {  	p0 =	sne.s32 s24, $0x3C0;
	v18 =	vld [tilespmem:s25+$0x18D00]  }
0x247: {  	v19 =	vld [tilespmem:s25+$0x18E00];
	_ =	sdelay $0x3  }
0x248: {  	v18 =	vadd.s32 $0xFFFF3C80, v18  }
0x249: {  	vm0 =	vlt.u32 v18, $0xC320;
	vm1 =	vgt.f32 v19, $0.0e+00  }
0x24a: {  	vm0 =	vmand vm0, vm1;
	_ =	sdelay $0x1  }
.Ltmp3:
0x24b: {  	(pc) =	sbr.rel @p0 .LBB2_8-.Ltmp3, $2  }
0x24c: {  	_ =	sdelay $0x2  }
0x24d: {  	s25 =	sshra.s32 s24, $0x2;
	s24 =	sadd.s32 $0x40, s24;
	[tilespmem:v18+s20+$0x0] =	vst.idx.add.f32.msk vm0, v19  }
0x24e: {  	v18 =	vld [tilespmem:s25+$0x18D00]  }
0x24f: {  	v19 =	vld [tilespmem:s25+$0x18E00];
	_ =	sdelay $0x3  }
0x250: {  	v18 =	vadd.s32 $0xFFFF3C80, v18  }
0x251: {  	vm1 =	vgt.f32 v19, $0.0e+00;
	vm0 =	vlt.u32 v18, $0xC320  }
0x252: {  	vm0 =	vmand vm0, vm1;
	_ =	sdelay $0x5  }
0x253: {  	s24 =	sadd.s32 $0xC380, s8;
	[tilespmem:v18+s20+$0x0] =	vst.idx.add.f32.msk vm0, v19  }
0x254: {  	[hbm4b:s24+s18] =	stream.strided.scatter [tilespmem:s20], [sflag:$0x5], $0xC380, s19, s18, $0x38;
	[tilespmem:$0x18F00] =	vst v63  }
0x255: {  	_ =	swait.ge [sflag:s0], $0xC380  }
0x256: {  	[sflag:s0] =	ssyncset.done $0x0  }
0x257: {  	s30 =	sadd.s32 $0xC380, s9;
	[sflag:s0] =	ssyncadd.s32 $0xFFFF3C80  }
0x258: {  	[tilespmem:s20], [sflag:$0x3] =	stream.strided.gather [hbm4b:s30+s18], $0xC380, s19, s18, $0x38;
	[tilespmem:$0x18F00] =	vst v63  }
0x259: {  	_ =	swait.ge [sflag:s21], $0xC380  }
0x25a: {  	s25 =	simm.s32 $0x18B00;
	[sflag:s21] =	ssyncset.done $0x0  }
0x25b: {  	s26 =	simm.s32 $0x0;
	s24 =	simm.s32 $0x0;
	[sflag:s21] =	ssyncadd.s32 $0xFFFF3C80  }
.LBB2_10:
0x25c: {  	s28 =	sand.u32 $0xC00, s24  }
0x25d: {  	s29 =	sand.u32 $0x70, s26;
	s28 =	sshrl.u32 s28, $0x2  }
0x25e: {  	s28 =	sor.u32 s29, s28  }
0x25f: {  	v18 =	vld [tilespmem:s28+$0x18700];
	_ =	sdelay $0x4  }
0x260: {  	vm0 =	vlt.u32 v18, $0xC380  }
0x261: {  	v18 =	vnsel vm0, $0x0, v18;
	_ =	sdelay $0x4  }
0x262: {  	p0 =	sne.s32 s26, $0x1F0;
	v18 =	vld.idx.msk [tilespmem:v18+s3+$0x0], $0xffff  }
.Ltmp4:
0x263: {  	_ = 	snop;
	(pc) =	sbr.rel @p0 .LBB2_10-.Ltmp4, $2  }
0x264: {  	_ =	sdelay $0x2  }
0x265: {  	s24 =	sadd.s32 $0x80, s24;
	s26 =	sadd.s32 $0x10, s26;
	[tilespmem:s25+$0x0] =	vst v18;
	s25 =	sadd.s32 $0x10, s25  }
0x266: {  	s24 =	simm.s32 $0x80  }
0x267: {  	[tilespmem:s24+$0xFFFFFF80] =	vst v17  }
0x268: {  	[tilespmem:s24+$0x70] =	vst v17  }
0x269: {  	[tilespmem:s24+$0x60] =	vst v17  }
0x26a: {  	[tilespmem:s24+$0x50] =	vst v17  }
0x26b: {  	[tilespmem:s24+$0x40] =	vst v17  }
0x26c: {  	[tilespmem:s24+$0x30] =	vst v17  }
0x26d: {  	[tilespmem:s24+$0x20] =	vst v17  }
0x26e: {  	[tilespmem:s24+$0x10] =	vst v17  }
0x26f: {  	[tilespmem:s24+$0x0] =	vst v17  }
0x270: {  	[tilespmem:s24+$0xFFFFFFF0] =	vst v17  }
0x271: {  	[tilespmem:s24+$0xFFFFFFE0] =	vst v17  }
0x272: {  	[tilespmem:s24+$0xFFFFFFD0] =	vst v17  }
0x273: {  	[tilespmem:s24+$0xFFFFFFC0] =	vst v17  }
0x274: {  	[tilespmem:s24+$0xFFFFFFB0] =	vst v17  }
0x275: {  	s25 =	simm.s32 $0x0;
	[tilespmem:s24+$0xFFFFFFA0] =	vst v17  }
.LBB2_12:
0x276: {  	s25 =	sadd.s32 $0x10, s25;
	[tilespmem:s24+$0xFFFFFF90] =	vst v17;
	s24 =	sadd.s32 $0x100, s24  }
0x277: {  	[tilespmem:s24+$0xFFFFFF80] =	vst v17;
	p0 =	slt.u32 s25, $0xC20  }
0x278: {  	[tilespmem:s24+$0x70] =	vst v17  }
0x279: {  	[tilespmem:s24+$0x60] =	vst v17  }
0x27a: {  	[tilespmem:s24+$0x50] =	vst v17  }
0x27b: {  	[tilespmem:s24+$0x40] =	vst v17  }
0x27c: {  	[tilespmem:s24+$0x30] =	vst v17  }
0x27d: {  	[tilespmem:s24+$0x20] =	vst v17  }
0x27e: {  	[tilespmem:s24+$0x10] =	vst v17  }
0x27f: {  	[tilespmem:s24+$0x0] =	vst v17  }
0x280: {  	[tilespmem:s24+$0xFFFFFFF0] =	vst v17  }
.Ltmp5:
0x281: {  	[tilespmem:s24+$0xFFFFFFE0] =	vst v17;
	(pc) =	sbr.rel @p0 .LBB2_12-.Ltmp5, $4  }
0x282: {  	[tilespmem:s24+$0xFFFFFFD0] =	vst v17  }
0x283: {  	[tilespmem:s24+$0xFFFFFFC0] =	vst v17  }
0x284: {  	[tilespmem:s24+$0xFFFFFFB0] =	vst v17  }
0x285: {  	[tilespmem:s24+$0xFFFFFFA0] =	vst v17  }
0x286: {  	[tilespmem:s24+$0xFFFFFF90] =	vst v17  }
0x287: {  	[tilespmem:$0xC300] =	vst v17  }
0x288: {  	[tilespmem:$0xC310] =	vst v17  }
0x289: {  	[tilespmem:$0xC320] =	vst v17  }
0x28a: {  	[tilespmem:$0xC330] =	vst v17  }
0x28b: {  	s24 =	simm.s32 $0x0;
	[tilespmem:$0xC340] =	vst v17  }
0x28c: {  	[tilespmem:$0xC350] =	vst v17;
	s25 =	sand.u32 $0xC00, s24  }
0x28d: {  	[tilespmem:$0xC360] =	vst v17;
	s26 =	sand.u32 $0x70, s24;
	s25 =	sshrl.u32 s25, $0x2  }
0x28e: {  	[tilespmem:$0xC370] =	vst v17;
	s25 =	sor.u32 s26, s25  }
0x28f: {  	v18 =	vld [tilespmem:s25+$0x18700];
	_ =	sdelay $0x4  }
0x290: {  	s25 =	simm.s32 $0x18B00;
	vm0 =	vlt.u32 v18, $0xC380  }
0x291: {  	v19 =	vld [tilespmem:s25+$0x0];
	_ =	sdelay $0x1  }
0x292: {  	s26 =	simm.s32 $0x80  }
0x293: {  	s28 =	simm.s32 $0x10;
	s29 =	simm.s32 $0x20;
	s30 =	sand.u32 $0xC00, s26  }
.LBB2_14:
0x294: {  	p0 =	sne.s32 s29, $0x1F0;
	s28 =	sand.u32 $0x70, s28;
	s30 =	sshrl.u32 s30, $0x2  }
0x295: {  	s30 =	sor.u32 s28, s30;
	[tilespmem:v18+s24+$0x0] =	vst.idx.msk vm0, v19;
	s28 =	smov.u32 s29  }
0x296: {  	v18 =	vld [tilespmem:s30+$0x18700];
	_ =	sdelay $0x4  }
.Ltmp6:
0x297: {  	s25 =	sadd.s32 $0x10, s25;
	vm0 =	vlt.u32 v18, $0xC380;
	(pc) =	sbr.rel @p0 .LBB2_14-.Ltmp6, $3  }
0x298: {  	v19 =	vld [tilespmem:s25+$0x0];
	_ =	sdelay $0x1  }
0x299: {  	s26 =	sadd.s32 $0x80, s26  }
0x29a: {  	s29 =	sadd.s32 $0x10, s29;
	s30 =	sand.u32 $0xC00, s26  }
0x29b: {  	_ =	sdelay $0x3  }
0x29c: {  	s26 =	sand.u32 $0x70, s28;
	s30 =	sshrl.u32 s30, $0x2  }
0x29d: {  	s26 =	sor.u32 s26, s30;
	[tilespmem:v18+s24+$0x0] =	vst.idx.msk vm0, v19  }
0x29e: {  	v18 =	vld [tilespmem:s26+$0x18700];
	_ =	sdelay $0x4  }
0x29f: {  	s25 =	sadd.s32 $0x10, s25;
	vm15 =	vlt.u32 v18, $0xC380  }
0x2a0: {  	v19 =	vld [tilespmem:s25+$0x0];
	_ =	sdelay $0x4  }
0x2a1: {  	s25 =	simm.s32 $0x0;
	[tilespmem:v18+s24+$0x0] =	vst.idx.msk vm15, v19  }
0x2a2: {  	s24 =	simm.s32 $0x40;
	v18 =	vld [tilespmem:s25+$0x18D00]  }
.LBB2_16:
0x2a3: {  	p0 =	sne.s32 s24, $0x3C0;
	v19 =	vld [tilespmem:s25+$0x18E00];
	_ =	sdelay $0x4  }
0x2a4: {  	vm0 =	vlt.u32 v18, $0xC380;
	vm1 =	vgt.f32 v19, $0.0e+00  }
0x2a5: {  	vm0 =	vmand vm0, vm1;
	_ =	sdelay $0x2  }
.Ltmp7:
0x2a6: {  	(pc) =	sbr.rel @p0 .LBB2_16-.Ltmp7, $3  }
0x2a7: {  	_ =	sdelay $0x1  }
0x2a8: {  	s25 =	sshra.s32 s24, $0x2;
	[tilespmem:v18+s3+$0x0] =	vst.idx.add.f32.msk vm0, v19  }
0x2a9: {  	s24 =	sadd.s32 $0x40, s24;
	v18 =	vld [tilespmem:s25+$0x18D00]  }
0x2aa: {  	v19 =	vld [tilespmem:s25+$0x18E00];
	_ =	sdelay $0x4  }
0x2ab: {  	vm0 =	vlt.u32 v18, $0xC380;
	vm1 =	vgt.f32 v19, $0.0e+00  }
0x2ac: {  	vm0 =	vmand vm0, vm1;
	_ =	sdelay $0x5  }
0x2ad: {  	s24 =	simm.s32 $0x0;
	[tilespmem:v18+s3+$0x0] =	vst.idx.add.f32.msk vm0, v19  }
0x2ae: {  	[hbm4b:s8+s18] =	stream.strided.scatter [tilespmem:s24], [sflag:$0x4], $0xC380, s19, s18, $0x38;
	[tilespmem:$0x18F00] =	vst v63  }
0x2af: {  	_ =	swait.ge [sflag:s22], $0xC380  }
0x2b0: {  	[sflag:s22] =	ssyncset.done $0x0  }
0x2b1: {  	[sflag:s22] =	ssyncadd.s32 $0xFFFF3C80  }
0x2b2: {  	[tilespmem:s24], [sflag:$0x2] =	stream.strided.gather [hbm4b:s9+s18], $0xC380, s19, s18, $0x38;
	[tilespmem:$0x18F00] =	vst v63  }
0x2b3: {  	_ =	swait.ge [sflag:s1], $0xC380  }
0x2b4: {  	[sflag:s1] =	ssyncset.done $0x0  }
0x2b5: {  	s25 =	simm.s32 $0x18B00;
	s26 =	simm.s32 $0x0;
	[sflag:s1] =	ssyncadd.s32 $0xFFFF3C80  }
.LBB2_18:
0x2b6: {  	s28 =	sand.u32 $0xC00, s24  }
0x2b7: {  	s29 =	sand.u32 $0x70, s26;
	s28 =	sshrl.u32 s28, $0x2  }
0x2b8: {  	s28 =	sor.u32 s29, s28  }
0x2b9: {  	v18 =	vld [tilespmem:s28+$0x18780];
	_ =	sdelay $0x4  }
0x2ba: {  	v18 =	vadd.s32 $0xFFFF3C80, v18  }
0x2bb: {  	vm0 =	vlt.u32 v18, $0xC320  }
0x2bc: {  	v18 =	vnsel vm0, $0x0, v18;
	_ =	sdelay $0x4  }
0x2bd: {  	p0 =	sne.s32 s26, $0x1F0;
	v18 =	vld.idx.msk [tilespmem:v18+s20+$0x0], $0xffff  }
.Ltmp8:
0x2be: {  	_ = 	snop;
	(pc) =	sbr.rel @p0 .LBB2_18-.Ltmp8, $2  }
0x2bf: {  	_ =	sdelay $0x2  }
0x2c0: {  	s24 =	sadd.s32 $0x80, s24;
	s26 =	sadd.s32 $0x10, s26;
	[tilespmem:s25+$0x0] =	vst v18;
	s25 =	sadd.s32 $0x10, s25  }
0x2c1: {  	s24 =	simm.s32 $0xC400  }
0x2c2: {  	[tilespmem:s24+$0xFFFFFF80] =	vst v17  }
0x2c3: {  	[tilespmem:s24+$0x70] =	vst v17  }
0x2c4: {  	[tilespmem:s24+$0x60] =	vst v17  }
0x2c5: {  	[tilespmem:s24+$0x50] =	vst v17  }
0x2c6: {  	[tilespmem:s24+$0x40] =	vst v17  }
0x2c7: {  	[tilespmem:s24+$0x30] =	vst v17  }
0x2c8: {  	[tilespmem:s24+$0x20] =	vst v17  }
0x2c9: {  	[tilespmem:s24+$0x10] =	vst v17  }
0x2ca: {  	[tilespmem:s24+$0x0] =	vst v17  }
0x2cb: {  	[tilespmem:s24+$0xFFFFFFF0] =	vst v17  }
0x2cc: {  	[tilespmem:s24+$0xFFFFFFE0] =	vst v17  }
0x2cd: {  	[tilespmem:s24+$0xFFFFFFD0] =	vst v17  }
0x2ce: {  	[tilespmem:s24+$0xFFFFFFC0] =	vst v17  }
0x2cf: {  	[tilespmem:s24+$0xFFFFFFB0] =	vst v17  }
0x2d0: {  	s25 =	simm.s32 $0x0;
	[tilespmem:s24+$0xFFFFFFA0] =	vst v17  }
.LBB2_20:
0x2d1: {  	s25 =	sadd.s32 $0x10, s25;
	[tilespmem:s24+$0xFFFFFF90] =	vst v17;
	s24 =	sadd.s32 $0x100, s24  }
0x2d2: {  	[tilespmem:s24+$0xFFFFFF80] =	vst v17;
	p0 =	slt.u32 s25, $0xC20  }
0x2d3: {  	[tilespmem:s24+$0x70] =	vst v17  }
0x2d4: {  	[tilespmem:s24+$0x60] =	vst v17  }
0x2d5: {  	[tilespmem:s24+$0x50] =	vst v17  }
0x2d6: {  	[tilespmem:s24+$0x40] =	vst v17  }
0x2d7: {  	[tilespmem:s24+$0x30] =	vst v17  }
0x2d8: {  	[tilespmem:s24+$0x20] =	vst v17  }
0x2d9: {  	[tilespmem:s24+$0x10] =	vst v17  }
0x2da: {  	[tilespmem:s24+$0x0] =	vst v17  }
0x2db: {  	[tilespmem:s24+$0xFFFFFFF0] =	vst v17  }
.Ltmp9:
0x2dc: {  	[tilespmem:s24+$0xFFFFFFE0] =	vst v17;
	(pc) =	sbr.rel @p0 .LBB2_20-.Ltmp9, $4  }
0x2dd: {  	[tilespmem:s24+$0xFFFFFFD0] =	vst v17  }
0x2de: {  	[tilespmem:s24+$0xFFFFFFC0] =	vst v17  }
0x2df: {  	[tilespmem:s24+$0xFFFFFFB0] =	vst v17  }
0x2e0: {  	[tilespmem:s24+$0xFFFFFFA0] =	vst v17  }
0x2e1: {  	s25 =	simm.s32 $0x0  }
0x2e2: {  	[tilespmem:s24+$0xFFFFFF90] =	vst v17;
	s30 =	sand.u32 $0xC00, s25  }
0x2e3: {  	[tilespmem:$0x18680] =	vst v17;
	s25 =	sand.u32 $0x70, s25;
	s24 =	sshrl.u32 s30, $0x2  }
0x2e4: {  	[tilespmem:$0x18690] =	vst v17;
	s24 =	sor.u32 s25, s24  }
0x2e5: {  	v18 =	vld [tilespmem:s24+$0x18780];
	_ =	sdelay $0x4  }
0x2e6: {  	v18 =	vadd.s32 $0xFFFF3C80, v18  }
0x2e7: {  	s24 =	simm.s32 $0x18B00;
	vm0 =	vlt.u32 v18, $0xC320  }
0x2e8: {  	v19 =	vld [tilespmem:s24+$0x0];
	_ =	sdelay $0x1  }
0x2e9: {  	s25 =	simm.s32 $0x80  }
0x2ea: {  	s26 =	simm.s32 $0x10;
	s28 =	simm.s32 $0x20;
	s29 =	sand.u32 $0xC00, s25  }
.LBB2_22:
0x2eb: {  	p0 =	sne.s32 s28, $0x1F0;
	s26 =	sand.u32 $0x70, s26;
	s29 =	sshrl.u32 s29, $0x2  }
0x2ec: {  	s29 =	sor.u32 s26, s29;
	[tilespmem:v18+s20+$0x0] =	vst.idx.msk vm0, v19;
	s26 =	smov.u32 s28  }
0x2ed: {  	v18 =	vld [tilespmem:s29+$0x18780];
	_ =	sdelay $0x4  }
0x2ee: {  	v18 =	vadd.s32 $0xFFFF3C80, v18  }
.Ltmp10:
0x2ef: {  	s24 =	sadd.s32 $0x10, s24;
	vm0 =	vlt.u32 v18, $0xC320;
	(pc) =	sbr.rel @p0 .LBB2_22-.Ltmp10, $3  }
0x2f0: {  	v19 =	vld [tilespmem:s24+$0x0];
	_ =	sdelay $0x1  }
0x2f1: {  	s25 =	sadd.s32 $0x80, s25  }
0x2f2: {  	s28 =	sadd.s32 $0x10, s28;
	s29 =	sand.u32 $0xC00, s25  }
0x2f3: {  	_ =	sdelay $0x3  }
0x2f4: {  	s25 =	sand.u32 $0x70, s26;
	s30 =	sshrl.u32 s29, $0x2  }
0x2f5: {  	s25 =	sor.u32 s25, s30;
	[tilespmem:v18+s20+$0x0] =	vst.idx.msk vm0, v19  }
0x2f6: {  	v18 =	vld [tilespmem:s25+$0x18780];
	_ =	sdelay $0x4  }
0x2f7: {  	v18 =	vadd.s32 $0xFFFF3C80, v18  }
0x2f8: {  	s24 =	sadd.s32 $0x10, s24;
	vm15 =	vlt.u32 v18, $0xC320  }
0x2f9: {  	v19 =	vld [tilespmem:s24+$0x0];
	_ =	sdelay $0x4  }
0x2fa: {  	s25 =	simm.s32 $0x0;
	s24 =	simm.s32 $0x40;
	[tilespmem:v18+s20+$0x0] =	vst.idx.msk vm15, v19  }
.LBB2_24:
0x2fb: {  	p0 =	sne.s32 s24, $0x3C0;
	v18 =	vld [tilespmem:s25+$0x18D00]  }
0x2fc: {  	v19 =	vld [tilespmem:s25+$0x18E00];
	_ =	sdelay $0x3  }
0x2fd: {  	v18 =	vadd.s32 $0xFFFF3C80, v18  }
0x2fe: {  	vm0 =	vlt.u32 v18, $0xC320;
	vm1 =	vgt.f32 v19, $0.0e+00  }
0x2ff: {  	vm0 =	vmand vm0, vm1;
	_ =	sdelay $0x1  }
.Ltmp11:
0x300: {  	(pc) =	sbr.rel @p0 .LBB2_24-.Ltmp11, $2  }
0x301: {  	_ =	sdelay $0x2  }
0x302: {  	s25 =	sshra.s32 s24, $0x2;
	s24 =	sadd.s32 $0x40, s24;
	[tilespmem:v18+s20+$0x0] =	vst.idx.add.f32.msk vm0, v19  }
0x303: {  	v18 =	vld [tilespmem:s25+$0x18D00]  }
0x304: {  	v19 =	vld [tilespmem:s25+$0x18E00];
	_ =	sdelay $0x3  }
0x305: {  	v18 =	vadd.s32 $0xFFFF3C80, v18  }
0x306: {  	vm1 =	vgt.f32 v19, $0.0e+00;
	vm0 =	vlt.u32 v18, $0xC320  }
0x307: {  	vm0 =	vmand vm0, vm1;
	_ =	sdelay $0x5  }
0x308: {  	s24 =	sadd.s32 $0xC380, s10;
	[tilespmem:v18+s20+$0x0] =	vst.idx.add.f32.msk vm0, v19  }
0x309: {  	[hbm4b:s24+s18] =	stream.strided.scatter [tilespmem:s20], [sflag:$0x5], $0xC380, s19, s18, $0x38;
	[tilespmem:$0x18F00] =	vst v63  }
0x30a: {  	_ =	swait.ge [sflag:s21], $0xC380  }
0x30b: {  	s25 =	simm.s32 $0x18B00;
	[sflag:s21] =	ssyncset.done $0x0  }
0x30c: {  	s26 =	simm.s32 $0x0;
	s24 =	simm.s32 $0x0;
	[sflag:s21] =	ssyncadd.s32 $0xFFFF3C80  }
.LBB2_26:
0x30d: {  	s28 =	sand.u32 $0xC00, s24  }
0x30e: {  	s29 =	sand.u32 $0x70, s26;
	s28 =	sshrl.u32 s28, $0x2  }
0x30f: {  	s28 =	sor.u32 s29, s28  }
0x310: {  	v18 =	vld [tilespmem:s28+$0x18780];
	_ =	sdelay $0x4  }
0x311: {  	vm0 =	vlt.u32 v18, $0xC380  }
0x312: {  	v18 =	vnsel vm0, $0x0, v18;
	_ =	sdelay $0x4  }
0x313: {  	p0 =	sne.s32 s26, $0x1F0;
	v18 =	vld.idx.msk [tilespmem:v18+s3+$0x0], $0xffff  }
.Ltmp12:
0x314: {  	_ = 	snop;
	(pc) =	sbr.rel @p0 .LBB2_26-.Ltmp12, $2  }
0x315: {  	_ =	sdelay $0x2  }
0x316: {  	s24 =	sadd.s32 $0x80, s24;
	s26 =	sadd.s32 $0x10, s26;
	[tilespmem:s25+$0x0] =	vst v18;
	s25 =	sadd.s32 $0x10, s25  }
0x317: {  	s24 =	simm.s32 $0x80  }
0x318: {  	[tilespmem:s24+$0xFFFFFF80] =	vst v17  }
0x319: {  	[tilespmem:s24+$0x70] =	vst v17  }
0x31a: {  	[tilespmem:s24+$0x60] =	vst v17  }
0x31b: {  	[tilespmem:s24+$0x50] =	vst v17  }
0x31c: {  	[tilespmem:s24+$0x40] =	vst v17  }
0x31d: {  	[tilespmem:s24+$0x30] =	vst v17  }
0x31e: {  	[tilespmem:s24+$0x20] =	vst v17  }
0x31f: {  	[tilespmem:s24+$0x10] =	vst v17  }
0x320: {  	[tilespmem:s24+$0x0] =	vst v17  }
0x321: {  	[tilespmem:s24+$0xFFFFFFF0] =	vst v17  }
0x322: {  	[tilespmem:s24+$0xFFFFFFE0] =	vst v17  }
0x323: {  	[tilespmem:s24+$0xFFFFFFD0] =	vst v17  }
0x324: {  	[tilespmem:s24+$0xFFFFFFC0] =	vst v17  }
0x325: {  	[tilespmem:s24+$0xFFFFFFB0] =	vst v17  }
0x326: {  	s25 =	simm.s32 $0x0;
	[tilespmem:s24+$0xFFFFFFA0] =	vst v17  }
.LBB2_28:
0x327: {  	s25 =	sadd.s32 $0x10, s25;
	[tilespmem:s24+$0xFFFFFF90] =	vst v17;
	s24 =	sadd.s32 $0x100, s24  }
0x328: {  	[tilespmem:s24+$0xFFFFFF80] =	vst v17;
	p0 =	slt.u32 s25, $0xC20  }
0x329: {  	[tilespmem:s24+$0x70] =	vst v17  }
0x32a: {  	[tilespmem:s24+$0x60] =	vst v17  }
0x32b: {  	[tilespmem:s24+$0x50] =	vst v17  }
0x32c: {  	[tilespmem:s24+$0x40] =	vst v17  }
0x32d: {  	[tilespmem:s24+$0x30] =	vst v17  }
0x32e: {  	[tilespmem:s24+$0x20] =	vst v17  }
0x32f: {  	[tilespmem:s24+$0x10] =	vst v17  }
0x330: {  	[tilespmem:s24+$0x0] =	vst v17  }
0x331: {  	[tilespmem:s24+$0xFFFFFFF0] =	vst v17  }
.Ltmp13:
0x332: {  	[tilespmem:s24+$0xFFFFFFE0] =	vst v17;
	(pc) =	sbr.rel @p0 .LBB2_28-.Ltmp13, $4  }
0x333: {  	[tilespmem:s24+$0xFFFFFFD0] =	vst v17  }
0x334: {  	[tilespmem:s24+$0xFFFFFFC0] =	vst v17  }
0x335: {  	[tilespmem:s24+$0xFFFFFFB0] =	vst v17  }
0x336: {  	[tilespmem:s24+$0xFFFFFFA0] =	vst v17  }
0x337: {  	[tilespmem:s24+$0xFFFFFF90] =	vst v17  }
0x338: {  	[tilespmem:$0xC300] =	vst v17  }
0x339: {  	[tilespmem:$0xC310] =	vst v17  }
0x33a: {  	[tilespmem:$0xC320] =	vst v17  }
0x33b: {  	[tilespmem:$0xC330] =	vst v17  }
0x33c: {  	s24 =	simm.s32 $0x0;
	[tilespmem:$0xC340] =	vst v17  }
0x33d: {  	[tilespmem:$0xC350] =	vst v17;
	s25 =	sand.u32 $0xC00, s24  }
0x33e: {  	[tilespmem:$0xC360] =	vst v17;
	s26 =	sand.u32 $0x70, s24;
	s25 =	sshrl.u32 s25, $0x2  }
0x33f: {  	[tilespmem:$0xC370] =	vst v17;
	s25 =	sor.u32 s26, s25  }
0x340: {  	v18 =	vld [tilespmem:s25+$0x18780];
	_ =	sdelay $0x4  }
0x341: {  	s25 =	simm.s32 $0x18B00;
	vm0 =	vlt.u32 v18, $0xC380  }
0x342: {  	v19 =	vld [tilespmem:s25+$0x0];
	_ =	sdelay $0x1  }
0x343: {  	s26 =	simm.s32 $0x80  }
0x344: {  	s28 =	simm.s32 $0x10;
	s29 =	simm.s32 $0x20;
	s30 =	sand.u32 $0xC00, s26  }
.LBB2_30:
0x345: {  	p0 =	sne.s32 s29, $0x1F0;
	s28 =	sand.u32 $0x70, s28;
	s30 =	sshrl.u32 s30, $0x2  }
0x346: {  	s30 =	sor.u32 s28, s30;
	[tilespmem:v18+s24+$0x0] =	vst.idx.msk vm0, v19;
	s28 =	smov.u32 s29  }
0x347: {  	v18 =	vld [tilespmem:s30+$0x18780];
	_ =	sdelay $0x4  }
.Ltmp14:
0x348: {  	s25 =	sadd.s32 $0x10, s25;
	vm0 =	vlt.u32 v18, $0xC380;
	(pc) =	sbr.rel @p0 .LBB2_30-.Ltmp14, $3  }
0x349: {  	v19 =	vld [tilespmem:s25+$0x0];
	_ =	sdelay $0x1  }
0x34a: {  	s26 =	sadd.s32 $0x80, s26  }
0x34b: {  	s29 =	sadd.s32 $0x10, s29;
	s30 =	sand.u32 $0xC00, s26  }
0x34c: {  	_ =	sdelay $0x3  }
0x34d: {  	s26 =	sand.u32 $0x70, s28;
	s30 =	sshrl.u32 s30, $0x2  }
0x34e: {  	s26 =	sor.u32 s26, s30;
	[tilespmem:v18+s24+$0x0] =	vst.idx.msk vm0, v19  }
0x34f: {  	v18 =	vld [tilespmem:s26+$0x18780];
	_ =	sdelay $0x4  }
0x350: {  	s25 =	sadd.s32 $0x10, s25;
	vm15 =	vlt.u32 v18, $0xC380  }
0x351: {  	v19 =	vld [tilespmem:s25+$0x0];
	_ =	sdelay $0x4  }
0x352: {  	s25 =	simm.s32 $0x0;
	[tilespmem:v18+s24+$0x0] =	vst.idx.msk vm15, v19  }
0x353: {  	s24 =	simm.s32 $0x40;
	v18 =	vld [tilespmem:s25+$0x18D00]  }
.LBB2_32:
0x354: {  	p0 =	sne.s32 s24, $0x3C0;
	v19 =	vld [tilespmem:s25+$0x18E00];
	_ =	sdelay $0x4  }
0x355: {  	vm0 =	vlt.u32 v18, $0xC380;
	vm1 =	vgt.f32 v19, $0.0e+00  }
0x356: {  	vm0 =	vmand vm0, vm1;
	_ =	sdelay $0x2  }
.Ltmp15:
0x357: {  	(pc) =	sbr.rel @p0 .LBB2_32-.Ltmp15, $3  }
0x358: {  	_ =	sdelay $0x1  }
0x359: {  	s25 =	sshra.s32 s24, $0x2;
	[tilespmem:v18+s3+$0x0] =	vst.idx.add.f32.msk vm0, v19  }
0x35a: {  	s24 =	sadd.s32 $0x40, s24;
	v18 =	vld [tilespmem:s25+$0x18D00]  }
0x35b: {  	v19 =	vld [tilespmem:s25+$0x18E00];
	_ =	sdelay $0x4  }
0x35c: {  	vm0 =	vlt.u32 v18, $0xC380;
	vm1 =	vgt.f32 v19, $0.0e+00  }
0x35d: {  	vm0 =	vmand vm0, vm1;
	_ =	sdelay $0x5  }
0x35e: {  	s23 =	sadd.s32 $0x1, s23;
	[tilespmem:v18+s3+$0x0] =	vst.idx.add.f32.msk vm0, v19  }
0x35f: {  	[hbm4b:s10+s18] =	stream.strided.scatter [tilespmem:s3], [sflag:$0x4], $0xC380, s19, s18, $0x38;
	[tilespmem:$0x18F00] =	vst v63  }
0x360: {  	p0 =	sne.s32 s23, s11;
	_ =	swait.ge [sflag:s22], $0xC380  }
.Ltmp16:
0x361: {  	[sflag:s22] =	ssyncset.done $0x0;
	(pc) =	sbr.rel @p0 .LBB2_1-.Ltmp16, $4  }
0x362: {  	[sflag:s22] =	ssyncadd.s32 $0xFFFF3C80  }
0x363: {  	_ =	swait.ge [sflag:s0], $0xC380  }
0x364: {  	[sflag:s0] =	ssyncset.done $0x0  }
0x365: {  	[sflag:s0] =	ssyncadd.s32 $0xFFFF3C80  }
0x366: {  	_ =	sfence.sel $0x180000  }
0x367: {  	[bflag:$0x0] =	sbarrier.arrive $0xFFFF  }
0x368: {  	_ =	strace $0x90000047  }
0x369: {  	s0 =	stileid.u32;
	[bflag:$0x2] =	sbarrier.arrive $0xFFFF  }
0x36a: {  	p0 =	sne.s32 s0, $0x0;
	s0 =	rddreg [dreg:$0x4]  }
0x36b: {  	s0 =	sadd.s32 @!p0 $0x100000, s0  }
0x36c: {  	[sflag:s0] =	ssyncadd.tile.s32 @!p0 $0x1;
	_ =	shalt  }
.Lfunc_end2:
_tile_overlayer_lowered:
.L_overlay_start_2:
0x36d: {  	(tag) =	ssettag $0x2  }
0x36e: {  	s0 =	rddreg [dreg:$0x0];
	s2 =	stileid.u32  }
0x36f: {  	s1 =	rddreg [dreg:$0x1];
	p0 =	sne.s32 s2, $0x0  }
0x370: {  	s3 =	rddreg [dreg:$0x2];
	[bflag:$0x3] =	sbarrier.arrive $0xFFFF;
	s2 =	simm.s32 @!p0 $0x1C06  }
0x371: {  	[timem:s3], [sflag:s2] =	dma.local @!p0 [hbm:s0], s1  }
0x372: {  	s0 =	simm.s32 @!p0 $0x6  }
0x373: {  	_ =	swait.ge @!p0 [sflag:s0], s1  }
0x374: {  	s1 =	ssub.s32 @!p0 $0x0, s1;
	[sflag:s0] =	ssyncset.done @!p0 $0x0  }
0x375: {  	[sflag:s0] =	ssyncadd.s32 @!p0 s1  }
0x376: {  	[bflag:$0x3] =	sbarrier.arrive $0xFFFF  }
0x377: {  	_ =	shalt  }

</sc_bundles>
